<compile_context>
chip_gen: v7x
topology: tpu7x:2x2x1
jax: 0.10.2.dev20260603
libtpu: 0.0.44.dev20260713+nightly
codegen_flags: <defaults>
</compile_context>

<pallas_src>
import jax
import jax.numpy as jnp
from jax import lax
from jax.experimental import pallas as pl
from jax.experimental.pallas import tpu as pltpu
from jax.experimental.pallas import tpu_sc as plsc

_L = 16
_K = 128
_NCH = 8
_B = 64
_BPT = 2
_HW = 128 * 128


def _body(hps_flat, ind_hbm, mask_hbm, part_hbm,
          idx_v, gidx_v, vals_v, mask_v, part_v,
          sem_m, sem0, sem1):
    cid = lax.axis_index("c")
    sid = lax.axis_index("s")
    wid = cid * 16 + sid
    gsems = (sem0, sem1)

    c_ind = pltpu.make_async_copy(
        ind_hbm.at[pl.ds(wid * (_BPT * _K), _BPT * _K)], idx_v, sem_m)
    c_msk = pltpu.make_async_copy(
        mask_hbm.at[pl.ds(wid * _BPT, _BPT)], mask_v, sem_m)
    c_ind.start()
    c_msk.start()
    c_ind.wait()

    gathers = [[] for _ in range(_BPT)]
    for bb in range(_BPT):
        base = (wid * _BPT + bb) * (16 * _HW)
        for t in range(_K // _L):
            p = idx_v[pl.ds(bb * _K + t * _L, _L)] + base
            for ci in range(_NCH):
                gidx_v[bb * _NCH + ci, pl.ds(t * _L, _L)] = \
                    p + ci * (2 * _HW)
        for ci in range(_NCH):
            r = bb * _NCH + ci
            c = pltpu.make_async_copy(
                hps_flat.at[gidx_v.at[r]],
                vals_v.at[pl.ds(r * _K, _K)], gsems[bb])
            c.start()
            gathers[bb].append(c)
    c_msk.wait()

    acc = jnp.zeros((_L,), jnp.float32)
    msum = jnp.zeros((_L,), jnp.float32)
    for bb in range(_BPT):
        for c in gathers[bb]:
            c.wait()
        for j in range(4):
            for t in range(_K // _L):
                xb = vals_v[pl.ds((bb * _NCH + j) * _K + t * _L, _L)]
                xu = vals_v[pl.ds((bb * _NCH + j + 4) * _K + t * _L, _L)]
                mb = mask_v[bb, j, pl.ds(t * _L, _L)]
                mu = mask_v[bb, j + 4, pl.ds(t * _L, _L)]
                m = (mb * mu).astype(jnp.float32)
                acc = acc + jnp.abs(xu - xb) * m
                msum = msum + m

    part_v[0] = acc
    part_v[1] = msum
    w0 = pltpu.make_async_copy(
        part_v.at[0], part_hbm.at[wid, 0, pl.ds(0, _L)], sem_m)
    w1 = pltpu.make_async_copy(
        part_v.at[1], part_hbm.at[wid, 1, pl.ds(0, _L)], sem_m)
    w0.start()
    w1.start()
    w0.wait()
    w1.wait()


def _tc_combine(x_ref, o_ref):
    x = x_ref[...]
    lane = lax.broadcasted_iota(jnp.int32, (32, 2, 128), 2)
    x = jnp.where(lane < _L, x, 0.0)
    s = jnp.sum(x[:, 0, :])
    m = jnp.sum(x[:, 1, :])
    o_ref[0, 0] = s / (m + 0.0001)


@jax.jit
def _kp_align(hps_flat, ind_flat, mask_t):
    mesh = plsc.VectorSubcoreMesh(
        core_axis_name="c", subcore_axis_name="s", num_cores=2)
    fn = pl.kernel(
        _body,
        out_type=jax.ShapeDtypeStruct((32, 2, 128), jnp.float32),
        mesh=mesh,
        scratch_types=[
            pltpu.VMEM((_BPT * _K,), jnp.int32),
            pltpu.VMEM((_BPT * _NCH, _K), jnp.int32),
            pltpu.VMEM((_BPT * _NCH * _K,), jnp.float32),
            pltpu.VMEM((_BPT, _NCH, _K), jnp.int32),
            pltpu.VMEM((2, _L), jnp.float32),
            pltpu.SemaphoreType.DMA,
            pltpu.SemaphoreType.DMA,
            pltpu.SemaphoreType.DMA,
        ],
    )
    parts = fn(hps_flat, ind_flat, mask_t)
    loss = pl.pallas_call(
        _tc_combine,
        out_shape=jax.ShapeDtypeStruct((1, 1), jnp.float32),
        out_specs=pl.BlockSpec(memory_space=pltpu.SMEM),
    )(parts)
    return loss


def kernel(hps, ind, inv_mask):
    B, C, H, W = hps.shape
    hps_flat = hps.reshape(B * C * H * W)
    mask_t = jnp.transpose(inv_mask[:, :, 0:16:2], (0, 2, 1))
    loss = _kp_align(hps_flat, ind.reshape(B * _K), mask_t)
    return loss[0, 0]

# --- scband reference (transcript-rebuilt; emitter-appended) ---
"""Pipeline reference for scband-kp-align-10557029613694 (READ-ONLY COPY).

The authoritative reference and input builder live on the scoring server;
editing this copy changes nothing except your own understanding.
"""

import jax, jax.numpy as jnp
import numpy as np


def setup_inputs(seed: int = 0) -> dict:
    key = jax.random.key(seed)
    k1, k2, k3 = jax.random.split(key, 3)
    hps = jax.random.normal(k1, (64, 16, 128, 128), dtype=jnp.float32)
    ind = jax.random.randint(k2, (64, 128), 0, 128 * 128, dtype=jnp.int32)
    inv_mask = jax.random.randint(k3, (64, 128, 16), 0, 2, dtype=jnp.int32)
    return {"hps": hps, "ind": ind, "inv_mask": inv_mask}


def reference(hps, ind, inv_mask):
    # _transpose_and_gather_feat: [B,C,H,W] -> [B,H*W,C] -> gather at ind -> [B,K,C]
    B, C, H, W = hps.shape
    feat = jnp.transpose(jnp.reshape(hps, (B, C, H * W)), (0, 2, 1))
    kps = jnp.take_along_axis(feat, ind[:, :, None], axis=1)  # [B,K,C]
    index_x = jnp.array([0, 2, 4, 6, 8, 10, 12, 14], dtype=jnp.int32)
    x_bottom = jnp.take(kps, index_x[0:4], axis=2)
    bottom_mask = jnp.take(inv_mask, index_x[0:4], axis=2).astype(jnp.float32)
    x_up = jnp.take(kps, index_x[4:8], axis=2)
    up_mask = jnp.take(inv_mask, index_x[4:8], axis=2).astype(jnp.float32)
    mask = bottom_mask * up_mask
    loss = jnp.sum(jnp.abs(x_up * mask - x_bottom * mask))  # l1_loss reduction='sum'
    loss = loss / (jnp.sum(mask) + 0.0001)
    return loss

if __name__ == "__main__":
    import jax
    _d = setup_inputs()
    print(jax.jit(kernel)(*tuple(_d.values())))

</pallas_src>

<mosaic_0001>
#map = affine_map<(d0, d1) -> (0)>
#map1 = affine_map<(d0, d1) -> (0, 0, 0)>
module attributes {stable_mosaic.version = 14 : i64} {
  func.func @_body(%arg0: i32, %arg1: i32, %arg2: memref<16777216xf32, #tpu.memory_space<hbm>>, %arg3: memref<8192xi32, #tpu.memory_space<hbm>>, %arg4: memref<64x8x128xi32, #tpu.memory_space<hbm>>, %arg5: memref<32x2x128xf32, #tpu.memory_space<hbm>>, %arg6: memref<256xi32, #tpu.memory_space<vmem>>, %arg7: memref<16x128xi32, #tpu.memory_space<vmem>>, %arg8: memref<2048xf32, #tpu.memory_space<vmem>>, %arg9: memref<2x8x128xi32, #tpu.memory_space<vmem>>, %arg10: memref<2x16xf32, #tpu.memory_space<vmem>>, %arg11: memref<!tpu.dma_semaphore, #tpu.memory_space<semaphore_mem>>, %arg12: memref<!tpu.dma_semaphore, #tpu.memory_space<semaphore_mem>>, %arg13: memref<!tpu.dma_semaphore, #tpu.memory_space<semaphore_mem>>) attributes {dimension_semantics = [#tpu.dimension_semantics<core_parallel>, #tpu.dimension_semantics<subcore_parallel>], iteration_bounds = array<i64: 2, 16>, scalar_prefetch = 0 : i64, scratch_operands = 8 : i64, tpu.core_type = #tpu.core_type<sc_vector_subcore>, window_params = [{transform_indices = #map}, {transform_indices = #map}, {transform_indices = #map1}, {transform_indices = #map1}]} {
    %mul3A = arith.constant 16 : i32
    %mul3A_0 = arith.muli %arg0, %mul3A : i32
    %add3A = arith.addi %mul3A_0, %arg1 : i32
    %mul3A_1 = arith.constant 256 : i32
    %mul3A_2 = arith.muli %add3A, %mul3A_1 : i32
    %mul3A_3 = arith.constant 2 : i32
    %mul3A_4 = arith.muli %add3A, %mul3A_3 : i32
    %dma_start3A = tpu.memref_slice %arg3[%mul3A_2] : memref<8192xi32, #tpu.memory_space<hbm>> -> memref<256xi32, #tpu.memory_space<hbm>>
    %dma_start3A_5 = tpu.memref_slice %arg3[%mul3A_2] : memref<8192xi32, #tpu.memory_space<hbm>> -> memref<256xi32, #tpu.memory_space<hbm>>
    tpu.enqueue_dma source(%dma_start3A_5 : memref<256xi32, #tpu.memory_space<hbm>>) target(%arg6 : memref<256xi32, #tpu.memory_space<vmem>>) target_semaphore(%arg11 : memref<!tpu.dma_semaphore, #tpu.memory_space<semaphore_mem>>)
    %dma_start3A_6 = arith.constant 0 : i32
    %dma_start3A_7 = arith.constant 0 : i32
    %dma_start3A_8 = tpu.memref_slice %arg4[%mul3A_4, %dma_start3A_6, %dma_start3A_7] : memref<64x8x128xi32, #tpu.memory_space<hbm>> -> memref<2x8x128xi32, #tpu.memory_space<hbm>>
    %dma_start3A_9 = arith.constant 0 : i32
    %dma_start3A_10 = arith.constant 0 : i32
    %dma_start3A_11 = tpu.memref_slice %arg4[%mul3A_4, %dma_start3A_9, %dma_start3A_10] : memref<64x8x128xi32, #tpu.memory_space<hbm>> -> memref<2x8x128xi32, #tpu.memory_space<hbm>>
    tpu.enqueue_dma source(%dma_start3A_11 : memref<2x8x128xi32, #tpu.memory_space<hbm>>) target(%arg9 : memref<2x8x128xi32, #tpu.memory_space<vmem>>) target_semaphore(%arg11 : memref<!tpu.dma_semaphore, #tpu.memory_space<semaphore_mem>>)
    %dma_wait3A = tpu.memref_slice %arg3[%mul3A_2] : memref<8192xi32, #tpu.memory_space<hbm>> -> memref<256xi32, #tpu.memory_space<hbm>>
    %dma_wait3A_12 = tpu.memref_slice %arg3[%mul3A_2] : memref<8192xi32, #tpu.memory_space<hbm>> -> memref<256xi32, #tpu.memory_space<hbm>>
    tpu.wait_dma2 semaphore(%arg11 : memref<!tpu.dma_semaphore, #tpu.memory_space<semaphore_mem>>) src(%dma_wait3A_12 : memref<256xi32, #tpu.memory_space<hbm>>) dst(%arg6 : memref<256xi32, #tpu.memory_space<vmem>>)
    %mul3A_13 = arith.constant 2 : i32
    %mul3A_14 = arith.muli %add3A, %mul3A_13 : i32
    %add3A_15 = arith.constant 0 : i32
    %add3A_16 = arith.addi %mul3A_14, %add3A_15 : i32
    %mul3A_17 = arith.constant 262144 : i32
    %mul3A_18 = arith.muli %add3A_16, %mul3A_17 : i32
    %get3A = arith.constant 0 : index
    %get3A_19 = tpu.vector_load %arg6[%get3A] {strides = array<i32>} : memref<256xi32, #tpu.memory_space<vmem>>, vector<16xi32>,
    %get3A_20 = vector.shape_cast %get3A_19 : vector<16xi32> to vector<16xi32>
    %add3A_21 = vector.broadcast %mul3A_18 : i32 to vector<16xi32>
    %add3A_22 = arith.addi %get3A_20, %add3A_21 : vector<16xi32>
    %add3A_23 = arith.constant 0 : i32
    %add3A_24 = vector.broadcast %add3A_23 : i32 to vector<16xi32>
    %add3A_25 = arith.addi %add3A_22, %add3A_24 : vector<16xi32>
    %swap3A = arith.constant 0 : i32
    %swap3A_26 = arith.index_cast %swap3A : i32 to index
    %swap3A_27 = arith.constant 0 : index
    %swap3A_28 = tpu.vector_load %arg7[%swap3A_26, %swap3A_27] {strides = array<i32>} : memref<16x128xi32, #tpu.memory_space<vmem>>, vector<1x16xi32>,
    %swap3A_29 = vector.shape_cast %swap3A_28 : vector<1x16xi32> to vector<16xi32>
    %swap3A_30 = vector.shape_cast %add3A_25 : vector<16xi32> to vector<1x16xi32>
    tpu.vector_store %arg7[%swap3A_26, %swap3A_27], %swap3A_30 {strides = array<i32>} : memref<16x128xi32, #tpu.memory_space<vmem>>, vector<1x16xi32>,
    %add3A_31 = arith.constant 32768 : i32
    %add3A_32 = vector.broadcast %add3A_31 : i32 to vector<16xi32>
    %add3A_33 = arith.addi %add3A_22, %add3A_32 : vector<16xi32>
    %swap3A_34 = arith.constant 1 : i32
    %swap3A_35 = arith.index_cast %swap3A_34 : i32 to index
    %swap3A_36 = arith.constant 0 : index
    %swap3A_37 = tpu.vector_load %arg7[%swap3A_35, %swap3A_36] {strides = array<i32>} : memref<16x128xi32, #tpu.memory_space<vmem>>, vector<1x16xi32>,
    %swap3A_38 = vector.shape_cast %swap3A_37 : vector<1x16xi32> to vector<16xi32>
    %swap3A_39 = vector.shape_cast %add3A_33 : vector<16xi32> to vector<1x16xi32>
    tpu.vector_store %arg7[%swap3A_35, %swap3A_36], %swap3A_39 {strides = array<i32>} : memref<16x128xi32, #tpu.memory_space<vmem>>, vector<1x16xi32>,
    %add3A_40 = arith.constant 65536 : i32
    %add3A_41 = vector.broadcast %add3A_40 : i32 to vector<16xi32>
    %add3A_42 = arith.addi %add3A_22, %add3A_41 : vector<16xi32>
    %swap3A_43 = arith.constant 2 : i32
    %swap3A_44 = arith.index_cast %swap3A_43 : i32 to index
    %swap3A_45 = arith.constant 0 : index
    %swap3A_46 = tpu.vector_load %arg7[%swap3A_44, %swap3A_45] {strides = array<i32>} : memref<16x128xi32, #tpu.memory_space<vmem>>, vector<1x16xi32>,
    %swap3A_47 = vector.shape_cast %swap3A_46 : vector<1x16xi32> to vector<16xi32>
    %swap3A_48 = vector.shape_cast %add3A_42 : vector<16xi32> to vector<1x16xi32>
    tpu.vector_store %arg7[%swap3A_44, %swap3A_45], %swap3A_48 {strides = array<i32>} : memref<16x128xi32, #tpu.memory_space<vmem>>, vector<1x16xi32>,
    %add3A_49 = arith.constant 98304 : i32
    %add3A_50 = vector.broadcast %add3A_49 : i32 to vector<16xi32>
    %add3A_51 = arith.addi %add3A_22, %add3A_50 : vector<16xi32>
    %swap3A_52 = arith.constant 3 : i32
    %swap3A_53 = arith.index_cast %swap3A_52 : i32 to index
    %swap3A_54 = arith.constant 0 : index
    %swap3A_55 = tpu.vector_load %arg7[%swap3A_53, %swap3A_54] {strides = array<i32>} : memref<16x128xi32, #tpu.memory_space<vmem>>, vector<1x16xi32>,
    %swap3A_56 = vector.shape_cast %swap3A_55 : vector<1x16xi32> to vector<16xi32>
    %swap3A_57 = vector.shape_cast %add3A_51 : vector<16xi32> to vector<1x16xi32>
    tpu.vector_store %arg7[%swap3A_53, %swap3A_54], %swap3A_57 {strides = array<i32>} : memref<16x128xi32, #tpu.memory_space<vmem>>, vector<1x16xi32>,
    %add3A_58 = arith.constant 131072 : i32
    %add3A_59 = vector.broadcast %add3A_58 : i32 to vector<16xi32>
    %add3A_60 = arith.addi %add3A_22, %add3A_59 : vector<16xi32>
    %swap3A_61 = arith.constant 4 : i32
    %swap3A_62 = arith.index_cast %swap3A_61 : i32 to index
    %swap3A_63 = arith.constant 0 : index
    %swap3A_64 = tpu.vector_load %arg7[%swap3A_62, %swap3A_63] {strides = array<i32>} : memref<16x128xi32, #tpu.memory_space<vmem>>, vector<1x16xi32>,
    %swap3A_65 = vector.shape_cast %swap3A_64 : vector<1x16xi32> to vector<16xi32>
    %swap3A_66 = vector.shape_cast %add3A_60 : vector<16xi32> to vector<1x16xi32>
    tpu.vector_store %arg7[%swap3A_62, %swap3A_63], %swap3A_66 {strides = array<i32>} : memref<16x128xi32, #tpu.memory_space<vmem>>, vector<1x16xi32>,
    %add3A_67 = arith.constant 163840 : i32
    %add3A_68 = vector.broadcast %add3A_67 : i32 to vector<16xi32>
    %add3A_69 = arith.addi %add3A_22, %add3A_68 : vector<16xi32>
    %swap3A_70 = arith.constant 5 : i32
    %swap3A_71 = arith.index_cast %swap3A_70 : i32 to index
    %swap3A_72 = arith.constant 0 : index
    %swap3A_73 = tpu.vector_load %arg7[%swap3A_71, %swap3A_72] {strides = array<i32>} : memref<16x128xi32, #tpu.memory_space<vmem>>, vector<1x16xi32>,
    %swap3A_74 = vector.shape_cast %swap3A_73 : vector<1x16xi32> to vector<16xi32>
    %swap3A_75 = vector.shape_cast %add3A_69 : vector<16xi32> to vector<1x16xi32>
    tpu.vector_store %arg7[%swap3A_71, %swap3A_72], %swap3A_75 {strides = array<i32>} : memref<16x128xi32, #tpu.memory_space<vmem>>, vector<1x16xi32>,
    %add3A_76 = arith.constant 196608 : i32
    %add3A_77 = vector.broadcast %add3A_76 : i32 to vector<16xi32>
    %add3A_78 = arith.addi %add3A_22, %add3A_77 : vector<16xi32>
    %swap3A_79 = arith.constant 6 : i32
    %swap3A_80 = arith.index_cast %swap3A_79 : i32 to index
    %swap3A_81 = arith.constant 0 : index
    %swap3A_82 = tpu.vector_load %arg7[%swap3A_80, %swap3A_81] {strides = array<i32>} : memref<16x128xi32, #tpu.memory_space<vmem>>, vector<1x16xi32>,
    %swap3A_83 = vector.shape_cast %swap3A_82 : vector<1x16xi32> to vector<16xi32>
    %swap3A_84 = vector.shape_cast %add3A_78 : vector<16xi32> to vector<1x16xi32>
    tpu.vector_store %arg7[%swap3A_80, %swap3A_81], %swap3A_84 {strides = array<i32>} : memref<16x128xi32, #tpu.memory_space<vmem>>, vector<1x16xi32>,
    %add3A_85 = arith.constant 229376 : i32
    %add3A_86 = vector.broadcast %add3A_85 : i32 to vector<16xi32>
    %add3A_87 = arith.addi %add3A_22, %add3A_86 : vector<16xi32>
    %swap3A_88 = arith.constant 7 : i32
    %swap3A_89 = arith.index_cast %swap3A_88 : i32 to index
    %swap3A_90 = arith.constant 0 : index
    %swap3A_91 = tpu.vector_load %arg7[%swap3A_89, %swap3A_90] {strides = array<i32>} : memref<16x128xi32, #tpu.memory_space<vmem>>, vector<1x16xi32>,
    %swap3A_92 = vector.shape_cast %swap3A_91 : vector<1x16xi32> to vector<16xi32>
    %swap3A_93 = vector.shape_cast %add3A_87 : vector<16xi32> to vector<1x16xi32>
    tpu.vector_store %arg7[%swap3A_89, %swap3A_90], %swap3A_93 {strides = array<i32>} : memref<16x128xi32, #tpu.memory_space<vmem>>, vector<1x16xi32>,
    %get3A_94 = arith.constant 16 : index
    %get3A_95 = tpu.vector_load %arg6[%get3A_94] {strides = array<i32>} : memref<256xi32, #tpu.memory_space<vmem>>, vector<16xi32>,
    %get3A_96 = vector.shape_cast %get3A_95 : vector<16xi32> to vector<16xi32>
    %add3A_97 = vector.broadcast %mul3A_18 : i32 to vector<16xi32>
    %add3A_98 = arith.addi %get3A_96, %add3A_97 : vector<16xi32>
    %add3A_99 = arith.constant 0 : i32
    %add3A_100 = vector.broadcast %add3A_99 : i32 to vector<16xi32>
    %add3A_101 = arith.addi %add3A_98, %add3A_100 : vector<16xi32>
    %swap3A_102 = arith.constant 0 : i32
    %swap3A_103 = arith.index_cast %swap3A_102 : i32 to index
    %swap3A_104 = arith.constant 16 : index
    %swap3A_105 = tpu.vector_load %arg7[%swap3A_103, %swap3A_104] {strides = array<i32>} : memref<16x128xi32, #tpu.memory_space<vmem>>, vector<1x16xi32>,
    %swap3A_106 = vector.shape_cast %swap3A_105 : vector<1x16xi32> to vector<16xi32>
    %swap3A_107 = vector.shape_cast %add3A_101 : vector<16xi32> to vector<1x16xi32>
    tpu.vector_store %arg7[%swap3A_103, %swap3A_104], %swap3A_107 {strides = array<i32>} : memref<16x128xi32, #tpu.memory_space<vmem>>, vector<1x16xi32>,
    %add3A_108 = arith.constant 32768 : i32
    %add3A_109 = vector.broadcast %add3A_108 : i32 to vector<16xi32>
    %add3A_110 = arith.addi %add3A_98, %add3A_109 : vector<16xi32>
    %swap3A_111 = arith.constant 1 : i32
    %swap3A_112 = arith.index_cast %swap3A_111 : i32 to index
    %swap3A_113 = arith.constant 16 : index
    %swap3A_114 = tpu.vector_load %arg7[%swap3A_112, %swap3A_113] {strides = array<i32>} : memref<16x128xi32, #tpu.memory_space<vmem>>, vector<1x16xi32>,
    %swap3A_115 = vector.shape_cast %swap3A_114 : vector<1x16xi32> to vector<16xi32>
    %swap3A_116 = vector.shape_cast %add3A_110 : vector<16xi32> to vector<1x16xi32>
    tpu.vector_store %arg7[%swap3A_112, %swap3A_113], %swap3A_116 {strides = array<i32>} : memref<16x128xi32, #tpu.memory_space<vmem>>, vector<1x16xi32>,
    %add3A_117 = arith.constant 65536 : i32
    %add3A_118 = vector.broadcast %add3A_117 : i32 to vector<16xi32>
    %add3A_119 = arith.addi %add3A_98, %add3A_118 : vector<16xi32>
    %swap3A_120 = arith.constant 2 : i32
    %swap3A_121 = arith.index_cast %swap3A_120 : i32 to index
    %swap3A_122 = arith.constant 16 : index
    %swap3A_123 = tpu.vector_load %arg7[%swap3A_121, %swap3A_122] {strides = array<i32>} : memref<16x128xi32, #tpu.memory_space<vmem>>, vector<1x16xi32>,
    %swap3A_124 = vector.shape_cast %swap3A_123 : vector<1x16xi32> to vector<16xi32>
    %swap3A_125 = vector.shape_cast %add3A_119 : vector<16xi32> to vector<1x16xi32>
    tpu.vector_store %arg7[%swap3A_121, %swap3A_122], %swap3A_125 {strides = array<i32>} : memref<16x128xi32, #tpu.memory_space<vmem>>, vector<1x16xi32>,
    %add3A_126 = arith.constant 98304 : i32
    %add3A_127 = vector.broadcast %add3A_126 : i32 to vector<16xi32>
    %add3A_128 = arith.addi %add3A_98, %add3A_127 : vector<16xi32>
    %swap3A_129 = arith.constant 3 : i32
    %swap3A_130 = arith.index_cast %swap3A_129 : i32 to index
    %swap3A_131 = arith.constant 16 : index
    %swap3A_132 = tpu.vector_load %arg7[%swap3A_130, %swap3A_131] {strides = array<i32>} : memref<16x128xi32, #tpu.memory_space<vmem>>, vector<1x16xi32>,
    %swap3A_133 = vector.shape_cast %swap3A_132 : vector<1x16xi32> to vector<16xi32>
    %swap3A_134 = vector.shape_cast %add3A_128 : vector<16xi32> to vector<1x16xi32>
    tpu.vector_store %arg7[%swap3A_130, %swap3A_131], %swap3A_134 {strides = array<i32>} : memref<16x128xi32, #tpu.memory_space<vmem>>, vector<1x16xi32>,
    %add3A_135 = arith.constant 131072 : i32
    %add3A_136 = vector.broadcast %add3A_135 : i32 to vector<16xi32>
    %add3A_137 = arith.addi %add3A_98, %add3A_136 : vector<16xi32>
    %swap3A_138 = arith.constant 4 : i32
    %swap3A_139 = arith.index_cast %swap3A_138 : i32 to index
    %swap3A_140 = arith.constant 16 : index
    %swap3A_141 = tpu.vector_load %arg7[%swap3A_139, %swap3A_140] {strides = array<i32>} : memref<16x128xi32, #tpu.memory_space<vmem>>, vector<1x16xi32>,
    %swap3A_142 = vector.shape_cast %swap3A_141 : vector<1x16xi32> to vector<16xi32>
    %swap3A_143 = vector.shape_cast %add3A_137 : vector<16xi32> to vector<1x16xi32>
    tpu.vector_store %arg7[%swap3A_139, %swap3A_140], %swap3A_143 {strides = array<i32>} : memref<16x128xi32, #tpu.memory_space<vmem>>, vector<1x16xi32>,
    %add3A_144 = arith.constant 163840 : i32
    %add3A_145 = vector.broadcast %add3A_144 : i32 to vector<16xi32>
    %add3A_146 = arith.addi %add3A_98, %add3A_145 : vector<16xi32>
    %swap3A_147 = arith.constant 5 : i32
    %swap3A_148 = arith.index_cast %swap3A_147 : i32 to index
    %swap3A_149 = arith.constant 16 : index
    %swap3A_150 = tpu.vector_load %arg7[%swap3A_148, %swap3A_149] {strides = array<i32>} : memref<16x128xi32, #tpu.memory_space<vmem>>, vector<1x16xi32>,
    %swap3A_151 = vector.shape_cast %swap3A_150 : vector<1x16xi32> to vector<16xi32>
    %swap3A_152 = vector.shape_cast %add3A_146 : vector<16xi32> to vector<1x16xi32>
    tpu.vector_store %arg7[%swap3A_148, %swap3A_149], %swap3A_152 {strides = array<i32>} : memref<16x128xi32, #tpu.memory_space<vmem>>, vector<1x16xi32>,
    %add3A_153 = arith.constant 196608 : i32
    %add3A_154 = vector.broadcast %add3A_153 : i32 to vector<16xi32>
    %add3A_155 = arith.addi %add3A_98, %add3A_154 : vector<16xi32>
    %swap3A_156 = arith.constant 6 : i32
    %swap3A_157 = arith.index_cast %swap3A_156 : i32 to index
    %swap3A_158 = arith.constant 16 : index
    %swap3A_159 = tpu.vector_load %arg7[%swap3A_157, %swap3A_158] {strides = array<i32>} : memref<16x128xi32, #tpu.memory_space<vmem>>, vector<1x16xi32>,
    %swap3A_160 = vector.shape_cast %swap3A_159 : vector<1x16xi32> to vector<16xi32>
    %swap3A_161 = vector.shape_cast %add3A_155 : vector<16xi32> to vector<1x16xi32>
    tpu.vector_store %arg7[%swap3A_157, %swap3A_158], %swap3A_161 {strides = array<i32>} : memref<16x128xi32, #tpu.memory_space<vmem>>, vector<1x16xi32>,
    %add3A_162 = arith.constant 229376 : i32
    %add3A_163 = vector.broadcast %add3A_162 : i32 to vector<16xi32>
    %add3A_164 = arith.addi %add3A_98, %add3A_163 : vector<16xi32>
    %swap3A_165 = arith.constant 7 : i32
    %swap3A_166 = arith.index_cast %swap3A_165 : i32 to index
    %swap3A_167 = arith.constant 16 : index
    %swap3A_168 = tpu.vector_load %arg7[%swap3A_166, %swap3A_167] {strides = array<i32>} : memref<16x128xi32, #tpu.memory_space<vmem>>, vector<1x16xi32>,
    %swap3A_169 = vector.shape_cast %swap3A_168 : vector<1x16xi32> to vector<16xi32>
    %swap3A_170 = vector.shape_cast %add3A_164 : vector<16xi32> to vector<1x16xi32>
    tpu.vector_store %arg7[%swap3A_166, %swap3A_167], %swap3A_170 {strides = array<i32>} : memref<16x128xi32, #tpu.memory_space<vmem>>, vector<1x16xi32>,
    %get3A_171 = arith.constant 32 : index
    %get3A_172 = tpu.vector_load %arg6[%get3A_171] {strides = array<i32>} : memref<256xi32, #tpu.memory_space<vmem>>, vector<16xi32>,
    %get3A_173 = vector.shape_cast %get3A_172 : vector<16xi32> to vector<16xi32>
    %add3A_174 = vector.broadcast %mul3A_18 : i32 to vector<16xi32>
    %add3A_175 = arith.addi %get3A_173, %add3A_174 : vector<16xi32>
    %add3A_176 = arith.constant 0 : i32
    %add3A_177 = vector.broadcast %add3A_176 : i32 to vector<16xi32>
    %add3A_178 = arith.addi %add3A_175, %add3A_177 : vector<16xi32>
    %swap3A_179 = arith.constant 0 : i32
    %swap3A_180 = arith.index_cast %swap3A_179 : i32 to index
    %swap3A_181 = arith.constant 32 : index
    %swap3A_182 = tpu.vector_load %arg7[%swap3A_180, %swap3A_181] {strides = array<i32>} : memref<16x128xi32, #tpu.memory_space<vmem>>, vector<1x16xi32>,
    %swap3A_183 = vector.shape_cast %swap3A_182 : vector<1x16xi32> to vector<16xi32>
    %swap3A_184 = vector.shape_cast %add3A_178 : vector<16xi32> to vector<1x16xi32>
    tpu.vector_store %arg7[%swap3A_180, %swap3A_181], %swap3A_184 {strides = array<i32>} : memref<16x128xi32, #tpu.memory_space<vmem>>, vector<1x16xi32>,
    %add3A_185 = arith.constant 32768 : i32
    %add3A_186 = vector.broadcast %add3A_185 : i32 to vector<16xi32>
    %add3A_187 = arith.addi %add3A_175, %add3A_186 : vector<16xi32>
    %swap3A_188 = arith.constant 1 : i32
    %swap3A_189 = arith.index_cast %swap3A_188 : i32 to index
    %swap3A_190 = arith.constant 32 : index
    %swap3A_191 = tpu.vector_load %arg7[%swap3A_189, %swap3A_190] {strides = array<i32>} : memref<16x128xi32, #tpu.memory_space<vmem>>, vector<1x16xi32>,
    %swap3A_192 = vector.shape_cast %swap3A_191 : vector<1x16xi32> to vector<16xi32>
    %swap3A_193 = vector.shape_cast %add3A_187 : vector<16xi32> to vector<1x16xi32>
    tpu.vector_store %arg7[%swap3A_189, %swap3A_190], %swap3A_193 {strides = array<i32>} : memref<16x128xi32, #tpu.memory_space<vmem>>, vector<1x16xi32>,
    %add3A_194 = arith.constant 65536 : i32
    %add3A_195 = vector.broadcast %add3A_194 : i32 to vector<16xi32>
    %add3A_196 = arith.addi %add3A_175, %add3A_195 : vector<16xi32>
    %swap3A_197 = arith.constant 2 : i32
    %swap3A_198 = arith.index_cast %swap3A_197 : i32 to index
    %swap3A_199 = arith.constant 32 : index
    %swap3A_200 = tpu.vector_load %arg7[%swap3A_198, %swap3A_199] {strides = array<i32>} : memref<16x128xi32, #tpu.memory_space<vmem>>, vector<1x16xi32>,
    %swap3A_201 = vector.shape_cast %swap3A_200 : vector<1x16xi32> to vector<16xi32>
    %swap3A_202 = vector.shape_cast %add3A_196 : vector<16xi32> to vector<1x16xi32>
    tpu.vector_store %arg7[%swap3A_198, %swap3A_199], %swap3A_202 {strides = array<i32>} : memref<16x128xi32, #tpu.memory_space<vmem>>, vector<1x16xi32>,
    %add3A_203 = arith.constant 98304 : i32
    %add3A_204 = vector.broadcast %add3A_203 : i32 to vector<16xi32>
    %add3A_205 = arith.addi %add3A_175, %add3A_204 : vector<16xi32>
    %swap3A_206 = arith.constant 3 : i32
    %swap3A_207 = arith.index_cast %swap3A_206 : i32 to index
    %swap3A_208 = arith.constant 32 : index
    %swap3A_209 = tpu.vector_load %arg7[%swap3A_207, %swap3A_208] {strides = array<i32>} : memref<16x128xi32, #tpu.memory_space<vmem>>, vector<1x16xi32>,
    %swap3A_210 = vector.shape_cast %swap3A_209 : vector<1x16xi32> to vector<16xi32>
    %swap3A_211 = vector.shape_cast %add3A_205 : vector<16xi32> to vector<1x16xi32>
    tpu.vector_store %arg7[%swap3A_207, %swap3A_208], %swap3A_211 {strides = array<i32>} : memref<16x128xi32, #tpu.memory_space<vmem>>, vector<1x16xi32>,
    %add3A_212 = arith.constant 131072 : i32
    %add3A_213 = vector.broadcast %add3A_212 : i32 to vector<16xi32>
    %add3A_214 = arith.addi %add3A_175, %add3A_213 : vector<16xi32>
    %swap3A_215 = arith.constant 4 : i32
    %swap3A_216 = arith.index_cast %swap3A_215 : i32 to index
    %swap3A_217 = arith.constant 32 : index
    %swap3A_218 = tpu.vector_load %arg7[%swap3A_216, %swap3A_217] {strides = array<i32>} : memref<16x128xi32, #tpu.memory_space<vmem>>, vector<1x16xi32>,
    %swap3A_219 = vector.shape_cast %swap3A_218 : vector<1x16xi32> to vector<16xi32>
    %swap3A_220 = vector.shape_cast %add3A_214 : vector<16xi32> to vector<1x16xi32>
    tpu.vector_store %arg7[%swap3A_216, %swap3A_217], %swap3A_220 {strides = array<i32>} : memref<16x128xi32, #tpu.memory_space<vmem>>, vector<1x16xi32>,
    %add3A_221 = arith.constant 163840 : i32
    %add3A_222 = vector.broadcast %add3A_221 : i32 to vector<16xi32>
    %add3A_223 = arith.addi %add3A_175, %add3A_222 : vector<16xi32>
    %swap3A_224 = arith.constant 5 : i32
    %swap3A_225 = arith.index_cast %swap3A_224 : i32 to index
    %swap3A_226 = arith.constant 32 : index
    %swap3A_227 = tpu.vector_load %arg7[%swap3A_225, %swap3A_226] {strides = array<i32>} : memref<16x128xi32, #tpu.memory_space<vmem>>, vector<1x16xi32>,
    %swap3A_228 = vector.shape_cast %swap3A_227 : vector<1x16xi32> to vector<16xi32>
    %swap3A_229 = vector.shape_cast %add3A_223 : vector<16xi32> to vector<1x16xi32>
    tpu.vector_store %arg7[%swap3A_225, %swap3A_226], %swap3A_229 {strides = array<i32>} : memref<16x128xi32, #tpu.memory_space<vmem>>, vector<1x16xi32>,
    %add3A_230 = arith.constant 196608 : i32
    %add3A_231 = vector.broadcast %add3A_230 : i32 to vector<16xi32>
    %add3A_232 = arith.addi %add3A_175, %add3A_231 : vector<16xi32>
    %swap3A_233 = arith.constant 6 : i32
    %swap3A_234 = arith.index_cast %swap3A_233 : i32 to index
    %swap3A_235 = arith.constant 32 : index
    %swap3A_236 = tpu.vector_load %arg7[%swap3A_234, %swap3A_235] {strides = array<i32>} : memref<16x128xi32, #tpu.memory_space<vmem>>, vector<1x16xi32>,
    %swap3A_237 = vector.shape_cast %swap3A_236 : vector<1x16xi32> to vector<16xi32>
    %swap3A_238 = vector.shape_cast %add3A_232 : vector<16xi32> to vector<1x16xi32>
    tpu.vector_store %arg7[%swap3A_234, %swap3A_235], %swap3A_238 {strides = array<i32>} : memref<16x128xi32, #tpu.memory_space<vmem>>, vector<1x16xi32>,
    %add3A_239 = arith.constant 229376 : i32
    %add3A_240 = vector.broadcast %add3A_239 : i32 to vector<16xi32>
    %add3A_241 = arith.addi %add3A_175, %add3A_240 : vector<16xi32>
    %swap3A_242 = arith.constant 7 : i32
    %swap3A_243 = arith.index_cast %swap3A_242 : i32 to index
    %swap3A_244 = arith.constant 32 : index
    %swap3A_245 = tpu.vector_load %arg7[%swap3A_243, %swap3A_244] {strides = array<i32>} : memref<16x128xi32, #tpu.memory_space<vmem>>, vector<1x16xi32>,
    %swap3A_246 = vector.shape_cast %swap3A_245 : vector<1x16xi32> to vector<16xi32>
    %swap3A_247 = vector.shape_cast %add3A_241 : vector<16xi32> to vector<1x16xi32>
    tpu.vector_store %arg7[%swap3A_243, %swap3A_244], %swap3A_247 {strides = array<i32>} : memref<16x128xi32, #tpu.memory_space<vmem>>, vector<1x16xi32>,
    %get3A_248 = arith.constant 48 : index
    %get3A_249 = tpu.vector_load %arg6[%get3A_248] {strides = array<i32>} : memref<256xi32, #tpu.memory_space<vmem>>, vector<16xi32>,
    %get3A_250 = vector.shape_cast %get3A_249 : vector<16xi32> to vector<16xi32>
    %add3A_251 = vector.broadcast %mul3A_18 : i32 to vector<16xi32>
    %add3A_252 = arith.addi %get3A_250, %add3A_251 : vector<16xi32>
    %add3A_253 = arith.constant 0 : i32
    %add3A_254 = vector.broadcast %add3A_253 : i32 to vector<16xi32>
    %add3A_255 = arith.addi %add3A_252, %add3A_254 : vector<16xi32>
    %swap3A_256 = arith.constant 0 : i32
    %swap3A_257 = arith.index_cast %swap3A_256 : i32 to index
    %swap3A_258 = arith.constant 48 : index
    %swap3A_259 = tpu.vector_load %arg7[%swap3A_257, %swap3A_258] {strides = array<i32>} : memref<16x128xi32, #tpu.memory_space<vmem>>, vector<1x16xi32>,
    %swap3A_260 = vector.shape_cast %swap3A_259 : vector<1x16xi32> to vector<16xi32>
    %swap3A_261 = vector.shape_cast %add3A_255 : vector<16xi32> to vector<1x16xi32>
    tpu.vector_store %arg7[%swap3A_257, %swap3A_258], %swap3A_261 {strides = array<i32>} : memref<16x128xi32, #tpu.memory_space<vmem>>, vector<1x16xi32>,
    %add3A_262 = arith.constant 32768 : i32
    %add3A_263 = vector.broadcast %add3A_262 : i32 to vector<16xi32>
    %add3A_264 = arith.addi %add3A_252, %add3A_263 : vector<16xi32>
    %swap3A_265 = arith.constant 1 : i32
    %swap3A_266 = arith.index_cast %swap3A_265 : i32 to index
    %swap3A_267 = arith.constant 48 : index
    %swap3A_268 = tpu.vector_load %arg7[%swap3A_266, %swap3A_267] {strides = array<i32>} : memref<16x128xi32, #tpu.memory_space<vmem>>, vector<1x16xi32>,
    %swap3A_269 = vector.shape_cast %swap3A_268 : vector<1x16xi32> to vector<16xi32>
    %swap3A_270 = vector.shape_cast %add3A_264 : vector<16xi32> to vector<1x16xi32>
    tpu.vector_store %arg7[%swap3A_266, %swap3A_267], %swap3A_270 {strides = array<i32>} : memref<16x128xi32, #tpu.memory_space<vmem>>, vector<1x16xi32>,
    %add3A_271 = arith.constant 65536 : i32
    %add3A_272 = vector.broadcast %add3A_271 : i32 to vector<16xi32>
    %add3A_273 = arith.addi %add3A_252, %add3A_272 : vector<16xi32>
    %swap3A_274 = arith.constant 2 : i32
    %swap3A_275 = arith.index_cast %swap3A_274 : i32 to index
    %swap3A_276 = arith.constant 48 : index
    %swap3A_277 = tpu.vector_load %arg7[%swap3A_275, %swap3A_276] {strides = array<i32>} : memref<16x128xi32, #tpu.memory_space<vmem>>, vector<1x16xi32>,
    %swap3A_278 = vector.shape_cast %swap3A_277 : vector<1x16xi32> to vector<16xi32>
    %swap3A_279 = vector.shape_cast %add3A_273 : vector<16xi32> to vector<1x16xi32>
    tpu.vector_store %arg7[%swap3A_275, %swap3A_276], %swap3A_279 {strides = array<i32>} : memref<16x128xi32, #tpu.memory_space<vmem>>, vector<1x16xi32>,
    %add3A_280 = arith.constant 98304 : i32
    %add3A_281 = vector.broadcast %add3A_280 : i32 to vector<16xi32>
    %add3A_282 = arith.addi %add3A_252, %add3A_281 : vector<16xi32>
    %swap3A_283 = arith.constant 3 : i32
    %swap3A_284 = arith.index_cast %swap3A_283 : i32 to index
    %swap3A_285 = arith.constant 48 : index
    %swap3A_286 = tpu.vector_load %arg7[%swap3A_284, %swap3A_285] {strides = array<i32>} : memref<16x128xi32, #tpu.memory_space<vmem>>, vector<1x16xi32>,
    %swap3A_287 = vector.shape_cast %swap3A_286 : vector<1x16xi32> to vector<16xi32>
    %swap3A_288 = vector.shape_cast %add3A_282 : vector<16xi32> to vector<1x16xi32>
    tpu.vector_store %arg7[%swap3A_284, %swap3A_285], %swap3A_288 {strides = array<i32>} : memref<16x128xi32, #tpu.memory_space<vmem>>, vector<1x16xi32>,
    %add3A_289 = arith.constant 131072 : i32
    %add3A_290 = vector.broadcast %add3A_289 : i32 to vector<16xi32>
    %add3A_291 = arith.addi %add3A_252, %add3A_290 : vector<16xi32>
    %swap3A_292 = arith.constant 4 : i32
    %swap3A_293 = arith.index_cast %swap3A_292 : i32 to index
    %swap3A_294 = arith.constant 48 : index
    %swap3A_295 = tpu.vector_load %arg7[%swap3A_293, %swap3A_294] {strides = array<i32>} : memref<16x128xi32, #tpu.memory_space<vmem>>, vector<1x16xi32>,
    %swap3A_296 = vector.shape_cast %swap3A_295 : vector<1x16xi32> to vector<16xi32>
    %swap3A_297 = vector.shape_cast %add3A_291 : vector<16xi32> to vector<1x16xi32>
    tpu.vector_store %arg7[%swap3A_293, %swap3A_294], %swap3A_297 {strides = array<i32>} : memref<16x128xi32, #tpu.memory_space<vmem>>, vector<1x16xi32>,
    %add3A_298 = arith.constant 163840 : i32
    %add3A_299 = vector.broadcast %add3A_298 : i32 to vector<16xi32>
    %add3A_300 = arith.addi %add3A_252, %add3A_299 : vector<16xi32>
    %swap3A_301 = arith.constant 5 : i32
    %swap3A_302 = arith.index_cast %swap3A_301 : i32 to index
    %swap3A_303 = arith.constant 48 : index
    %swap3A_304 = tpu.vector_load %arg7[%swap3A_302, %swap3A_303] {strides = array<i32>} : memref<16x128xi32, #tpu.memory_space<vmem>>, vector<1x16xi32>,
    %swap3A_305 = vector.shape_cast %swap3A_304 : vector<1x16xi32> to vector<16xi32>
    %swap3A_306 = vector.shape_cast %add3A_300 : vector<16xi32> to vector<1x16xi32>
    tpu.vector_store %arg7[%swap3A_302, %swap3A_303], %swap3A_306 {strides = array<i32>} : memref<16x128xi32, #tpu.memory_space<vmem>>, vector<1x16xi32>,
    %add3A_307 = arith.constant 196608 : i32
    %add3A_308 = vector.broadcast %add3A_307 : i32 to vector<16xi32>
    %add3A_309 = arith.addi %add3A_252, %add3A_308 : vector<16xi32>
    %swap3A_310 = arith.constant 6 : i32
    %swap3A_311 = arith.index_cast %swap3A_310 : i32 to index
    %swap3A_312 = arith.constant 48 : index
    %swap3A_313 = tpu.vector_load %arg7[%swap3A_311, %swap3A_312] {strides = array<i32>} : memref<16x128xi32, #tpu.memory_space<vmem>>, vector<1x16xi32>,
    %swap3A_314 = vector.shape_cast %swap3A_313 : vector<1x16xi32> to vector<16xi32>
    %swap3A_315 = vector.shape_cast %add3A_309 : vector<16xi32> to vector<1x16xi32>
    tpu.vector_store %arg7[%swap3A_311, %swap3A_312], %swap3A_315 {strides = array<i32>} : memref<16x128xi32, #tpu.memory_space<vmem>>, vector<1x16xi32>,
    %add3A_316 = arith.constant 229376 : i32
    %add3A_317 = vector.broadcast %add3A_316 : i32 to vector<16xi32>
    %add3A_318 = arith.addi %add3A_252, %add3A_317 : vector<16xi32>
    %swap3A_319 = arith.constant 7 : i32
    %swap3A_320 = arith.index_cast %swap3A_319 : i32 to index
    %swap3A_321 = arith.constant 48 : index
    %swap3A_322 = tpu.vector_load %arg7[%swap3A_320, %swap3A_321] {strides = array<i32>} : memref<16x128xi32, #tpu.memory_space<vmem>>, vector<1x16xi32>,
    %swap3A_323 = vector.shape_cast %swap3A_322 : vector<1x16xi32> to vector<16xi32>
    %swap3A_324 = vector.shape_cast %add3A_318 : vector<16xi32> to vector<1x16xi32>
    tpu.vector_store %arg7[%swap3A_320, %swap3A_321], %swap3A_324 {strides = array<i32>} : memref<16x128xi32, #tpu.memory_space<vmem>>, vector<1x16xi32>,
    %get3A_325 = arith.constant 64 : index
    %get3A_326 = tpu.vector_load %arg6[%get3A_325] {strides = array<i32>} : memref<256xi32, #tpu.memory_space<vmem>>, vector<16xi32>,
    %get3A_327 = vector.shape_cast %get3A_326 : vector<16xi32> to vector<16xi32>
    %add3A_328 = vector.broadcast %mul3A_18 : i32 to vector<16xi32>
    %add3A_329 = arith.addi %get3A_327, %add3A_328 : vector<16xi32>
    %add3A_330 = arith.constant 0 : i32
    %add3A_331 = vector.broadcast %add3A_330 : i32 to vector<16xi32>
    %add3A_332 = arith.addi %add3A_329, %add3A_331 : vector<16xi32>
    %swap3A_333 = arith.constant 0 : i32
    %swap3A_334 = arith.index_cast %swap3A_333 : i32 to index
    %swap3A_335 = arith.constant 64 : index
    %swap3A_336 = tpu.vector_load %arg7[%swap3A_334, %swap3A_335] {strides = array<i32>} : memref<16x128xi32, #tpu.memory_space<vmem>>, vector<1x16xi32>,
    %swap3A_337 = vector.shape_cast %swap3A_336 : vector<1x16xi32> to vector<16xi32>
    %swap3A_338 = vector.shape_cast %add3A_332 : vector<16xi32> to vector<1x16xi32>
    tpu.vector_store %arg7[%swap3A_334, %swap3A_335], %swap3A_338 {strides = array<i32>} : memref<16x128xi32, #tpu.memory_space<vmem>>, vector<1x16xi32>,
    %add3A_339 = arith.constant 32768 : i32
    %add3A_340 = vector.broadcast %add3A_339 : i32 to vector<16xi32>
    %add3A_341 = arith.addi %add3A_329, %add3A_340 : vector<16xi32>
    %swap3A_342 = arith.constant 1 : i32
    %swap3A_343 = arith.index_cast %swap3A_342 : i32 to index
    %swap3A_344 = arith.constant 64 : index
    %swap3A_345 = tpu.vector_load %arg7[%swap3A_343, %swap3A_344] {strides = array<i32>} : memref<16x128xi32, #tpu.memory_space<vmem>>, vector<1x16xi32>,
    %swap3A_346 = vector.shape_cast %swap3A_345 : vector<1x16xi32> to vector<16xi32>
    %swap3A_347 = vector.shape_cast %add3A_341 : vector<16xi32> to vector<1x16xi32>
    tpu.vector_store %arg7[%swap3A_343, %swap3A_344], %swap3A_347 {strides = array<i32>} : memref<16x128xi32, #tpu.memory_space<vmem>>, vector<1x16xi32>,
    %add3A_348 = arith.constant 65536 : i32
    %add3A_349 = vector.broadcast %add3A_348 : i32 to vector<16xi32>
    %add3A_350 = arith.addi %add3A_329, %add3A_349 : vector<16xi32>
    %swap3A_351 = arith.constant 2 : i32
    %swap3A_352 = arith.index_cast %swap3A_351 : i32 to index
    %swap3A_353 = arith.constant 64 : index
    %swap3A_354 = tpu.vector_load %arg7[%swap3A_352, %swap3A_353] {strides = array<i32>} : memref<16x128xi32, #tpu.memory_space<vmem>>, vector<1x16xi32>,
    %swap3A_355 = vector.shape_cast %swap3A_354 : vector<1x16xi32> to vector<16xi32>
    %swap3A_356 = vector.shape_cast %add3A_350 : vector<16xi32> to vector<1x16xi32>
    tpu.vector_store %arg7[%swap3A_352, %swap3A_353], %swap3A_356 {strides = array<i32>} : memref<16x128xi32, #tpu.memory_space<vmem>>, vector<1x16xi32>,
    %add3A_357 = arith.constant 98304 : i32
    %add3A_358 = vector.broadcast %add3A_357 : i32 to vector<16xi32>
    %add3A_359 = arith.addi %add3A_329, %add3A_358 : vector<16xi32>
    %swap3A_360 = arith.constant 3 : i32
    %swap3A_361 = arith.index_cast %swap3A_360 : i32 to index
    %swap3A_362 = arith.constant 64 : index
    %swap3A_363 = tpu.vector_load %arg7[%swap3A_361, %swap3A_362] {strides = array<i32>} : memref<16x128xi32, #tpu.memory_space<vmem>>, vector<1x16xi32>,
    %swap3A_364 = vector.shape_cast %swap3A_363 : vector<1x16xi32> to vector<16xi32>
    %swap3A_365 = vector.shape_cast %add3A_359 : vector<16xi32> to vector<1x16xi32>
    tpu.vector_store %arg7[%swap3A_361, %swap3A_362], %swap3A_365 {strides = array<i32>} : memref<16x128xi32, #tpu.memory_space<vmem>>, vector<1x16xi32>,
    %add3A_366 = arith.constant 131072 : i32
    %add3A_367 = vector.broadcast %add3A_366 : i32 to vector<16xi32>
    %add3A_368 = arith.addi %add3A_329, %add3A_367 : vector<16xi32>
    %swap3A_369 = arith.constant 4 : i32
    %swap3A_370 = arith.index_cast %swap3A_369 : i32 to index
    %swap3A_371 = arith.constant 64 : index
    %swap3A_372 = tpu.vector_load %arg7[%swap3A_370, %swap3A_371] {strides = array<i32>} : memref<16x128xi32, #tpu.memory_space<vmem>>, vector<1x16xi32>,
    %swap3A_373 = vector.shape_cast %swap3A_372 : vector<1x16xi32> to vector<16xi32>
    %swap3A_374 = vector.shape_cast %add3A_368 : vector<16xi32> to vector<1x16xi32>
    tpu.vector_store %arg7[%swap3A_370, %swap3A_371], %swap3A_374 {strides = array<i32>} : memref<16x128xi32, #tpu.memory_space<vmem>>, vector<1x16xi32>,
    %add3A_375 = arith.constant 163840 : i32
    %add3A_376 = vector.broadcast %add3A_375 : i32 to vector<16xi32>
    %add3A_377 = arith.addi %add3A_329, %add3A_376 : vector<16xi32>
    %swap3A_378 = arith.constant 5 : i32
    %swap3A_379 = arith.index_cast %swap3A_378 : i32 to index
    %swap3A_380 = arith.constant 64 : index
    %swap3A_381 = tpu.vector_load %arg7[%swap3A_379, %swap3A_380] {strides = array<i32>} : memref<16x128xi32, #tpu.memory_space<vmem>>, vector<1x16xi32>,
    %swap3A_382 = vector.shape_cast %swap3A_381 : vector<1x16xi32> to vector<16xi32>
    %swap3A_383 = vector.shape_cast %add3A_377 : vector<16xi32> to vector<1x16xi32>
    tpu.vector_store %arg7[%swap3A_379, %swap3A_380], %swap3A_383 {strides = array<i32>} : memref<16x128xi32, #tpu.memory_space<vmem>>, vector<1x16xi32>,
    %add3A_384 = arith.constant 196608 : i32
    %add3A_385 = vector.broadcast %add3A_384 : i32 to vector<16xi32>
    %add3A_386 = arith.addi %add3A_329, %add3A_385 : vector<16xi32>
    %swap3A_387 = arith.constant 6 : i32
    %swap3A_388 = arith.index_cast %swap3A_387 : i32 to index
    %swap3A_389 = arith.constant 64 : index
    %swap3A_390 = tpu.vector_load %arg7[%swap3A_388, %swap3A_389] {strides = array<i32>} : memref<16x128xi32, #tpu.memory_space<vmem>>, vector<1x16xi32>,
    %swap3A_391 = vector.shape_cast %swap3A_390 : vector<1x16xi32> to vector<16xi32>
    %swap3A_392 = vector.shape_cast %add3A_386 : vector<16xi32> to vector<1x16xi32>
    tpu.vector_store %arg7[%swap3A_388, %swap3A_389], %swap3A_392 {strides = array<i32>} : memref<16x128xi32, #tpu.memory_space<vmem>>, vector<1x16xi32>,
    %add3A_393 = arith.constant 229376 : i32
    %add3A_394 = vector.broadcast %add3A_393 : i32 to vector<16xi32>
    %add3A_395 = arith.addi %add3A_329, %add3A_394 : vector<16xi32>
    %swap3A_396 = arith.constant 7 : i32
    %swap3A_397 = arith.index_cast %swap3A_396 : i32 to index
    %swap3A_398 = arith.constant 64 : index
    %swap3A_399 = tpu.vector_load %arg7[%swap3A_397, %swap3A_398] {strides = array<i32>} : memref<16x128xi32, #tpu.memory_space<vmem>>, vector<1x16xi32>,
    %swap3A_400 = vector.shape_cast %swap3A_399 : vector<1x16xi32> to vector<16xi32>
    %swap3A_401 = vector.shape_cast %add3A_395 : vector<16xi32> to vector<1x16xi32>
    tpu.vector_store %arg7[%swap3A_397, %swap3A_398], %swap3A_401 {strides = array<i32>} : memref<16x128xi32, #tpu.memory_space<vmem>>, vector<1x16xi32>,
    %get3A_402 = arith.constant 80 : index
    %get3A_403 = tpu.vector_load %arg6[%get3A_402] {strides = array<i32>} : memref<256xi32, #tpu.memory_space<vmem>>, vector<16xi32>,
    %get3A_404 = vector.shape_cast %get3A_403 : vector<16xi32> to vector<16xi32>
    %add3A_405 = vector.broadcast %mul3A_18 : i32 to vector<16xi32>
    %add3A_406 = arith.addi %get3A_404, %add3A_405 : vector<16xi32>
    %add3A_407 = arith.constant 0 : i32
    %add3A_408 = vector.broadcast %add3A_407 : i32 to vector<16xi32>
    %add3A_409 = arith.addi %add3A_406, %add3A_408 : vector<16xi32>
    %swap3A_410 = arith.constant 0 : i32
    %swap3A_411 = arith.index_cast %swap3A_410 : i32 to index
    %swap3A_412 = arith.constant 80 : index
    %swap3A_413 = tpu.vector_load %arg7[%swap3A_411, %swap3A_412] {strides = array<i32>} : memref<16x128xi32, #tpu.memory_space<vmem>>, vector<1x16xi32>,
    %swap3A_414 = vector.shape_cast %swap3A_413 : vector<1x16xi32> to vector<16xi32>
    %swap3A_415 = vector.shape_cast %add3A_409 : vector<16xi32> to vector<1x16xi32>
    tpu.vector_store %arg7[%swap3A_411, %swap3A_412], %swap3A_415 {strides = array<i32>} : memref<16x128xi32, #tpu.memory_space<vmem>>, vector<1x16xi32>,
    %add3A_416 = arith.constant 32768 : i32
    %add3A_417 = vector.broadcast %add3A_416 : i32 to vector<16xi32>
    %add3A_418 = arith.addi %add3A_406, %add3A_417 : vector<16xi32>
    %swap3A_419 = arith.constant 1 : i32
    %swap3A_420 = arith.index_cast %swap3A_419 : i32 to index
    %swap3A_421 = arith.constant 80 : index
    %swap3A_422 = tpu.vector_load %arg7[%swap3A_420, %swap3A_421] {strides = array<i32>} : memref<16x128xi32, #tpu.memory_space<vmem>>, vector<1x16xi32>,
    %swap3A_423 = vector.shape_cast %swap3A_422 : vector<1x16xi32> to vector<16xi32>
    %swap3A_424 = vector.shape_cast %add3A_418 : vector<16xi32> to vector<1x16xi32>
    tpu.vector_store %arg7[%swap3A_420, %swap3A_421], %swap3A_424 {strides = array<i32>} : memref<16x128xi32, #tpu.memory_space<vmem>>, vector<1x16xi32>,
    %add3A_425 = arith.constant 65536 : i32
    %add3A_426 = vector.broadcast %add3A_425 : i32 to vector<16xi32>
    %add3A_427 = arith.addi %add3A_406, %add3A_426 : vector<16xi32>
    %swap3A_428 = arith.constant 2 : i32
    %swap3A_429 = arith.index_cast %swap3A_428 : i32 to index
    %swap3A_430 = arith.constant 80 : index
    %swap3A_431 = tpu.vector_load %arg7[%swap3A_429, %swap3A_430] {strides = array<i32>} : memref<16x128xi32, #tpu.memory_space<vmem>>, vector<1x16xi32>,
    %swap3A_432 = vector.shape_cast %swap3A_431 : vector<1x16xi32> to vector<16xi32>
    %swap3A_433 = vector.shape_cast %add3A_427 : vector<16xi32> to vector<1x16xi32>
    tpu.vector_store %arg7[%swap3A_429, %swap3A_430], %swap3A_433 {strides = array<i32>} : memref<16x128xi32, #tpu.memory_space<vmem>>, vector<1x16xi32>,
    %add3A_434 = arith.constant 98304 : i32
    %add3A_435 = vector.broadcast %add3A_434 : i32 to vector<16xi32>
    %add3A_436 = arith.addi %add3A_406, %add3A_435 : vector<16xi32>
    %swap3A_437 = arith.constant 3 : i32
    %swap3A_438 = arith.index_cast %swap3A_437 : i32 to index
    %swap3A_439 = arith.constant 80 : index
    %swap3A_440 = tpu.vector_load %arg7[%swap3A_438, %swap3A_439] {strides = array<i32>} : memref<16x128xi32, #tpu.memory_space<vmem>>, vector<1x16xi32>,
    %swap3A_441 = vector.shape_cast %swap3A_440 : vector<1x16xi32> to vector<16xi32>
    %swap3A_442 = vector.shape_cast %add3A_436 : vector<16xi32> to vector<1x16xi32>
    tpu.vector_store %arg7[%swap3A_438, %swap3A_439], %swap3A_442 {strides = array<i32>} : memref<16x128xi32, #tpu.memory_space<vmem>>, vector<1x16xi32>,
    %add3A_443 = arith.constant 131072 : i32
    %add3A_444 = vector.broadcast %add3A_443 : i32 to vector<16xi32>
    %add3A_445 = arith.addi %add3A_406, %add3A_444 : vector<16xi32>
    %swap3A_446 = arith.constant 4 : i32
    %swap3A_447 = arith.index_cast %swap3A_446 : i32 to index
    %swap3A_448 = arith.constant 80 : index
    %swap3A_449 = tpu.vector_load %arg7[%swap3A_447, %swap3A_448] {strides = array<i32>} : memref<16x128xi32, #tpu.memory_space<vmem>>, vector<1x16xi32>,
    %swap3A_450 = vector.shape_cast %swap3A_449 : vector<1x16xi32> to vector<16xi32>
    %swap3A_451 = vector.shape_cast %add3A_445 : vector<16xi32> to vector<1x16xi32>
    tpu.vector_store %arg7[%swap3A_447, %swap3A_448], %swap3A_451 {strides = array<i32>} : memref<16x128xi32, #tpu.memory_space<vmem>>, vector<1x16xi32>,
    %add3A_452 = arith.constant 163840 : i32
    %add3A_453 = vector.broadcast %add3A_452 : i32 to vector<16xi32>
    %add3A_454 = arith.addi %add3A_406, %add3A_453 : vector<16xi32>
    %swap3A_455 = arith.constant 5 : i32
    %swap3A_456 = arith.index_cast %swap3A_455 : i32 to index
    %swap3A_457 = arith.constant 80 : index
    %swap3A_458 = tpu.vector_load %arg7[%swap3A_456, %swap3A_457] {strides = array<i32>} : memref<16x128xi32, #tpu.memory_space<vmem>>, vector<1x16xi32>,
    %swap3A_459 = vector.shape_cast %swap3A_458 : vector<1x16xi32> to vector<16xi32>
    %swap3A_460 = vector.shape_cast %add3A_454 : vector<16xi32> to vector<1x16xi32>
    tpu.vector_store %arg7[%swap3A_456, %swap3A_457], %swap3A_460 {strides = array<i32>} : memref<16x128xi32, #tpu.memory_space<vmem>>, vector<1x16xi32>,
    %add3A_461 = arith.constant 196608 : i32
    %add3A_462 = vector.broadcast %add3A_461 : i32 to vector<16xi32>
    %add3A_463 = arith.addi %add3A_406, %add3A_462 : vector<16xi32>
    %swap3A_464 = arith.constant 6 : i32
    %swap3A_465 = arith.index_cast %swap3A_464 : i32 to index
    %swap3A_466 = arith.constant 80 : index
    %swap3A_467 = tpu.vector_load %arg7[%swap3A_465, %swap3A_466] {strides = array<i32>} : memref<16x128xi32, #tpu.memory_space<vmem>>, vector<1x16xi32>,
    %swap3A_468 = vector.shape_cast %swap3A_467 : vector<1x16xi32> to vector<16xi32>
    %swap3A_469 = vector.shape_cast %add3A_463 : vector<16xi32> to vector<1x16xi32>
    tpu.vector_store %arg7[%swap3A_465, %swap3A_466], %swap3A_469 {strides = array<i32>} : memref<16x128xi32, #tpu.memory_space<vmem>>, vector<1x16xi32>,
    %add3A_470 = arith.constant 229376 : i32
    %add3A_471 = vector.broadcast %add3A_470 : i32 to vector<16xi32>
    %add3A_472 = arith.addi %add3A_406, %add3A_471 : vector<16xi32>
    %swap3A_473 = arith.constant 7 : i32
    %swap3A_474 = arith.index_cast %swap3A_473 : i32 to index
    %swap3A_475 = arith.constant 80 : index
    %swap3A_476 = tpu.vector_load %arg7[%swap3A_474, %swap3A_475] {strides = array<i32>} : memref<16x128xi32, #tpu.memory_space<vmem>>, vector<1x16xi32>,
    %swap3A_477 = vector.shape_cast %swap3A_476 : vector<1x16xi32> to vector<16xi32>
    %swap3A_478 = vector.shape_cast %add3A_472 : vector<16xi32> to vector<1x16xi32>
    tpu.vector_store %arg7[%swap3A_474, %swap3A_475], %swap3A_478 {strides = array<i32>} : memref<16x128xi32, #tpu.memory_space<vmem>>, vector<1x16xi32>,
    %get3A_479 = arith.constant 96 : index
    %get3A_480 = tpu.vector_load %arg6[%get3A_479] {strides = array<i32>} : memref<256xi32, #tpu.memory_space<vmem>>, vector<16xi32>,
    %get3A_481 = vector.shape_cast %get3A_480 : vector<16xi32> to vector<16xi32>
    %add3A_482 = vector.broadcast %mul3A_18 : i32 to vector<16xi32>
    %add3A_483 = arith.addi %get3A_481, %add3A_482 : vector<16xi32>
    %add3A_484 = arith.constant 0 : i32
    %add3A_485 = vector.broadcast %add3A_484 : i32 to vector<16xi32>
    %add3A_486 = arith.addi %add3A_483, %add3A_485 : vector<16xi32>
    %swap3A_487 = arith.constant 0 : i32
    %swap3A_488 = arith.index_cast %swap3A_487 : i32 to index
    %swap3A_489 = arith.constant 96 : index
    %swap3A_490 = tpu.vector_load %arg7[%swap3A_488, %swap3A_489] {strides = array<i32>} : memref<16x128xi32, #tpu.memory_space<vmem>>, vector<1x16xi32>,
    %swap3A_491 = vector.shape_cast %swap3A_490 : vector<1x16xi32> to vector<16xi32>
    %swap3A_492 = vector.shape_cast %add3A_486 : vector<16xi32> to vector<1x16xi32>
    tpu.vector_store %arg7[%swap3A_488, %swap3A_489], %swap3A_492 {strides = array<i32>} : memref<16x128xi32, #tpu.memory_space<vmem>>, vector<1x16xi32>,
    %add3A_493 = arith.constant 32768 : i32
    %add3A_494 = vector.broadcast %add3A_493 : i32 to vector<16xi32>
    %add3A_495 = arith.addi %add3A_483, %add3A_494 : vector<16xi32>
    %swap3A_496 = arith.constant 1 : i32
    %swap3A_497 = arith.index_cast %swap3A_496 : i32 to index
    %swap3A_498 = arith.constant 96 : index
    %swap3A_499 = tpu.vector_load %arg7[%swap3A_497, %swap3A_498] {strides = array<i32>} : memref<16x128xi32, #tpu.memory_space<vmem>>, vector<1x16xi32>,
    %swap3A_500 = vector.shape_cast %swap3A_499 : vector<1x16xi32> to vector<16xi32>
    %swap3A_501 = vector.shape_cast %add3A_495 : vector<16xi32> to vector<1x16xi32>
    tpu.vector_store %arg7[%swap3A_497, %swap3A_498], %swap3A_501 {strides = array<i32>} : memref<16x128xi32, #tpu.memory_space<vmem>>, vector<1x16xi32>,
    %add3A_502 = arith.constant 65536 : i32
    %add3A_503 = vector.broadcast %add3A_502 : i32 to vector<16xi32>
    %add3A_504 = arith.addi %add3A_483, %add3A_503 : vector<16xi32>
    %swap3A_505 = arith.constant 2 : i32
    %swap3A_506 = arith.index_cast %swap3A_505 : i32 to index
    %swap3A_507 = arith.constant 96 : index
    %swap3A_508 = tpu.vector_load %arg7[%swap3A_506, %swap3A_507] {strides = array<i32>} : memref<16x128xi32, #tpu.memory_space<vmem>>, vector<1x16xi32>,
    %swap3A_509 = vector.shape_cast %swap3A_508 : vector<1x16xi32> to vector<16xi32>
    %swap3A_510 = vector.shape_cast %add3A_504 : vector<16xi32> to vector<1x16xi32>
    tpu.vector_store %arg7[%swap3A_506, %swap3A_507], %swap3A_510 {strides = array<i32>} : memref<16x128xi32, #tpu.memory_space<vmem>>, vector<1x16xi32>,
    %add3A_511 = arith.constant 98304 : i32
    %add3A_512 = vector.broadcast %add3A_511 : i32 to vector<16xi32>
    %add3A_513 = arith.addi %add3A_483, %add3A_512 : vector<16xi32>
    %swap3A_514 = arith.constant 3 : i32
    %swap3A_515 = arith.index_cast %swap3A_514 : i32 to index
    %swap3A_516 = arith.constant 96 : index
    %swap3A_517 = tpu.vector_load %arg7[%swap3A_515, %swap3A_516] {strides = array<i32>} : memref<16x128xi32, #tpu.memory_space<vmem>>, vector<1x16xi32>,
    %swap3A_518 = vector.shape_cast %swap3A_517 : vector<1x16xi32> to vector<16xi32>
    %swap3A_519 = vector.shape_cast %add3A_513 : vector<16xi32> to vector<1x16xi32>
    tpu.vector_store %arg7[%swap3A_515, %swap3A_516], %swap3A_519 {strides = array<i32>} : memref<16x128xi32, #tpu.memory_space<vmem>>, vector<1x16xi32>,
    %add3A_520 = arith.constant 131072 : i32
    %add3A_521 = vector.broadcast %add3A_520 : i32 to vector<16xi32>
    %add3A_522 = arith.addi %add3A_483, %add3A_521 : vector<16xi32>
    %swap3A_523 = arith.constant 4 : i32
    %swap3A_524 = arith.index_cast %swap3A_523 : i32 to index
    %swap3A_525 = arith.constant 96 : index
    %swap3A_526 = tpu.vector_load %arg7[%swap3A_524, %swap3A_525] {strides = array<i32>} : memref<16x128xi32, #tpu.memory_space<vmem>>, vector<1x16xi32>,
    %swap3A_527 = vector.shape_cast %swap3A_526 : vector<1x16xi32> to vector<16xi32>
    %swap3A_528 = vector.shape_cast %add3A_522 : vector<16xi32> to vector<1x16xi32>
    tpu.vector_store %arg7[%swap3A_524, %swap3A_525], %swap3A_528 {strides = array<i32>} : memref<16x128xi32, #tpu.memory_space<vmem>>, vector<1x16xi32>,
    %add3A_529 = arith.constant 163840 : i32
    %add3A_530 = vector.broadcast %add3A_529 : i32 to vector<16xi32>
    %add3A_531 = arith.addi %add3A_483, %add3A_530 : vector<16xi32>
    %swap3A_532 = arith.constant 5 : i32
    %swap3A_533 = arith.index_cast %swap3A_532 : i32 to index
    %swap3A_534 = arith.constant 96 : index
    %swap3A_535 = tpu.vector_load %arg7[%swap3A_533, %swap3A_534] {strides = array<i32>} : memref<16x128xi32, #tpu.memory_space<vmem>>, vector<1x16xi32>,
    %swap3A_536 = vector.shape_cast %swap3A_535 : vector<1x16xi32> to vector<16xi32>
    %swap3A_537 = vector.shape_cast %add3A_531 : vector<16xi32> to vector<1x16xi32>
    tpu.vector_store %arg7[%swap3A_533, %swap3A_534], %swap3A_537 {strides = array<i32>} : memref<16x128xi32, #tpu.memory_space<vmem>>, vector<1x16xi32>,
    %add3A_538 = arith.constant 196608 : i32
    %add3A_539 = vector.broadcast %add3A_538 : i32 to vector<16xi32>
    %add3A_540 = arith.addi %add3A_483, %add3A_539 : vector<16xi32>
    %swap3A_541 = arith.constant 6 : i32
    %swap3A_542 = arith.index_cast %swap3A_541 : i32 to index
    %swap3A_543 = arith.constant 96 : index
    %swap3A_544 = tpu.vector_load %arg7[%swap3A_542, %swap3A_543] {strides = array<i32>} : memref<16x128xi32, #tpu.memory_space<vmem>>, vector<1x16xi32>,
    %swap3A_545 = vector.shape_cast %swap3A_544 : vector<1x16xi32> to vector<16xi32>
    %swap3A_546 = vector.shape_cast %add3A_540 : vector<16xi32> to vector<1x16xi32>
    tpu.vector_store %arg7[%swap3A_542, %swap3A_543], %swap3A_546 {strides = array<i32>} : memref<16x128xi32, #tpu.memory_space<vmem>>, vector<1x16xi32>,
    %add3A_547 = arith.constant 229376 : i32
    %add3A_548 = vector.broadcast %add3A_547 : i32 to vector<16xi32>
    %add3A_549 = arith.addi %add3A_483, %add3A_548 : vector<16xi32>
    %swap3A_550 = arith.constant 7 : i32
    %swap3A_551 = arith.index_cast %swap3A_550 : i32 to index
    %swap3A_552 = arith.constant 96 : index
    %swap3A_553 = tpu.vector_load %arg7[%swap3A_551, %swap3A_552] {strides = array<i32>} : memref<16x128xi32, #tpu.memory_space<vmem>>, vector<1x16xi32>,
    %swap3A_554 = vector.shape_cast %swap3A_553 : vector<1x16xi32> to vector<16xi32>
    %swap3A_555 = vector.shape_cast %add3A_549 : vector<16xi32> to vector<1x16xi32>
    tpu.vector_store %arg7[%swap3A_551, %swap3A_552], %swap3A_555 {strides = array<i32>} : memref<16x128xi32, #tpu.memory_space<vmem>>, vector<1x16xi32>,
    %get3A_556 = arith.constant 112 : index
    %get3A_557 = tpu.vector_load %arg6[%get3A_556] {strides = array<i32>} : memref<256xi32, #tpu.memory_space<vmem>>, vector<16xi32>,
    %get3A_558 = vector.shape_cast %get3A_557 : vector<16xi32> to vector<16xi32>
    %add3A_559 = vector.broadcast %mul3A_18 : i32 to vector<16xi32>
    %add3A_560 = arith.addi %get3A_558, %add3A_559 : vector<16xi32>
    %add3A_561 = arith.constant 0 : i32
    %add3A_562 = vector.broadcast %add3A_561 : i32 to vector<16xi32>
    %add3A_563 = arith.addi %add3A_560, %add3A_562 : vector<16xi32>
    %swap3A_564 = arith.constant 0 : i32
    %swap3A_565 = arith.index_cast %swap3A_564 : i32 to index
    %swap3A_566 = arith.constant 112 : index
    %swap3A_567 = tpu.vector_load %arg7[%swap3A_565, %swap3A_566] {strides = array<i32>} : memref<16x128xi32, #tpu.memory_space<vmem>>, vector<1x16xi32>,
    %swap3A_568 = vector.shape_cast %swap3A_567 : vector<1x16xi32> to vector<16xi32>
    %swap3A_569 = vector.shape_cast %add3A_563 : vector<16xi32> to vector<1x16xi32>
    tpu.vector_store %arg7[%swap3A_565, %swap3A_566], %swap3A_569 {strides = array<i32>} : memref<16x128xi32, #tpu.memory_space<vmem>>, vector<1x16xi32>,
    %add3A_570 = arith.constant 32768 : i32
    %add3A_571 = vector.broadcast %add3A_570 : i32 to vector<16xi32>
    %add3A_572 = arith.addi %add3A_560, %add3A_571 : vector<16xi32>
    %swap3A_573 = arith.constant 1 : i32
    %swap3A_574 = arith.index_cast %swap3A_573 : i32 to index
    %swap3A_575 = arith.constant 112 : index
    %swap3A_576 = tpu.vector_load %arg7[%swap3A_574, %swap3A_575] {strides = array<i32>} : memref<16x128xi32, #tpu.memory_space<vmem>>, vector<1x16xi32>,
    %swap3A_577 = vector.shape_cast %swap3A_576 : vector<1x16xi32> to vector<16xi32>
    %swap3A_578 = vector.shape_cast %add3A_572 : vector<16xi32> to vector<1x16xi32>
    tpu.vector_store %arg7[%swap3A_574, %swap3A_575], %swap3A_578 {strides = array<i32>} : memref<16x128xi32, #tpu.memory_space<vmem>>, vector<1x16xi32>,
    %add3A_579 = arith.constant 65536 : i32
    %add3A_580 = vector.broadcast %add3A_579 : i32 to vector<16xi32>
    %add3A_581 = arith.addi %add3A_560, %add3A_580 : vector<16xi32>
    %swap3A_582 = arith.constant 2 : i32
    %swap3A_583 = arith.index_cast %swap3A_582 : i32 to index
    %swap3A_584 = arith.constant 112 : index
    %swap3A_585 = tpu.vector_load %arg7[%swap3A_583, %swap3A_584] {strides = array<i32>} : memref<16x128xi32, #tpu.memory_space<vmem>>, vector<1x16xi32>,
    %swap3A_586 = vector.shape_cast %swap3A_585 : vector<1x16xi32> to vector<16xi32>
    %swap3A_587 = vector.shape_cast %add3A_581 : vector<16xi32> to vector<1x16xi32>
    tpu.vector_store %arg7[%swap3A_583, %swap3A_584], %swap3A_587 {strides = array<i32>} : memref<16x128xi32, #tpu.memory_space<vmem>>, vector<1x16xi32>,
    %add3A_588 = arith.constant 98304 : i32
    %add3A_589 = vector.broadcast %add3A_588 : i32 to vector<16xi32>
    %add3A_590 = arith.addi %add3A_560, %add3A_589 : vector<16xi32>
    %swap3A_591 = arith.constant 3 : i32
    %swap3A_592 = arith.index_cast %swap3A_591 : i32 to index
    %swap3A_593 = arith.constant 112 : index
    %swap3A_594 = tpu.vector_load %arg7[%swap3A_592, %swap3A_593] {strides = array<i32>} : memref<16x128xi32, #tpu.memory_space<vmem>>, vector<1x16xi32>,
    %swap3A_595 = vector.shape_cast %swap3A_594 : vector<1x16xi32> to vector<16xi32>
    %swap3A_596 = vector.shape_cast %add3A_590 : vector<16xi32> to vector<1x16xi32>
    tpu.vector_store %arg7[%swap3A_592, %swap3A_593], %swap3A_596 {strides = array<i32>} : memref<16x128xi32, #tpu.memory_space<vmem>>, vector<1x16xi32>,
    %add3A_597 = arith.constant 131072 : i32
    %add3A_598 = vector.broadcast %add3A_597 : i32 to vector<16xi32>
    %add3A_599 = arith.addi %add3A_560, %add3A_598 : vector<16xi32>
    %swap3A_600 = arith.constant 4 : i32
    %swap3A_601 = arith.index_cast %swap3A_600 : i32 to index
    %swap3A_602 = arith.constant 112 : index
    %swap3A_603 = tpu.vector_load %arg7[%swap3A_601, %swap3A_602] {strides = array<i32>} : memref<16x128xi32, #tpu.memory_space<vmem>>, vector<1x16xi32>,
    %swap3A_604 = vector.shape_cast %swap3A_603 : vector<1x16xi32> to vector<16xi32>
    %swap3A_605 = vector.shape_cast %add3A_599 : vector<16xi32> to vector<1x16xi32>
    tpu.vector_store %arg7[%swap3A_601, %swap3A_602], %swap3A_605 {strides = array<i32>} : memref<16x128xi32, #tpu.memory_space<vmem>>, vector<1x16xi32>,
    %add3A_606 = arith.constant 163840 : i32
    %add3A_607 = vector.broadcast %add3A_606 : i32 to vector<16xi32>
    %add3A_608 = arith.addi %add3A_560, %add3A_607 : vector<16xi32>
    %swap3A_609 = arith.constant 5 : i32
    %swap3A_610 = arith.index_cast %swap3A_609 : i32 to index
    %swap3A_611 = arith.constant 112 : index
    %swap3A_612 = tpu.vector_load %arg7[%swap3A_610, %swap3A_611] {strides = array<i32>} : memref<16x128xi32, #tpu.memory_space<vmem>>, vector<1x16xi32>,
    %swap3A_613 = vector.shape_cast %swap3A_612 : vector<1x16xi32> to vector<16xi32>
    %swap3A_614 = vector.shape_cast %add3A_608 : vector<16xi32> to vector<1x16xi32>
    tpu.vector_store %arg7[%swap3A_610, %swap3A_611], %swap3A_614 {strides = array<i32>} : memref<16x128xi32, #tpu.memory_space<vmem>>, vector<1x16xi32>,
    %add3A_615 = arith.constant 196608 : i32
    %add3A_616 = vector.broadcast %add3A_615 : i32 to vector<16xi32>
    %add3A_617 = arith.addi %add3A_560, %add3A_616 : vector<16xi32>
    %swap3A_618 = arith.constant 6 : i32
    %swap3A_619 = arith.index_cast %swap3A_618 : i32 to index
    %swap3A_620 = arith.constant 112 : index
    %swap3A_621 = tpu.vector_load %arg7[%swap3A_619, %swap3A_620] {strides = array<i32>} : memref<16x128xi32, #tpu.memory_space<vmem>>, vector<1x16xi32>,
    %swap3A_622 = vector.shape_cast %swap3A_621 : vector<1x16xi32> to vector<16xi32>
    %swap3A_623 = vector.shape_cast %add3A_617 : vector<16xi32> to vector<1x16xi32>
    tpu.vector_store %arg7[%swap3A_619, %swap3A_620], %swap3A_623 {strides = array<i32>} : memref<16x128xi32, #tpu.memory_space<vmem>>, vector<1x16xi32>,
    %add3A_624 = arith.constant 229376 : i32
    %add3A_625 = vector.broadcast %add3A_624 : i32 to vector<16xi32>
    %add3A_626 = arith.addi %add3A_560, %add3A_625 : vector<16xi32>
    %swap3A_627 = arith.constant 7 : i32
    %swap3A_628 = arith.index_cast %swap3A_627 : i32 to index
    %swap3A_629 = arith.constant 112 : index
    %swap3A_630 = tpu.vector_load %arg7[%swap3A_628, %swap3A_629] {strides = array<i32>} : memref<16x128xi32, #tpu.memory_space<vmem>>, vector<1x16xi32>,
    %swap3A_631 = vector.shape_cast %swap3A_630 : vector<1x16xi32> to vector<16xi32>
    %swap3A_632 = vector.shape_cast %add3A_626 : vector<16xi32> to vector<1x16xi32>
    tpu.vector_store %arg7[%swap3A_628, %swap3A_629], %swap3A_632 {strides = array<i32>} : memref<16x128xi32, #tpu.memory_space<vmem>>, vector<1x16xi32>,
    %dma_start3A_633 = arith.constant 0 : i32
    %dma_start3A_634 = arith.constant 0 : i32
    %dma_start3A_635 = tpu.memref_slice %arg8[%dma_start3A_634] : memref<2048xf32, #tpu.memory_space<vmem>> -> memref<128xf32, #tpu.memory_space<vmem>>
    %dma_start3A_636 = arith.constant 0 : i32
    %dma_start3A_637 = tpu.memref_slice %arg7[%dma_start3A_633, %dma_start3A_636] : memref<16x128xi32, #tpu.memory_space<vmem>> -> memref<1x128xi32, #tpu.memory_space<vmem>>
    %dma_start3A_638 = tpu.memref_squeeze %dma_start3A_637 : memref<1x128xi32, #tpu.memory_space<vmem>> -> memref<128xi32, #tpu.memory_space<vmem>>
    %dma_start3A_639 = arith.constant 0 : i32
    %dma_start3A_640 = tpu.memref_slice %arg2[%dma_start3A_639] : memref<16777216xf32, #tpu.memory_space<hbm>> -> memref<16777216xf32, #tpu.memory_space<hbm>>
    tpu.enqueue_indirect_dma source(%dma_start3A_640 : memref<16777216xf32, #tpu.memory_space<hbm>>) target(%dma_start3A_635 : memref<128xf32, #tpu.memory_space<vmem>>) offsets(%dma_start3A_638 : memref<128xi32, #tpu.memory_space<vmem>>) semaphore(%arg12 : memref<!tpu.dma_semaphore, #tpu.memory_space<semaphore_mem>>)
    %dma_start3A_641 = arith.constant 1 : i32
    %dma_start3A_642 = arith.constant 128 : i32
    %dma_start3A_643 = tpu.memref_slice %arg8[%dma_start3A_642] : memref<2048xf32, #tpu.memory_space<vmem>> -> memref<128xf32, #tpu.memory_space<vmem>>
    %dma_start3A_644 = arith.constant 0 : i32
    %dma_start3A_645 = tpu.memref_slice %arg7[%dma_start3A_641, %dma_start3A_644] : memref<16x128xi32, #tpu.memory_space<vmem>> -> memref<1x128xi32, #tpu.memory_space<vmem>>
    %dma_start3A_646 = tpu.memref_squeeze %dma_start3A_645 : memref<1x128xi32, #tpu.memory_space<vmem>> -> memref<128xi32, #tpu.memory_space<vmem>>
    %dma_start3A_647 = arith.constant 0 : i32
    %dma_start3A_648 = tpu.memref_slice %arg2[%dma_start3A_647] : memref<16777216xf32, #tpu.memory_space<hbm>> -> memref<16777216xf32, #tpu.memory_space<hbm>>
    tpu.enqueue_indirect_dma source(%dma_start3A_648 : memref<16777216xf32, #tpu.memory_space<hbm>>) target(%dma_start3A_643 : memref<128xf32, #tpu.memory_space<vmem>>) offsets(%dma_start3A_646 : memref<128xi32, #tpu.memory_space<vmem>>) semaphore(%arg12 : memref<!tpu.dma_semaphore, #tpu.memory_space<semaphore_mem>>)
    %dma_start3A_649 = arith.constant 2 : i32
    %dma_start3A_650 = arith.constant 256 : i32
    %dma_start3A_651 = tpu.memref_slice %arg8[%dma_start3A_650] : memref<2048xf32, #tpu.memory_space<vmem>> -> memref<128xf32, #tpu.memory_space<vmem>>
    %dma_start3A_652 = arith.constant 0 : i32
    %dma_start3A_653 = tpu.memref_slice %arg7[%dma_start3A_649, %dma_start3A_652] : memref<16x128xi32, #tpu.memory_space<vmem>> -> memref<1x128xi32, #tpu.memory_space<vmem>>
    %dma_start3A_654 = tpu.memref_squeeze %dma_start3A_653 : memref<1x128xi32, #tpu.memory_space<vmem>> -> memref<128xi32, #tpu.memory_space<vmem>>
    %dma_start3A_655 = arith.constant 0 : i32
    %dma_start3A_656 = tpu.memref_slice %arg2[%dma_start3A_655] : memref<16777216xf32, #tpu.memory_space<hbm>> -> memref<16777216xf32, #tpu.memory_space<hbm>>
    tpu.enqueue_indirect_dma source(%dma_start3A_656 : memref<16777216xf32, #tpu.memory_space<hbm>>) target(%dma_start3A_651 : memref<128xf32, #tpu.memory_space<vmem>>) offsets(%dma_start3A_654 : memref<128xi32, #tpu.memory_space<vmem>>) semaphore(%arg12 : memref<!tpu.dma_semaphore, #tpu.memory_space<semaphore_mem>>)
    %dma_start3A_657 = arith.constant 3 : i32
    %dma_start3A_658 = arith.constant 384 : i32
    %dma_start3A_659 = tpu.memref_slice %arg8[%dma_start3A_658] : memref<2048xf32, #tpu.memory_space<vmem>> -> memref<128xf32, #tpu.memory_space<vmem>>
    %dma_start3A_660 = arith.constant 0 : i32
    %dma_start3A_661 = tpu.memref_slice %arg7[%dma_start3A_657, %dma_start3A_660] : memref<16x128xi32, #tpu.memory_space<vmem>> -> memref<1x128xi32, #tpu.memory_space<vmem>>
    %dma_start3A_662 = tpu.memref_squeeze %dma_start3A_661 : memref<1x128xi32, #tpu.memory_space<vmem>> -> memref<128xi32, #tpu.memory_space<vmem>>
    %dma_start3A_663 = arith.constant 0 : i32
    %dma_start3A_664 = tpu.memref_slice %arg2[%dma_start3A_663] : memref<16777216xf32, #tpu.memory_space<hbm>> -> memref<16777216xf32, #tpu.memory_space<hbm>>
    tpu.enqueue_indirect_dma source(%dma_start3A_664 : memref<16777216xf32, #tpu.memory_space<hbm>>) target(%dma_start3A_659 : memref<128xf32, #tpu.memory_space<vmem>>) offsets(%dma_start3A_662 : memref<128xi32, #tpu.memory_space<vmem>>) semaphore(%arg12 : memref<!tpu.dma_semaphore, #tpu.memory_space<semaphore_mem>>)
    %dma_start3A_665 = arith.constant 4 : i32
    %dma_start3A_666 = arith.constant 512 : i32
    %dma_start3A_667 = tpu.memref_slice %arg8[%dma_start3A_666] : memref<2048xf32, #tpu.memory_space<vmem>> -> memref<128xf32, #tpu.memory_space<vmem>>
    %dma_start3A_668 = arith.constant 0 : i32
    %dma_start3A_669 = tpu.memref_slice %arg7[%dma_start3A_665, %dma_start3A_668] : memref<16x128xi32, #tpu.memory_space<vmem>> -> memref<1x128xi32, #tpu.memory_space<vmem>>
    %dma_start3A_670 = tpu.memref_squeeze %dma_start3A_669 : memref<1x128xi32, #tpu.memory_space<vmem>> -> memref<128xi32, #tpu.memory_space<vmem>>
    %dma_start3A_671 = arith.constant 0 : i32
    %dma_start3A_672 = tpu.memref_slice %arg2[%dma_start3A_671] : memref<16777216xf32, #tpu.memory_space<hbm>> -> memref<16777216xf32, #tpu.memory_space<hbm>>
    tpu.enqueue_indirect_dma source(%dma_start3A_672 : memref<16777216xf32, #tpu.memory_space<hbm>>) target(%dma_start3A_667 : memref<128xf32, #tpu.memory_space<vmem>>) offsets(%dma_start3A_670 : memref<128xi32, #tpu.memory_space<vmem>>) semaphore(%arg12 : memref<!tpu.dma_semaphore, #tpu.memory_space<semaphore_mem>>)
    %dma_start3A_673 = arith.constant 5 : i32
    %dma_start3A_674 = arith.constant 640 : i32
    %dma_start3A_675 = tpu.memref_slice %arg8[%dma_start3A_674] : memref<2048xf32, #tpu.memory_space<vmem>> -> memref<128xf32, #tpu.memory_space<vmem>>
    %dma_start3A_676 = arith.constant 0 : i32
    %dma_start3A_677 = tpu.memref_slice %arg7[%dma_start3A_673, %dma_start3A_676] : memref<16x128xi32, #tpu.memory_space<vmem>> -> memref<1x128xi32, #tpu.memory_space<vmem>>
    %dma_start3A_678 = tpu.memref_squeeze %dma_start3A_677 : memref<1x128xi32, #tpu.memory_space<vmem>> -> memref<128xi32, #tpu.memory_space<vmem>>
    %dma_start3A_679 = arith.constant 0 : i32
    %dma_start3A_680 = tpu.memref_slice %arg2[%dma_start3A_679] : memref<16777216xf32, #tpu.memory_space<hbm>> -> memref<16777216xf32, #tpu.memory_space<hbm>>
    tpu.enqueue_indirect_dma source(%dma_start3A_680 : memref<16777216xf32, #tpu.memory_space<hbm>>) target(%dma_start3A_675 : memref<128xf32, #tpu.memory_space<vmem>>) offsets(%dma_start3A_678 : memref<128xi32, #tpu.memory_space<vmem>>) semaphore(%arg12 : memref<!tpu.dma_semaphore, #tpu.memory_space<semaphore_mem>>)
    %dma_start3A_681 = arith.constant 6 : i32
    %dma_start3A_682 = arith.constant 768 : i32
    %dma_start3A_683 = tpu.memref_slice %arg8[%dma_start3A_682] : memref<2048xf32, #tpu.memory_space<vmem>> -> memref<128xf32, #tpu.memory_space<vmem>>
    %dma_start3A_684 = arith.constant 0 : i32
    %dma_start3A_685 = tpu.memref_slice %arg7[%dma_start3A_681, %dma_start3A_684] : memref<16x128xi32, #tpu.memory_space<vmem>> -> memref<1x128xi32, #tpu.memory_space<vmem>>
    %dma_start3A_686 = tpu.memref_squeeze %dma_start3A_685 : memref<1x128xi32, #tpu.memory_space<vmem>> -> memref<128xi32, #tpu.memory_space<vmem>>
    %dma_start3A_687 = arith.constant 0 : i32
    %dma_start3A_688 = tpu.memref_slice %arg2[%dma_start3A_687] : memref<16777216xf32, #tpu.memory_space<hbm>> -> memref<16777216xf32, #tpu.memory_space<hbm>>
    tpu.enqueue_indirect_dma source(%dma_start3A_688 : memref<16777216xf32, #tpu.memory_space<hbm>>) target(%dma_start3A_683 : memref<128xf32, #tpu.memory_space<vmem>>) offsets(%dma_start3A_686 : memref<128xi32, #tpu.memory_space<vmem>>) semaphore(%arg12 : memref<!tpu.dma_semaphore, #tpu.memory_space<semaphore_mem>>)
    %dma_start3A_689 = arith.constant 7 : i32
    %dma_start3A_690 = arith.constant 896 : i32
    %dma_start3A_691 = tpu.memref_slice %arg8[%dma_start3A_690] : memref<2048xf32, #tpu.memory_space<vmem>> -> memref<128xf32, #tpu.memory_space<vmem>>
    %dma_start3A_692 = arith.constant 0 : i32
    %dma_start3A_693 = tpu.memref_slice %arg7[%dma_start3A_689, %dma_start3A_692] : memref<16x128xi32, #tpu.memory_space<vmem>> -> memref<1x128xi32, #tpu.memory_space<vmem>>
    %dma_start3A_694 = tpu.memref_squeeze %dma_start3A_693 : memref<1x128xi32, #tpu.memory_space<vmem>> -> memref<128xi32, #tpu.memory_space<vmem>>
    %dma_start3A_695 = arith.constant 0 : i32
    %dma_start3A_696 = tpu.memref_slice %arg2[%dma_start3A_695] : memref<16777216xf32, #tpu.memory_space<hbm>> -> memref<16777216xf32, #tpu.memory_space<hbm>>
    tpu.enqueue_indirect_dma source(%dma_start3A_696 : memref<16777216xf32, #tpu.memory_space<hbm>>) target(%dma_start3A_691 : memref<128xf32, #tpu.memory_space<vmem>>) offsets(%dma_start3A_694 : memref<128xi32, #tpu.memory_space<vmem>>) semaphore(%arg12 : memref<!tpu.dma_semaphore, #tpu.memory_space<semaphore_mem>>)
    %mul3A_697 = arith.constant 2 : i32
    %mul3A_698 = arith.muli %add3A, %mul3A_697 : i32
    %add3A_699 = arith.constant 1 : i32
    %add3A_700 = arith.addi %mul3A_698, %add3A_699 : i32
    %mul3A_701 = arith.constant 262144 : i32
    %mul3A_702 = arith.muli %add3A_700, %mul3A_701 : i32
    %get3A_703 = arith.constant 128 : index
    %get3A_704 = tpu.vector_load %arg6[%get3A_703] {strides = array<i32>} : memref<256xi32, #tpu.memory_space<vmem>>, vector<16xi32>,
    %get3A_705 = vector.shape_cast %get3A_704 : vector<16xi32> to vector<16xi32>
    %add3A_706 = vector.broadcast %mul3A_702 : i32 to vector<16xi32>
    %add3A_707 = arith.addi %get3A_705, %add3A_706 : vector<16xi32>
    %add3A_708 = arith.constant 0 : i32
    %add3A_709 = vector.broadcast %add3A_708 : i32 to vector<16xi32>
    %add3A_710 = arith.addi %add3A_707, %add3A_709 : vector<16xi32>
    %swap3A_711 = arith.constant 8 : i32
    %swap3A_712 = arith.index_cast %swap3A_711 : i32 to index
    %swap3A_713 = arith.constant 0 : index
    %swap3A_714 = tpu.vector_load %arg7[%swap3A_712, %swap3A_713] {strides = array<i32>} : memref<16x128xi32, #tpu.memory_space<vmem>>, vector<1x16xi32>,
    %swap3A_715 = vector.shape_cast %swap3A_714 : vector<1x16xi32> to vector<16xi32>
    %swap3A_716 = vector.shape_cast %add3A_710 : vector<16xi32> to vector<1x16xi32>
    tpu.vector_store %arg7[%swap3A_712, %swap3A_713], %swap3A_716 {strides = array<i32>} : memref<16x128xi32, #tpu.memory_space<vmem>>, vector<1x16xi32>,
    %add3A_717 = arith.constant 32768 : i32
    %add3A_718 = vector.broadcast %add3A_717 : i32 to vector<16xi32>
    %add3A_719 = arith.addi %add3A_707, %add3A_718 : vector<16xi32>
    %swap3A_720 = arith.constant 9 : i32
    %swap3A_721 = arith.index_cast %swap3A_720 : i32 to index
    %swap3A_722 = arith.constant 0 : index
    %swap3A_723 = tpu.vector_load %arg7[%swap3A_721, %swap3A_722] {strides = array<i32>} : memref<16x128xi32, #tpu.memory_space<vmem>>, vector<1x16xi32>,
    %swap3A_724 = vector.shape_cast %swap3A_723 : vector<1x16xi32> to vector<16xi32>
    %swap3A_725 = vector.shape_cast %add3A_719 : vector<16xi32> to vector<1x16xi32>
    tpu.vector_store %arg7[%swap3A_721, %swap3A_722], %swap3A_725 {strides = array<i32>} : memref<16x128xi32, #tpu.memory_space<vmem>>, vector<1x16xi32>,
    %add3A_726 = arith.constant 65536 : i32
    %add3A_727 = vector.broadcast %add3A_726 : i32 to vector<16xi32>
    %add3A_728 = arith.addi %add3A_707, %add3A_727 : vector<16xi32>
    %swap3A_729 = arith.constant 10 : i32
    %swap3A_730 = arith.index_cast %swap3A_729 : i32 to index
    %swap3A_731 = arith.constant 0 : index
    %swap3A_732 = tpu.vector_load %arg7[%swap3A_730, %swap3A_731] {strides = array<i32>} : memref<16x128xi32, #tpu.memory_space<vmem>>, vector<1x16xi32>,
    %swap3A_733 = vector.shape_cast %swap3A_732 : vector<1x16xi32> to vector<16xi32>
    %swap3A_734 = vector.shape_cast %add3A_728 : vector<16xi32> to vector<1x16xi32>
    tpu.vector_store %arg7[%swap3A_730, %swap3A_731], %swap3A_734 {strides = array<i32>} : memref<16x128xi32, #tpu.memory_space<vmem>>, vector<1x16xi32>,
    %add3A_735 = arith.constant 98304 : i32
    %add3A_736 = vector.broadcast %add3A_735 : i32 to vector<16xi32>
    %add3A_737 = arith.addi %add3A_707, %add3A_736 : vector<16xi32>
    %swap3A_738 = arith.constant 11 : i32
    %swap3A_739 = arith.index_cast %swap3A_738 : i32 to index
    %swap3A_740 = arith.constant 0 : index
    %swap3A_741 = tpu.vector_load %arg7[%swap3A_739, %swap3A_740] {strides = array<i32>} : memref<16x128xi32, #tpu.memory_space<vmem>>, vector<1x16xi32>,
    %swap3A_742 = vector.shape_cast %swap3A_741 : vector<1x16xi32> to vector<16xi32>
    %swap3A_743 = vector.shape_cast %add3A_737 : vector<16xi32> to vector<1x16xi32>
    tpu.vector_store %arg7[%swap3A_739, %swap3A_740], %swap3A_743 {strides = array<i32>} : memref<16x128xi32, #tpu.memory_space<vmem>>, vector<1x16xi32>,
    %add3A_744 = arith.constant 131072 : i32
    %add3A_745 = vector.broadcast %add3A_744 : i32 to vector<16xi32>
    %add3A_746 = arith.addi %add3A_707, %add3A_745 : vector<16xi32>
    %swap3A_747 = arith.constant 12 : i32
    %swap3A_748 = arith.index_cast %swap3A_747 : i32 to index
    %swap3A_749 = arith.constant 0 : index
    %swap3A_750 = tpu.vector_load %arg7[%swap3A_748, %swap3A_749] {strides = array<i32>} : memref<16x128xi32, #tpu.memory_space<vmem>>, vector<1x16xi32>,
    %swap3A_751 = vector.shape_cast %swap3A_750 : vector<1x16xi32> to vector<16xi32>
    %swap3A_752 = vector.shape_cast %add3A_746 : vector<16xi32> to vector<1x16xi32>
    tpu.vector_store %arg7[%swap3A_748, %swap3A_749], %swap3A_752 {strides = array<i32>} : memref<16x128xi32, #tpu.memory_space<vmem>>, vector<1x16xi32>,
    %add3A_753 = arith.constant 163840 : i32
    %add3A_754 = vector.broadcast %add3A_753 : i32 to vector<16xi32>
    %add3A_755 = arith.addi %add3A_707, %add3A_754 : vector<16xi32>
    %swap3A_756 = arith.constant 13 : i32
    %swap3A_757 = arith.index_cast %swap3A_756 : i32 to index
    %swap3A_758 = arith.constant 0 : index
    %swap3A_759 = tpu.vector_load %arg7[%swap3A_757, %swap3A_758] {strides = array<i32>} : memref<16x128xi32, #tpu.memory_space<vmem>>, vector<1x16xi32>,
    %swap3A_760 = vector.shape_cast %swap3A_759 : vector<1x16xi32> to vector<16xi32>
    %swap3A_761 = vector.shape_cast %add3A_755 : vector<16xi32> to vector<1x16xi32>
    tpu.vector_store %arg7[%swap3A_757, %swap3A_758], %swap3A_761 {strides = array<i32>} : memref<16x128xi32, #tpu.memory_space<vmem>>, vector<1x16xi32>,
    %add3A_762 = arith.constant 196608 : i32
    %add3A_763 = vector.broadcast %add3A_762 : i32 to vector<16xi32>
    %add3A_764 = arith.addi %add3A_707, %add3A_763 : vector<16xi32>
    %swap3A_765 = arith.constant 14 : i32
    %swap3A_766 = arith.index_cast %swap3A_765 : i32 to index
    %swap3A_767 = arith.constant 0 : index
    %swap3A_768 = tpu.vector_load %arg7[%swap3A_766, %swap3A_767] {strides = array<i32>} : memref<16x128xi32, #tpu.memory_space<vmem>>, vector<1x16xi32>,
    %swap3A_769 = vector.shape_cast %swap3A_768 : vector<1x16xi32> to vector<16xi32>
    %swap3A_770 = vector.shape_cast %add3A_764 : vector<16xi32> to vector<1x16xi32>
    tpu.vector_store %arg7[%swap3A_766, %swap3A_767], %swap3A_770 {strides = array<i32>} : memref<16x128xi32, #tpu.memory_space<vmem>>, vector<1x16xi32>,
    %add3A_771 = arith.constant 229376 : i32
    %add3A_772 = vector.broadcast %add3A_771 : i32 to vector<16xi32>
    %add3A_773 = arith.addi %add3A_707, %add3A_772 : vector<16xi32>
    %swap3A_774 = arith.constant 15 : i32
    %swap3A_775 = arith.index_cast %swap3A_774 : i32 to index
    %swap3A_776 = arith.constant 0 : index
    %swap3A_777 = tpu.vector_load %arg7[%swap3A_775, %swap3A_776] {strides = array<i32>} : memref<16x128xi32, #tpu.memory_space<vmem>>, vector<1x16xi32>,
    %swap3A_778 = vector.shape_cast %swap3A_777 : vector<1x16xi32> to vector<16xi32>
    %swap3A_779 = vector.shape_cast %add3A_773 : vector<16xi32> to vector<1x16xi32>
    tpu.vector_store %arg7[%swap3A_775, %swap3A_776], %swap3A_779 {strides = array<i32>} : memref<16x128xi32, #tpu.memory_space<vmem>>, vector<1x16xi32>,
    %get3A_780 = arith.constant 144 : index
    %get3A_781 = tpu.vector_load %arg6[%get3A_780] {strides = array<i32>} : memref<256xi32, #tpu.memory_space<vmem>>, vector<16xi32>,
    %get3A_782 = vector.shape_cast %get3A_781 : vector<16xi32> to vector<16xi32>
    %add3A_783 = vector.broadcast %mul3A_702 : i32 to vector<16xi32>
    %add3A_784 = arith.addi %get3A_782, %add3A_783 : vector<16xi32>
    %add3A_785 = arith.constant 0 : i32
    %add3A_786 = vector.broadcast %add3A_785 : i32 to vector<16xi32>
    %add3A_787 = arith.addi %add3A_784, %add3A_786 : vector<16xi32>
    %swap3A_788 = arith.constant 8 : i32
    %swap3A_789 = arith.index_cast %swap3A_788 : i32 to index
    %swap3A_790 = arith.constant 16 : index
    %swap3A_791 = tpu.vector_load %arg7[%swap3A_789, %swap3A_790] {strides = array<i32>} : memref<16x128xi32, #tpu.memory_space<vmem>>, vector<1x16xi32>,
    %swap3A_792 = vector.shape_cast %swap3A_791 : vector<1x16xi32> to vector<16xi32>
    %swap3A_793 = vector.shape_cast %add3A_787 : vector<16xi32> to vector<1x16xi32>
    tpu.vector_store %arg7[%swap3A_789, %swap3A_790], %swap3A_793 {strides = array<i32>} : memref<16x128xi32, #tpu.memory_space<vmem>>, vector<1x16xi32>,
    %add3A_794 = arith.constant 32768 : i32
    %add3A_795 = vector.broadcast %add3A_794 : i32 to vector<16xi32>
    %add3A_796 = arith.addi %add3A_784, %add3A_795 : vector<16xi32>
    %swap3A_797 = arith.constant 9 : i32
    %swap3A_798 = arith.index_cast %swap3A_797 : i32 to index
    %swap3A_799 = arith.constant 16 : index
    %swap3A_800 = tpu.vector_load %arg7[%swap3A_798, %swap3A_799] {strides = array<i32>} : memref<16x128xi32, #tpu.memory_space<vmem>>, vector<1x16xi32>,
    %swap3A_801 = vector.shape_cast %swap3A_800 : vector<1x16xi32> to vector<16xi32>
    %swap3A_802 = vector.shape_cast %add3A_796 : vector<16xi32> to vector<1x16xi32>
    tpu.vector_store %arg7[%swap3A_798, %swap3A_799], %swap3A_802 {strides = array<i32>} : memref<16x128xi32, #tpu.memory_space<vmem>>, vector<1x16xi32>,
    %add3A_803 = arith.constant 65536 : i32
    %add3A_804 = vector.broadcast %add3A_803 : i32 to vector<16xi32>
    %add3A_805 = arith.addi %add3A_784, %add3A_804 : vector<16xi32>
    %swap3A_806 = arith.constant 10 : i32
    %swap3A_807 = arith.index_cast %swap3A_806 : i32 to index
    %swap3A_808 = arith.constant 16 : index
    %swap3A_809 = tpu.vector_load %arg7[%swap3A_807, %swap3A_808] {strides = array<i32>} : memref<16x128xi32, #tpu.memory_space<vmem>>, vector<1x16xi32>,
    %swap3A_810 = vector.shape_cast %swap3A_809 : vector<1x16xi32> to vector<16xi32>
    %swap3A_811 = vector.shape_cast %add3A_805 : vector<16xi32> to vector<1x16xi32>
    tpu.vector_store %arg7[%swap3A_807, %swap3A_808], %swap3A_811 {strides = array<i32>} : memref<16x128xi32, #tpu.memory_space<vmem>>, vector<1x16xi32>,
    %add3A_812 = arith.constant 98304 : i32
    %add3A_813 = vector.broadcast %add3A_812 : i32 to vector<16xi32>
    %add3A_814 = arith.addi %add3A_784, %add3A_813 : vector<16xi32>
    %swap3A_815 = arith.constant 11 : i32
    %swap3A_816 = arith.index_cast %swap3A_815 : i32 to index
    %swap3A_817 = arith.constant 16 : index
    %swap3A_818 = tpu.vector_load %arg7[%swap3A_816, %swap3A_817] {strides = array<i32>} : memref<16x128xi32, #tpu.memory_space<vmem>>, vector<1x16xi32>,
    %swap3A_819 = vector.shape_cast %swap3A_818 : vector<1x16xi32> to vector<16xi32>
    %swap3A_820 = vector.shape_cast %add3A_814 : vector<16xi32> to vector<1x16xi32>
    tpu.vector_store %arg7[%swap3A_816, %swap3A_817], %swap3A_820 {strides = array<i32>} : memref<16x128xi32, #tpu.memory_space<vmem>>, vector<1x16xi32>,
    %add3A_821 = arith.constant 131072 : i32
    %add3A_822 = vector.broadcast %add3A_821 : i32 to vector<16xi32>
    %add3A_823 = arith.addi %add3A_784, %add3A_822 : vector<16xi32>
    %swap3A_824 = arith.constant 12 : i32
    %swap3A_825 = arith.index_cast %swap3A_824 : i32 to index
    %swap3A_826 = arith.constant 16 : index
    %swap3A_827 = tpu.vector_load %arg7[%swap3A_825, %swap3A_826] {strides = array<i32>} : memref<16x128xi32, #tpu.memory_space<vmem>>, vector<1x16xi32>,
    %swap3A_828 = vector.shape_cast %swap3A_827 : vector<1x16xi32> to vector<16xi32>
    %swap3A_829 = vector.shape_cast %add3A_823 : vector<16xi32> to vector<1x16xi32>
    tpu.vector_store %arg7[%swap3A_825, %swap3A_826], %swap3A_829 {strides = array<i32>} : memref<16x128xi32, #tpu.memory_space<vmem>>, vector<1x16xi32>,
    %add3A_830 = arith.constant 163840 : i32
    %add3A_831 = vector.broadcast %add3A_830 : i32 to vector<16xi32>
    %add3A_832 = arith.addi %add3A_784, %add3A_831 : vector<16xi32>
    %swap3A_833 = arith.constant 13 : i32
    %swap3A_834 = arith.index_cast %swap3A_833 : i32 to index
    %swap3A_835 = arith.constant 16 : index
    %swap3A_836 = tpu.vector_load %arg7[%swap3A_834, %swap3A_835] {strides = array<i32>} : memref<16x128xi32, #tpu.memory_space<vmem>>, vector<1x16xi32>,
    %swap3A_837 = vector.shape_cast %swap3A_836 : vector<1x16xi32> to vector<16xi32>
    %swap3A_838 = vector.shape_cast %add3A_832 : vector<16xi32> to vector<1x16xi32>
    tpu.vector_store %arg7[%swap3A_834, %swap3A_835], %swap3A_838 {strides = array<i32>} : memref<16x128xi32, #tpu.memory_space<vmem>>, vector<1x16xi32>,
    %add3A_839 = arith.constant 196608 : i32
    %add3A_840 = vector.broadcast %add3A_839 : i32 to vector<16xi32>
    %add3A_841 = arith.addi %add3A_784, %add3A_840 : vector<16xi32>
    %swap3A_842 = arith.constant 14 : i32
    %swap3A_843 = arith.index_cast %swap3A_842 : i32 to index
    %swap3A_844 = arith.constant 16 : index
    %swap3A_845 = tpu.vector_load %arg7[%swap3A_843, %swap3A_844] {strides = array<i32>} : memref<16x128xi32, #tpu.memory_space<vmem>>, vector<1x16xi32>,
    %swap3A_846 = vector.shape_cast %swap3A_845 : vector<1x16xi32> to vector<16xi32>
    %swap3A_847 = vector.shape_cast %add3A_841 : vector<16xi32> to vector<1x16xi32>
    tpu.vector_store %arg7[%swap3A_843, %swap3A_844], %swap3A_847 {strides = array<i32>} : memref<16x128xi32, #tpu.memory_space<vmem>>, vector<1x16xi32>,
    %add3A_848 = arith.constant 229376 : i32
    %add3A_849 = vector.broadcast %add3A_848 : i32 to vector<16xi32>
    %add3A_850 = arith.addi %add3A_784, %add3A_849 : vector<16xi32>
    %swap3A_851 = arith.constant 15 : i32
    %swap3A_852 = arith.index_cast %swap3A_851 : i32 to index
    %swap3A_853 = arith.constant 16 : index
    %swap3A_854 = tpu.vector_load %arg7[%swap3A_852, %swap3A_853] {strides = array<i32>} : memref<16x128xi32, #tpu.memory_space<vmem>>, vector<1x16xi32>,
    %swap3A_855 = vector.shape_cast %swap3A_854 : vector<1x16xi32> to vector<16xi32>
    %swap3A_856 = vector.shape_cast %add3A_850 : vector<16xi32> to vector<1x16xi32>
    tpu.vector_store %arg7[%swap3A_852, %swap3A_853], %swap3A_856 {strides = array<i32>} : memref<16x128xi32, #tpu.memory_space<vmem>>, vector<1x16xi32>,
    %get3A_857 = arith.constant 160 : index
    %get3A_858 = tpu.vector_load %arg6[%get3A_857] {strides = array<i32>} : memref<256xi32, #tpu.memory_space<vmem>>, vector<16xi32>,
    %get3A_859 = vector.shape_cast %get3A_858 : vector<16xi32> to vector<16xi32>
    %add3A_860 = vector.broadcast %mul3A_702 : i32 to vector<16xi32>
    %add3A_861 = arith.addi %get3A_859, %add3A_860 : vector<16xi32>
    %add3A_862 = arith.constant 0 : i32
    %add3A_863 = vector.broadcast %add3A_862 : i32 to vector<16xi32>
    %add3A_864 = arith.addi %add3A_861, %add3A_863 : vector<16xi32>
    %swap3A_865 = arith.constant 8 : i32
    %swap3A_866 = arith.index_cast %swap3A_865 : i32 to index
    %swap3A_867 = arith.constant 32 : index
    %swap3A_868 = tpu.vector_load %arg7[%swap3A_866, %swap3A_867] {strides = array<i32>} : memref<16x128xi32, #tpu.memory_space<vmem>>, vector<1x16xi32>,
    %swap3A_869 = vector.shape_cast %swap3A_868 : vector<1x16xi32> to vector<16xi32>
    %swap3A_870 = vector.shape_cast %add3A_864 : vector<16xi32> to vector<1x16xi32>
    tpu.vector_store %arg7[%swap3A_866, %swap3A_867], %swap3A_870 {strides = array<i32>} : memref<16x128xi32, #tpu.memory_space<vmem>>, vector<1x16xi32>,
    %add3A_871 = arith.constant 32768 : i32
    %add3A_872 = vector.broadcast %add3A_871 : i32 to vector<16xi32>
    %add3A_873 = arith.addi %add3A_861, %add3A_872 : vector<16xi32>
    %swap3A_874 = arith.constant 9 : i32
    %swap3A_875 = arith.index_cast %swap3A_874 : i32 to index
    %swap3A_876 = arith.constant 32 : index
    %swap3A_877 = tpu.vector_load %arg7[%swap3A_875, %swap3A_876] {strides = array<i32>} : memref<16x128xi32, #tpu.memory_space<vmem>>, vector<1x16xi32>,
    %swap3A_878 = vector.shape_cast %swap3A_877 : vector<1x16xi32> to vector<16xi32>
    %swap3A_879 = vector.shape_cast %add3A_873 : vector<16xi32> to vector<1x16xi32>
    tpu.vector_store %arg7[%swap3A_875, %swap3A_876], %swap3A_879 {strides = array<i32>} : memref<16x128xi32, #tpu.memory_space<vmem>>, vector<1x16xi32>,
    %add3A_880 = arith.constant 65536 : i32
    %add3A_881 = vector.broadcast %add3A_880 : i32 to vector<16xi32>
    %add3A_882 = arith.addi %add3A_861, %add3A_881 : vector<16xi32>
    %swap3A_883 = arith.constant 10 : i32
    %swap3A_884 = arith.index_cast %swap3A_883 : i32 to index
    %swap3A_885 = arith.constant 32 : index
    %swap3A_886 = tpu.vector_load %arg7[%swap3A_884, %swap3A_885] {strides = array<i32>} : memref<16x128xi32, #tpu.memory_space<vmem>>, vector<1x16xi32>,
    %swap3A_887 = vector.shape_cast %swap3A_886 : vector<1x16xi32> to vector<16xi32>
    %swap3A_888 = vector.shape_cast %add3A_882 : vector<16xi32> to vector<1x16xi32>
    tpu.vector_store %arg7[%swap3A_884, %swap3A_885], %swap3A_888 {strides = array<i32>} : memref<16x128xi32, #tpu.memory_space<vmem>>, vector<1x16xi32>,
    %add3A_889 = arith.constant 98304 : i32
    %add3A_890 = vector.broadcast %add3A_889 : i32 to vector<16xi32>
    %add3A_891 = arith.addi %add3A_861, %add3A_890 : vector<16xi32>
    %swap3A_892 = arith.constant 11 : i32
    %swap3A_893 = arith.index_cast %swap3A_892 : i32 to index
    %swap3A_894 = arith.constant 32 : index
    %swap3A_895 = tpu.vector_load %arg7[%swap3A_893, %swap3A_894] {strides = array<i32>} : memref<16x128xi32, #tpu.memory_space<vmem>>, vector<1x16xi32>,
    %swap3A_896 = vector.shape_cast %swap3A_895 : vector<1x16xi32> to vector<16xi32>
    %swap3A_897 = vector.shape_cast %add3A_891 : vector<16xi32> to vector<1x16xi32>
    tpu.vector_store %arg7[%swap3A_893, %swap3A_894], %swap3A_897 {strides = array<i32>} : memref<16x128xi32, #tpu.memory_space<vmem>>, vector<1x16xi32>,
    %add3A_898 = arith.constant 131072 : i32
    %add3A_899 = vector.broadcast %add3A_898 : i32 to vector<16xi32>
    %add3A_900 = arith.addi %add3A_861, %add3A_899 : vector<16xi32>
    %swap3A_901 = arith.constant 12 : i32
    %swap3A_902 = arith.index_cast %swap3A_901 : i32 to index
    %swap3A_903 = arith.constant 32 : index
    %swap3A_904 = tpu.vector_load %arg7[%swap3A_902, %swap3A_903] {strides = array<i32>} : memref<16x128xi32, #tpu.memory_space<vmem>>, vector<1x16xi32>,
    %swap3A_905 = vector.shape_cast %swap3A_904 : vector<1x16xi32> to vector<16xi32>
    %swap3A_906 = vector.shape_cast %add3A_900 : vector<16xi32> to vector<1x16xi32>
    tpu.vector_store %arg7[%swap3A_902, %swap3A_903], %swap3A_906 {strides = array<i32>} : memref<16x128xi32, #tpu.memory_space<vmem>>, vector<1x16xi32>,
    %add3A_907 = arith.constant 163840 : i32
    %add3A_908 = vector.broadcast %add3A_907 : i32 to vector<16xi32>
    %add3A_909 = arith.addi %add3A_861, %add3A_908 : vector<16xi32>
    %swap3A_910 = arith.constant 13 : i32
    %swap3A_911 = arith.index_cast %swap3A_910 : i32 to index
    %swap3A_912 = arith.constant 32 : index
    %swap3A_913 = tpu.vector_load %arg7[%swap3A_911, %swap3A_912] {strides = array<i32>} : memref<16x128xi32, #tpu.memory_space<vmem>>, vector<1x16xi32>,
    %swap3A_914 = vector.shape_cast %swap3A_913 : vector<1x16xi32> to vector<16xi32>
    %swap3A_915 = vector.shape_cast %add3A_909 : vector<16xi32> to vector<1x16xi32>
    tpu.vector_store %arg7[%swap3A_911, %swap3A_912], %swap3A_915 {strides = array<i32>} : memref<16x128xi32, #tpu.memory_space<vmem>>, vector<1x16xi32>,
    %add3A_916 = arith.constant 196608 : i32
    %add3A_917 = vector.broadcast %add3A_916 : i32 to vector<16xi32>
    %add3A_918 = arith.addi %add3A_861, %add3A_917 : vector<16xi32>
    %swap3A_919 = arith.constant 14 : i32
    %swap3A_920 = arith.index_cast %swap3A_919 : i32 to index
    %swap3A_921 = arith.constant 32 : index
    %swap3A_922 = tpu.vector_load %arg7[%swap3A_920, %swap3A_921] {strides = array<i32>} : memref<16x128xi32, #tpu.memory_space<vmem>>, vector<1x16xi32>,
    %swap3A_923 = vector.shape_cast %swap3A_922 : vector<1x16xi32> to vector<16xi32>
    %swap3A_924 = vector.shape_cast %add3A_918 : vector<16xi32> to vector<1x16xi32>
    tpu.vector_store %arg7[%swap3A_920, %swap3A_921], %swap3A_924 {strides = array<i32>} : memref<16x128xi32, #tpu.memory_space<vmem>>, vector<1x16xi32>,
    %add3A_925 = arith.constant 229376 : i32
    %add3A_926 = vector.broadcast %add3A_925 : i32 to vector<16xi32>
    %add3A_927 = arith.addi %add3A_861, %add3A_926 : vector<16xi32>
    %swap3A_928 = arith.constant 15 : i32
    %swap3A_929 = arith.index_cast %swap3A_928 : i32 to index
    %swap3A_930 = arith.constant 32 : index
    %swap3A_931 = tpu.vector_load %arg7[%swap3A_929, %swap3A_930] {strides = array<i32>} : memref<16x128xi32, #tpu.memory_space<vmem>>, vector<1x16xi32>,
    %swap3A_932 = vector.shape_cast %swap3A_931 : vector<1x16xi32> to vector<16xi32>
    %swap3A_933 = vector.shape_cast %add3A_927 : vector<16xi32> to vector<1x16xi32>
    tpu.vector_store %arg7[%swap3A_929, %swap3A_930], %swap3A_933 {strides = array<i32>} : memref<16x128xi32, #tpu.memory_space<vmem>>, vector<1x16xi32>,
    %get3A_934 = arith.constant 176 : index
    %get3A_935 = tpu.vector_load %arg6[%get3A_934] {strides = array<i32>} : memref<256xi32, #tpu.memory_space<vmem>>, vector<16xi32>,
    %get3A_936 = vector.shape_cast %get3A_935 : vector<16xi32> to vector<16xi32>
    %add3A_937 = vector.broadcast %mul3A_702 : i32 to vector<16xi32>
    %add3A_938 = arith.addi %get3A_936, %add3A_937 : vector<16xi32>
    %add3A_939 = arith.constant 0 : i32
    %add3A_940 = vector.broadcast %add3A_939 : i32 to vector<16xi32>
    %add3A_941 = arith.addi %add3A_938, %add3A_940 : vector<16xi32>
    %swap3A_942 = arith.constant 8 : i32
    %swap3A_943 = arith.index_cast %swap3A_942 : i32 to index
    %swap3A_944 = arith.constant 48 : index
    %swap3A_945 = tpu.vector_load %arg7[%swap3A_943, %swap3A_944] {strides = array<i32>} : memref<16x128xi32, #tpu.memory_space<vmem>>, vector<1x16xi32>,
    %swap3A_946 = vector.shape_cast %swap3A_945 : vector<1x16xi32> to vector<16xi32>
    %swap3A_947 = vector.shape_cast %add3A_941 : vector<16xi32> to vector<1x16xi32>
    tpu.vector_store %arg7[%swap3A_943, %swap3A_944], %swap3A_947 {strides = array<i32>} : memref<16x128xi32, #tpu.memory_space<vmem>>, vector<1x16xi32>,
    %add3A_948 = arith.constant 32768 : i32
    %add3A_949 = vector.broadcast %add3A_948 : i32 to vector<16xi32>
    %add3A_950 = arith.addi %add3A_938, %add3A_949 : vector<16xi32>
    %swap3A_951 = arith.constant 9 : i32
    %swap3A_952 = arith.index_cast %swap3A_951 : i32 to index
    %swap3A_953 = arith.constant 48 : index
    %swap3A_954 = tpu.vector_load %arg7[%swap3A_952, %swap3A_953] {strides = array<i32>} : memref<16x128xi32, #tpu.memory_space<vmem>>, vector<1x16xi32>,
    %swap3A_955 = vector.shape_cast %swap3A_954 : vector<1x16xi32> to vector<16xi32>
    %swap3A_956 = vector.shape_cast %add3A_950 : vector<16xi32> to vector<1x16xi32>
    tpu.vector_store %arg7[%swap3A_952, %swap3A_953], %swap3A_956 {strides = array<i32>} : memref<16x128xi32, #tpu.memory_space<vmem>>, vector<1x16xi32>,
    %add3A_957 = arith.constant 65536 : i32
    %add3A_958 = vector.broadcast %add3A_957 : i32 to vector<16xi32>
    %add3A_959 = arith.addi %add3A_938, %add3A_958 : vector<16xi32>
    %swap3A_960 = arith.constant 10 : i32
    %swap3A_961 = arith.index_cast %swap3A_960 : i32 to index
    %swap3A_962 = arith.constant 48 : index
    %swap3A_963 = tpu.vector_load %arg7[%swap3A_961, %swap3A_962] {strides = array<i32>} : memref<16x128xi32, #tpu.memory_space<vmem>>, vector<1x16xi32>,
    %swap3A_964 = vector.shape_cast %swap3A_963 : vector<1x16xi32> to vector<16xi32>
    %swap3A_965 = vector.shape_cast %add3A_959 : vector<16xi32> to vector<1x16xi32>
    tpu.vector_store %arg7[%swap3A_961, %swap3A_962], %swap3A_965 {strides = array<i32>} : memref<16x128xi32, #tpu.memory_space<vmem>>, vector<1x16xi32>,
    %add3A_966 = arith.constant 98304 : i32
    %add3A_967 = vector.broadcast %add3A_966 : i32 to vector<16xi32>
    %add3A_968 = arith.addi %add3A_938, %add3A_967 : vector<16xi32>
    %swap3A_969 = arith.constant 11 : i32
    %swap3A_970 = arith.index_cast %swap3A_969 : i32 to index
    %swap3A_971 = arith.constant 48 : index
    %swap3A_972 = tpu.vector_load %arg7[%swap3A_970, %swap3A_971] {strides = array<i32>} : memref<16x128xi32, #tpu.memory_space<vmem>>, vector<1x16xi32>,
    %swap3A_973 = vector.shape_cast %swap3A_972 : vector<1x16xi32> to vector<16xi32>
    %swap3A_974 = vector.shape_cast %add3A_968 : vector<16xi32> to vector<1x16xi32>
    tpu.vector_store %arg7[%swap3A_970, %swap3A_971], %swap3A_974 {strides = array<i32>} : memref<16x128xi32, #tpu.memory_space<vmem>>, vector<1x16xi32>,
    %add3A_975 = arith.constant 131072 : i32
    %add3A_976 = vector.broadcast %add3A_975 : i32 to vector<16xi32>
    %add3A_977 = arith.addi %add3A_938, %add3A_976 : vector<16xi32>
    %swap3A_978 = arith.constant 12 : i32
    %swap3A_979 = arith.index_cast %swap3A_978 : i32 to index
    %swap3A_980 = arith.constant 48 : index
    %swap3A_981 = tpu.vector_load %arg7[%swap3A_979, %swap3A_980] {strides = array<i32>} : memref<16x128xi32, #tpu.memory_space<vmem>>, vector<1x16xi32>,
    %swap3A_982 = vector.shape_cast %swap3A_981 : vector<1x16xi32> to vector<16xi32>
    %swap3A_983 = vector.shape_cast %add3A_977 : vector<16xi32> to vector<1x16xi32>
    tpu.vector_store %arg7[%swap3A_979, %swap3A_980], %swap3A_983 {strides = array<i32>} : memref<16x128xi32, #tpu.memory_space<vmem>>, vector<1x16xi32>,
    %add3A_984 = arith.constant 163840 : i32
    %add3A_985 = vector.broadcast %add3A_984 : i32 to vector<16xi32>
    %add3A_986 = arith.addi %add3A_938, %add3A_985 : vector<16xi32>
    %swap3A_987 = arith.constant 13 : i32
    %swap3A_988 = arith.index_cast %swap3A_987 : i32 to index
    %swap3A_989 = arith.constant 48 : index
    %swap3A_990 = tpu.vector_load %arg7[%swap3A_988, %swap3A_989] {strides = array<i32>} : memref<16x128xi32, #tpu.memory_space<vmem>>, vector<1x16xi32>,
    %swap3A_991 = vector.shape_cast %swap3A_990 : vector<1x16xi32> to vector<16xi32>
    %swap3A_992 = vector.shape_cast %add3A_986 : vector<16xi32> to vector<1x16xi32>
    tpu.vector_store %arg7[%swap3A_988, %swap3A_989], %swap3A_992 {strides = array<i32>} : memref<16x128xi32, #tpu.memory_space<vmem>>, vector<1x16xi32>,
    %add3A_993 = arith.constant 196608 : i32
    %add3A_994 = vector.broadcast %add3A_993 : i32 to vector<16xi32>
    %add3A_995 = arith.addi %add3A_938, %add3A_994 : vector<16xi32>
    %swap3A_996 = arith.constant 14 : i32
    %swap3A_997 = arith.index_cast %swap3A_996 : i32 to index
    %swap3A_998 = arith.constant 48 : index
    %swap3A_999 = tpu.vector_load %arg7[%swap3A_997, %swap3A_998] {strides = array<i32>} : memref<16x128xi32, #tpu.memory_space<vmem>>, vector<1x16xi32>,
    %swap3A_1000 = vector.shape_cast %swap3A_999 : vector<1x16xi32> to vector<16xi32>
    %swap3A_1001 = vector.shape_cast %add3A_995 : vector<16xi32> to vector<1x16xi32>
    tpu.vector_store %arg7[%swap3A_997, %swap3A_998], %swap3A_1001 {strides = array<i32>} : memref<16x128xi32, #tpu.memory_space<vmem>>, vector<1x16xi32>,
    %add3A_1002 = arith.constant 229376 : i32
    %add3A_1003 = vector.broadcast %add3A_1002 : i32 to vector<16xi32>
    %add3A_1004 = arith.addi %add3A_938, %add3A_1003 : vector<16xi32>
    %swap3A_1005 = arith.constant 15 : i32
    %swap3A_1006 = arith.index_cast %swap3A_1005 : i32 to index
    %swap3A_1007 = arith.constant 48 : index
    %swap3A_1008 = tpu.vector_load %arg7[%swap3A_1006, %swap3A_1007] {strides = array<i32>} : memref<16x128xi32, #tpu.memory_space<vmem>>, vector<1x16xi32>,
    %swap3A_1009 = vector.shape_cast %swap3A_1008 : vector<1x16xi32> to vector<16xi32>
    %swap3A_1010 = vector.shape_cast %add3A_1004 : vector<16xi32> to vector<1x16xi32>
    tpu.vector_store %arg7[%swap3A_1006, %swap3A_1007], %swap3A_1010 {strides = array<i32>} : memref<16x128xi32, #tpu.memory_space<vmem>>, vector<1x16xi32>,
    %get3A_1011 = arith.constant 192 : index
    %get3A_1012 = tpu.vector_load %arg6[%get3A_1011] {strides = array<i32>} : memref<256xi32, #tpu.memory_space<vmem>>, vector<16xi32>,
    %get3A_1013 = vector.shape_cast %get3A_1012 : vector<16xi32> to vector<16xi32>
    %add3A_1014 = vector.broadcast %mul3A_702 : i32 to vector<16xi32>
    %add3A_1015 = arith.addi %get3A_1013, %add3A_1014 : vector<16xi32>
    %add3A_1016 = arith.constant 0 : i32
    %add3A_1017 = vector.broadcast %add3A_1016 : i32 to vector<16xi32>
    %add3A_1018 = arith.addi %add3A_1015, %add3A_1017 : vector<16xi32>
    %swap3A_1019 = arith.constant 8 : i32
    %swap3A_1020 = arith.index_cast %swap3A_1019 : i32 to index
    %swap3A_1021 = arith.constant 64 : index
    %swap3A_1022 = tpu.vector_load %arg7[%swap3A_1020, %swap3A_1021] {strides = array<i32>} : memref<16x128xi32, #tpu.memory_space<vmem>>, vector<1x16xi32>,
    %swap3A_1023 = vector.shape_cast %swap3A_1022 : vector<1x16xi32> to vector<16xi32>
    %swap3A_1024 = vector.shape_cast %add3A_1018 : vector<16xi32> to vector<1x16xi32>
    tpu.vector_store %arg7[%swap3A_1020, %swap3A_1021], %swap3A_1024 {strides = array<i32>} : memref<16x128xi32, #tpu.memory_space<vmem>>, vector<1x16xi32>,
    %add3A_1025 = arith.constant 32768 : i32
    %add3A_1026 = vector.broadcast %add3A_1025 : i32 to vector<16xi32>
    %add3A_1027 = arith.addi %add3A_1015, %add3A_1026 : vector<16xi32>
    %swap3A_1028 = arith.constant 9 : i32
    %swap3A_1029 = arith.index_cast %swap3A_1028 : i32 to index
    %swap3A_1030 = arith.constant 64 : index
    %swap3A_1031 = tpu.vector_load %arg7[%swap3A_1029, %swap3A_1030] {strides = array<i32>} : memref<16x128xi32, #tpu.memory_space<vmem>>, vector<1x16xi32>,
    %swap3A_1032 = vector.shape_cast %swap3A_1031 : vector<1x16xi32> to vector<16xi32>
    %swap3A_1033 = vector.shape_cast %add3A_1027 : vector<16xi32> to vector<1x16xi32>
    tpu.vector_store %arg7[%swap3A_1029, %swap3A_1030], %swap3A_1033 {strides = array<i32>} : memref<16x128xi32, #tpu.memory_space<vmem>>, vector<1x16xi32>,
    %add3A_1034 = arith.constant 65536 : i32
    %add3A_1035 = vector.broadcast %add3A_1034 : i32 to vector<16xi32>
    %add3A_1036 = arith.addi %add3A_1015, %add3A_1035 : vector<16xi32>
    %swap3A_1037 = arith.constant 10 : i32
    %swap3A_1038 = arith.index_cast %swap3A_1037 : i32 to index
    %swap3A_1039 = arith.constant 64 : index
    %swap3A_1040 = tpu.vector_load %arg7[%swap3A_1038, %swap3A_1039] {strides = array<i32>} : memref<16x128xi32, #tpu.memory_space<vmem>>, vector<1x16xi32>,
    %swap3A_1041 = vector.shape_cast %swap3A_1040 : vector<1x16xi32> to vector<16xi32>
    %swap3A_1042 = vector.shape_cast %add3A_1036 : vector<16xi32> to vector<1x16xi32>
    tpu.vector_store %arg7[%swap3A_1038, %swap3A_1039], %swap3A_1042 {strides = array<i32>} : memref<16x128xi32, #tpu.memory_space<vmem>>, vector<1x16xi32>,
    %add3A_1043 = arith.constant 98304 : i32
    %add3A_1044 = vector.broadcast %add3A_1043 : i32 to vector<16xi32>
    %add3A_1045 = arith.addi %add3A_1015, %add3A_1044 : vector<16xi32>
    %swap3A_1046 = arith.constant 11 : i32
    %swap3A_1047 = arith.index_cast %swap3A_1046 : i32 to index
    %swap3A_1048 = arith.constant 64 : index
    %swap3A_1049 = tpu.vector_load %arg7[%swap3A_1047, %swap3A_1048] {strides = array<i32>} : memref<16x128xi32, #tpu.memory_space<vmem>>, vector<1x16xi32>,
    %swap3A_1050 = vector.shape_cast %swap3A_1049 : vector<1x16xi32> to vector<16xi32>
    %swap3A_1051 = vector.shape_cast %add3A_1045 : vector<16xi32> to vector<1x16xi32>
    tpu.vector_store %arg7[%swap3A_1047, %swap3A_1048], %swap3A_1051 {strides = array<i32>} : memref<16x128xi32, #tpu.memory_space<vmem>>, vector<1x16xi32>,
    %add3A_1052 = arith.constant 131072 : i32
    %add3A_1053 = vector.broadcast %add3A_1052 : i32 to vector<16xi32>
    %add3A_1054 = arith.addi %add3A_1015, %add3A_1053 : vector<16xi32>
    %swap3A_1055 = arith.constant 12 : i32
    %swap3A_1056 = arith.index_cast %swap3A_1055 : i32 to index
    %swap3A_1057 = arith.constant 64 : index
    %swap3A_1058 = tpu.vector_load %arg7[%swap3A_1056, %swap3A_1057] {strides = array<i32>} : memref<16x128xi32, #tpu.memory_space<vmem>>, vector<1x16xi32>,
    %swap3A_1059 = vector.shape_cast %swap3A_1058 : vector<1x16xi32> to vector<16xi32>
    %swap3A_1060 = vector.shape_cast %add3A_1054 : vector<16xi32> to vector<1x16xi32>
    tpu.vector_store %arg7[%swap3A_1056, %swap3A_1057], %swap3A_1060 {strides = array<i32>} : memref<16x128xi32, #tpu.memory_space<vmem>>, vector<1x16xi32>,
    %add3A_1061 = arith.constant 163840 : i32
    %add3A_1062 = vector.broadcast %add3A_1061 : i32 to vector<16xi32>
    %add3A_1063 = arith.addi %add3A_1015, %add3A_1062 : vector<16xi32>
    %swap3A_1064 = arith.constant 13 : i32
    %swap3A_1065 = arith.index_cast %swap3A_1064 : i32 to index
    %swap3A_1066 = arith.constant 64 : index
    %swap3A_1067 = tpu.vector_load %arg7[%swap3A_1065, %swap3A_1066] {strides = array<i32>} : memref<16x128xi32, #tpu.memory_space<vmem>>, vector<1x16xi32>,
    %swap3A_1068 = vector.shape_cast %swap3A_1067 : vector<1x16xi32> to vector<16xi32>
    %swap3A_1069 = vector.shape_cast %add3A_1063 : vector<16xi32> to vector<1x16xi32>
    tpu.vector_store %arg7[%swap3A_1065, %swap3A_1066], %swap3A_1069 {strides = array<i32>} : memref<16x128xi32, #tpu.memory_space<vmem>>, vector<1x16xi32>,
    %add3A_1070 = arith.constant 196608 : i32
    %add3A_1071 = vector.broadcast %add3A_1070 : i32 to vector<16xi32>
    %add3A_1072 = arith.addi %add3A_1015, %add3A_1071 : vector<16xi32>
    %swap3A_1073 = arith.constant 14 : i32
    %swap3A_1074 = arith.index_cast %swap3A_1073 : i32 to index
    %swap3A_1075 = arith.constant 64 : index
    %swap3A_1076 = tpu.vector_load %arg7[%swap3A_1074, %swap3A_1075] {strides = array<i32>} : memref<16x128xi32, #tpu.memory_space<vmem>>, vector<1x16xi32>,
    %swap3A_1077 = vector.shape_cast %swap3A_1076 : vector<1x16xi32> to vector<16xi32>
    %swap3A_1078 = vector.shape_cast %add3A_1072 : vector<16xi32> to vector<1x16xi32>
    tpu.vector_store %arg7[%swap3A_1074, %swap3A_1075], %swap3A_1078 {strides = array<i32>} : memref<16x128xi32, #tpu.memory_space<vmem>>, vector<1x16xi32>,
    %add3A_1079 = arith.constant 229376 : i32
    %add3A_1080 = vector.broadcast %add3A_1079 : i32 to vector<16xi32>
    %add3A_1081 = arith.addi %add3A_1015, %add3A_1080 : vector<16xi32>
    %swap3A_1082 = arith.constant 15 : i32
    %swap3A_1083 = arith.index_cast %swap3A_1082 : i32 to index
    %swap3A_1084 = arith.constant 64 : index
    %swap3A_1085 = tpu.vector_load %arg7[%swap3A_1083, %swap3A_1084] {strides = array<i32>} : memref<16x128xi32, #tpu.memory_space<vmem>>, vector<1x16xi32>,
    %swap3A_1086 = vector.shape_cast %swap3A_1085 : vector<1x16xi32> to vector<16xi32>
    %swap3A_1087 = vector.shape_cast %add3A_1081 : vector<16xi32> to vector<1x16xi32>
    tpu.vector_store %arg7[%swap3A_1083, %swap3A_1084], %swap3A_1087 {strides = array<i32>} : memref<16x128xi32, #tpu.memory_space<vmem>>, vector<1x16xi32>,
    %get3A_1088 = arith.constant 208 : index
    %get3A_1089 = tpu.vector_load %arg6[%get3A_1088] {strides = array<i32>} : memref<256xi32, #tpu.memory_space<vmem>>, vector<16xi32>,
    %get3A_1090 = vector.shape_cast %get3A_1089 : vector<16xi32> to vector<16xi32>
    %add3A_1091 = vector.broadcast %mul3A_702 : i32 to vector<16xi32>
    %add3A_1092 = arith.addi %get3A_1090, %add3A_1091 : vector<16xi32>
    %add3A_1093 = arith.constant 0 : i32
    %add3A_1094 = vector.broadcast %add3A_1093 : i32 to vector<16xi32>
    %add3A_1095 = arith.addi %add3A_1092, %add3A_1094 : vector<16xi32>
    %swap3A_1096 = arith.constant 8 : i32
    %swap3A_1097 = arith.index_cast %swap3A_1096 : i32 to index
    %swap3A_1098 = arith.constant 80 : index
    %swap3A_1099 = tpu.vector_load %arg7[%swap3A_1097, %swap3A_1098] {strides = array<i32>} : memref<16x128xi32, #tpu.memory_space<vmem>>, vector<1x16xi32>,
    %swap3A_1100 = vector.shape_cast %swap3A_1099 : vector<1x16xi32> to vector<16xi32>
    %swap3A_1101 = vector.shape_cast %add3A_1095 : vector<16xi32> to vector<1x16xi32>
    tpu.vector_store %arg7[%swap3A_1097, %swap3A_1098], %swap3A_1101 {strides = array<i32>} : memref<16x128xi32, #tpu.memory_space<vmem>>, vector<1x16xi32>,
    %add3A_1102 = arith.constant 32768 : i32
    %add3A_1103 = vector.broadcast %add3A_1102 : i32 to vector<16xi32>
    %add3A_1104 = arith.addi %add3A_1092, %add3A_1103 : vector<16xi32>
    %swap3A_1105 = arith.constant 9 : i32
    %swap3A_1106 = arith.index_cast %swap3A_1105 : i32 to index
    %swap3A_1107 = arith.constant 80 : index
    %swap3A_1108 = tpu.vector_load %arg7[%swap3A_1106, %swap3A_1107] {strides = array<i32>} : memref<16x128xi32, #tpu.memory_space<vmem>>, vector<1x16xi32>,
    %swap3A_1109 = vector.shape_cast %swap3A_1108 : vector<1x16xi32> to vector<16xi32>
    %swap3A_1110 = vector.shape_cast %add3A_1104 : vector<16xi32> to vector<1x16xi32>
    tpu.vector_store %arg7[%swap3A_1106, %swap3A_1107], %swap3A_1110 {strides = array<i32>} : memref<16x128xi32, #tpu.memory_space<vmem>>, vector<1x16xi32>,
    %add3A_1111 = arith.constant 65536 : i32
    %add3A_1112 = vector.broadcast %add3A_1111 : i32 to vector<16xi32>
    %add3A_1113 = arith.addi %add3A_1092, %add3A_1112 : vector<16xi32>
    %swap3A_1114 = arith.constant 10 : i32
    %swap3A_1115 = arith.index_cast %swap3A_1114 : i32 to index
    %swap3A_1116 = arith.constant 80 : index
    %swap3A_1117 = tpu.vector_load %arg7[%swap3A_1115, %swap3A_1116] {strides = array<i32>} : memref<16x128xi32, #tpu.memory_space<vmem>>, vector<1x16xi32>,
    %swap3A_1118 = vector.shape_cast %swap3A_1117 : vector<1x16xi32> to vector<16xi32>
    %swap3A_1119 = vector.shape_cast %add3A_1113 : vector<16xi32> to vector<1x16xi32>
    tpu.vector_store %arg7[%swap3A_1115, %swap3A_1116], %swap3A_1119 {strides = array<i32>} : memref<16x128xi32, #tpu.memory_space<vmem>>, vector<1x16xi32>,
    %add3A_1120 = arith.constant 98304 : i32
    %add3A_1121 = vector.broadcast %add3A_1120 : i32 to vector<16xi32>
    %add3A_1122 = arith.addi %add3A_1092, %add3A_1121 : vector<16xi32>
    %swap3A_1123 = arith.constant 11 : i32
    %swap3A_1124 = arith.index_cast %swap3A_1123 : i32 to index
    %swap3A_1125 = arith.constant 80 : index
    %swap3A_1126 = tpu.vector_load %arg7[%swap3A_1124, %swap3A_1125] {strides = array<i32>} : memref<16x128xi32, #tpu.memory_space<vmem>>, vector<1x16xi32>,
    %swap3A_1127 = vector.shape_cast %swap3A_1126 : vector<1x16xi32> to vector<16xi32>
    %swap3A_1128 = vector.shape_cast %add3A_1122 : vector<16xi32> to vector<1x16xi32>
    tpu.vector_store %arg7[%swap3A_1124, %swap3A_1125], %swap3A_1128 {strides = array<i32>} : memref<16x128xi32, #tpu.memory_space<vmem>>, vector<1x16xi32>,
    %add3A_1129 = arith.constant 131072 : i32
    %add3A_1130 = vector.broadcast %add3A_1129 : i32 to vector<16xi32>
    %add3A_1131 = arith.addi %add3A_1092, %add3A_1130 : vector<16xi32>
    %swap3A_1132 = arith.constant 12 : i32
    %swap3A_1133 = arith.index_cast %swap3A_1132 : i32 to index
    %swap3A_1134 = arith.constant 80 : index
    %swap3A_1135 = tpu.vector_load %arg7[%swap3A_1133, %swap3A_1134] {strides = array<i32>} : memref<16x128xi32, #tpu.memory_space<vmem>>, vector<1x16xi32>,
    %swap3A_1136 = vector.shape_cast %swap3A_1135 : vector<1x16xi32> to vector<16xi32>
    %swap3A_1137 = vector.shape_cast %add3A_1131 : vector<16xi32> to vector<1x16xi32>
    tpu.vector_store %arg7[%swap3A_1133, %swap3A_1134], %swap3A_1137 {strides = array<i32>} : memref<16x128xi32, #tpu.memory_space<vmem>>, vector<1x16xi32>,
    %add3A_1138 = arith.constant 163840 : i32
    %add3A_1139 = vector.broadcast %add3A_1138 : i32 to vector<16xi32>
    %add3A_1140 = arith.addi %add3A_1092, %add3A_1139 : vector<16xi32>
    %swap3A_1141 = arith.constant 13 : i32
    %swap3A_1142 = arith.index_cast %swap3A_1141 : i32 to index
    %swap3A_1143 = arith.constant 80 : index
    %swap3A_1144 = tpu.vector_load %arg7[%swap3A_1142, %swap3A_1143] {strides = array<i32>} : memref<16x128xi32, #tpu.memory_space<vmem>>, vector<1x16xi32>,
    %swap3A_1145 = vector.shape_cast %swap3A_1144 : vector<1x16xi32> to vector<16xi32>
    %swap3A_1146 = vector.shape_cast %add3A_1140 : vector<16xi32> to vector<1x16xi32>
    tpu.vector_store %arg7[%swap3A_1142, %swap3A_1143], %swap3A_1146 {strides = array<i32>} : memref<16x128xi32, #tpu.memory_space<vmem>>, vector<1x16xi32>,
    %add3A_1147 = arith.constant 196608 : i32
    %add3A_1148 = vector.broadcast %add3A_1147 : i32 to vector<16xi32>
    %add3A_1149 = arith.addi %add3A_1092, %add3A_1148 : vector<16xi32>
    %swap3A_1150 = arith.constant 14 : i32
    %swap3A_1151 = arith.index_cast %swap3A_1150 : i32 to index
    %swap3A_1152 = arith.constant 80 : index
    %swap3A_1153 = tpu.vector_load %arg7[%swap3A_1151, %swap3A_1152] {strides = array<i32>} : memref<16x128xi32, #tpu.memory_space<vmem>>, vector<1x16xi32>,
    %swap3A_1154 = vector.shape_cast %swap3A_1153 : vector<1x16xi32> to vector<16xi32>
    %swap3A_1155 = vector.shape_cast %add3A_1149 : vector<16xi32> to vector<1x16xi32>
    tpu.vector_store %arg7[%swap3A_1151, %swap3A_1152], %swap3A_1155 {strides = array<i32>} : memref<16x128xi32, #tpu.memory_space<vmem>>, vector<1x16xi32>,
    %add3A_1156 = arith.constant 229376 : i32
    %add3A_1157 = vector.broadcast %add3A_1156 : i32 to vector<16xi32>
    %add3A_1158 = arith.addi %add3A_1092, %add3A_1157 : vector<16xi32>
    %swap3A_1159 = arith.constant 15 : i32
    %swap3A_1160 = arith.index_cast %swap3A_1159 : i32 to index
    %swap3A_1161 = arith.constant 80 : index
    %swap3A_1162 = tpu.vector_load %arg7[%swap3A_1160, %swap3A_1161] {strides = array<i32>} : memref<16x128xi32, #tpu.memory_space<vmem>>, vector<1x16xi32>,
    %swap3A_1163 = vector.shape_cast %swap3A_1162 : vector<1x16xi32> to vector<16xi32>
    %swap3A_1164 = vector.shape_cast %add3A_1158 : vector<16xi32> to vector<1x16xi32>
    tpu.vector_store %arg7[%swap3A_1160, %swap3A_1161], %swap3A_1164 {strides = array<i32>} : memref<16x128xi32, #tpu.memory_space<vmem>>, vector<1x16xi32>,
    %get3A_1165 = arith.constant 224 : index
    %get3A_1166 = tpu.vector_load %arg6[%get3A_1165] {strides = array<i32>} : memref<256xi32, #tpu.memory_space<vmem>>, vector<16xi32>,
    %get3A_1167 = vector.shape_cast %get3A_1166 : vector<16xi32> to vector<16xi32>
    %add3A_1168 = vector.broadcast %mul3A_702 : i32 to vector<16xi32>
    %add3A_1169 = arith.addi %get3A_1167, %add3A_1168 : vector<16xi32>
    %add3A_1170 = arith.constant 0 : i32
    %add3A_1171 = vector.broadcast %add3A_1170 : i32 to vector<16xi32>
    %add3A_1172 = arith.addi %add3A_1169, %add3A_1171 : vector<16xi32>
    %swap3A_1173 = arith.constant 8 : i32
    %swap3A_1174 = arith.index_cast %swap3A_1173 : i32 to index
    %swap3A_1175 = arith.constant 96 : index
    %swap3A_1176 = tpu.vector_load %arg7[%swap3A_1174, %swap3A_1175] {strides = array<i32>} : memref<16x128xi32, #tpu.memory_space<vmem>>, vector<1x16xi32>,
    %swap3A_1177 = vector.shape_cast %swap3A_1176 : vector<1x16xi32> to vector<16xi32>
    %swap3A_1178 = vector.shape_cast %add3A_1172 : vector<16xi32> to vector<1x16xi32>
    tpu.vector_store %arg7[%swap3A_1174, %swap3A_1175], %swap3A_1178 {strides = array<i32>} : memref<16x128xi32, #tpu.memory_space<vmem>>, vector<1x16xi32>,
    %add3A_1179 = arith.constant 32768 : i32
    %add3A_1180 = vector.broadcast %add3A_1179 : i32 to vector<16xi32>
    %add3A_1181 = arith.addi %add3A_1169, %add3A_1180 : vector<16xi32>
    %swap3A_1182 = arith.constant 9 : i32
    %swap3A_1183 = arith.index_cast %swap3A_1182 : i32 to index
    %swap3A_1184 = arith.constant 96 : index
    %swap3A_1185 = tpu.vector_load %arg7[%swap3A_1183, %swap3A_1184] {strides = array<i32>} : memref<16x128xi32, #tpu.memory_space<vmem>>, vector<1x16xi32>,
    %swap3A_1186 = vector.shape_cast %swap3A_1185 : vector<1x16xi32> to vector<16xi32>
    %swap3A_1187 = vector.shape_cast %add3A_1181 : vector<16xi32> to vector<1x16xi32>
    tpu.vector_store %arg7[%swap3A_1183, %swap3A_1184], %swap3A_1187 {strides = array<i32>} : memref<16x128xi32, #tpu.memory_space<vmem>>, vector<1x16xi32>,
    %add3A_1188 = arith.constant 65536 : i32
    %add3A_1189 = vector.broadcast %add3A_1188 : i32 to vector<16xi32>
    %add3A_1190 = arith.addi %add3A_1169, %add3A_1189 : vector<16xi32>
    %swap3A_1191 = arith.constant 10 : i32
    %swap3A_1192 = arith.index_cast %swap3A_1191 : i32 to index
    %swap3A_1193 = arith.constant 96 : index
    %swap3A_1194 = tpu.vector_load %arg7[%swap3A_1192, %swap3A_1193] {strides = array<i32>} : memref<16x128xi32, #tpu.memory_space<vmem>>, vector<1x16xi32>,
    %swap3A_1195 = vector.shape_cast %swap3A_1194 : vector<1x16xi32> to vector<16xi32>
    %swap3A_1196 = vector.shape_cast %add3A_1190 : vector<16xi32> to vector<1x16xi32>
    tpu.vector_store %arg7[%swap3A_1192, %swap3A_1193], %swap3A_1196 {strides = array<i32>} : memref<16x128xi32, #tpu.memory_space<vmem>>, vector<1x16xi32>,
    %add3A_1197 = arith.constant 98304 : i32
    %add3A_1198 = vector.broadcast %add3A_1197 : i32 to vector<16xi32>
    %add3A_1199 = arith.addi %add3A_1169, %add3A_1198 : vector<16xi32>
    %swap3A_1200 = arith.constant 11 : i32
    %swap3A_1201 = arith.index_cast %swap3A_1200 : i32 to index
    %swap3A_1202 = arith.constant 96 : index
    %swap3A_1203 = tpu.vector_load %arg7[%swap3A_1201, %swap3A_1202] {strides = array<i32>} : memref<16x128xi32, #tpu.memory_space<vmem>>, vector<1x16xi32>,
    %swap3A_1204 = vector.shape_cast %swap3A_1203 : vector<1x16xi32> to vector<16xi32>
    %swap3A_1205 = vector.shape_cast %add3A_1199 : vector<16xi32> to vector<1x16xi32>
    tpu.vector_store %arg7[%swap3A_1201, %swap3A_1202], %swap3A_1205 {strides = array<i32>} : memref<16x128xi32, #tpu.memory_space<vmem>>, vector<1x16xi32>,
    %add3A_1206 = arith.constant 131072 : i32
    %add3A_1207 = vector.broadcast %add3A_1206 : i32 to vector<16xi32>
    %add3A_1208 = arith.addi %add3A_1169, %add3A_1207 : vector<16xi32>
    %swap3A_1209 = arith.constant 12 : i32
    %swap3A_1210 = arith.index_cast %swap3A_1209 : i32 to index
    %swap3A_1211 = arith.constant 96 : index
    %swap3A_1212 = tpu.vector_load %arg7[%swap3A_1210, %swap3A_1211] {strides = array<i32>} : memref<16x128xi32, #tpu.memory_space<vmem>>, vector<1x16xi32>,
    %swap3A_1213 = vector.shape_cast %swap3A_1212 : vector<1x16xi32> to vector<16xi32>
    %swap3A_1214 = vector.shape_cast %add3A_1208 : vector<16xi32> to vector<1x16xi32>
    tpu.vector_store %arg7[%swap3A_1210, %swap3A_1211], %swap3A_1214 {strides = array<i32>} : memref<16x128xi32, #tpu.memory_space<vmem>>, vector<1x16xi32>,
    %add3A_1215 = arith.constant 163840 : i32
    %add3A_1216 = vector.broadcast %add3A_1215 : i32 to vector<16xi32>
    %add3A_1217 = arith.addi %add3A_1169, %add3A_1216 : vector<16xi32>
    %swap3A_1218 = arith.constant 13 : i32
    %swap3A_1219 = arith.index_cast %swap3A_1218 : i32 to index
    %swap3A_1220 = arith.constant 96 : index
    %swap3A_1221 = tpu.vector_load %arg7[%swap3A_1219, %swap3A_1220] {strides = array<i32>} : memref<16x128xi32, #tpu.memory_space<vmem>>, vector<1x16xi32>,
    %swap3A_1222 = vector.shape_cast %swap3A_1221 : vector<1x16xi32> to vector<16xi32>
    %swap3A_1223 = vector.shape_cast %add3A_1217 : vector<16xi32> to vector<1x16xi32>
    tpu.vector_store %arg7[%swap3A_1219, %swap3A_1220], %swap3A_1223 {strides = array<i32>} : memref<16x128xi32, #tpu.memory_space<vmem>>, vector<1x16xi32>,
    %add3A_1224 = arith.constant 196608 : i32
    %add3A_1225 = vector.broadcast %add3A_1224 : i32 to vector<16xi32>
    %add3A_1226 = arith.addi %add3A_1169, %add3A_1225 : vector<16xi32>
    %swap3A_1227 = arith.constant 14 : i32
    %swap3A_1228 = arith.index_cast %swap3A_1227 : i32 to index
    %swap3A_1229 = arith.constant 96 : index
    %swap3A_1230 = tpu.vector_load %arg7[%swap3A_1228, %swap3A_1229] {strides = array<i32>} : memref<16x128xi32, #tpu.memory_space<vmem>>, vector<1x16xi32>,
    %swap3A_1231 = vector.shape_cast %swap3A_1230 : vector<1x16xi32> to vector<16xi32>
    %swap3A_1232 = vector.shape_cast %add3A_1226 : vector<16xi32> to vector<1x16xi32>
    tpu.vector_store %arg7[%swap3A_1228, %swap3A_1229], %swap3A_1232 {strides = array<i32>} : memref<16x128xi32, #tpu.memory_space<vmem>>, vector<1x16xi32>,
    %add3A_1233 = arith.constant 229376 : i32
    %add3A_1234 = vector.broadcast %add3A_1233 : i32 to vector<16xi32>
    %add3A_1235 = arith.addi %add3A_1169, %add3A_1234 : vector<16xi32>
    %swap3A_1236 = arith.constant 15 : i32
    %swap3A_1237 = arith.index_cast %swap3A_1236 : i32 to index
    %swap3A_1238 = arith.constant 96 : index
    %swap3A_1239 = tpu.vector_load %arg7[%swap3A_1237, %swap3A_1238] {strides = array<i32>} : memref<16x128xi32, #tpu.memory_space<vmem>>, vector<1x16xi32>,
    %swap3A_1240 = vector.shape_cast %swap3A_1239 : vector<1x16xi32> to vector<16xi32>
    %swap3A_1241 = vector.shape_cast %add3A_1235 : vector<16xi32> to vector<1x16xi32>
    tpu.vector_store %arg7[%swap3A_1237, %swap3A_1238], %swap3A_1241 {strides = array<i32>} : memref<16x128xi32, #tpu.memory_space<vmem>>, vector<1x16xi32>,
    %get3A_1242 = arith.constant 240 : index
    %get3A_1243 = tpu.vector_load %arg6[%get3A_1242] {strides = array<i32>} : memref<256xi32, #tpu.memory_space<vmem>>, vector<16xi32>,
    %get3A_1244 = vector.shape_cast %get3A_1243 : vector<16xi32> to vector<16xi32>
    %add3A_1245 = vector.broadcast %mul3A_702 : i32 to vector<16xi32>
    %add3A_1246 = arith.addi %get3A_1244, %add3A_1245 : vector<16xi32>
    %add3A_1247 = arith.constant 0 : i32
    %add3A_1248 = vector.broadcast %add3A_1247 : i32 to vector<16xi32>
    %add3A_1249 = arith.addi %add3A_1246, %add3A_1248 : vector<16xi32>
    %swap3A_1250 = arith.constant 8 : i32
    %swap3A_1251 = arith.index_cast %swap3A_1250 : i32 to index
    %swap3A_1252 = arith.constant 112 : index
    %swap3A_1253 = tpu.vector_load %arg7[%swap3A_1251, %swap3A_1252] {strides = array<i32>} : memref<16x128xi32, #tpu.memory_space<vmem>>, vector<1x16xi32>,
    %swap3A_1254 = vector.shape_cast %swap3A_1253 : vector<1x16xi32> to vector<16xi32>
    %swap3A_1255 = vector.shape_cast %add3A_1249 : vector<16xi32> to vector<1x16xi32>
    tpu.vector_store %arg7[%swap3A_1251, %swap3A_1252], %swap3A_1255 {strides = array<i32>} : memref<16x128xi32, #tpu.memory_space<vmem>>, vector<1x16xi32>,
    %add3A_1256 = arith.constant 32768 : i32
    %add3A_1257 = vector.broadcast %add3A_1256 : i32 to vector<16xi32>
    %add3A_1258 = arith.addi %add3A_1246, %add3A_1257 : vector<16xi32>
    %swap3A_1259 = arith.constant 9 : i32
    %swap3A_1260 = arith.index_cast %swap3A_1259 : i32 to index
    %swap3A_1261 = arith.constant 112 : index
    %swap3A_1262 = tpu.vector_load %arg7[%swap3A_1260, %swap3A_1261] {strides = array<i32>} : memref<16x128xi32, #tpu.memory_space<vmem>>, vector<1x16xi32>,
    %swap3A_1263 = vector.shape_cast %swap3A_1262 : vector<1x16xi32> to vector<16xi32>
    %swap3A_1264 = vector.shape_cast %add3A_1258 : vector<16xi32> to vector<1x16xi32>
    tpu.vector_store %arg7[%swap3A_1260, %swap3A_1261], %swap3A_1264 {strides = array<i32>} : memref<16x128xi32, #tpu.memory_space<vmem>>, vector<1x16xi32>,
    %add3A_1265 = arith.constant 65536 : i32
    %add3A_1266 = vector.broadcast %add3A_1265 : i32 to vector<16xi32>
    %add3A_1267 = arith.addi %add3A_1246, %add3A_1266 : vector<16xi32>
    %swap3A_1268 = arith.constant 10 : i32
    %swap3A_1269 = arith.index_cast %swap3A_1268 : i32 to index
    %swap3A_1270 = arith.constant 112 : index
    %swap3A_1271 = tpu.vector_load %arg7[%swap3A_1269, %swap3A_1270] {strides = array<i32>} : memref<16x128xi32, #tpu.memory_space<vmem>>, vector<1x16xi32>,
    %swap3A_1272 = vector.shape_cast %swap3A_1271 : vector<1x16xi32> to vector<16xi32>
    %swap3A_1273 = vector.shape_cast %add3A_1267 : vector<16xi32> to vector<1x16xi32>
    tpu.vector_store %arg7[%swap3A_1269, %swap3A_1270], %swap3A_1273 {strides = array<i32>} : memref<16x128xi32, #tpu.memory_space<vmem>>, vector<1x16xi32>,
    %add3A_1274 = arith.constant 98304 : i32
    %add3A_1275 = vector.broadcast %add3A_1274 : i32 to vector<16xi32>
    %add3A_1276 = arith.addi %add3A_1246, %add3A_1275 : vector<16xi32>
    %swap3A_1277 = arith.constant 11 : i32
    %swap3A_1278 = arith.index_cast %swap3A_1277 : i32 to index
    %swap3A_1279 = arith.constant 112 : index
    %swap3A_1280 = tpu.vector_load %arg7[%swap3A_1278, %swap3A_1279] {strides = array<i32>} : memref<16x128xi32, #tpu.memory_space<vmem>>, vector<1x16xi32>,
    %swap3A_1281 = vector.shape_cast %swap3A_1280 : vector<1x16xi32> to vector<16xi32>
    %swap3A_1282 = vector.shape_cast %add3A_1276 : vector<16xi32> to vector<1x16xi32>
    tpu.vector_store %arg7[%swap3A_1278, %swap3A_1279], %swap3A_1282 {strides = array<i32>} : memref<16x128xi32, #tpu.memory_space<vmem>>, vector<1x16xi32>,
    %add3A_1283 = arith.constant 131072 : i32
    %add3A_1284 = vector.broadcast %add3A_1283 : i32 to vector<16xi32>
    %add3A_1285 = arith.addi %add3A_1246, %add3A_1284 : vector<16xi32>
    %swap3A_1286 = arith.constant 12 : i32
    %swap3A_1287 = arith.index_cast %swap3A_1286 : i32 to index
    %swap3A_1288 = arith.constant 112 : index
    %swap3A_1289 = tpu.vector_load %arg7[%swap3A_1287, %swap3A_1288] {strides = array<i32>} : memref<16x128xi32, #tpu.memory_space<vmem>>, vector<1x16xi32>,
    %swap3A_1290 = vector.shape_cast %swap3A_1289 : vector<1x16xi32> to vector<16xi32>
    %swap3A_1291 = vector.shape_cast %add3A_1285 : vector<16xi32> to vector<1x16xi32>
    tpu.vector_store %arg7[%swap3A_1287, %swap3A_1288], %swap3A_1291 {strides = array<i32>} : memref<16x128xi32, #tpu.memory_space<vmem>>, vector<1x16xi32>,
    %add3A_1292 = arith.constant 163840 : i32
    %add3A_1293 = vector.broadcast %add3A_1292 : i32 to vector<16xi32>
    %add3A_1294 = arith.addi %add3A_1246, %add3A_1293 : vector<16xi32>
    %swap3A_1295 = arith.constant 13 : i32
    %swap3A_1296 = arith.index_cast %swap3A_1295 : i32 to index
    %swap3A_1297 = arith.constant 112 : index
    %swap3A_1298 = tpu.vector_load %arg7[%swap3A_1296, %swap3A_1297] {strides = array<i32>} : memref<16x128xi32, #tpu.memory_space<vmem>>, vector<1x16xi32>,
    %swap3A_1299 = vector.shape_cast %swap3A_1298 : vector<1x16xi32> to vector<16xi32>
    %swap3A_1300 = vector.shape_cast %add3A_1294 : vector<16xi32> to vector<1x16xi32>
    tpu.vector_store %arg7[%swap3A_1296, %swap3A_1297], %swap3A_1300 {strides = array<i32>} : memref<16x128xi32, #tpu.memory_space<vmem>>, vector<1x16xi32>,
    %add3A_1301 = arith.constant 196608 : i32
    %add3A_1302 = vector.broadcast %add3A_1301 : i32 to vector<16xi32>
    %add3A_1303 = arith.addi %add3A_1246, %add3A_1302 : vector<16xi32>
    %swap3A_1304 = arith.constant 14 : i32
    %swap3A_1305 = arith.index_cast %swap3A_1304 : i32 to index
    %swap3A_1306 = arith.constant 112 : index
    %swap3A_1307 = tpu.vector_load %arg7[%swap3A_1305, %swap3A_1306] {strides = array<i32>} : memref<16x128xi32, #tpu.memory_space<vmem>>, vector<1x16xi32>,
    %swap3A_1308 = vector.shape_cast %swap3A_1307 : vector<1x16xi32> to vector<16xi32>
    %swap3A_1309 = vector.shape_cast %add3A_1303 : vector<16xi32> to vector<1x16xi32>
    tpu.vector_store %arg7[%swap3A_1305, %swap3A_1306], %swap3A_1309 {strides = array<i32>} : memref<16x128xi32, #tpu.memory_space<vmem>>, vector<1x16xi32>,
    %add3A_1310 = arith.constant 229376 : i32
    %add3A_1311 = vector.broadcast %add3A_1310 : i32 to vector<16xi32>
    %add3A_1312 = arith.addi %add3A_1246, %add3A_1311 : vector<16xi32>
    %swap3A_1313 = arith.constant 15 : i32
    %swap3A_1314 = arith.index_cast %swap3A_1313 : i32 to index
    %swap3A_1315 = arith.constant 112 : index
    %swap3A_1316 = tpu.vector_load %arg7[%swap3A_1314, %swap3A_1315] {strides = array<i32>} : memref<16x128xi32, #tpu.memory_space<vmem>>, vector<1x16xi32>,
    %swap3A_1317 = vector.shape_cast %swap3A_1316 : vector<1x16xi32> to vector<16xi32>
    %swap3A_1318 = vector.shape_cast %add3A_1312 : vector<16xi32> to vector<1x16xi32>
    tpu.vector_store %arg7[%swap3A_1314, %swap3A_1315], %swap3A_1318 {strides = array<i32>} : memref<16x128xi32, #tpu.memory_space<vmem>>, vector<1x16xi32>,
    %dma_start3A_1319 = arith.constant 8 : i32
    %dma_start3A_1320 = arith.constant 1024 : i32
    %dma_start3A_1321 = tpu.memref_slice %arg8[%dma_start3A_1320] : memref<2048xf32, #tpu.memory_space<vmem>> -> memref<128xf32, #tpu.memory_space<vmem>>
    %dma_start3A_1322 = arith.constant 0 : i32
    %dma_start3A_1323 = tpu.memref_slice %arg7[%dma_start3A_1319, %dma_start3A_1322] : memref<16x128xi32, #tpu.memory_space<vmem>> -> memref<1x128xi32, #tpu.memory_space<vmem>>
    %dma_start3A_1324 = tpu.memref_squeeze %dma_start3A_1323 : memref<1x128xi32, #tpu.memory_space<vmem>> -> memref<128xi32, #tpu.memory_space<vmem>>
    %dma_start3A_1325 = arith.constant 0 : i32
    %dma_start3A_1326 = tpu.memref_slice %arg2[%dma_start3A_1325] : memref<16777216xf32, #tpu.memory_space<hbm>> -> memref<16777216xf32, #tpu.memory_space<hbm>>
    tpu.enqueue_indirect_dma source(%dma_start3A_1326 : memref<16777216xf32, #tpu.memory_space<hbm>>) target(%dma_start3A_1321 : memref<128xf32, #tpu.memory_space<vmem>>) offsets(%dma_start3A_1324 : memref<128xi32, #tpu.memory_space<vmem>>) semaphore(%arg13 : memref<!tpu.dma_semaphore, #tpu.memory_space<semaphore_mem>>)
    %dma_start3A_1327 = arith.constant 9 : i32
    %dma_start3A_1328 = arith.constant 1152 : i32
    %dma_start3A_1329 = tpu.memref_slice %arg8[%dma_start3A_1328] : memref<2048xf32, #tpu.memory_space<vmem>> -> memref<128xf32, #tpu.memory_space<vmem>>
    %dma_start3A_1330 = arith.constant 0 : i32
    %dma_start3A_1331 = tpu.memref_slice %arg7[%dma_start3A_1327, %dma_start3A_1330] : memref<16x128xi32, #tpu.memory_space<vmem>> -> memref<1x128xi32, #tpu.memory_space<vmem>>
    %dma_start3A_1332 = tpu.memref_squeeze %dma_start3A_1331 : memref<1x128xi32, #tpu.memory_space<vmem>> -> memref<128xi32, #tpu.memory_space<vmem>>
    %dma_start3A_1333 = arith.constant 0 : i32
    %dma_start3A_1334 = tpu.memref_slice %arg2[%dma_start3A_1333] : memref<16777216xf32, #tpu.memory_space<hbm>> -> memref<16777216xf32, #tpu.memory_space<hbm>>
    tpu.enqueue_indirect_dma source(%dma_start3A_1334 : memref<16777216xf32, #tpu.memory_space<hbm>>) target(%dma_start3A_1329 : memref<128xf32, #tpu.memory_space<vmem>>) offsets(%dma_start3A_1332 : memref<128xi32, #tpu.memory_space<vmem>>) semaphore(%arg13 : memref<!tpu.dma_semaphore, #tpu.memory_space<semaphore_mem>>)
    %dma_start3A_1335 = arith.constant 10 : i32
    %dma_start3A_1336 = arith.constant 1280 : i32
    %dma_start3A_1337 = tpu.memref_slice %arg8[%dma_start3A_1336] : memref<2048xf32, #tpu.memory_space<vmem>> -> memref<128xf32, #tpu.memory_space<vmem>>
    %dma_start3A_1338 = arith.constant 0 : i32
    %dma_start3A_1339 = tpu.memref_slice %arg7[%dma_start3A_1335, %dma_start3A_1338] : memref<16x128xi32, #tpu.memory_space<vmem>> -> memref<1x128xi32, #tpu.memory_space<vmem>>
    %dma_start3A_1340 = tpu.memref_squeeze %dma_start3A_1339 : memref<1x128xi32, #tpu.memory_space<vmem>> -> memref<128xi32, #tpu.memory_space<vmem>>
    %dma_start3A_1341 = arith.constant 0 : i32
    %dma_start3A_1342 = tpu.memref_slice %arg2[%dma_start3A_1341] : memref<16777216xf32, #tpu.memory_space<hbm>> -> memref<16777216xf32, #tpu.memory_space<hbm>>
    tpu.enqueue_indirect_dma source(%dma_start3A_1342 : memref<16777216xf32, #tpu.memory_space<hbm>>) target(%dma_start3A_1337 : memref<128xf32, #tpu.memory_space<vmem>>) offsets(%dma_start3A_1340 : memref<128xi32, #tpu.memory_space<vmem>>) semaphore(%arg13 : memref<!tpu.dma_semaphore, #tpu.memory_space<semaphore_mem>>)
    %dma_start3A_1343 = arith.constant 11 : i32
    %dma_start3A_1344 = arith.constant 1408 : i32
    %dma_start3A_1345 = tpu.memref_slice %arg8[%dma_start3A_1344] : memref<2048xf32, #tpu.memory_space<vmem>> -> memref<128xf32, #tpu.memory_space<vmem>>
    %dma_start3A_1346 = arith.constant 0 : i32
    %dma_start3A_1347 = tpu.memref_slice %arg7[%dma_start3A_1343, %dma_start3A_1346] : memref<16x128xi32, #tpu.memory_space<vmem>> -> memref<1x128xi32, #tpu.memory_space<vmem>>
    %dma_start3A_1348 = tpu.memref_squeeze %dma_start3A_1347 : memref<1x128xi32, #tpu.memory_space<vmem>> -> memref<128xi32, #tpu.memory_space<vmem>>
    %dma_start3A_1349 = arith.constant 0 : i32
    %dma_start3A_1350 = tpu.memref_slice %arg2[%dma_start3A_1349] : memref<16777216xf32, #tpu.memory_space<hbm>> -> memref<16777216xf32, #tpu.memory_space<hbm>>
    tpu.enqueue_indirect_dma source(%dma_start3A_1350 : memref<16777216xf32, #tpu.memory_space<hbm>>) target(%dma_start3A_1345 : memref<128xf32, #tpu.memory_space<vmem>>) offsets(%dma_start3A_1348 : memref<128xi32, #tpu.memory_space<vmem>>) semaphore(%arg13 : memref<!tpu.dma_semaphore, #tpu.memory_space<semaphore_mem>>)
    %dma_start3A_1351 = arith.constant 12 : i32
    %dma_start3A_1352 = arith.constant 1536 : i32
    %dma_start3A_1353 = tpu.memref_slice %arg8[%dma_start3A_1352] : memref<2048xf32, #tpu.memory_space<vmem>> -> memref<128xf32, #tpu.memory_space<vmem>>
    %dma_start3A_1354 = arith.constant 0 : i32
    %dma_start3A_1355 = tpu.memref_slice %arg7[%dma_start3A_1351, %dma_start3A_1354] : memref<16x128xi32, #tpu.memory_space<vmem>> -> memref<1x128xi32, #tpu.memory_space<vmem>>
    %dma_start3A_1356 = tpu.memref_squeeze %dma_start3A_1355 : memref<1x128xi32, #tpu.memory_space<vmem>> -> memref<128xi32, #tpu.memory_space<vmem>>
    %dma_start3A_1357 = arith.constant 0 : i32
    %dma_start3A_1358 = tpu.memref_slice %arg2[%dma_start3A_1357] : memref<16777216xf32, #tpu.memory_space<hbm>> -> memref<16777216xf32, #tpu.memory_space<hbm>>
    tpu.enqueue_indirect_dma source(%dma_start3A_1358 : memref<16777216xf32, #tpu.memory_space<hbm>>) target(%dma_start3A_1353 : memref<128xf32, #tpu.memory_space<vmem>>) offsets(%dma_start3A_1356 : memref<128xi32, #tpu.memory_space<vmem>>) semaphore(%arg13 : memref<!tpu.dma_semaphore, #tpu.memory_space<semaphore_mem>>)
    %dma_start3A_1359 = arith.constant 13 : i32
    %dma_start3A_1360 = arith.constant 1664 : i32
    %dma_start3A_1361 = tpu.memref_slice %arg8[%dma_start3A_1360] : memref<2048xf32, #tpu.memory_space<vmem>> -> memref<128xf32, #tpu.memory_space<vmem>>
    %dma_start3A_1362 = arith.constant 0 : i32
    %dma_start3A_1363 = tpu.memref_slice %arg7[%dma_start3A_1359, %dma_start3A_1362] : memref<16x128xi32, #tpu.memory_space<vmem>> -> memref<1x128xi32, #tpu.memory_space<vmem>>
    %dma_start3A_1364 = tpu.memref_squeeze %dma_start3A_1363 : memref<1x128xi32, #tpu.memory_space<vmem>> -> memref<128xi32, #tpu.memory_space<vmem>>
    %dma_start3A_1365 = arith.constant 0 : i32
    %dma_start3A_1366 = tpu.memref_slice %arg2[%dma_start3A_1365] : memref<16777216xf32, #tpu.memory_space<hbm>> -> memref<16777216xf32, #tpu.memory_space<hbm>>
    tpu.enqueue_indirect_dma source(%dma_start3A_1366 : memref<16777216xf32, #tpu.memory_space<hbm>>) target(%dma_start3A_1361 : memref<128xf32, #tpu.memory_space<vmem>>) offsets(%dma_start3A_1364 : memref<128xi32, #tpu.memory_space<vmem>>) semaphore(%arg13 : memref<!tpu.dma_semaphore, #tpu.memory_space<semaphore_mem>>)
    %dma_start3A_1367 = arith.constant 14 : i32
    %dma_start3A_1368 = arith.constant 1792 : i32
    %dma_start3A_1369 = tpu.memref_slice %arg8[%dma_start3A_1368] : memref<2048xf32, #tpu.memory_space<vmem>> -> memref<128xf32, #tpu.memory_space<vmem>>
    %dma_start3A_1370 = arith.constant 0 : i32
    %dma_start3A_1371 = tpu.memref_slice %arg7[%dma_start3A_1367, %dma_start3A_1370] : memref<16x128xi32, #tpu.memory_space<vmem>> -> memref<1x128xi32, #tpu.memory_space<vmem>>
    %dma_start3A_1372 = tpu.memref_squeeze %dma_start3A_1371 : memref<1x128xi32, #tpu.memory_space<vmem>> -> memref<128xi32, #tpu.memory_space<vmem>>
    %dma_start3A_1373 = arith.constant 0 : i32
    %dma_start3A_1374 = tpu.memref_slice %arg2[%dma_start3A_1373] : memref<16777216xf32, #tpu.memory_space<hbm>> -> memref<16777216xf32, #tpu.memory_space<hbm>>
    tpu.enqueue_indirect_dma source(%dma_start3A_1374 : memref<16777216xf32, #tpu.memory_space<hbm>>) target(%dma_start3A_1369 : memref<128xf32, #tpu.memory_space<vmem>>) offsets(%dma_start3A_1372 : memref<128xi32, #tpu.memory_space<vmem>>) semaphore(%arg13 : memref<!tpu.dma_semaphore, #tpu.memory_space<semaphore_mem>>)
    %dma_start3A_1375 = arith.constant 15 : i32
    %dma_start3A_1376 = arith.constant 1920 : i32
    %dma_start3A_1377 = tpu.memref_slice %arg8[%dma_start3A_1376] : memref<2048xf32, #tpu.memory_space<vmem>> -> memref<128xf32, #tpu.memory_space<vmem>>
    %dma_start3A_1378 = arith.constant 0 : i32
    %dma_start3A_1379 = tpu.memref_slice %arg7[%dma_start3A_1375, %dma_start3A_1378] : memref<16x128xi32, #tpu.memory_space<vmem>> -> memref<1x128xi32, #tpu.memory_space<vmem>>
    %dma_start3A_1380 = tpu.memref_squeeze %dma_start3A_1379 : memref<1x128xi32, #tpu.memory_space<vmem>> -> memref<128xi32, #tpu.memory_space<vmem>>
    %dma_start3A_1381 = arith.constant 0 : i32
    %dma_start3A_1382 = tpu.memref_slice %arg2[%dma_start3A_1381] : memref<16777216xf32, #tpu.memory_space<hbm>> -> memref<16777216xf32, #tpu.memory_space<hbm>>
    tpu.enqueue_indirect_dma source(%dma_start3A_1382 : memref<16777216xf32, #tpu.memory_space<hbm>>) target(%dma_start3A_1377 : memref<128xf32, #tpu.memory_space<vmem>>) offsets(%dma_start3A_1380 : memref<128xi32, #tpu.memory_space<vmem>>) semaphore(%arg13 : memref<!tpu.dma_semaphore, #tpu.memory_space<semaphore_mem>>)
    %dma_wait3A_1383 = arith.constant 0 : i32
    %dma_wait3A_1384 = arith.constant 0 : i32
    %dma_wait3A_1385 = tpu.memref_slice %arg4[%mul3A_4, %dma_wait3A_1383, %dma_wait3A_1384] : memref<64x8x128xi32, #tpu.memory_space<hbm>> -> memref<2x8x128xi32, #tpu.memory_space<hbm>>
    %dma_wait3A_1386 = arith.constant 0 : i32
    %dma_wait3A_1387 = arith.constant 0 : i32
    %dma_wait3A_1388 = tpu.memref_slice %arg4[%mul3A_4, %dma_wait3A_1386, %dma_wait3A_1387] : memref<64x8x128xi32, #tpu.memory_space<hbm>> -> memref<2x8x128xi32, #tpu.memory_space<hbm>>
    tpu.wait_dma2 semaphore(%arg11 : memref<!tpu.dma_semaphore, #tpu.memory_space<semaphore_mem>>) src(%dma_wait3A_1388 : memref<2x8x128xi32, #tpu.memory_space<hbm>>) dst(%arg9 : memref<2x8x128xi32, #tpu.memory_space<vmem>>)
    %broadcast_in_dim3A = arith.constant 0.000000e+00 : f32
    %broadcast_in_dim3A_1389 = vector.broadcast %broadcast_in_dim3A : f32 to vector<16xf32>
    %broadcast_in_dim3A_1390 = arith.constant 0.000000e+00 : f32
    %broadcast_in_dim3A_1391 = vector.broadcast %broadcast_in_dim3A_1390 : f32 to vector<16xf32>
    %dma_wait3A_1392 = arith.constant 0 : i32
    %dma_wait3A_1393 = arith.constant 0 : i32
    %dma_wait3A_1394 = tpu.memref_slice %arg8[%dma_wait3A_1393] : memref<2048xf32, #tpu.memory_space<vmem>> -> memref<128xf32, #tpu.memory_space<vmem>>
    %dma_wait3A_1395 = arith.constant 0 : i32
    %dma_wait3A_1396 = tpu.memref_slice %arg7[%dma_wait3A_1392, %dma_wait3A_1395] : memref<16x128xi32, #tpu.memory_space<vmem>> -> memref<1x128xi32, #tpu.memory_space<vmem>>
    %dma_wait3A_1397 = tpu.memref_squeeze %dma_wait3A_1396 : memref<1x128xi32, #tpu.memory_space<vmem>> -> memref<128xi32, #tpu.memory_space<vmem>>
    %dma_wait3A_1398 = arith.constant 0 : i32
    %dma_wait3A_1399 = tpu.memref_slice %arg2[%dma_wait3A_1398] : memref<16777216xf32, #tpu.memory_space<hbm>> -> memref<16777216xf32, #tpu.memory_space<hbm>>
    tpu.wait_indirect_dma semaphore(%arg12 : memref<!tpu.dma_semaphore, #tpu.memory_space<semaphore_mem>>) src(%dma_wait3A_1399 : memref<16777216xf32, #tpu.memory_space<hbm>>) dst(%dma_wait3A_1394 : memref<128xf32, #tpu.memory_space<vmem>>)
    %dma_wait3A_1400 = arith.constant 1 : i32
    %dma_wait3A_1401 = arith.constant 128 : i32
    %dma_wait3A_1402 = tpu.memref_slice %arg8[%dma_wait3A_1401] : memref<2048xf32, #tpu.memory_space<vmem>> -> memref<128xf32, #tpu.memory_space<vmem>>
    %dma_wait3A_1403 = arith.constant 0 : i32
    %dma_wait3A_1404 = tpu.memref_slice %arg7[%dma_wait3A_1400, %dma_wait3A_1403] : memref<16x128xi32, #tpu.memory_space<vmem>> -> memref<1x128xi32, #tpu.memory_space<vmem>>
    %dma_wait3A_1405 = tpu.memref_squeeze %dma_wait3A_1404 : memref<1x128xi32, #tpu.memory_space<vmem>> -> memref<128xi32, #tpu.memory_space<vmem>>
    %dma_wait3A_1406 = arith.constant 0 : i32
    %dma_wait3A_1407 = tpu.memref_slice %arg2[%dma_wait3A_1406] : memref<16777216xf32, #tpu.memory_space<hbm>> -> memref<16777216xf32, #tpu.memory_space<hbm>>
    tpu.wait_indirect_dma semaphore(%arg12 : memref<!tpu.dma_semaphore, #tpu.memory_space<semaphore_mem>>) src(%dma_wait3A_1407 : memref<16777216xf32, #tpu.memory_space<hbm>>) dst(%dma_wait3A_1402 : memref<128xf32, #tpu.memory_space<vmem>>)
    %dma_wait3A_1408 = arith.constant 2 : i32
    %dma_wait3A_1409 = arith.constant 256 : i32
    %dma_wait3A_1410 = tpu.memref_slice %arg8[%dma_wait3A_1409] : memref<2048xf32, #tpu.memory_space<vmem>> -> memref<128xf32, #tpu.memory_space<vmem>>
    %dma_wait3A_1411 = arith.constant 0 : i32
    %dma_wait3A_1412 = tpu.memref_slice %arg7[%dma_wait3A_1408, %dma_wait3A_1411] : memref<16x128xi32, #tpu.memory_space<vmem>> -> memref<1x128xi32, #tpu.memory_space<vmem>>
    %dma_wait3A_1413 = tpu.memref_squeeze %dma_wait3A_1412 : memref<1x128xi32, #tpu.memory_space<vmem>> -> memref<128xi32, #tpu.memory_space<vmem>>
    %dma_wait3A_1414 = arith.constant 0 : i32
    %dma_wait3A_1415 = tpu.memref_slice %arg2[%dma_wait3A_1414] : memref<16777216xf32, #tpu.memory_space<hbm>> -> memref<16777216xf32, #tpu.memory_space<hbm>>
    tpu.wait_indirect_dma semaphore(%arg12 : memref<!tpu.dma_semaphore, #tpu.memory_space<semaphore_mem>>) src(%dma_wait3A_1415 : memref<16777216xf32, #tpu.memory_space<hbm>>) dst(%dma_wait3A_1410 : memref<128xf32, #tpu.memory_space<vmem>>)
    %dma_wait3A_1416 = arith.constant 3 : i32
    %dma_wait3A_1417 = arith.constant 384 : i32
    %dma_wait3A_1418 = tpu.memref_slice %arg8[%dma_wait3A_1417] : memref<2048xf32, #tpu.memory_space<vmem>> -> memref<128xf32, #tpu.memory_space<vmem>>
    %dma_wait3A_1419 = arith.constant 0 : i32
    %dma_wait3A_1420 = tpu.memref_slice %arg7[%dma_wait3A_1416, %dma_wait3A_1419] : memref<16x128xi32, #tpu.memory_space<vmem>> -> memref<1x128xi32, #tpu.memory_space<vmem>>
    %dma_wait3A_1421 = tpu.memref_squeeze %dma_wait3A_1420 : memref<1x128xi32, #tpu.memory_space<vmem>> -> memref<128xi32, #tpu.memory_space<vmem>>
    %dma_wait3A_1422 = arith.constant 0 : i32
    %dma_wait3A_1423 = tpu.memref_slice %arg2[%dma_wait3A_1422] : memref<16777216xf32, #tpu.memory_space<hbm>> -> memref<16777216xf32, #tpu.memory_space<hbm>>
    tpu.wait_indirect_dma semaphore(%arg12 : memref<!tpu.dma_semaphore, #tpu.memory_space<semaphore_mem>>) src(%dma_wait3A_1423 : memref<16777216xf32, #tpu.memory_space<hbm>>) dst(%dma_wait3A_1418 : memref<128xf32, #tpu.memory_space<vmem>>)
    %dma_wait3A_1424 = arith.constant 4 : i32
    %dma_wait3A_1425 = arith.constant 512 : i32
    %dma_wait3A_1426 = tpu.memref_slice %arg8[%dma_wait3A_1425] : memref<2048xf32, #tpu.memory_space<vmem>> -> memref<128xf32, #tpu.memory_space<vmem>>
    %dma_wait3A_1427 = arith.constant 0 : i32
    %dma_wait3A_1428 = tpu.memref_slice %arg7[%dma_wait3A_1424, %dma_wait3A_1427] : memref<16x128xi32, #tpu.memory_space<vmem>> -> memref<1x128xi32, #tpu.memory_space<vmem>>
    %dma_wait3A_1429 = tpu.memref_squeeze %dma_wait3A_1428 : memref<1x128xi32, #tpu.memory_space<vmem>> -> memref<128xi32, #tpu.memory_space<vmem>>
    %dma_wait3A_1430 = arith.constant 0 : i32
    %dma_wait3A_1431 = tpu.memref_slice %arg2[%dma_wait3A_1430] : memref<16777216xf32, #tpu.memory_space<hbm>> -> memref<16777216xf32, #tpu.memory_space<hbm>>
    tpu.wait_indirect_dma semaphore(%arg12 : memref<!tpu.dma_semaphore, #tpu.memory_space<semaphore_mem>>) src(%dma_wait3A_1431 : memref<16777216xf32, #tpu.memory_space<hbm>>) dst(%dma_wait3A_1426 : memref<128xf32, #tpu.memory_space<vmem>>)
    %dma_wait3A_1432 = arith.constant 5 : i32
    %dma_wait3A_1433 = arith.constant 640 : i32
    %dma_wait3A_1434 = tpu.memref_slice %arg8[%dma_wait3A_1433] : memref<2048xf32, #tpu.memory_space<vmem>> -> memref<128xf32, #tpu.memory_space<vmem>>
    %dma_wait3A_1435 = arith.constant 0 : i32
    %dma_wait3A_1436 = tpu.memref_slice %arg7[%dma_wait3A_1432, %dma_wait3A_1435] : memref<16x128xi32, #tpu.memory_space<vmem>> -> memref<1x128xi32, #tpu.memory_space<vmem>>
    %dma_wait3A_1437 = tpu.memref_squeeze %dma_wait3A_1436 : memref<1x128xi32, #tpu.memory_space<vmem>> -> memref<128xi32, #tpu.memory_space<vmem>>
    %dma_wait3A_1438 = arith.constant 0 : i32
    %dma_wait3A_1439 = tpu.memref_slice %arg2[%dma_wait3A_1438] : memref<16777216xf32, #tpu.memory_space<hbm>> -> memref<16777216xf32, #tpu.memory_space<hbm>>
    tpu.wait_indirect_dma semaphore(%arg12 : memref<!tpu.dma_semaphore, #tpu.memory_space<semaphore_mem>>) src(%dma_wait3A_1439 : memref<16777216xf32, #tpu.memory_space<hbm>>) dst(%dma_wait3A_1434 : memref<128xf32, #tpu.memory_space<vmem>>)
    %dma_wait3A_1440 = arith.constant 6 : i32
    %dma_wait3A_1441 = arith.constant 768 : i32
    %dma_wait3A_1442 = tpu.memref_slice %arg8[%dma_wait3A_1441] : memref<2048xf32, #tpu.memory_space<vmem>> -> memref<128xf32, #tpu.memory_space<vmem>>
    %dma_wait3A_1443 = arith.constant 0 : i32
    %dma_wait3A_1444 = tpu.memref_slice %arg7[%dma_wait3A_1440, %dma_wait3A_1443] : memref<16x128xi32, #tpu.memory_space<vmem>> -> memref<1x128xi32, #tpu.memory_space<vmem>>
    %dma_wait3A_1445 = tpu.memref_squeeze %dma_wait3A_1444 : memref<1x128xi32, #tpu.memory_space<vmem>> -> memref<128xi32, #tpu.memory_space<vmem>>
    %dma_wait3A_1446 = arith.constant 0 : i32
    %dma_wait3A_1447 = tpu.memref_slice %arg2[%dma_wait3A_1446] : memref<16777216xf32, #tpu.memory_space<hbm>> -> memref<16777216xf32, #tpu.memory_space<hbm>>
    tpu.wait_indirect_dma semaphore(%arg12 : memref<!tpu.dma_semaphore, #tpu.memory_space<semaphore_mem>>) src(%dma_wait3A_1447 : memref<16777216xf32, #tpu.memory_space<hbm>>) dst(%dma_wait3A_1442 : memref<128xf32, #tpu.memory_space<vmem>>)
    %dma_wait3A_1448 = arith.constant 7 : i32
    %dma_wait3A_1449 = arith.constant 896 : i32
    %dma_wait3A_1450 = tpu.memref_slice %arg8[%dma_wait3A_1449] : memref<2048xf32, #tpu.memory_space<vmem>> -> memref<128xf32, #tpu.memory_space<vmem>>
    %dma_wait3A_1451 = arith.constant 0 : i32
    %dma_wait3A_1452 = tpu.memref_slice %arg7[%dma_wait3A_1448, %dma_wait3A_1451] : memref<16x128xi32, #tpu.memory_space<vmem>> -> memref<1x128xi32, #tpu.memory_space<vmem>>
    %dma_wait3A_1453 = tpu.memref_squeeze %dma_wait3A_1452 : memref<1x128xi32, #tpu.memory_space<vmem>> -> memref<128xi32, #tpu.memory_space<vmem>>
    %dma_wait3A_1454 = arith.constant 0 : i32
    %dma_wait3A_1455 = tpu.memref_slice %arg2[%dma_wait3A_1454] : memref<16777216xf32, #tpu.memory_space<hbm>> -> memref<16777216xf32, #tpu.memory_space<hbm>>
    tpu.wait_indirect_dma semaphore(%arg12 : memref<!tpu.dma_semaphore, #tpu.memory_space<semaphore_mem>>) src(%dma_wait3A_1455 : memref<16777216xf32, #tpu.memory_space<hbm>>) dst(%dma_wait3A_1450 : memref<128xf32, #tpu.memory_space<vmem>>)
    %get3A_1456 = arith.constant 0 : index
    %get3A_1457 = tpu.vector_load %arg8[%get3A_1456] {strides = array<i32>} : memref<2048xf32, #tpu.memory_space<vmem>>, vector<16xf32>,
    %get3A_1458 = vector.shape_cast %get3A_1457 : vector<16xf32> to vector<16xf32>
    %get3A_1459 = arith.constant 512 : index
    %get3A_1460 = tpu.vector_load %arg8[%get3A_1459] {strides = array<i32>} : memref<2048xf32, #tpu.memory_space<vmem>>, vector<16xf32>,
    %get3A_1461 = vector.shape_cast %get3A_1460 : vector<16xf32> to vector<16xf32>
    %get3A_1462 = arith.constant 0 : i32
    %get3A_1463 = arith.constant 0 : i32
    %get3A_1464 = arith.index_cast %get3A_1462 : i32 to index
    %get3A_1465 = arith.index_cast %get3A_1463 : i32 to index
    %get3A_1466 = arith.constant 0 : index
    %get3A_1467 = tpu.vector_load %arg9[%get3A_1464, %get3A_1465, %get3A_1466] {strides = array<i32>} : memref<2x8x128xi32, #tpu.memory_space<vmem>>, vector<1x1x16xi32>,
    %get3A_1468 = vector.shape_cast %get3A_1467 : vector<1x1x16xi32> to vector<16xi32>
    %get3A_1469 = arith.constant 0 : i32
    %get3A_1470 = arith.constant 4 : i32
    %get3A_1471 = arith.index_cast %get3A_1469 : i32 to index
    %get3A_1472 = arith.index_cast %get3A_1470 : i32 to index
    %get3A_1473 = arith.constant 0 : index
    %get3A_1474 = tpu.vector_load %arg9[%get3A_1471, %get3A_1472, %get3A_1473] {strides = array<i32>} : memref<2x8x128xi32, #tpu.memory_space<vmem>>, vector<1x1x16xi32>,
    %get3A_1475 = vector.shape_cast %get3A_1474 : vector<1x1x16xi32> to vector<16xi32>
    %mul3A_1476 = arith.muli %get3A_1468, %get3A_1475 : vector<16xi32>
    %convert_element_type3A = arith.sitofp %mul3A_1476 : vector<16xi32> to vector<16xf32>
    %sub3A = arith.subf %get3A_1461, %get3A_1458 : vector<16xf32>
    %abs3A = math.absf %sub3A : vector<16xf32>
    %mul3A_1477 = arith.mulf %abs3A, %convert_element_type3A : vector<16xf32>
    %add3A_1478 = arith.addf %broadcast_in_dim3A_1389, %mul3A_1477 : vector<16xf32>
    %add3A_1479 = arith.addf %broadcast_in_dim3A_1391, %convert_element_type3A : vector<16xf32>
    %get3A_1480 = arith.constant 16 : index
    %get3A_1481 = tpu.vector_load %arg8[%get3A_1480] {strides = array<i32>} : memref<2048xf32, #tpu.memory_space<vmem>>, vector<16xf32>,
    %get3A_1482 = vector.shape_cast %get3A_1481 : vector<16xf32> to vector<16xf32>
    %get3A_1483 = arith.constant 528 : index
    %get3A_1484 = tpu.vector_load %arg8[%get3A_1483] {strides = array<i32>} : memref<2048xf32, #tpu.memory_space<vmem>>, vector<16xf32>,
    %get3A_1485 = vector.shape_cast %get3A_1484 : vector<16xf32> to vector<16xf32>
    %get3A_1486 = arith.constant 0 : i32
    %get3A_1487 = arith.constant 0 : i32
    %get3A_1488 = arith.index_cast %get3A_1486 : i32 to index
    %get3A_1489 = arith.index_cast %get3A_1487 : i32 to index
    %get3A_1490 = arith.constant 16 : index
    %get3A_1491 = tpu.vector_load %arg9[%get3A_1488, %get3A_1489, %get3A_1490] {strides = array<i32>} : memref<2x8x128xi32, #tpu.memory_space<vmem>>, vector<1x1x16xi32>,
    %get3A_1492 = vector.shape_cast %get3A_1491 : vector<1x1x16xi32> to vector<16xi32>
    %get3A_1493 = arith.constant 0 : i32
    %get3A_1494 = arith.constant 4 : i32
    %get3A_1495 = arith.index_cast %get3A_1493 : i32 to index
    %get3A_1496 = arith.index_cast %get3A_1494 : i32 to index
    %get3A_1497 = arith.constant 16 : index
    %get3A_1498 = tpu.vector_load %arg9[%get3A_1495, %get3A_1496, %get3A_1497] {strides = array<i32>} : memref<2x8x128xi32, #tpu.memory_space<vmem>>, vector<1x1x16xi32>,
    %get3A_1499 = vector.shape_cast %get3A_1498 : vector<1x1x16xi32> to vector<16xi32>
    %mul3A_1500 = arith.muli %get3A_1492, %get3A_1499 : vector<16xi32>
    %convert_element_type3A_1501 = arith.sitofp %mul3A_1500 : vector<16xi32> to vector<16xf32>
    %sub3A_1502 = arith.subf %get3A_1485, %get3A_1482 : vector<16xf32>
    %abs3A_1503 = math.absf %sub3A_1502 : vector<16xf32>
    %mul3A_1504 = arith.mulf %abs3A_1503, %convert_element_type3A_1501 : vector<16xf32>
    %add3A_1505 = arith.addf %add3A_1478, %mul3A_1504 : vector<16xf32>
    %add3A_1506 = arith.addf %add3A_1479, %convert_element_type3A_1501 : vector<16xf32>
    %get3A_1507 = arith.constant 32 : index
    %get3A_1508 = tpu.vector_load %arg8[%get3A_1507] {strides = array<i32>} : memref<2048xf32, #tpu.memory_space<vmem>>, vector<16xf32>,
    %get3A_1509 = vector.shape_cast %get3A_1508 : vector<16xf32> to vector<16xf32>
    %get3A_1510 = arith.constant 544 : index
    %get3A_1511 = tpu.vector_load %arg8[%get3A_1510] {strides = array<i32>} : memref<2048xf32, #tpu.memory_space<vmem>>, vector<16xf32>,
    %get3A_1512 = vector.shape_cast %get3A_1511 : vector<16xf32> to vector<16xf32>
    %get3A_1513 = arith.constant 0 : i32
    %get3A_1514 = arith.constant 0 : i32
    %get3A_1515 = arith.index_cast %get3A_1513 : i32 to index
    %get3A_1516 = arith.index_cast %get3A_1514 : i32 to index
    %get3A_1517 = arith.constant 32 : index
    %get3A_1518 = tpu.vector_load %arg9[%get3A_1515, %get3A_1516, %get3A_1517] {strides = array<i32>} : memref<2x8x128xi32, #tpu.memory_space<vmem>>, vector<1x1x16xi32>,
    %get3A_1519 = vector.shape_cast %get3A_1518 : vector<1x1x16xi32> to vector<16xi32>
    %get3A_1520 = arith.constant 0 : i32
    %get3A_1521 = arith.constant 4 : i32
    %get3A_1522 = arith.index_cast %get3A_1520 : i32 to index
    %get3A_1523 = arith.index_cast %get3A_1521 : i32 to index
    %get3A_1524 = arith.constant 32 : index
    %get3A_1525 = tpu.vector_load %arg9[%get3A_1522, %get3A_1523, %get3A_1524] {strides = array<i32>} : memref<2x8x128xi32, #tpu.memory_space<vmem>>, vector<1x1x16xi32>,
    %get3A_1526 = vector.shape_cast %get3A_1525 : vector<1x1x16xi32> to vector<16xi32>
    %mul3A_1527 = arith.muli %get3A_1519, %get3A_1526 : vector<16xi32>
    %convert_element_type3A_1528 = arith.sitofp %mul3A_1527 : vector<16xi32> to vector<16xf32>
    %sub3A_1529 = arith.subf %get3A_1512, %get3A_1509 : vector<16xf32>
    %abs3A_1530 = math.absf %sub3A_1529 : vector<16xf32>
    %mul3A_1531 = arith.mulf %abs3A_1530, %convert_element_type3A_1528 : vector<16xf32>
    %add3A_1532 = arith.addf %add3A_1505, %mul3A_1531 : vector<16xf32>
    %add3A_1533 = arith.addf %add3A_1506, %convert_element_type3A_1528 : vector<16xf32>
    %get3A_1534 = arith.constant 48 : index
    %get3A_1535 = tpu.vector_load %arg8[%get3A_1534] {strides = array<i32>} : memref<2048xf32, #tpu.memory_space<vmem>>, vector<16xf32>,
    %get3A_1536 = vector.shape_cast %get3A_1535 : vector<16xf32> to vector<16xf32>
    %get3A_1537 = arith.constant 560 : index
    %get3A_1538 = tpu.vector_load %arg8[%get3A_1537] {strides = array<i32>} : memref<2048xf32, #tpu.memory_space<vmem>>, vector<16xf32>,
    %get3A_1539 = vector.shape_cast %get3A_1538 : vector<16xf32> to vector<16xf32>
    %get3A_1540 = arith.constant 0 : i32
    %get3A_1541 = arith.constant 0 : i32
    %get3A_1542 = arith.index_cast %get3A_1540 : i32 to index
    %get3A_1543 = arith.index_cast %get3A_1541 : i32 to index
    %get3A_1544 = arith.constant 48 : index
    %get3A_1545 = tpu.vector_load %arg9[%get3A_1542, %get3A_1543, %get3A_1544] {strides = array<i32>} : memref<2x8x128xi32, #tpu.memory_space<vmem>>, vector<1x1x16xi32>,
    %get3A_1546 = vector.shape_cast %get3A_1545 : vector<1x1x16xi32> to vector<16xi32>
    %get3A_1547 = arith.constant 0 : i32
    %get3A_1548 = arith.constant 4 : i32
    %get3A_1549 = arith.index_cast %get3A_1547 : i32 to index
    %get3A_1550 = arith.index_cast %get3A_1548 : i32 to index
    %get3A_1551 = arith.constant 48 : index
    %get3A_1552 = tpu.vector_load %arg9[%get3A_1549, %get3A_1550, %get3A_1551] {strides = array<i32>} : memref<2x8x128xi32, #tpu.memory_space<vmem>>, vector<1x1x16xi32>,
    %get3A_1553 = vector.shape_cast %get3A_1552 : vector<1x1x16xi32> to vector<16xi32>
    %mul3A_1554 = arith.muli %get3A_1546, %get3A_1553 : vector<16xi32>
    %convert_element_type3A_1555 = arith.sitofp %mul3A_1554 : vector<16xi32> to vector<16xf32>
    %sub3A_1556 = arith.subf %get3A_1539, %get3A_1536 : vector<16xf32>
    %abs3A_1557 = math.absf %sub3A_1556 : vector<16xf32>
    %mul3A_1558 = arith.mulf %abs3A_1557, %convert_element_type3A_1555 : vector<16xf32>
    %add3A_1559 = arith.addf %add3A_1532, %mul3A_1558 : vector<16xf32>
    %add3A_1560 = arith.addf %add3A_1533, %convert_element_type3A_1555 : vector<16xf32>
    %get3A_1561 = arith.constant 64 : index
    %get3A_1562 = tpu.vector_load %arg8[%get3A_1561] {strides = array<i32>} : memref<2048xf32, #tpu.memory_space<vmem>>, vector<16xf32>,
    %get3A_1563 = vector.shape_cast %get3A_1562 : vector<16xf32> to vector<16xf32>
    %get3A_1564 = arith.constant 576 : index
    %get3A_1565 = tpu.vector_load %arg8[%get3A_1564] {strides = array<i32>} : memref<2048xf32, #tpu.memory_space<vmem>>, vector<16xf32>,
    %get3A_1566 = vector.shape_cast %get3A_1565 : vector<16xf32> to vector<16xf32>
    %get3A_1567 = arith.constant 0 : i32
    %get3A_1568 = arith.constant 0 : i32
    %get3A_1569 = arith.index_cast %get3A_1567 : i32 to index
    %get3A_1570 = arith.index_cast %get3A_1568 : i32 to index
    %get3A_1571 = arith.constant 64 : index
    %get3A_1572 = tpu.vector_load %arg9[%get3A_1569, %get3A_1570, %get3A_1571] {strides = array<i32>} : memref<2x8x128xi32, #tpu.memory_space<vmem>>, vector<1x1x16xi32>,
    %get3A_1573 = vector.shape_cast %get3A_1572 : vector<1x1x16xi32> to vector<16xi32>
    %get3A_1574 = arith.constant 0 : i32
    %get3A_1575 = arith.constant 4 : i32
    %get3A_1576 = arith.index_cast %get3A_1574 : i32 to index
    %get3A_1577 = arith.index_cast %get3A_1575 : i32 to index
    %get3A_1578 = arith.constant 64 : index
    %get3A_1579 = tpu.vector_load %arg9[%get3A_1576, %get3A_1577, %get3A_1578] {strides = array<i32>} : memref<2x8x128xi32, #tpu.memory_space<vmem>>, vector<1x1x16xi32>,
    %get3A_1580 = vector.shape_cast %get3A_1579 : vector<1x1x16xi32> to vector<16xi32>
    %mul3A_1581 = arith.muli %get3A_1573, %get3A_1580 : vector<16xi32>
    %convert_element_type3A_1582 = arith.sitofp %mul3A_1581 : vector<16xi32> to vector<16xf32>
    %sub3A_1583 = arith.subf %get3A_1566, %get3A_1563 : vector<16xf32>
    %abs3A_1584 = math.absf %sub3A_1583 : vector<16xf32>
    %mul3A_1585 = arith.mulf %abs3A_1584, %convert_element_type3A_1582 : vector<16xf32>
    %add3A_1586 = arith.addf %add3A_1559, %mul3A_1585 : vector<16xf32>
    %add3A_1587 = arith.addf %add3A_1560, %convert_element_type3A_1582 : vector<16xf32>
    %get3A_1588 = arith.constant 80 : index
    %get3A_1589 = tpu.vector_load %arg8[%get3A_1588] {strides = array<i32>} : memref<2048xf32, #tpu.memory_space<vmem>>, vector<16xf32>,
    %get3A_1590 = vector.shape_cast %get3A_1589 : vector<16xf32> to vector<16xf32>
    %get3A_1591 = arith.constant 592 : index
    %get3A_1592 = tpu.vector_load %arg8[%get3A_1591] {strides = array<i32>} : memref<2048xf32, #tpu.memory_space<vmem>>, vector<16xf32>,
    %get3A_1593 = vector.shape_cast %get3A_1592 : vector<16xf32> to vector<16xf32>
    %get3A_1594 = arith.constant 0 : i32
    %get3A_1595 = arith.constant 0 : i32
    %get3A_1596 = arith.index_cast %get3A_1594 : i32 to index
    %get3A_1597 = arith.index_cast %get3A_1595 : i32 to index
    %get3A_1598 = arith.constant 80 : index
    %get3A_1599 = tpu.vector_load %arg9[%get3A_1596, %get3A_1597, %get3A_1598] {strides = array<i32>} : memref<2x8x128xi32, #tpu.memory_space<vmem>>, vector<1x1x16xi32>,
    %get3A_1600 = vector.shape_cast %get3A_1599 : vector<1x1x16xi32> to vector<16xi32>
    %get3A_1601 = arith.constant 0 : i32
    %get3A_1602 = arith.constant 4 : i32
    %get3A_1603 = arith.index_cast %get3A_1601 : i32 to index
    %get3A_1604 = arith.index_cast %get3A_1602 : i32 to index
    %get3A_1605 = arith.constant 80 : index
    %get3A_1606 = tpu.vector_load %arg9[%get3A_1603, %get3A_1604, %get3A_1605] {strides = array<i32>} : memref<2x8x128xi32, #tpu.memory_space<vmem>>, vector<1x1x16xi32>,
    %get3A_1607 = vector.shape_cast %get3A_1606 : vector<1x1x16xi32> to vector<16xi32>
    %mul3A_1608 = arith.muli %get3A_1600, %get3A_1607 : vector<16xi32>
    %convert_element_type3A_1609 = arith.sitofp %mul3A_1608 : vector<16xi32> to vector<16xf32>
    %sub3A_1610 = arith.subf %get3A_1593, %get3A_1590 : vector<16xf32>
    %abs3A_1611 = math.absf %sub3A_1610 : vector<16xf32>
    %mul3A_1612 = arith.mulf %abs3A_1611, %convert_element_type3A_1609 : vector<16xf32>
    %add3A_1613 = arith.addf %add3A_1586, %mul3A_1612 : vector<16xf32>
    %add3A_1614 = arith.addf %add3A_1587, %convert_element_type3A_1609 : vector<16xf32>
    %get3A_1615 = arith.constant 96 : index
    %get3A_1616 = tpu.vector_load %arg8[%get3A_1615] {strides = array<i32>} : memref<2048xf32, #tpu.memory_space<vmem>>, vector<16xf32>,
    %get3A_1617 = vector.shape_cast %get3A_1616 : vector<16xf32> to vector<16xf32>
    %get3A_1618 = arith.constant 608 : index
    %get3A_1619 = tpu.vector_load %arg8[%get3A_1618] {strides = array<i32>} : memref<2048xf32, #tpu.memory_space<vmem>>, vector<16xf32>,
    %get3A_1620 = vector.shape_cast %get3A_1619 : vector<16xf32> to vector<16xf32>
    %get3A_1621 = arith.constant 0 : i32
    %get3A_1622 = arith.constant 0 : i32
    %get3A_1623 = arith.index_cast %get3A_1621 : i32 to index
    %get3A_1624 = arith.index_cast %get3A_1622 : i32 to index
    %get3A_1625 = arith.constant 96 : index
    %get3A_1626 = tpu.vector_load %arg9[%get3A_1623, %get3A_1624, %get3A_1625] {strides = array<i32>} : memref<2x8x128xi32, #tpu.memory_space<vmem>>, vector<1x1x16xi32>,
    %get3A_1627 = vector.shape_cast %get3A_1626 : vector<1x1x16xi32> to vector<16xi32>
    %get3A_1628 = arith.constant 0 : i32
    %get3A_1629 = arith.constant 4 : i32
    %get3A_1630 = arith.index_cast %get3A_1628 : i32 to index
    %get3A_1631 = arith.index_cast %get3A_1629 : i32 to index
    %get3A_1632 = arith.constant 96 : index
    %get3A_1633 = tpu.vector_load %arg9[%get3A_1630, %get3A_1631, %get3A_1632] {strides = array<i32>} : memref<2x8x128xi32, #tpu.memory_space<vmem>>, vector<1x1x16xi32>,
    %get3A_1634 = vector.shape_cast %get3A_1633 : vector<1x1x16xi32> to vector<16xi32>
    %mul3A_1635 = arith.muli %get3A_1627, %get3A_1634 : vector<16xi32>
    %convert_element_type3A_1636 = arith.sitofp %mul3A_1635 : vector<16xi32> to vector<16xf32>
    %sub3A_1637 = arith.subf %get3A_1620, %get3A_1617 : vector<16xf32>
    %abs3A_1638 = math.absf %sub3A_1637 : vector<16xf32>
    %mul3A_1639 = arith.mulf %abs3A_1638, %convert_element_type3A_1636 : vector<16xf32>
    %add3A_1640 = arith.addf %add3A_1613, %mul3A_1639 : vector<16xf32>
    %add3A_1641 = arith.addf %add3A_1614, %convert_element_type3A_1636 : vector<16xf32>
    %get3A_1642 = arith.constant 112 : index
    %get3A_1643 = tpu.vector_load %arg8[%get3A_1642] {strides = array<i32>} : memref<2048xf32, #tpu.memory_space<vmem>>, vector<16xf32>,
    %get3A_1644 = vector.shape_cast %get3A_1643 : vector<16xf32> to vector<16xf32>
    %get3A_1645 = arith.constant 624 : index
    %get3A_1646 = tpu.vector_load %arg8[%get3A_1645] {strides = array<i32>} : memref<2048xf32, #tpu.memory_space<vmem>>, vector<16xf32>,
    %get3A_1647 = vector.shape_cast %get3A_1646 : vector<16xf32> to vector<16xf32>
    %get3A_1648 = arith.constant 0 : i32
    %get3A_1649 = arith.constant 0 : i32
    %get3A_1650 = arith.index_cast %get3A_1648 : i32 to index
    %get3A_1651 = arith.index_cast %get3A_1649 : i32 to index
    %get3A_1652 = arith.constant 112 : index
    %get3A_1653 = tpu.vector_load %arg9[%get3A_1650, %get3A_1651, %get3A_1652] {strides = array<i32>} : memref<2x8x128xi32, #tpu.memory_space<vmem>>, vector<1x1x16xi32>,
    %get3A_1654 = vector.shape_cast %get3A_1653 : vector<1x1x16xi32> to vector<16xi32>
    %get3A_1655 = arith.constant 0 : i32
    %get3A_1656 = arith.constant 4 : i32
    %get3A_1657 = arith.index_cast %get3A_1655 : i32 to index
    %get3A_1658 = arith.index_cast %get3A_1656 : i32 to index
    %get3A_1659 = arith.constant 112 : index
    %get3A_1660 = tpu.vector_load %arg9[%get3A_1657, %get3A_1658, %get3A_1659] {strides = array<i32>} : memref<2x8x128xi32, #tpu.memory_space<vmem>>, vector<1x1x16xi32>,
    %get3A_1661 = vector.shape_cast %get3A_1660 : vector<1x1x16xi32> to vector<16xi32>
    %mul3A_1662 = arith.muli %get3A_1654, %get3A_1661 : vector<16xi32>
    %convert_element_type3A_1663 = arith.sitofp %mul3A_1662 : vector<16xi32> to vector<16xf32>
    %sub3A_1664 = arith.subf %get3A_1647, %get3A_1644 : vector<16xf32>
    %abs3A_1665 = math.absf %sub3A_1664 : vector<16xf32>
    %mul3A_1666 = arith.mulf %abs3A_1665, %convert_element_type3A_1663 : vector<16xf32>
    %add3A_1667 = arith.addf %add3A_1640, %mul3A_1666 : vector<16xf32>
    %add3A_1668 = arith.addf %add3A_1641, %convert_element_type3A_1663 : vector<16xf32>
    %get3A_1669 = arith.constant 128 : index
    %get3A_1670 = tpu.vector_load %arg8[%get3A_1669] {strides = array<i32>} : memref<2048xf32, #tpu.memory_space<vmem>>, vector<16xf32>,
    %get3A_1671 = vector.shape_cast %get3A_1670 : vector<16xf32> to vector<16xf32>
    %get3A_1672 = arith.constant 640 : index
    %get3A_1673 = tpu.vector_load %arg8[%get3A_1672] {strides = array<i32>} : memref<2048xf32, #tpu.memory_space<vmem>>, vector<16xf32>,
    %get3A_1674 = vector.shape_cast %get3A_1673 : vector<16xf32> to vector<16xf32>
    %get3A_1675 = arith.constant 0 : i32
    %get3A_1676 = arith.constant 1 : i32
    %get3A_1677 = arith.index_cast %get3A_1675 : i32 to index
    %get3A_1678 = arith.index_cast %get3A_1676 : i32 to index
    %get3A_1679 = arith.constant 0 : index
    %get3A_1680 = tpu.vector_load %arg9[%get3A_1677, %get3A_1678, %get3A_1679] {strides = array<i32>} : memref<2x8x128xi32, #tpu.memory_space<vmem>>, vector<1x1x16xi32>,
    %get3A_1681 = vector.shape_cast %get3A_1680 : vector<1x1x16xi32> to vector<16xi32>
    %get3A_1682 = arith.constant 0 : i32
    %get3A_1683 = arith.constant 5 : i32
    %get3A_1684 = arith.index_cast %get3A_1682 : i32 to index
    %get3A_1685 = arith.index_cast %get3A_1683 : i32 to index
    %get3A_1686 = arith.constant 0 : index
    %get3A_1687 = tpu.vector_load %arg9[%get3A_1684, %get3A_1685, %get3A_1686] {strides = array<i32>} : memref<2x8x128xi32, #tpu.memory_space<vmem>>, vector<1x1x16xi32>,
    %get3A_1688 = vector.shape_cast %get3A_1687 : vector<1x1x16xi32> to vector<16xi32>
    %mul3A_1689 = arith.muli %get3A_1681, %get3A_1688 : vector<16xi32>
    %convert_element_type3A_1690 = arith.sitofp %mul3A_1689 : vector<16xi32> to vector<16xf32>
    %sub3A_1691 = arith.subf %get3A_1674, %get3A_1671 : vector<16xf32>
    %abs3A_1692 = math.absf %sub3A_1691 : vector<16xf32>
    %mul3A_1693 = arith.mulf %abs3A_1692, %convert_element_type3A_1690 : vector<16xf32>
    %add3A_1694 = arith.addf %add3A_1667, %mul3A_1693 : vector<16xf32>
    %add3A_1695 = arith.addf %add3A_1668, %convert_element_type3A_1690 : vector<16xf32>
    %get3A_1696 = arith.constant 144 : index
    %get3A_1697 = tpu.vector_load %arg8[%get3A_1696] {strides = array<i32>} : memref<2048xf32, #tpu.memory_space<vmem>>, vector<16xf32>,
    %get3A_1698 = vector.shape_cast %get3A_1697 : vector<16xf32> to vector<16xf32>
    %get3A_1699 = arith.constant 656 : index
    %get3A_1700 = tpu.vector_load %arg8[%get3A_1699] {strides = array<i32>} : memref<2048xf32, #tpu.memory_space<vmem>>, vector<16xf32>,
    %get3A_1701 = vector.shape_cast %get3A_1700 : vector<16xf32> to vector<16xf32>
    %get3A_1702 = arith.constant 0 : i32
    %get3A_1703 = arith.constant 1 : i32
    %get3A_1704 = arith.index_cast %get3A_1702 : i32 to index
    %get3A_1705 = arith.index_cast %get3A_1703 : i32 to index
    %get3A_1706 = arith.constant 16 : index
    %get3A_1707 = tpu.vector_load %arg9[%get3A_1704, %get3A_1705, %get3A_1706] {strides = array<i32>} : memref<2x8x128xi32, #tpu.memory_space<vmem>>, vector<1x1x16xi32>,
    %get3A_1708 = vector.shape_cast %get3A_1707 : vector<1x1x16xi32> to vector<16xi32>
    %get3A_1709 = arith.constant 0 : i32
    %get3A_1710 = arith.constant 5 : i32
    %get3A_1711 = arith.index_cast %get3A_1709 : i32 to index
    %get3A_1712 = arith.index_cast %get3A_1710 : i32 to index
    %get3A_1713 = arith.constant 16 : index
    %get3A_1714 = tpu.vector_load %arg9[%get3A_1711, %get3A_1712, %get3A_1713] {strides = array<i32>} : memref<2x8x128xi32, #tpu.memory_space<vmem>>, vector<1x1x16xi32>,
    %get3A_1715 = vector.shape_cast %get3A_1714 : vector<1x1x16xi32> to vector<16xi32>
    %mul3A_1716 = arith.muli %get3A_1708, %get3A_1715 : vector<16xi32>
    %convert_element_type3A_1717 = arith.sitofp %mul3A_1716 : vector<16xi32> to vector<16xf32>
    %sub3A_1718 = arith.subf %get3A_1701, %get3A_1698 : vector<16xf32>
    %abs3A_1719 = math.absf %sub3A_1718 : vector<16xf32>
    %mul3A_1720 = arith.mulf %abs3A_1719, %convert_element_type3A_1717 : vector<16xf32>
    %add3A_1721 = arith.addf %add3A_1694, %mul3A_1720 : vector<16xf32>
    %add3A_1722 = arith.addf %add3A_1695, %convert_element_type3A_1717 : vector<16xf32>
    %get3A_1723 = arith.constant 160 : index
    %get3A_1724 = tpu.vector_load %arg8[%get3A_1723] {strides = array<i32>} : memref<2048xf32, #tpu.memory_space<vmem>>, vector<16xf32>,
    %get3A_1725 = vector.shape_cast %get3A_1724 : vector<16xf32> to vector<16xf32>
    %get3A_1726 = arith.constant 672 : index
    %get3A_1727 = tpu.vector_load %arg8[%get3A_1726] {strides = array<i32>} : memref<2048xf32, #tpu.memory_space<vmem>>, vector<16xf32>,
    %get3A_1728 = vector.shape_cast %get3A_1727 : vector<16xf32> to vector<16xf32>
    %get3A_1729 = arith.constant 0 : i32
    %get3A_1730 = arith.constant 1 : i32
    %get3A_1731 = arith.index_cast %get3A_1729 : i32 to index
    %get3A_1732 = arith.index_cast %get3A_1730 : i32 to index
    %get3A_1733 = arith.constant 32 : index
    %get3A_1734 = tpu.vector_load %arg9[%get3A_1731, %get3A_1732, %get3A_1733] {strides = array<i32>} : memref<2x8x128xi32, #tpu.memory_space<vmem>>, vector<1x1x16xi32>,
    %get3A_1735 = vector.shape_cast %get3A_1734 : vector<1x1x16xi32> to vector<16xi32>
    %get3A_1736 = arith.constant 0 : i32
    %get3A_1737 = arith.constant 5 : i32
    %get3A_1738 = arith.index_cast %get3A_1736 : i32 to index
    %get3A_1739 = arith.index_cast %get3A_1737 : i32 to index
    %get3A_1740 = arith.constant 32 : index
    %get3A_1741 = tpu.vector_load %arg9[%get3A_1738, %get3A_1739, %get3A_1740] {strides = array<i32>} : memref<2x8x128xi32, #tpu.memory_space<vmem>>, vector<1x1x16xi32>,
    %get3A_1742 = vector.shape_cast %get3A_1741 : vector<1x1x16xi32> to vector<16xi32>
    %mul3A_1743 = arith.muli %get3A_1735, %get3A_1742 : vector<16xi32>
    %convert_element_type3A_1744 = arith.sitofp %mul3A_1743 : vector<16xi32> to vector<16xf32>
    %sub3A_1745 = arith.subf %get3A_1728, %get3A_1725 : vector<16xf32>
    %abs3A_1746 = math.absf %sub3A_1745 : vector<16xf32>
    %mul3A_1747 = arith.mulf %abs3A_1746, %convert_element_type3A_1744 : vector<16xf32>
    %add3A_1748 = arith.addf %add3A_1721, %mul3A_1747 : vector<16xf32>
    %add3A_1749 = arith.addf %add3A_1722, %convert_element_type3A_1744 : vector<16xf32>
    %get3A_1750 = arith.constant 176 : index
    %get3A_1751 = tpu.vector_load %arg8[%get3A_1750] {strides = array<i32>} : memref<2048xf32, #tpu.memory_space<vmem>>, vector<16xf32>,
    %get3A_1752 = vector.shape_cast %get3A_1751 : vector<16xf32> to vector<16xf32>
    %get3A_1753 = arith.constant 688 : index
    %get3A_1754 = tpu.vector_load %arg8[%get3A_1753] {strides = array<i32>} : memref<2048xf32, #tpu.memory_space<vmem>>, vector<16xf32>,
    %get3A_1755 = vector.shape_cast %get3A_1754 : vector<16xf32> to vector<16xf32>
    %get3A_1756 = arith.constant 0 : i32
    %get3A_1757 = arith.constant 1 : i32
    %get3A_1758 = arith.index_cast %get3A_1756 : i32 to index
    %get3A_1759 = arith.index_cast %get3A_1757 : i32 to index
    %get3A_1760 = arith.constant 48 : index
    %get3A_1761 = tpu.vector_load %arg9[%get3A_1758, %get3A_1759, %get3A_1760] {strides = array<i32>} : memref<2x8x128xi32, #tpu.memory_space<vmem>>, vector<1x1x16xi32>,
    %get3A_1762 = vector.shape_cast %get3A_1761 : vector<1x1x16xi32> to vector<16xi32>
    %get3A_1763 = arith.constant 0 : i32
    %get3A_1764 = arith.constant 5 : i32
    %get3A_1765 = arith.index_cast %get3A_1763 : i32 to index
    %get3A_1766 = arith.index_cast %get3A_1764 : i32 to index
    %get3A_1767 = arith.constant 48 : index
    %get3A_1768 = tpu.vector_load %arg9[%get3A_1765, %get3A_1766, %get3A_1767] {strides = array<i32>} : memref<2x8x128xi32, #tpu.memory_space<vmem>>, vector<1x1x16xi32>,
    %get3A_1769 = vector.shape_cast %get3A_1768 : vector<1x1x16xi32> to vector<16xi32>
    %mul3A_1770 = arith.muli %get3A_1762, %get3A_1769 : vector<16xi32>
    %convert_element_type3A_1771 = arith.sitofp %mul3A_1770 : vector<16xi32> to vector<16xf32>
    %sub3A_1772 = arith.subf %get3A_1755, %get3A_1752 : vector<16xf32>
    %abs3A_1773 = math.absf %sub3A_1772 : vector<16xf32>
    %mul3A_1774 = arith.mulf %abs3A_1773, %convert_element_type3A_1771 : vector<16xf32>
    %add3A_1775 = arith.addf %add3A_1748, %mul3A_1774 : vector<16xf32>
    %add3A_1776 = arith.addf %add3A_1749, %convert_element_type3A_1771 : vector<16xf32>
    %get3A_1777 = arith.constant 192 : index
    %get3A_1778 = tpu.vector_load %arg8[%get3A_1777] {strides = array<i32>} : memref<2048xf32, #tpu.memory_space<vmem>>, vector<16xf32>,
    %get3A_1779 = vector.shape_cast %get3A_1778 : vector<16xf32> to vector<16xf32>
    %get3A_1780 = arith.constant 704 : index
    %get3A_1781 = tpu.vector_load %arg8[%get3A_1780] {strides = array<i32>} : memref<2048xf32, #tpu.memory_space<vmem>>, vector<16xf32>,
    %get3A_1782 = vector.shape_cast %get3A_1781 : vector<16xf32> to vector<16xf32>
    %get3A_1783 = arith.constant 0 : i32
    %get3A_1784 = arith.constant 1 : i32
    %get3A_1785 = arith.index_cast %get3A_1783 : i32 to index
    %get3A_1786 = arith.index_cast %get3A_1784 : i32 to index
    %get3A_1787 = arith.constant 64 : index
    %get3A_1788 = tpu.vector_load %arg9[%get3A_1785, %get3A_1786, %get3A_1787] {strides = array<i32>} : memref<2x8x128xi32, #tpu.memory_space<vmem>>, vector<1x1x16xi32>,
    %get3A_1789 = vector.shape_cast %get3A_1788 : vector<1x1x16xi32> to vector<16xi32>
    %get3A_1790 = arith.constant 0 : i32
    %get3A_1791 = arith.constant 5 : i32
    %get3A_1792 = arith.index_cast %get3A_1790 : i32 to index
    %get3A_1793 = arith.index_cast %get3A_1791 : i32 to index
    %get3A_1794 = arith.constant 64 : index
    %get3A_1795 = tpu.vector_load %arg9[%get3A_1792, %get3A_1793, %get3A_1794] {strides = array<i32>} : memref<2x8x128xi32, #tpu.memory_space<vmem>>, vector<1x1x16xi32>,
    %get3A_1796 = vector.shape_cast %get3A_1795 : vector<1x1x16xi32> to vector<16xi32>
    %mul3A_1797 = arith.muli %get3A_1789, %get3A_1796 : vector<16xi32>
    %convert_element_type3A_1798 = arith.sitofp %mul3A_1797 : vector<16xi32> to vector<16xf32>
    %sub3A_1799 = arith.subf %get3A_1782, %get3A_1779 : vector<16xf32>
    %abs3A_1800 = math.absf %sub3A_1799 : vector<16xf32>
    %mul3A_1801 = arith.mulf %abs3A_1800, %convert_element_type3A_1798 : vector<16xf32>
    %add3A_1802 = arith.addf %add3A_1775, %mul3A_1801 : vector<16xf32>
    %add3A_1803 = arith.addf %add3A_1776, %convert_element_type3A_1798 : vector<16xf32>
    %get3A_1804 = arith.constant 208 : index
    %get3A_1805 = tpu.vector_load %arg8[%get3A_1804] {strides = array<i32>} : memref<2048xf32, #tpu.memory_space<vmem>>, vector<16xf32>,
    %get3A_1806 = vector.shape_cast %get3A_1805 : vector<16xf32> to vector<16xf32>
    %get3A_1807 = arith.constant 720 : index
    %get3A_1808 = tpu.vector_load %arg8[%get3A_1807] {strides = array<i32>} : memref<2048xf32, #tpu.memory_space<vmem>>, vector<16xf32>,
    %get3A_1809 = vector.shape_cast %get3A_1808 : vector<16xf32> to vector<16xf32>
    %get3A_1810 = arith.constant 0 : i32
    %get3A_1811 = arith.constant 1 : i32
    %get3A_1812 = arith.index_cast %get3A_1810 : i32 to index
    %get3A_1813 = arith.index_cast %get3A_1811 : i32 to index
    %get3A_1814 = arith.constant 80 : index
    %get3A_1815 = tpu.vector_load %arg9[%get3A_1812, %get3A_1813, %get3A_1814] {strides = array<i32>} : memref<2x8x128xi32, #tpu.memory_space<vmem>>, vector<1x1x16xi32>,
    %get3A_1816 = vector.shape_cast %get3A_1815 : vector<1x1x16xi32> to vector<16xi32>
    %get3A_1817 = arith.constant 0 : i32
    %get3A_1818 = arith.constant 5 : i32
    %get3A_1819 = arith.index_cast %get3A_1817 : i32 to index
    %get3A_1820 = arith.index_cast %get3A_1818 : i32 to index
    %get3A_1821 = arith.constant 80 : index
    %get3A_1822 = tpu.vector_load %arg9[%get3A_1819, %get3A_1820, %get3A_1821] {strides = array<i32>} : memref<2x8x128xi32, #tpu.memory_space<vmem>>, vector<1x1x16xi32>,
    %get3A_1823 = vector.shape_cast %get3A_1822 : vector<1x1x16xi32> to vector<16xi32>
    %mul3A_1824 = arith.muli %get3A_1816, %get3A_1823 : vector<16xi32>
    %convert_element_type3A_1825 = arith.sitofp %mul3A_1824 : vector<16xi32> to vector<16xf32>
    %sub3A_1826 = arith.subf %get3A_1809, %get3A_1806 : vector<16xf32>
    %abs3A_1827 = math.absf %sub3A_1826 : vector<16xf32>
    %mul3A_1828 = arith.mulf %abs3A_1827, %convert_element_type3A_1825 : vector<16xf32>
    %add3A_1829 = arith.addf %add3A_1802, %mul3A_1828 : vector<16xf32>
    %add3A_1830 = arith.addf %add3A_1803, %convert_element_type3A_1825 : vector<16xf32>
    %get3A_1831 = arith.constant 224 : index
    %get3A_1832 = tpu.vector_load %arg8[%get3A_1831] {strides = array<i32>} : memref<2048xf32, #tpu.memory_space<vmem>>, vector<16xf32>,
    %get3A_1833 = vector.shape_cast %get3A_1832 : vector<16xf32> to vector<16xf32>
    %get3A_1834 = arith.constant 736 : index
    %get3A_1835 = tpu.vector_load %arg8[%get3A_1834] {strides = array<i32>} : memref<2048xf32, #tpu.memory_space<vmem>>, vector<16xf32>,
    %get3A_1836 = vector.shape_cast %get3A_1835 : vector<16xf32> to vector<16xf32>
    %get3A_1837 = arith.constant 0 : i32
    %get3A_1838 = arith.constant 1 : i32
    %get3A_1839 = arith.index_cast %get3A_1837 : i32 to index
    %get3A_1840 = arith.index_cast %get3A_1838 : i32 to index
    %get3A_1841 = arith.constant 96 : index
    %get3A_1842 = tpu.vector_load %arg9[%get3A_1839, %get3A_1840, %get3A_1841] {strides = array<i32>} : memref<2x8x128xi32, #tpu.memory_space<vmem>>, vector<1x1x16xi32>,
    %get3A_1843 = vector.shape_cast %get3A_1842 : vector<1x1x16xi32> to vector<16xi32>
    %get3A_1844 = arith.constant 0 : i32
    %get3A_1845 = arith.constant 5 : i32
    %get3A_1846 = arith.index_cast %get3A_1844 : i32 to index
    %get3A_1847 = arith.index_cast %get3A_1845 : i32 to index
    %get3A_1848 = arith.constant 96 : index
    %get3A_1849 = tpu.vector_load %arg9[%get3A_1846, %get3A_1847, %get3A_1848] {strides = array<i32>} : memref<2x8x128xi32, #tpu.memory_space<vmem>>, vector<1x1x16xi32>,
    %get3A_1850 = vector.shape_cast %get3A_1849 : vector<1x1x16xi32> to vector<16xi32>
    %mul3A_1851 = arith.muli %get3A_1843, %get3A_1850 : vector<16xi32>
    %convert_element_type3A_1852 = arith.sitofp %mul3A_1851 : vector<16xi32> to vector<16xf32>
    %sub3A_1853 = arith.subf %get3A_1836, %get3A_1833 : vector<16xf32>
    %abs3A_1854 = math.absf %sub3A_1853 : vector<16xf32>
    %mul3A_1855 = arith.mulf %abs3A_1854, %convert_element_type3A_1852 : vector<16xf32>
    %add3A_1856 = arith.addf %add3A_1829, %mul3A_1855 : vector<16xf32>
    %add3A_1857 = arith.addf %add3A_1830, %convert_element_type3A_1852 : vector<16xf32>
    %get3A_1858 = arith.constant 240 : index
    %get3A_1859 = tpu.vector_load %arg8[%get3A_1858] {strides = array<i32>} : memref<2048xf32, #tpu.memory_space<vmem>>, vector<16xf32>,
    %get3A_1860 = vector.shape_cast %get3A_1859 : vector<16xf32> to vector<16xf32>
    %get3A_1861 = arith.constant 752 : index
    %get3A_1862 = tpu.vector_load %arg8[%get3A_1861] {strides = array<i32>} : memref<2048xf32, #tpu.memory_space<vmem>>, vector<16xf32>,
    %get3A_1863 = vector.shape_cast %get3A_1862 : vector<16xf32> to vector<16xf32>
    %get3A_1864 = arith.constant 0 : i32
    %get3A_1865 = arith.constant 1 : i32
    %get3A_1866 = arith.index_cast %get3A_1864 : i32 to index
    %get3A_1867 = arith.index_cast %get3A_1865 : i32 to index
    %get3A_1868 = arith.constant 112 : index
    %get3A_1869 = tpu.vector_load %arg9[%get3A_1866, %get3A_1867, %get3A_1868] {strides = array<i32>} : memref<2x8x128xi32, #tpu.memory_space<vmem>>, vector<1x1x16xi32>,
    %get3A_1870 = vector.shape_cast %get3A_1869 : vector<1x1x16xi32> to vector<16xi32>
    %get3A_1871 = arith.constant 0 : i32
    %get3A_1872 = arith.constant 5 : i32
    %get3A_1873 = arith.index_cast %get3A_1871 : i32 to index
    %get3A_1874 = arith.index_cast %get3A_1872 : i32 to index
    %get3A_1875 = arith.constant 112 : index
    %get3A_1876 = tpu.vector_load %arg9[%get3A_1873, %get3A_1874, %get3A_1875] {strides = array<i32>} : memref<2x8x128xi32, #tpu.memory_space<vmem>>, vector<1x1x16xi32>,
    %get3A_1877 = vector.shape_cast %get3A_1876 : vector<1x1x16xi32> to vector<16xi32>
    %mul3A_1878 = arith.muli %get3A_1870, %get3A_1877 : vector<16xi32>
    %convert_element_type3A_1879 = arith.sitofp %mul3A_1878 : vector<16xi32> to vector<16xf32>
    %sub3A_1880 = arith.subf %get3A_1863, %get3A_1860 : vector<16xf32>
    %abs3A_1881 = math.absf %sub3A_1880 : vector<16xf32>
    %mul3A_1882 = arith.mulf %abs3A_1881, %convert_element_type3A_1879 : vector<16xf32>
    %add3A_1883 = arith.addf %add3A_1856, %mul3A_1882 : vector<16xf32>
    %add3A_1884 = arith.addf %add3A_1857, %convert_element_type3A_1879 : vector<16xf32>
    %get3A_1885 = arith.constant 256 : index
    %get3A_1886 = tpu.vector_load %arg8[%get3A_1885] {strides = array<i32>} : memref<2048xf32, #tpu.memory_space<vmem>>, vector<16xf32>,
    %get3A_1887 = vector.shape_cast %get3A_1886 : vector<16xf32> to vector<16xf32>
    %get3A_1888 = arith.constant 768 : index
    %get3A_1889 = tpu.vector_load %arg8[%get3A_1888] {strides = array<i32>} : memref<2048xf32, #tpu.memory_space<vmem>>, vector<16xf32>,
    %get3A_1890 = vector.shape_cast %get3A_1889 : vector<16xf32> to vector<16xf32>
    %get3A_1891 = arith.constant 0 : i32
    %get3A_1892 = arith.constant 2 : i32
    %get3A_1893 = arith.index_cast %get3A_1891 : i32 to index
    %get3A_1894 = arith.index_cast %get3A_1892 : i32 to index
    %get3A_1895 = arith.constant 0 : index
    %get3A_1896 = tpu.vector_load %arg9[%get3A_1893, %get3A_1894, %get3A_1895] {strides = array<i32>} : memref<2x8x128xi32, #tpu.memory_space<vmem>>, vector<1x1x16xi32>,
    %get3A_1897 = vector.shape_cast %get3A_1896 : vector<1x1x16xi32> to vector<16xi32>
    %get3A_1898 = arith.constant 0 : i32
    %get3A_1899 = arith.constant 6 : i32
    %get3A_1900 = arith.index_cast %get3A_1898 : i32 to index
    %get3A_1901 = arith.index_cast %get3A_1899 : i32 to index
    %get3A_1902 = arith.constant 0 : index
    %get3A_1903 = tpu.vector_load %arg9[%get3A_1900, %get3A_1901, %get3A_1902] {strides = array<i32>} : memref<2x8x128xi32, #tpu.memory_space<vmem>>, vector<1x1x16xi32>,
    %get3A_1904 = vector.shape_cast %get3A_1903 : vector<1x1x16xi32> to vector<16xi32>
    %mul3A_1905 = arith.muli %get3A_1897, %get3A_1904 : vector<16xi32>
    %convert_element_type3A_1906 = arith.sitofp %mul3A_1905 : vector<16xi32> to vector<16xf32>
    %sub3A_1907 = arith.subf %get3A_1890, %get3A_1887 : vector<16xf32>
    %abs3A_1908 = math.absf %sub3A_1907 : vector<16xf32>
    %mul3A_1909 = arith.mulf %abs3A_1908, %convert_element_type3A_1906 : vector<16xf32>
    %add3A_1910 = arith.addf %add3A_1883, %mul3A_1909 : vector<16xf32>
    %add3A_1911 = arith.addf %add3A_1884, %convert_element_type3A_1906 : vector<16xf32>
    %get3A_1912 = arith.constant 272 : index
    %get3A_1913 = tpu.vector_load %arg8[%get3A_1912] {strides = array<i32>} : memref<2048xf32, #tpu.memory_space<vmem>>, vector<16xf32>,
    %get3A_1914 = vector.shape_cast %get3A_1913 : vector<16xf32> to vector<16xf32>
    %get3A_1915 = arith.constant 784 : index
    %get3A_1916 = tpu.vector_load %arg8[%get3A_1915] {strides = array<i32>} : memref<2048xf32, #tpu.memory_space<vmem>>, vector<16xf32>,
    %get3A_1917 = vector.shape_cast %get3A_1916 : vector<16xf32> to vector<16xf32>
    %get3A_1918 = arith.constant 0 : i32
    %get3A_1919 = arith.constant 2 : i32
    %get3A_1920 = arith.index_cast %get3A_1918 : i32 to index
    %get3A_1921 = arith.index_cast %get3A_1919 : i32 to index
    %get3A_1922 = arith.constant 16 : index
    %get3A_1923 = tpu.vector_load %arg9[%get3A_1920, %get3A_1921, %get3A_1922] {strides = array<i32>} : memref<2x8x128xi32, #tpu.memory_space<vmem>>, vector<1x1x16xi32>,
    %get3A_1924 = vector.shape_cast %get3A_1923 : vector<1x1x16xi32> to vector<16xi32>
    %get3A_1925 = arith.constant 0 : i32
    %get3A_1926 = arith.constant 6 : i32
    %get3A_1927 = arith.index_cast %get3A_1925 : i32 to index
    %get3A_1928 = arith.index_cast %get3A_1926 : i32 to index
    %get3A_1929 = arith.constant 16 : index
    %get3A_1930 = tpu.vector_load %arg9[%get3A_1927, %get3A_1928, %get3A_1929] {strides = array<i32>} : memref<2x8x128xi32, #tpu.memory_space<vmem>>, vector<1x1x16xi32>,
    %get3A_1931 = vector.shape_cast %get3A_1930 : vector<1x1x16xi32> to vector<16xi32>
    %mul3A_1932 = arith.muli %get3A_1924, %get3A_1931 : vector<16xi32>
    %convert_element_type3A_1933 = arith.sitofp %mul3A_1932 : vector<16xi32> to vector<16xf32>
    %sub3A_1934 = arith.subf %get3A_1917, %get3A_1914 : vector<16xf32>
    %abs3A_1935 = math.absf %sub3A_1934 : vector<16xf32>
    %mul3A_1936 = arith.mulf %abs3A_1935, %convert_element_type3A_1933 : vector<16xf32>
    %add3A_1937 = arith.addf %add3A_1910, %mul3A_1936 : vector<16xf32>
    %add3A_1938 = arith.addf %add3A_1911, %convert_element_type3A_1933 : vector<16xf32>
    %get3A_1939 = arith.constant 288 : index
    %get3A_1940 = tpu.vector_load %arg8[%get3A_1939] {strides = array<i32>} : memref<2048xf32, #tpu.memory_space<vmem>>, vector<16xf32>,
    %get3A_1941 = vector.shape_cast %get3A_1940 : vector<16xf32> to vector<16xf32>
    %get3A_1942 = arith.constant 800 : index
    %get3A_1943 = tpu.vector_load %arg8[%get3A_1942] {strides = array<i32>} : memref<2048xf32, #tpu.memory_space<vmem>>, vector<16xf32>,
    %get3A_1944 = vector.shape_cast %get3A_1943 : vector<16xf32> to vector<16xf32>
    %get3A_1945 = arith.constant 0 : i32
    %get3A_1946 = arith.constant 2 : i32
    %get3A_1947 = arith.index_cast %get3A_1945 : i32 to index
    %get3A_1948 = arith.index_cast %get3A_1946 : i32 to index
    %get3A_1949 = arith.constant 32 : index
    %get3A_1950 = tpu.vector_load %arg9[%get3A_1947, %get3A_1948, %get3A_1949] {strides = array<i32>} : memref<2x8x128xi32, #tpu.memory_space<vmem>>, vector<1x1x16xi32>,
    %get3A_1951 = vector.shape_cast %get3A_1950 : vector<1x1x16xi32> to vector<16xi32>
    %get3A_1952 = arith.constant 0 : i32
    %get3A_1953 = arith.constant 6 : i32
    %get3A_1954 = arith.index_cast %get3A_1952 : i32 to index
    %get3A_1955 = arith.index_cast %get3A_1953 : i32 to index
    %get3A_1956 = arith.constant 32 : index
    %get3A_1957 = tpu.vector_load %arg9[%get3A_1954, %get3A_1955, %get3A_1956] {strides = array<i32>} : memref<2x8x128xi32, #tpu.memory_space<vmem>>, vector<1x1x16xi32>,
    %get3A_1958 = vector.shape_cast %get3A_1957 : vector<1x1x16xi32> to vector<16xi32>
    %mul3A_1959 = arith.muli %get3A_1951, %get3A_1958 : vector<16xi32>
    %convert_element_type3A_1960 = arith.sitofp %mul3A_1959 : vector<16xi32> to vector<16xf32>
    %sub3A_1961 = arith.subf %get3A_1944, %get3A_1941 : vector<16xf32>
    %abs3A_1962 = math.absf %sub3A_1961 : vector<16xf32>
    %mul3A_1963 = arith.mulf %abs3A_1962, %convert_element_type3A_1960 : vector<16xf32>
    %add3A_1964 = arith.addf %add3A_1937, %mul3A_1963 : vector<16xf32>
    %add3A_1965 = arith.addf %add3A_1938, %convert_element_type3A_1960 : vector<16xf32>
    %get3A_1966 = arith.constant 304 : index
    %get3A_1967 = tpu.vector_load %arg8[%get3A_1966] {strides = array<i32>} : memref<2048xf32, #tpu.memory_space<vmem>>, vector<16xf32>,
    %get3A_1968 = vector.shape_cast %get3A_1967 : vector<16xf32> to vector<16xf32>
    %get3A_1969 = arith.constant 816 : index
    %get3A_1970 = tpu.vector_load %arg8[%get3A_1969] {strides = array<i32>} : memref<2048xf32, #tpu.memory_space<vmem>>, vector<16xf32>,
    %get3A_1971 = vector.shape_cast %get3A_1970 : vector<16xf32> to vector<16xf32>
    %get3A_1972 = arith.constant 0 : i32
    %get3A_1973 = arith.constant 2 : i32
    %get3A_1974 = arith.index_cast %get3A_1972 : i32 to index
    %get3A_1975 = arith.index_cast %get3A_1973 : i32 to index
    %get3A_1976 = arith.constant 48 : index
    %get3A_1977 = tpu.vector_load %arg9[%get3A_1974, %get3A_1975, %get3A_1976] {strides = array<i32>} : memref<2x8x128xi32, #tpu.memory_space<vmem>>, vector<1x1x16xi32>,
    %get3A_1978 = vector.shape_cast %get3A_1977 : vector<1x1x16xi32> to vector<16xi32>
    %get3A_1979 = arith.constant 0 : i32
    %get3A_1980 = arith.constant 6 : i32
    %get3A_1981 = arith.index_cast %get3A_1979 : i32 to index
    %get3A_1982 = arith.index_cast %get3A_1980 : i32 to index
    %get3A_1983 = arith.constant 48 : index
    %get3A_1984 = tpu.vector_load %arg9[%get3A_1981, %get3A_1982, %get3A_1983] {strides = array<i32>} : memref<2x8x128xi32, #tpu.memory_space<vmem>>, vector<1x1x16xi32>,
    %get3A_1985 = vector.shape_cast %get3A_1984 : vector<1x1x16xi32> to vector<16xi32>
    %mul3A_1986 = arith.muli %get3A_1978, %get3A_1985 : vector<16xi32>
    %convert_element_type3A_1987 = arith.sitofp %mul3A_1986 : vector<16xi32> to vector<16xf32>
    %sub3A_1988 = arith.subf %get3A_1971, %get3A_1968 : vector<16xf32>
    %abs3A_1989 = math.absf %sub3A_1988 : vector<16xf32>
    %mul3A_1990 = arith.mulf %abs3A_1989, %convert_element_type3A_1987 : vector<16xf32>
    %add3A_1991 = arith.addf %add3A_1964, %mul3A_1990 : vector<16xf32>
    %add3A_1992 = arith.addf %add3A_1965, %convert_element_type3A_1987 : vector<16xf32>
    %get3A_1993 = arith.constant 320 : index
    %get3A_1994 = tpu.vector_load %arg8[%get3A_1993] {strides = array<i32>} : memref<2048xf32, #tpu.memory_space<vmem>>, vector<16xf32>,
    %get3A_1995 = vector.shape_cast %get3A_1994 : vector<16xf32> to vector<16xf32>
    %get3A_1996 = arith.constant 832 : index
    %get3A_1997 = tpu.vector_load %arg8[%get3A_1996] {strides = array<i32>} : memref<2048xf32, #tpu.memory_space<vmem>>, vector<16xf32>,
    %get3A_1998 = vector.shape_cast %get3A_1997 : vector<16xf32> to vector<16xf32>
    %get3A_1999 = arith.constant 0 : i32
    %get3A_2000 = arith.constant 2 : i32
    %get3A_2001 = arith.index_cast %get3A_1999 : i32 to index
    %get3A_2002 = arith.index_cast %get3A_2000 : i32 to index
    %get3A_2003 = arith.constant 64 : index
    %get3A_2004 = tpu.vector_load %arg9[%get3A_2001, %get3A_2002, %get3A_2003] {strides = array<i32>} : memref<2x8x128xi32, #tpu.memory_space<vmem>>, vector<1x1x16xi32>,
    %get3A_2005 = vector.shape_cast %get3A_2004 : vector<1x1x16xi32> to vector<16xi32>
    %get3A_2006 = arith.constant 0 : i32
    %get3A_2007 = arith.constant 6 : i32
    %get3A_2008 = arith.index_cast %get3A_2006 : i32 to index
    %get3A_2009 = arith.index_cast %get3A_2007 : i32 to index
    %get3A_2010 = arith.constant 64 : index
    %get3A_2011 = tpu.vector_load %arg9[%get3A_2008, %get3A_2009, %get3A_2010] {strides = array<i32>} : memref<2x8x128xi32, #tpu.memory_space<vmem>>, vector<1x1x16xi32>,
    %get3A_2012 = vector.shape_cast %get3A_2011 : vector<1x1x16xi32> to vector<16xi32>
    %mul3A_2013 = arith.muli %get3A_2005, %get3A_2012 : vector<16xi32>
    %convert_element_type3A_2014 = arith.sitofp %mul3A_2013 : vector<16xi32> to vector<16xf32>
    %sub3A_2015 = arith.subf %get3A_1998, %get3A_1995 : vector<16xf32>
    %abs3A_2016 = math.absf %sub3A_2015 : vector<16xf32>
    %mul3A_2017 = arith.mulf %abs3A_2016, %convert_element_type3A_2014 : vector<16xf32>
    %add3A_2018 = arith.addf %add3A_1991, %mul3A_2017 : vector<16xf32>
    %add3A_2019 = arith.addf %add3A_1992, %convert_element_type3A_2014 : vector<16xf32>
    %get3A_2020 = arith.constant 336 : index
    %get3A_2021 = tpu.vector_load %arg8[%get3A_2020] {strides = array<i32>} : memref<2048xf32, #tpu.memory_space<vmem>>, vector<16xf32>,
    %get3A_2022 = vector.shape_cast %get3A_2021 : vector<16xf32> to vector<16xf32>
    %get3A_2023 = arith.constant 848 : index
    %get3A_2024 = tpu.vector_load %arg8[%get3A_2023] {strides = array<i32>} : memref<2048xf32, #tpu.memory_space<vmem>>, vector<16xf32>,
    %get3A_2025 = vector.shape_cast %get3A_2024 : vector<16xf32> to vector<16xf32>
    %get3A_2026 = arith.constant 0 : i32
    %get3A_2027 = arith.constant 2 : i32
    %get3A_2028 = arith.index_cast %get3A_2026 : i32 to index
    %get3A_2029 = arith.index_cast %get3A_2027 : i32 to index
    %get3A_2030 = arith.constant 80 : index
    %get3A_2031 = tpu.vector_load %arg9[%get3A_2028, %get3A_2029, %get3A_2030] {strides = array<i32>} : memref<2x8x128xi32, #tpu.memory_space<vmem>>, vector<1x1x16xi32>,
    %get3A_2032 = vector.shape_cast %get3A_2031 : vector<1x1x16xi32> to vector<16xi32>
    %get3A_2033 = arith.constant 0 : i32
    %get3A_2034 = arith.constant 6 : i32
    %get3A_2035 = arith.index_cast %get3A_2033 : i32 to index
    %get3A_2036 = arith.index_cast %get3A_2034 : i32 to index
    %get3A_2037 = arith.constant 80 : index
    %get3A_2038 = tpu.vector_load %arg9[%get3A_2035, %get3A_2036, %get3A_2037] {strides = array<i32>} : memref<2x8x128xi32, #tpu.memory_space<vmem>>, vector<1x1x16xi32>,
    %get3A_2039 = vector.shape_cast %get3A_2038 : vector<1x1x16xi32> to vector<16xi32>
    %mul3A_2040 = arith.muli %get3A_2032, %get3A_2039 : vector<16xi32>
    %convert_element_type3A_2041 = arith.sitofp %mul3A_2040 : vector<16xi32> to vector<16xf32>
    %sub3A_2042 = arith.subf %get3A_2025, %get3A_2022 : vector<16xf32>
    %abs3A_2043 = math.absf %sub3A_2042 : vector<16xf32>
    %mul3A_2044 = arith.mulf %abs3A_2043, %convert_element_type3A_2041 : vector<16xf32>
    %add3A_2045 = arith.addf %add3A_2018, %mul3A_2044 : vector<16xf32>
    %add3A_2046 = arith.addf %add3A_2019, %convert_element_type3A_2041 : vector<16xf32>
    %get3A_2047 = arith.constant 352 : index
    %get3A_2048 = tpu.vector_load %arg8[%get3A_2047] {strides = array<i32>} : memref<2048xf32, #tpu.memory_space<vmem>>, vector<16xf32>,
    %get3A_2049 = vector.shape_cast %get3A_2048 : vector<16xf32> to vector<16xf32>
    %get3A_2050 = arith.constant 864 : index
    %get3A_2051 = tpu.vector_load %arg8[%get3A_2050] {strides = array<i32>} : memref<2048xf32, #tpu.memory_space<vmem>>, vector<16xf32>,
    %get3A_2052 = vector.shape_cast %get3A_2051 : vector<16xf32> to vector<16xf32>
    %get3A_2053 = arith.constant 0 : i32
    %get3A_2054 = arith.constant 2 : i32
    %get3A_2055 = arith.index_cast %get3A_2053 : i32 to index
    %get3A_2056 = arith.index_cast %get3A_2054 : i32 to index
    %get3A_2057 = arith.constant 96 : index
    %get3A_2058 = tpu.vector_load %arg9[%get3A_2055, %get3A_2056, %get3A_2057] {strides = array<i32>} : memref<2x8x128xi32, #tpu.memory_space<vmem>>, vector<1x1x16xi32>,
    %get3A_2059 = vector.shape_cast %get3A_2058 : vector<1x1x16xi32> to vector<16xi32>
    %get3A_2060 = arith.constant 0 : i32
    %get3A_2061 = arith.constant 6 : i32
    %get3A_2062 = arith.index_cast %get3A_2060 : i32 to index
    %get3A_2063 = arith.index_cast %get3A_2061 : i32 to index
    %get3A_2064 = arith.constant 96 : index
    %get3A_2065 = tpu.vector_load %arg9[%get3A_2062, %get3A_2063, %get3A_2064] {strides = array<i32>} : memref<2x8x128xi32, #tpu.memory_space<vmem>>, vector<1x1x16xi32>,
    %get3A_2066 = vector.shape_cast %get3A_2065 : vector<1x1x16xi32> to vector<16xi32>
    %mul3A_2067 = arith.muli %get3A_2059, %get3A_2066 : vector<16xi32>
    %convert_element_type3A_2068 = arith.sitofp %mul3A_2067 : vector<16xi32> to vector<16xf32>
    %sub3A_2069 = arith.subf %get3A_2052, %get3A_2049 : vector<16xf32>
    %abs3A_2070 = math.absf %sub3A_2069 : vector<16xf32>
    %mul3A_2071 = arith.mulf %abs3A_2070, %convert_element_type3A_2068 : vector<16xf32>
    %add3A_2072 = arith.addf %add3A_2045, %mul3A_2071 : vector<16xf32>
    %add3A_2073 = arith.addf %add3A_2046, %convert_element_type3A_2068 : vector<16xf32>
    %get3A_2074 = arith.constant 368 : index
    %get3A_2075 = tpu.vector_load %arg8[%get3A_2074] {strides = array<i32>} : memref<2048xf32, #tpu.memory_space<vmem>>, vector<16xf32>,
    %get3A_2076 = vector.shape_cast %get3A_2075 : vector<16xf32> to vector<16xf32>
    %get3A_2077 = arith.constant 880 : index
    %get3A_2078 = tpu.vector_load %arg8[%get3A_2077] {strides = array<i32>} : memref<2048xf32, #tpu.memory_space<vmem>>, vector<16xf32>,
    %get3A_2079 = vector.shape_cast %get3A_2078 : vector<16xf32> to vector<16xf32>
    %get3A_2080 = arith.constant 0 : i32
    %get3A_2081 = arith.constant 2 : i32
    %get3A_2082 = arith.index_cast %get3A_2080 : i32 to index
    %get3A_2083 = arith.index_cast %get3A_2081 : i32 to index
    %get3A_2084 = arith.constant 112 : index
    %get3A_2085 = tpu.vector_load %arg9[%get3A_2082, %get3A_2083, %get3A_2084] {strides = array<i32>} : memref<2x8x128xi32, #tpu.memory_space<vmem>>, vector<1x1x16xi32>,
    %get3A_2086 = vector.shape_cast %get3A_2085 : vector<1x1x16xi32> to vector<16xi32>
    %get3A_2087 = arith.constant 0 : i32
    %get3A_2088 = arith.constant 6 : i32
    %get3A_2089 = arith.index_cast %get3A_2087 : i32 to index
    %get3A_2090 = arith.index_cast %get3A_2088 : i32 to index
    %get3A_2091 = arith.constant 112 : index
    %get3A_2092 = tpu.vector_load %arg9[%get3A_2089, %get3A_2090, %get3A_2091] {strides = array<i32>} : memref<2x8x128xi32, #tpu.memory_space<vmem>>, vector<1x1x16xi32>,
    %get3A_2093 = vector.shape_cast %get3A_2092 : vector<1x1x16xi32> to vector<16xi32>
    %mul3A_2094 = arith.muli %get3A_2086, %get3A_2093 : vector<16xi32>
    %convert_element_type3A_2095 = arith.sitofp %mul3A_2094 : vector<16xi32> to vector<16xf32>
    %sub3A_2096 = arith.subf %get3A_2079, %get3A_2076 : vector<16xf32>
    %abs3A_2097 = math.absf %sub3A_2096 : vector<16xf32>
    %mul3A_2098 = arith.mulf %abs3A_2097, %convert_element_type3A_2095 : vector<16xf32>
    %add3A_2099 = arith.addf %add3A_2072, %mul3A_2098 : vector<16xf32>
    %add3A_2100 = arith.addf %add3A_2073, %convert_element_type3A_2095 : vector<16xf32>
    %get3A_2101 = arith.constant 384 : index
    %get3A_2102 = tpu.vector_load %arg8[%get3A_2101] {strides = array<i32>} : memref<2048xf32, #tpu.memory_space<vmem>>, vector<16xf32>,
    %get3A_2103 = vector.shape_cast %get3A_2102 : vector<16xf32> to vector<16xf32>
    %get3A_2104 = arith.constant 896 : index
    %get3A_2105 = tpu.vector_load %arg8[%get3A_2104] {strides = array<i32>} : memref<2048xf32, #tpu.memory_space<vmem>>, vector<16xf32>,
    %get3A_2106 = vector.shape_cast %get3A_2105 : vector<16xf32> to vector<16xf32>
    %get3A_2107 = arith.constant 0 : i32
    %get3A_2108 = arith.constant 3 : i32
    %get3A_2109 = arith.index_cast %get3A_2107 : i32 to index
    %get3A_2110 = arith.index_cast %get3A_2108 : i32 to index
    %get3A_2111 = arith.constant 0 : index
    %get3A_2112 = tpu.vector_load %arg9[%get3A_2109, %get3A_2110, %get3A_2111] {strides = array<i32>} : memref<2x8x128xi32, #tpu.memory_space<vmem>>, vector<1x1x16xi32>,
    %get3A_2113 = vector.shape_cast %get3A_2112 : vector<1x1x16xi32> to vector<16xi32>
    %get3A_2114 = arith.constant 0 : i32
    %get3A_2115 = arith.constant 7 : i32
    %get3A_2116 = arith.index_cast %get3A_2114 : i32 to index
    %get3A_2117 = arith.index_cast %get3A_2115 : i32 to index
    %get3A_2118 = arith.constant 0 : index
    %get3A_2119 = tpu.vector_load %arg9[%get3A_2116, %get3A_2117, %get3A_2118] {strides = array<i32>} : memref<2x8x128xi32, #tpu.memory_space<vmem>>, vector<1x1x16xi32>,
    %get3A_2120 = vector.shape_cast %get3A_2119 : vector<1x1x16xi32> to vector<16xi32>
    %mul3A_2121 = arith.muli %get3A_2113, %get3A_2120 : vector<16xi32>
    %convert_element_type3A_2122 = arith.sitofp %mul3A_2121 : vector<16xi32> to vector<16xf32>
    %sub3A_2123 = arith.subf %get3A_2106, %get3A_2103 : vector<16xf32>
    %abs3A_2124 = math.absf %sub3A_2123 : vector<16xf32>
    %mul3A_2125 = arith.mulf %abs3A_2124, %convert_element_type3A_2122 : vector<16xf32>
    %add3A_2126 = arith.addf %add3A_2099, %mul3A_2125 : vector<16xf32>
    %add3A_2127 = arith.addf %add3A_2100, %convert_element_type3A_2122 : vector<16xf32>
    %get3A_2128 = arith.constant 400 : index
    %get3A_2129 = tpu.vector_load %arg8[%get3A_2128] {strides = array<i32>} : memref<2048xf32, #tpu.memory_space<vmem>>, vector<16xf32>,
    %get3A_2130 = vector.shape_cast %get3A_2129 : vector<16xf32> to vector<16xf32>
    %get3A_2131 = arith.constant 912 : index
    %get3A_2132 = tpu.vector_load %arg8[%get3A_2131] {strides = array<i32>} : memref<2048xf32, #tpu.memory_space<vmem>>, vector<16xf32>,
    %get3A_2133 = vector.shape_cast %get3A_2132 : vector<16xf32> to vector<16xf32>
    %get3A_2134 = arith.constant 0 : i32
    %get3A_2135 = arith.constant 3 : i32
    %get3A_2136 = arith.index_cast %get3A_2134 : i32 to index
    %get3A_2137 = arith.index_cast %get3A_2135 : i32 to index
    %get3A_2138 = arith.constant 16 : index
    %get3A_2139 = tpu.vector_load %arg9[%get3A_2136, %get3A_2137, %get3A_2138] {strides = array<i32>} : memref<2x8x128xi32, #tpu.memory_space<vmem>>, vector<1x1x16xi32>,
    %get3A_2140 = vector.shape_cast %get3A_2139 : vector<1x1x16xi32> to vector<16xi32>
    %get3A_2141 = arith.constant 0 : i32
    %get3A_2142 = arith.constant 7 : i32
    %get3A_2143 = arith.index_cast %get3A_2141 : i32 to index
    %get3A_2144 = arith.index_cast %get3A_2142 : i32 to index
    %get3A_2145 = arith.constant 16 : index
    %get3A_2146 = tpu.vector_load %arg9[%get3A_2143, %get3A_2144, %get3A_2145] {strides = array<i32>} : memref<2x8x128xi32, #tpu.memory_space<vmem>>, vector<1x1x16xi32>,
    %get3A_2147 = vector.shape_cast %get3A_2146 : vector<1x1x16xi32> to vector<16xi32>
    %mul3A_2148 = arith.muli %get3A_2140, %get3A_2147 : vector<16xi32>
    %convert_element_type3A_2149 = arith.sitofp %mul3A_2148 : vector<16xi32> to vector<16xf32>
    %sub3A_2150 = arith.subf %get3A_2133, %get3A_2130 : vector<16xf32>
    %abs3A_2151 = math.absf %sub3A_2150 : vector<16xf32>
    %mul3A_2152 = arith.mulf %abs3A_2151, %convert_element_type3A_2149 : vector<16xf32>
    %add3A_2153 = arith.addf %add3A_2126, %mul3A_2152 : vector<16xf32>
    %add3A_2154 = arith.addf %add3A_2127, %convert_element_type3A_2149 : vector<16xf32>
    %get3A_2155 = arith.constant 416 : index
    %get3A_2156 = tpu.vector_load %arg8[%get3A_2155] {strides = array<i32>} : memref<2048xf32, #tpu.memory_space<vmem>>, vector<16xf32>,
    %get3A_2157 = vector.shape_cast %get3A_2156 : vector<16xf32> to vector<16xf32>
    %get3A_2158 = arith.constant 928 : index
    %get3A_2159 = tpu.vector_load %arg8[%get3A_2158] {strides = array<i32>} : memref<2048xf32, #tpu.memory_space<vmem>>, vector<16xf32>,
    %get3A_2160 = vector.shape_cast %get3A_2159 : vector<16xf32> to vector<16xf32>
    %get3A_2161 = arith.constant 0 : i32
    %get3A_2162 = arith.constant 3 : i32
    %get3A_2163 = arith.index_cast %get3A_2161 : i32 to index
    %get3A_2164 = arith.index_cast %get3A_2162 : i32 to index
    %get3A_2165 = arith.constant 32 : index
    %get3A_2166 = tpu.vector_load %arg9[%get3A_2163, %get3A_2164, %get3A_2165] {strides = array<i32>} : memref<2x8x128xi32, #tpu.memory_space<vmem>>, vector<1x1x16xi32>,
    %get3A_2167 = vector.shape_cast %get3A_2166 : vector<1x1x16xi32> to vector<16xi32>
    %get3A_2168 = arith.constant 0 : i32
    %get3A_2169 = arith.constant 7 : i32
    %get3A_2170 = arith.index_cast %get3A_2168 : i32 to index
    %get3A_2171 = arith.index_cast %get3A_2169 : i32 to index
    %get3A_2172 = arith.constant 32 : index
    %get3A_2173 = tpu.vector_load %arg9[%get3A_2170, %get3A_2171, %get3A_2172] {strides = array<i32>} : memref<2x8x128xi32, #tpu.memory_space<vmem>>, vector<1x1x16xi32>,
    %get3A_2174 = vector.shape_cast %get3A_2173 : vector<1x1x16xi32> to vector<16xi32>
    %mul3A_2175 = arith.muli %get3A_2167, %get3A_2174 : vector<16xi32>
    %convert_element_type3A_2176 = arith.sitofp %mul3A_2175 : vector<16xi32> to vector<16xf32>
    %sub3A_2177 = arith.subf %get3A_2160, %get3A_2157 : vector<16xf32>
    %abs3A_2178 = math.absf %sub3A_2177 : vector<16xf32>
    %mul3A_2179 = arith.mulf %abs3A_2178, %convert_element_type3A_2176 : vector<16xf32>
    %add3A_2180 = arith.addf %add3A_2153, %mul3A_2179 : vector<16xf32>
    %add3A_2181 = arith.addf %add3A_2154, %convert_element_type3A_2176 : vector<16xf32>
    %get3A_2182 = arith.constant 432 : index
    %get3A_2183 = tpu.vector_load %arg8[%get3A_2182] {strides = array<i32>} : memref<2048xf32, #tpu.memory_space<vmem>>, vector<16xf32>,
    %get3A_2184 = vector.shape_cast %get3A_2183 : vector<16xf32> to vector<16xf32>
    %get3A_2185 = arith.constant 944 : index
    %get3A_2186 = tpu.vector_load %arg8[%get3A_2185] {strides = array<i32>} : memref<2048xf32, #tpu.memory_space<vmem>>, vector<16xf32>,
    %get3A_2187 = vector.shape_cast %get3A_2186 : vector<16xf32> to vector<16xf32>
    %get3A_2188 = arith.constant 0 : i32
    %get3A_2189 = arith.constant 3 : i32
    %get3A_2190 = arith.index_cast %get3A_2188 : i32 to index
    %get3A_2191 = arith.index_cast %get3A_2189 : i32 to index
    %get3A_2192 = arith.constant 48 : index
    %get3A_2193 = tpu.vector_load %arg9[%get3A_2190, %get3A_2191, %get3A_2192] {strides = array<i32>} : memref<2x8x128xi32, #tpu.memory_space<vmem>>, vector<1x1x16xi32>,
    %get3A_2194 = vector.shape_cast %get3A_2193 : vector<1x1x16xi32> to vector<16xi32>
    %get3A_2195 = arith.constant 0 : i32
    %get3A_2196 = arith.constant 7 : i32
    %get3A_2197 = arith.index_cast %get3A_2195 : i32 to index
    %get3A_2198 = arith.index_cast %get3A_2196 : i32 to index
    %get3A_2199 = arith.constant 48 : index
    %get3A_2200 = tpu.vector_load %arg9[%get3A_2197, %get3A_2198, %get3A_2199] {strides = array<i32>} : memref<2x8x128xi32, #tpu.memory_space<vmem>>, vector<1x1x16xi32>,
    %get3A_2201 = vector.shape_cast %get3A_2200 : vector<1x1x16xi32> to vector<16xi32>
    %mul3A_2202 = arith.muli %get3A_2194, %get3A_2201 : vector<16xi32>
    %convert_element_type3A_2203 = arith.sitofp %mul3A_2202 : vector<16xi32> to vector<16xf32>
    %sub3A_2204 = arith.subf %get3A_2187, %get3A_2184 : vector<16xf32>
    %abs3A_2205 = math.absf %sub3A_2204 : vector<16xf32>
    %mul3A_2206 = arith.mulf %abs3A_2205, %convert_element_type3A_2203 : vector<16xf32>
    %add3A_2207 = arith.addf %add3A_2180, %mul3A_2206 : vector<16xf32>
    %add3A_2208 = arith.addf %add3A_2181, %convert_element_type3A_2203 : vector<16xf32>
    %get3A_2209 = arith.constant 448 : index
    %get3A_2210 = tpu.vector_load %arg8[%get3A_2209] {strides = array<i32>} : memref<2048xf32, #tpu.memory_space<vmem>>, vector<16xf32>,
    %get3A_2211 = vector.shape_cast %get3A_2210 : vector<16xf32> to vector<16xf32>
    %get3A_2212 = arith.constant 960 : index
    %get3A_2213 = tpu.vector_load %arg8[%get3A_2212] {strides = array<i32>} : memref<2048xf32, #tpu.memory_space<vmem>>, vector<16xf32>,
    %get3A_2214 = vector.shape_cast %get3A_2213 : vector<16xf32> to vector<16xf32>
    %get3A_2215 = arith.constant 0 : i32
    %get3A_2216 = arith.constant 3 : i32
    %get3A_2217 = arith.index_cast %get3A_2215 : i32 to index
    %get3A_2218 = arith.index_cast %get3A_2216 : i32 to index
    %get3A_2219 = arith.constant 64 : index
    %get3A_2220 = tpu.vector_load %arg9[%get3A_2217, %get3A_2218, %get3A_2219] {strides = array<i32>} : memref<2x8x128xi32, #tpu.memory_space<vmem>>, vector<1x1x16xi32>,
    %get3A_2221 = vector.shape_cast %get3A_2220 : vector<1x1x16xi32> to vector<16xi32>
    %get3A_2222 = arith.constant 0 : i32
    %get3A_2223 = arith.constant 7 : i32
    %get3A_2224 = arith.index_cast %get3A_2222 : i32 to index
    %get3A_2225 = arith.index_cast %get3A_2223 : i32 to index
    %get3A_2226 = arith.constant 64 : index
    %get3A_2227 = tpu.vector_load %arg9[%get3A_2224, %get3A_2225, %get3A_2226] {strides = array<i32>} : memref<2x8x128xi32, #tpu.memory_space<vmem>>, vector<1x1x16xi32>,
    %get3A_2228 = vector.shape_cast %get3A_2227 : vector<1x1x16xi32> to vector<16xi32>
    %mul3A_2229 = arith.muli %get3A_2221, %get3A_2228 : vector<16xi32>
    %convert_element_type3A_2230 = arith.sitofp %mul3A_2229 : vector<16xi32> to vector<16xf32>
    %sub3A_2231 = arith.subf %get3A_2214, %get3A_2211 : vector<16xf32>
    %abs3A_2232 = math.absf %sub3A_2231 : vector<16xf32>
    %mul3A_2233 = arith.mulf %abs3A_2232, %convert_element_type3A_2230 : vector<16xf32>
    %add3A_2234 = arith.addf %add3A_2207, %mul3A_2233 : vector<16xf32>
    %add3A_2235 = arith.addf %add3A_2208, %convert_element_type3A_2230 : vector<16xf32>
    %get3A_2236 = arith.constant 464 : index
    %get3A_2237 = tpu.vector_load %arg8[%get3A_2236] {strides = array<i32>} : memref<2048xf32, #tpu.memory_space<vmem>>, vector<16xf32>,
    %get3A_2238 = vector.shape_cast %get3A_2237 : vector<16xf32> to vector<16xf32>
    %get3A_2239 = arith.constant 976 : index
    %get3A_2240 = tpu.vector_load %arg8[%get3A_2239] {strides = array<i32>} : memref<2048xf32, #tpu.memory_space<vmem>>, vector<16xf32>,
    %get3A_2241 = vector.shape_cast %get3A_2240 : vector<16xf32> to vector<16xf32>
    %get3A_2242 = arith.constant 0 : i32
    %get3A_2243 = arith.constant 3 : i32
    %get3A_2244 = arith.index_cast %get3A_2242 : i32 to index
    %get3A_2245 = arith.index_cast %get3A_2243 : i32 to index
    %get3A_2246 = arith.constant 80 : index
    %get3A_2247 = tpu.vector_load %arg9[%get3A_2244, %get3A_2245, %get3A_2246] {strides = array<i32>} : memref<2x8x128xi32, #tpu.memory_space<vmem>>, vector<1x1x16xi32>,
    %get3A_2248 = vector.shape_cast %get3A_2247 : vector<1x1x16xi32> to vector<16xi32>
    %get3A_2249 = arith.constant 0 : i32
    %get3A_2250 = arith.constant 7 : i32
    %get3A_2251 = arith.index_cast %get3A_2249 : i32 to index
    %get3A_2252 = arith.index_cast %get3A_2250 : i32 to index
    %get3A_2253 = arith.constant 80 : index
    %get3A_2254 = tpu.vector_load %arg9[%get3A_2251, %get3A_2252, %get3A_2253] {strides = array<i32>} : memref<2x8x128xi32, #tpu.memory_space<vmem>>, vector<1x1x16xi32>,
    %get3A_2255 = vector.shape_cast %get3A_2254 : vector<1x1x16xi32> to vector<16xi32>
    %mul3A_2256 = arith.muli %get3A_2248, %get3A_2255 : vector<16xi32>
    %convert_element_type3A_2257 = arith.sitofp %mul3A_2256 : vector<16xi32> to vector<16xf32>
    %sub3A_2258 = arith.subf %get3A_2241, %get3A_2238 : vector<16xf32>
    %abs3A_2259 = math.absf %sub3A_2258 : vector<16xf32>
    %mul3A_2260 = arith.mulf %abs3A_2259, %convert_element_type3A_2257 : vector<16xf32>
    %add3A_2261 = arith.addf %add3A_2234, %mul3A_2260 : vector<16xf32>
    %add3A_2262 = arith.addf %add3A_2235, %convert_element_type3A_2257 : vector<16xf32>
    %get3A_2263 = arith.constant 480 : index
    %get3A_2264 = tpu.vector_load %arg8[%get3A_2263] {strides = array<i32>} : memref<2048xf32, #tpu.memory_space<vmem>>, vector<16xf32>,
    %get3A_2265 = vector.shape_cast %get3A_2264 : vector<16xf32> to vector<16xf32>
    %get3A_2266 = arith.constant 992 : index
    %get3A_2267 = tpu.vector_load %arg8[%get3A_2266] {strides = array<i32>} : memref<2048xf32, #tpu.memory_space<vmem>>, vector<16xf32>,
    %get3A_2268 = vector.shape_cast %get3A_2267 : vector<16xf32> to vector<16xf32>
    %get3A_2269 = arith.constant 0 : i32
    %get3A_2270 = arith.constant 3 : i32
    %get3A_2271 = arith.index_cast %get3A_2269 : i32 to index
    %get3A_2272 = arith.index_cast %get3A_2270 : i32 to index
    %get3A_2273 = arith.constant 96 : index
    %get3A_2274 = tpu.vector_load %arg9[%get3A_2271, %get3A_2272, %get3A_2273] {strides = array<i32>} : memref<2x8x128xi32, #tpu.memory_space<vmem>>, vector<1x1x16xi32>,
    %get3A_2275 = vector.shape_cast %get3A_2274 : vector<1x1x16xi32> to vector<16xi32>
    %get3A_2276 = arith.constant 0 : i32
    %get3A_2277 = arith.constant 7 : i32
    %get3A_2278 = arith.index_cast %get3A_2276 : i32 to index
    %get3A_2279 = arith.index_cast %get3A_2277 : i32 to index
    %get3A_2280 = arith.constant 96 : index
    %get3A_2281 = tpu.vector_load %arg9[%get3A_2278, %get3A_2279, %get3A_2280] {strides = array<i32>} : memref<2x8x128xi32, #tpu.memory_space<vmem>>, vector<1x1x16xi32>,
    %get3A_2282 = vector.shape_cast %get3A_2281 : vector<1x1x16xi32> to vector<16xi32>
    %mul3A_2283 = arith.muli %get3A_2275, %get3A_2282 : vector<16xi32>
    %convert_element_type3A_2284 = arith.sitofp %mul3A_2283 : vector<16xi32> to vector<16xf32>
    %sub3A_2285 = arith.subf %get3A_2268, %get3A_2265 : vector<16xf32>
    %abs3A_2286 = math.absf %sub3A_2285 : vector<16xf32>
    %mul3A_2287 = arith.mulf %abs3A_2286, %convert_element_type3A_2284 : vector<16xf32>
    %add3A_2288 = arith.addf %add3A_2261, %mul3A_2287 : vector<16xf32>
    %add3A_2289 = arith.addf %add3A_2262, %convert_element_type3A_2284 : vector<16xf32>
    %get3A_2290 = arith.constant 496 : index
    %get3A_2291 = tpu.vector_load %arg8[%get3A_2290] {strides = array<i32>} : memref<2048xf32, #tpu.memory_space<vmem>>, vector<16xf32>,
    %get3A_2292 = vector.shape_cast %get3A_2291 : vector<16xf32> to vector<16xf32>
    %get3A_2293 = arith.constant 1008 : index
    %get3A_2294 = tpu.vector_load %arg8[%get3A_2293] {strides = array<i32>} : memref<2048xf32, #tpu.memory_space<vmem>>, vector<16xf32>,
    %get3A_2295 = vector.shape_cast %get3A_2294 : vector<16xf32> to vector<16xf32>
    %get3A_2296 = arith.constant 0 : i32
    %get3A_2297 = arith.constant 3 : i32
    %get3A_2298 = arith.index_cast %get3A_2296 : i32 to index
    %get3A_2299 = arith.index_cast %get3A_2297 : i32 to index
    %get3A_2300 = arith.constant 112 : index
    %get3A_2301 = tpu.vector_load %arg9[%get3A_2298, %get3A_2299, %get3A_2300] {strides = array<i32>} : memref<2x8x128xi32, #tpu.memory_space<vmem>>, vector<1x1x16xi32>,
    %get3A_2302 = vector.shape_cast %get3A_2301 : vector<1x1x16xi32> to vector<16xi32>
    %get3A_2303 = arith.constant 0 : i32
    %get3A_2304 = arith.constant 7 : i32
    %get3A_2305 = arith.index_cast %get3A_2303 : i32 to index
    %get3A_2306 = arith.index_cast %get3A_2304 : i32 to index
    %get3A_2307 = arith.constant 112 : index
    %get3A_2308 = tpu.vector_load %arg9[%get3A_2305, %get3A_2306, %get3A_2307] {strides = array<i32>} : memref<2x8x128xi32, #tpu.memory_space<vmem>>, vector<1x1x16xi32>,
    %get3A_2309 = vector.shape_cast %get3A_2308 : vector<1x1x16xi32> to vector<16xi32>
    %mul3A_2310 = arith.muli %get3A_2302, %get3A_2309 : vector<16xi32>
    %convert_element_type3A_2311 = arith.sitofp %mul3A_2310 : vector<16xi32> to vector<16xf32>
    %sub3A_2312 = arith.subf %get3A_2295, %get3A_2292 : vector<16xf32>
    %abs3A_2313 = math.absf %sub3A_2312 : vector<16xf32>
    %mul3A_2314 = arith.mulf %abs3A_2313, %convert_element_type3A_2311 : vector<16xf32>
    %add3A_2315 = arith.addf %add3A_2288, %mul3A_2314 : vector<16xf32>
    %add3A_2316 = arith.addf %add3A_2289, %convert_element_type3A_2311 : vector<16xf32>
    %dma_wait3A_2317 = arith.constant 8 : i32
    %dma_wait3A_2318 = arith.constant 1024 : i32
    %dma_wait3A_2319 = tpu.memref_slice %arg8[%dma_wait3A_2318] : memref<2048xf32, #tpu.memory_space<vmem>> -> memref<128xf32, #tpu.memory_space<vmem>>
    %dma_wait3A_2320 = arith.constant 0 : i32
    %dma_wait3A_2321 = tpu.memref_slice %arg7[%dma_wait3A_2317, %dma_wait3A_2320] : memref<16x128xi32, #tpu.memory_space<vmem>> -> memref<1x128xi32, #tpu.memory_space<vmem>>
    %dma_wait3A_2322 = tpu.memref_squeeze %dma_wait3A_2321 : memref<1x128xi32, #tpu.memory_space<vmem>> -> memref<128xi32, #tpu.memory_space<vmem>>
    %dma_wait3A_2323 = arith.constant 0 : i32
    %dma_wait3A_2324 = tpu.memref_slice %arg2[%dma_wait3A_2323] : memref<16777216xf32, #tpu.memory_space<hbm>> -> memref<16777216xf32, #tpu.memory_space<hbm>>
    tpu.wait_indirect_dma semaphore(%arg13 : memref<!tpu.dma_semaphore, #tpu.memory_space<semaphore_mem>>) src(%dma_wait3A_2324 : memref<16777216xf32, #tpu.memory_space<hbm>>) dst(%dma_wait3A_2319 : memref<128xf32, #tpu.memory_space<vmem>>)
    %dma_wait3A_2325 = arith.constant 9 : i32
    %dma_wait3A_2326 = arith.constant 1152 : i32
    %dma_wait3A_2327 = tpu.memref_slice %arg8[%dma_wait3A_2326] : memref<2048xf32, #tpu.memory_space<vmem>> -> memref<128xf32, #tpu.memory_space<vmem>>
    %dma_wait3A_2328 = arith.constant 0 : i32
    %dma_wait3A_2329 = tpu.memref_slice %arg7[%dma_wait3A_2325, %dma_wait3A_2328] : memref<16x128xi32, #tpu.memory_space<vmem>> -> memref<1x128xi32, #tpu.memory_space<vmem>>
    %dma_wait3A_2330 = tpu.memref_squeeze %dma_wait3A_2329 : memref<1x128xi32, #tpu.memory_space<vmem>> -> memref<128xi32, #tpu.memory_space<vmem>>
    %dma_wait3A_2331 = arith.constant 0 : i32
    %dma_wait3A_2332 = tpu.memref_slice %arg2[%dma_wait3A_2331] : memref<16777216xf32, #tpu.memory_space<hbm>> -> memref<16777216xf32, #tpu.memory_space<hbm>>
    tpu.wait_indirect_dma semaphore(%arg13 : memref<!tpu.dma_semaphore, #tpu.memory_space<semaphore_mem>>) src(%dma_wait3A_2332 : memref<16777216xf32, #tpu.memory_space<hbm>>) dst(%dma_wait3A_2327 : memref<128xf32, #tpu.memory_space<vmem>>)
    %dma_wait3A_2333 = arith.constant 10 : i32
    %dma_wait3A_2334 = arith.constant 1280 : i32
    %dma_wait3A_2335 = tpu.memref_slice %arg8[%dma_wait3A_2334] : memref<2048xf32, #tpu.memory_space<vmem>> -> memref<128xf32, #tpu.memory_space<vmem>>
    %dma_wait3A_2336 = arith.constant 0 : i32
    %dma_wait3A_2337 = tpu.memref_slice %arg7[%dma_wait3A_2333, %dma_wait3A_2336] : memref<16x128xi32, #tpu.memory_space<vmem>> -> memref<1x128xi32, #tpu.memory_space<vmem>>
    %dma_wait3A_2338 = tpu.memref_squeeze %dma_wait3A_2337 : memref<1x128xi32, #tpu.memory_space<vmem>> -> memref<128xi32, #tpu.memory_space<vmem>>
    %dma_wait3A_2339 = arith.constant 0 : i32
    %dma_wait3A_2340 = tpu.memref_slice %arg2[%dma_wait3A_2339] : memref<16777216xf32, #tpu.memory_space<hbm>> -> memref<16777216xf32, #tpu.memory_space<hbm>>
    tpu.wait_indirect_dma semaphore(%arg13 : memref<!tpu.dma_semaphore, #tpu.memory_space<semaphore_mem>>) src(%dma_wait3A_2340 : memref<16777216xf32, #tpu.memory_space<hbm>>) dst(%dma_wait3A_2335 : memref<128xf32, #tpu.memory_space<vmem>>)
    %dma_wait3A_2341 = arith.constant 11 : i32
    %dma_wait3A_2342 = arith.constant 1408 : i32
    %dma_wait3A_2343 = tpu.memref_slice %arg8[%dma_wait3A_2342] : memref<2048xf32, #tpu.memory_space<vmem>> -> memref<128xf32, #tpu.memory_space<vmem>>
    %dma_wait3A_2344 = arith.constant 0 : i32
    %dma_wait3A_2345 = tpu.memref_slice %arg7[%dma_wait3A_2341, %dma_wait3A_2344] : memref<16x128xi32, #tpu.memory_space<vmem>> -> memref<1x128xi32, #tpu.memory_space<vmem>>
    %dma_wait3A_2346 = tpu.memref_squeeze %dma_wait3A_2345 : memref<1x128xi32, #tpu.memory_space<vmem>> -> memref<128xi32, #tpu.memory_space<vmem>>
    %dma_wait3A_2347 = arith.constant 0 : i32
    %dma_wait3A_2348 = tpu.memref_slice %arg2[%dma_wait3A_2347] : memref<16777216xf32, #tpu.memory_space<hbm>> -> memref<16777216xf32, #tpu.memory_space<hbm>>
    tpu.wait_indirect_dma semaphore(%arg13 : memref<!tpu.dma_semaphore, #tpu.memory_space<semaphore_mem>>) src(%dma_wait3A_2348 : memref<16777216xf32, #tpu.memory_space<hbm>>) dst(%dma_wait3A_2343 : memref<128xf32, #tpu.memory_space<vmem>>)
    %dma_wait3A_2349 = arith.constant 12 : i32
    %dma_wait3A_2350 = arith.constant 1536 : i32
    %dma_wait3A_2351 = tpu.memref_slice %arg8[%dma_wait3A_2350] : memref<2048xf32, #tpu.memory_space<vmem>> -> memref<128xf32, #tpu.memory_space<vmem>>
    %dma_wait3A_2352 = arith.constant 0 : i32
    %dma_wait3A_2353 = tpu.memref_slice %arg7[%dma_wait3A_2349, %dma_wait3A_2352] : memref<16x128xi32, #tpu.memory_space<vmem>> -> memref<1x128xi32, #tpu.memory_space<vmem>>
    %dma_wait3A_2354 = tpu.memref_squeeze %dma_wait3A_2353 : memref<1x128xi32, #tpu.memory_space<vmem>> -> memref<128xi32, #tpu.memory_space<vmem>>
    %dma_wait3A_2355 = arith.constant 0 : i32
    %dma_wait3A_2356 = tpu.memref_slice %arg2[%dma_wait3A_2355] : memref<16777216xf32, #tpu.memory_space<hbm>> -> memref<16777216xf32, #tpu.memory_space<hbm>>
    tpu.wait_indirect_dma semaphore(%arg13 : memref<!tpu.dma_semaphore, #tpu.memory_space<semaphore_mem>>) src(%dma_wait3A_2356 : memref<16777216xf32, #tpu.memory_space<hbm>>) dst(%dma_wait3A_2351 : memref<128xf32, #tpu.memory_space<vmem>>)
    %dma_wait3A_2357 = arith.constant 13 : i32
    %dma_wait3A_2358 = arith.constant 1664 : i32
    %dma_wait3A_2359 = tpu.memref_slice %arg8[%dma_wait3A_2358] : memref<2048xf32, #tpu.memory_space<vmem>> -> memref<128xf32, #tpu.memory_space<vmem>>
    %dma_wait3A_2360 = arith.constant 0 : i32
    %dma_wait3A_2361 = tpu.memref_slice %arg7[%dma_wait3A_2357, %dma_wait3A_2360] : memref<16x128xi32, #tpu.memory_space<vmem>> -> memref<1x128xi32, #tpu.memory_space<vmem>>
    %dma_wait3A_2362 = tpu.memref_squeeze %dma_wait3A_2361 : memref<1x128xi32, #tpu.memory_space<vmem>> -> memref<128xi32, #tpu.memory_space<vmem>>
    %dma_wait3A_2363 = arith.constant 0 : i32
    %dma_wait3A_2364 = tpu.memref_slice %arg2[%dma_wait3A_2363] : memref<16777216xf32, #tpu.memory_space<hbm>> -> memref<16777216xf32, #tpu.memory_space<hbm>>
    tpu.wait_indirect_dma semaphore(%arg13 : memref<!tpu.dma_semaphore, #tpu.memory_space<semaphore_mem>>) src(%dma_wait3A_2364 : memref<16777216xf32, #tpu.memory_space<hbm>>) dst(%dma_wait3A_2359 : memref<128xf32, #tpu.memory_space<vmem>>)
    %dma_wait3A_2365 = arith.constant 14 : i32
    %dma_wait3A_2366 = arith.constant 1792 : i32
    %dma_wait3A_2367 = tpu.memref_slice %arg8[%dma_wait3A_2366] : memref<2048xf32, #tpu.memory_space<vmem>> -> memref<128xf32, #tpu.memory_space<vmem>>
    %dma_wait3A_2368 = arith.constant 0 : i32
    %dma_wait3A_2369 = tpu.memref_slice %arg7[%dma_wait3A_2365, %dma_wait3A_2368] : memref<16x128xi32, #tpu.memory_space<vmem>> -> memref<1x128xi32, #tpu.memory_space<vmem>>
    %dma_wait3A_2370 = tpu.memref_squeeze %dma_wait3A_2369 : memref<1x128xi32, #tpu.memory_space<vmem>> -> memref<128xi32, #tpu.memory_space<vmem>>
    %dma_wait3A_2371 = arith.constant 0 : i32
    %dma_wait3A_2372 = tpu.memref_slice %arg2[%dma_wait3A_2371] : memref<16777216xf32, #tpu.memory_space<hbm>> -> memref<16777216xf32, #tpu.memory_space<hbm>>
    tpu.wait_indirect_dma semaphore(%arg13 : memref<!tpu.dma_semaphore, #tpu.memory_space<semaphore_mem>>) src(%dma_wait3A_2372 : memref<16777216xf32, #tpu.memory_space<hbm>>) dst(%dma_wait3A_2367 : memref<128xf32, #tpu.memory_space<vmem>>)
    %dma_wait3A_2373 = arith.constant 15 : i32
    %dma_wait3A_2374 = arith.constant 1920 : i32
    %dma_wait3A_2375 = tpu.memref_slice %arg8[%dma_wait3A_2374] : memref<2048xf32, #tpu.memory_space<vmem>> -> memref<128xf32, #tpu.memory_space<vmem>>
    %dma_wait3A_2376 = arith.constant 0 : i32
    %dma_wait3A_2377 = tpu.memref_slice %arg7[%dma_wait3A_2373, %dma_wait3A_2376] : memref<16x128xi32, #tpu.memory_space<vmem>> -> memref<1x128xi32, #tpu.memory_space<vmem>>
    %dma_wait3A_2378 = tpu.memref_squeeze %dma_wait3A_2377 : memref<1x128xi32, #tpu.memory_space<vmem>> -> memref<128xi32, #tpu.memory_space<vmem>>
    %dma_wait3A_2379 = arith.constant 0 : i32
    %dma_wait3A_2380 = tpu.memref_slice %arg2[%dma_wait3A_2379] : memref<16777216xf32, #tpu.memory_space<hbm>> -> memref<16777216xf32, #tpu.memory_space<hbm>>
    tpu.wait_indirect_dma semaphore(%arg13 : memref<!tpu.dma_semaphore, #tpu.memory_space<semaphore_mem>>) src(%dma_wait3A_2380 : memref<16777216xf32, #tpu.memory_space<hbm>>) dst(%dma_wait3A_2375 : memref<128xf32, #tpu.memory_space<vmem>>)
    %get3A_2381 = arith.constant 1024 : index
    %get3A_2382 = tpu.vector_load %arg8[%get3A_2381] {strides = array<i32>} : memref<2048xf32, #tpu.memory_space<vmem>>, vector<16xf32>,
    %get3A_2383 = vector.shape_cast %get3A_2382 : vector<16xf32> to vector<16xf32>
    %get3A_2384 = arith.constant 1536 : index
    %get3A_2385 = tpu.vector_load %arg8[%get3A_2384] {strides = array<i32>} : memref<2048xf32, #tpu.memory_space<vmem>>, vector<16xf32>,
    %get3A_2386 = vector.shape_cast %get3A_2385 : vector<16xf32> to vector<16xf32>
    %get3A_2387 = arith.constant 1 : i32
    %get3A_2388 = arith.constant 0 : i32
    %get3A_2389 = arith.index_cast %get3A_2387 : i32 to index
    %get3A_2390 = arith.index_cast %get3A_2388 : i32 to index
    %get3A_2391 = arith.constant 0 : index
    %get3A_2392 = tpu.vector_load %arg9[%get3A_2389, %get3A_2390, %get3A_2391] {strides = array<i32>} : memref<2x8x128xi32, #tpu.memory_space<vmem>>, vector<1x1x16xi32>,
    %get3A_2393 = vector.shape_cast %get3A_2392 : vector<1x1x16xi32> to vector<16xi32>
    %get3A_2394 = arith.constant 1 : i32
    %get3A_2395 = arith.constant 4 : i32
    %get3A_2396 = arith.index_cast %get3A_2394 : i32 to index
    %get3A_2397 = arith.index_cast %get3A_2395 : i32 to index
    %get3A_2398 = arith.constant 0 : index
    %get3A_2399 = tpu.vector_load %arg9[%get3A_2396, %get3A_2397, %get3A_2398] {strides = array<i32>} : memref<2x8x128xi32, #tpu.memory_space<vmem>>, vector<1x1x16xi32>,
    %get3A_2400 = vector.shape_cast %get3A_2399 : vector<1x1x16xi32> to vector<16xi32>
    %mul3A_2401 = arith.muli %get3A_2393, %get3A_2400 : vector<16xi32>
    %convert_element_type3A_2402 = arith.sitofp %mul3A_2401 : vector<16xi32> to vector<16xf32>
    %sub3A_2403 = arith.subf %get3A_2386, %get3A_2383 : vector<16xf32>
    %abs3A_2404 = math.absf %sub3A_2403 : vector<16xf32>
    %mul3A_2405 = arith.mulf %abs3A_2404, %convert_element_type3A_2402 : vector<16xf32>
    %add3A_2406 = arith.addf %add3A_2315, %mul3A_2405 : vector<16xf32>
    %add3A_2407 = arith.addf %add3A_2316, %convert_element_type3A_2402 : vector<16xf32>
    %get3A_2408 = arith.constant 1040 : index
    %get3A_2409 = tpu.vector_load %arg8[%get3A_2408] {strides = array<i32>} : memref<2048xf32, #tpu.memory_space<vmem>>, vector<16xf32>,
    %get3A_2410 = vector.shape_cast %get3A_2409 : vector<16xf32> to vector<16xf32>
    %get3A_2411 = arith.constant 1552 : index
    %get3A_2412 = tpu.vector_load %arg8[%get3A_2411] {strides = array<i32>} : memref<2048xf32, #tpu.memory_space<vmem>>, vector<16xf32>,
    %get3A_2413 = vector.shape_cast %get3A_2412 : vector<16xf32> to vector<16xf32>
    %get3A_2414 = arith.constant 1 : i32
    %get3A_2415 = arith.constant 0 : i32
    %get3A_2416 = arith.index_cast %get3A_2414 : i32 to index
    %get3A_2417 = arith.index_cast %get3A_2415 : i32 to index
    %get3A_2418 = arith.constant 16 : index
    %get3A_2419 = tpu.vector_load %arg9[%get3A_2416, %get3A_2417, %get3A_2418] {strides = array<i32>} : memref<2x8x128xi32, #tpu.memory_space<vmem>>, vector<1x1x16xi32>,
    %get3A_2420 = vector.shape_cast %get3A_2419 : vector<1x1x16xi32> to vector<16xi32>
    %get3A_2421 = arith.constant 1 : i32
    %get3A_2422 = arith.constant 4 : i32
    %get3A_2423 = arith.index_cast %get3A_2421 : i32 to index
    %get3A_2424 = arith.index_cast %get3A_2422 : i32 to index
    %get3A_2425 = arith.constant 16 : index
    %get3A_2426 = tpu.vector_load %arg9[%get3A_2423, %get3A_2424, %get3A_2425] {strides = array<i32>} : memref<2x8x128xi32, #tpu.memory_space<vmem>>, vector<1x1x16xi32>,
    %get3A_2427 = vector.shape_cast %get3A_2426 : vector<1x1x16xi32> to vector<16xi32>
    %mul3A_2428 = arith.muli %get3A_2420, %get3A_2427 : vector<16xi32>
    %convert_element_type3A_2429 = arith.sitofp %mul3A_2428 : vector<16xi32> to vector<16xf32>
    %sub3A_2430 = arith.subf %get3A_2413, %get3A_2410 : vector<16xf32>
    %abs3A_2431 = math.absf %sub3A_2430 : vector<16xf32>
    %mul3A_2432 = arith.mulf %abs3A_2431, %convert_element_type3A_2429 : vector<16xf32>
    %add3A_2433 = arith.addf %add3A_2406, %mul3A_2432 : vector<16xf32>
    %add3A_2434 = arith.addf %add3A_2407, %convert_element_type3A_2429 : vector<16xf32>
    %get3A_2435 = arith.constant 1056 : index
    %get3A_2436 = tpu.vector_load %arg8[%get3A_2435] {strides = array<i32>} : memref<2048xf32, #tpu.memory_space<vmem>>, vector<16xf32>,
    %get3A_2437 = vector.shape_cast %get3A_2436 : vector<16xf32> to vector<16xf32>
    %get3A_2438 = arith.constant 1568 : index
    %get3A_2439 = tpu.vector_load %arg8[%get3A_2438] {strides = array<i32>} : memref<2048xf32, #tpu.memory_space<vmem>>, vector<16xf32>,
    %get3A_2440 = vector.shape_cast %get3A_2439 : vector<16xf32> to vector<16xf32>
    %get3A_2441 = arith.constant 1 : i32
    %get3A_2442 = arith.constant 0 : i32
    %get3A_2443 = arith.index_cast %get3A_2441 : i32 to index
    %get3A_2444 = arith.index_cast %get3A_2442 : i32 to index
    %get3A_2445 = arith.constant 32 : index
    %get3A_2446 = tpu.vector_load %arg9[%get3A_2443, %get3A_2444, %get3A_2445] {strides = array<i32>} : memref<2x8x128xi32, #tpu.memory_space<vmem>>, vector<1x1x16xi32>,
    %get3A_2447 = vector.shape_cast %get3A_2446 : vector<1x1x16xi32> to vector<16xi32>
    %get3A_2448 = arith.constant 1 : i32
    %get3A_2449 = arith.constant 4 : i32
    %get3A_2450 = arith.index_cast %get3A_2448 : i32 to index
    %get3A_2451 = arith.index_cast %get3A_2449 : i32 to index
    %get3A_2452 = arith.constant 32 : index
    %get3A_2453 = tpu.vector_load %arg9[%get3A_2450, %get3A_2451, %get3A_2452] {strides = array<i32>} : memref<2x8x128xi32, #tpu.memory_space<vmem>>, vector<1x1x16xi32>,
    %get3A_2454 = vector.shape_cast %get3A_2453 : vector<1x1x16xi32> to vector<16xi32>
    %mul3A_2455 = arith.muli %get3A_2447, %get3A_2454 : vector<16xi32>
    %convert_element_type3A_2456 = arith.sitofp %mul3A_2455 : vector<16xi32> to vector<16xf32>
    %sub3A_2457 = arith.subf %get3A_2440, %get3A_2437 : vector<16xf32>
    %abs3A_2458 = math.absf %sub3A_2457 : vector<16xf32>
    %mul3A_2459 = arith.mulf %abs3A_2458, %convert_element_type3A_2456 : vector<16xf32>
    %add3A_2460 = arith.addf %add3A_2433, %mul3A_2459 : vector<16xf32>
    %add3A_2461 = arith.addf %add3A_2434, %convert_element_type3A_2456 : vector<16xf32>
    %get3A_2462 = arith.constant 1072 : index
    %get3A_2463 = tpu.vector_load %arg8[%get3A_2462] {strides = array<i32>} : memref<2048xf32, #tpu.memory_space<vmem>>, vector<16xf32>,
    %get3A_2464 = vector.shape_cast %get3A_2463 : vector<16xf32> to vector<16xf32>
    %get3A_2465 = arith.constant 1584 : index
    %get3A_2466 = tpu.vector_load %arg8[%get3A_2465] {strides = array<i32>} : memref<2048xf32, #tpu.memory_space<vmem>>, vector<16xf32>,
    %get3A_2467 = vector.shape_cast %get3A_2466 : vector<16xf32> to vector<16xf32>
    %get3A_2468 = arith.constant 1 : i32
    %get3A_2469 = arith.constant 0 : i32
    %get3A_2470 = arith.index_cast %get3A_2468 : i32 to index
    %get3A_2471 = arith.index_cast %get3A_2469 : i32 to index
    %get3A_2472 = arith.constant 48 : index
    %get3A_2473 = tpu.vector_load %arg9[%get3A_2470, %get3A_2471, %get3A_2472] {strides = array<i32>} : memref<2x8x128xi32, #tpu.memory_space<vmem>>, vector<1x1x16xi32>,
    %get3A_2474 = vector.shape_cast %get3A_2473 : vector<1x1x16xi32> to vector<16xi32>
    %get3A_2475 = arith.constant 1 : i32
    %get3A_2476 = arith.constant 4 : i32
    %get3A_2477 = arith.index_cast %get3A_2475 : i32 to index
    %get3A_2478 = arith.index_cast %get3A_2476 : i32 to index
    %get3A_2479 = arith.constant 48 : index
    %get3A_2480 = tpu.vector_load %arg9[%get3A_2477, %get3A_2478, %get3A_2479] {strides = array<i32>} : memref<2x8x128xi32, #tpu.memory_space<vmem>>, vector<1x1x16xi32>,
    %get3A_2481 = vector.shape_cast %get3A_2480 : vector<1x1x16xi32> to vector<16xi32>
    %mul3A_2482 = arith.muli %get3A_2474, %get3A_2481 : vector<16xi32>
    %convert_element_type3A_2483 = arith.sitofp %mul3A_2482 : vector<16xi32> to vector<16xf32>
    %sub3A_2484 = arith.subf %get3A_2467, %get3A_2464 : vector<16xf32>
    %abs3A_2485 = math.absf %sub3A_2484 : vector<16xf32>
    %mul3A_2486 = arith.mulf %abs3A_2485, %convert_element_type3A_2483 : vector<16xf32>
    %add3A_2487 = arith.addf %add3A_2460, %mul3A_2486 : vector<16xf32>
    %add3A_2488 = arith.addf %add3A_2461, %convert_element_type3A_2483 : vector<16xf32>
    %get3A_2489 = arith.constant 1088 : index
    %get3A_2490 = tpu.vector_load %arg8[%get3A_2489] {strides = array<i32>} : memref<2048xf32, #tpu.memory_space<vmem>>, vector<16xf32>,
    %get3A_2491 = vector.shape_cast %get3A_2490 : vector<16xf32> to vector<16xf32>
    %get3A_2492 = arith.constant 1600 : index
    %get3A_2493 = tpu.vector_load %arg8[%get3A_2492] {strides = array<i32>} : memref<2048xf32, #tpu.memory_space<vmem>>, vector<16xf32>,
    %get3A_2494 = vector.shape_cast %get3A_2493 : vector<16xf32> to vector<16xf32>
    %get3A_2495 = arith.constant 1 : i32
    %get3A_2496 = arith.constant 0 : i32
    %get3A_2497 = arith.index_cast %get3A_2495 : i32 to index
    %get3A_2498 = arith.index_cast %get3A_2496 : i32 to index
    %get3A_2499 = arith.constant 64 : index
    %get3A_2500 = tpu.vector_load %arg9[%get3A_2497, %get3A_2498, %get3A_2499] {strides = array<i32>} : memref<2x8x128xi32, #tpu.memory_space<vmem>>, vector<1x1x16xi32>,
    %get3A_2501 = vector.shape_cast %get3A_2500 : vector<1x1x16xi32> to vector<16xi32>
    %get3A_2502 = arith.constant 1 : i32
    %get3A_2503 = arith.constant 4 : i32
    %get3A_2504 = arith.index_cast %get3A_2502 : i32 to index
    %get3A_2505 = arith.index_cast %get3A_2503 : i32 to index
    %get3A_2506 = arith.constant 64 : index
    %get3A_2507 = tpu.vector_load %arg9[%get3A_2504, %get3A_2505, %get3A_2506] {strides = array<i32>} : memref<2x8x128xi32, #tpu.memory_space<vmem>>, vector<1x1x16xi32>,
    %get3A_2508 = vector.shape_cast %get3A_2507 : vector<1x1x16xi32> to vector<16xi32>
    %mul3A_2509 = arith.muli %get3A_2501, %get3A_2508 : vector<16xi32>
    %convert_element_type3A_2510 = arith.sitofp %mul3A_2509 : vector<16xi32> to vector<16xf32>
    %sub3A_2511 = arith.subf %get3A_2494, %get3A_2491 : vector<16xf32>
    %abs3A_2512 = math.absf %sub3A_2511 : vector<16xf32>
    %mul3A_2513 = arith.mulf %abs3A_2512, %convert_element_type3A_2510 : vector<16xf32>
    %add3A_2514 = arith.addf %add3A_2487, %mul3A_2513 : vector<16xf32>
    %add3A_2515 = arith.addf %add3A_2488, %convert_element_type3A_2510 : vector<16xf32>
    %get3A_2516 = arith.constant 1104 : index
    %get3A_2517 = tpu.vector_load %arg8[%get3A_2516] {strides = array<i32>} : memref<2048xf32, #tpu.memory_space<vmem>>, vector<16xf32>,
    %get3A_2518 = vector.shape_cast %get3A_2517 : vector<16xf32> to vector<16xf32>
    %get3A_2519 = arith.constant 1616 : index
    %get3A_2520 = tpu.vector_load %arg8[%get3A_2519] {strides = array<i32>} : memref<2048xf32, #tpu.memory_space<vmem>>, vector<16xf32>,
    %get3A_2521 = vector.shape_cast %get3A_2520 : vector<16xf32> to vector<16xf32>
    %get3A_2522 = arith.constant 1 : i32
    %get3A_2523 = arith.constant 0 : i32
    %get3A_2524 = arith.index_cast %get3A_2522 : i32 to index
    %get3A_2525 = arith.index_cast %get3A_2523 : i32 to index
    %get3A_2526 = arith.constant 80 : index
    %get3A_2527 = tpu.vector_load %arg9[%get3A_2524, %get3A_2525, %get3A_2526] {strides = array<i32>} : memref<2x8x128xi32, #tpu.memory_space<vmem>>, vector<1x1x16xi32>,
    %get3A_2528 = vector.shape_cast %get3A_2527 : vector<1x1x16xi32> to vector<16xi32>
    %get3A_2529 = arith.constant 1 : i32
    %get3A_2530 = arith.constant 4 : i32
    %get3A_2531 = arith.index_cast %get3A_2529 : i32 to index
    %get3A_2532 = arith.index_cast %get3A_2530 : i32 to index
    %get3A_2533 = arith.constant 80 : index
    %get3A_2534 = tpu.vector_load %arg9[%get3A_2531, %get3A_2532, %get3A_2533] {strides = array<i32>} : memref<2x8x128xi32, #tpu.memory_space<vmem>>, vector<1x1x16xi32>,
    %get3A_2535 = vector.shape_cast %get3A_2534 : vector<1x1x16xi32> to vector<16xi32>
    %mul3A_2536 = arith.muli %get3A_2528, %get3A_2535 : vector<16xi32>
    %convert_element_type3A_2537 = arith.sitofp %mul3A_2536 : vector<16xi32> to vector<16xf32>
    %sub3A_2538 = arith.subf %get3A_2521, %get3A_2518 : vector<16xf32>
    %abs3A_2539 = math.absf %sub3A_2538 : vector<16xf32>
    %mul3A_2540 = arith.mulf %abs3A_2539, %convert_element_type3A_2537 : vector<16xf32>
    %add3A_2541 = arith.addf %add3A_2514, %mul3A_2540 : vector<16xf32>
    %add3A_2542 = arith.addf %add3A_2515, %convert_element_type3A_2537 : vector<16xf32>
    %get3A_2543 = arith.constant 1120 : index
    %get3A_2544 = tpu.vector_load %arg8[%get3A_2543] {strides = array<i32>} : memref<2048xf32, #tpu.memory_space<vmem>>, vector<16xf32>,
    %get3A_2545 = vector.shape_cast %get3A_2544 : vector<16xf32> to vector<16xf32>
    %get3A_2546 = arith.constant 1632 : index
    %get3A_2547 = tpu.vector_load %arg8[%get3A_2546] {strides = array<i32>} : memref<2048xf32, #tpu.memory_space<vmem>>, vector<16xf32>,
    %get3A_2548 = vector.shape_cast %get3A_2547 : vector<16xf32> to vector<16xf32>
    %get3A_2549 = arith.constant 1 : i32
    %get3A_2550 = arith.constant 0 : i32
    %get3A_2551 = arith.index_cast %get3A_2549 : i32 to index
    %get3A_2552 = arith.index_cast %get3A_2550 : i32 to index
    %get3A_2553 = arith.constant 96 : index
    %get3A_2554 = tpu.vector_load %arg9[%get3A_2551, %get3A_2552, %get3A_2553] {strides = array<i32>} : memref<2x8x128xi32, #tpu.memory_space<vmem>>, vector<1x1x16xi32>,
    %get3A_2555 = vector.shape_cast %get3A_2554 : vector<1x1x16xi32> to vector<16xi32>
    %get3A_2556 = arith.constant 1 : i32
    %get3A_2557 = arith.constant 4 : i32
    %get3A_2558 = arith.index_cast %get3A_2556 : i32 to index
    %get3A_2559 = arith.index_cast %get3A_2557 : i32 to index
    %get3A_2560 = arith.constant 96 : index
    %get3A_2561 = tpu.vector_load %arg9[%get3A_2558, %get3A_2559, %get3A_2560] {strides = array<i32>} : memref<2x8x128xi32, #tpu.memory_space<vmem>>, vector<1x1x16xi32>,
    %get3A_2562 = vector.shape_cast %get3A_2561 : vector<1x1x16xi32> to vector<16xi32>
    %mul3A_2563 = arith.muli %get3A_2555, %get3A_2562 : vector<16xi32>
    %convert_element_type3A_2564 = arith.sitofp %mul3A_2563 : vector<16xi32> to vector<16xf32>
    %sub3A_2565 = arith.subf %get3A_2548, %get3A_2545 : vector<16xf32>
    %abs3A_2566 = math.absf %sub3A_2565 : vector<16xf32>
    %mul3A_2567 = arith.mulf %abs3A_2566, %convert_element_type3A_2564 : vector<16xf32>
    %add3A_2568 = arith.addf %add3A_2541, %mul3A_2567 : vector<16xf32>
    %add3A_2569 = arith.addf %add3A_2542, %convert_element_type3A_2564 : vector<16xf32>
    %get3A_2570 = arith.constant 1136 : index
    %get3A_2571 = tpu.vector_load %arg8[%get3A_2570] {strides = array<i32>} : memref<2048xf32, #tpu.memory_space<vmem>>, vector<16xf32>,
    %get3A_2572 = vector.shape_cast %get3A_2571 : vector<16xf32> to vector<16xf32>
    %get3A_2573 = arith.constant 1648 : index
    %get3A_2574 = tpu.vector_load %arg8[%get3A_2573] {strides = array<i32>} : memref<2048xf32, #tpu.memory_space<vmem>>, vector<16xf32>,
    %get3A_2575 = vector.shape_cast %get3A_2574 : vector<16xf32> to vector<16xf32>
    %get3A_2576 = arith.constant 1 : i32
    %get3A_2577 = arith.constant 0 : i32
    %get3A_2578 = arith.index_cast %get3A_2576 : i32 to index
    %get3A_2579 = arith.index_cast %get3A_2577 : i32 to index
    %get3A_2580 = arith.constant 112 : index
    %get3A_2581 = tpu.vector_load %arg9[%get3A_2578, %get3A_2579, %get3A_2580] {strides = array<i32>} : memref<2x8x128xi32, #tpu.memory_space<vmem>>, vector<1x1x16xi32>,
    %get3A_2582 = vector.shape_cast %get3A_2581 : vector<1x1x16xi32> to vector<16xi32>
    %get3A_2583 = arith.constant 1 : i32
    %get3A_2584 = arith.constant 4 : i32
    %get3A_2585 = arith.index_cast %get3A_2583 : i32 to index
    %get3A_2586 = arith.index_cast %get3A_2584 : i32 to index
    %get3A_2587 = arith.constant 112 : index
    %get3A_2588 = tpu.vector_load %arg9[%get3A_2585, %get3A_2586, %get3A_2587] {strides = array<i32>} : memref<2x8x128xi32, #tpu.memory_space<vmem>>, vector<1x1x16xi32>,
    %get3A_2589 = vector.shape_cast %get3A_2588 : vector<1x1x16xi32> to vector<16xi32>
    %mul3A_2590 = arith.muli %get3A_2582, %get3A_2589 : vector<16xi32>
    %convert_element_type3A_2591 = arith.sitofp %mul3A_2590 : vector<16xi32> to vector<16xf32>
    %sub3A_2592 = arith.subf %get3A_2575, %get3A_2572 : vector<16xf32>
    %abs3A_2593 = math.absf %sub3A_2592 : vector<16xf32>
    %mul3A_2594 = arith.mulf %abs3A_2593, %convert_element_type3A_2591 : vector<16xf32>
    %add3A_2595 = arith.addf %add3A_2568, %mul3A_2594 : vector<16xf32>
    %add3A_2596 = arith.addf %add3A_2569, %convert_element_type3A_2591 : vector<16xf32>
    %get3A_2597 = arith.constant 1152 : index
    %get3A_2598 = tpu.vector_load %arg8[%get3A_2597] {strides = array<i32>} : memref<2048xf32, #tpu.memory_space<vmem>>, vector<16xf32>,
    %get3A_2599 = vector.shape_cast %get3A_2598 : vector<16xf32> to vector<16xf32>
    %get3A_2600 = arith.constant 1664 : index
    %get3A_2601 = tpu.vector_load %arg8[%get3A_2600] {strides = array<i32>} : memref<2048xf32, #tpu.memory_space<vmem>>, vector<16xf32>,
    %get3A_2602 = vector.shape_cast %get3A_2601 : vector<16xf32> to vector<16xf32>
    %get3A_2603 = arith.constant 1 : i32
    %get3A_2604 = arith.constant 1 : i32
    %get3A_2605 = arith.index_cast %get3A_2603 : i32 to index
    %get3A_2606 = arith.index_cast %get3A_2604 : i32 to index
    %get3A_2607 = arith.constant 0 : index
    %get3A_2608 = tpu.vector_load %arg9[%get3A_2605, %get3A_2606, %get3A_2607] {strides = array<i32>} : memref<2x8x128xi32, #tpu.memory_space<vmem>>, vector<1x1x16xi32>,
    %get3A_2609 = vector.shape_cast %get3A_2608 : vector<1x1x16xi32> to vector<16xi32>
    %get3A_2610 = arith.constant 1 : i32
    %get3A_2611 = arith.constant 5 : i32
    %get3A_2612 = arith.index_cast %get3A_2610 : i32 to index
    %get3A_2613 = arith.index_cast %get3A_2611 : i32 to index
    %get3A_2614 = arith.constant 0 : index
    %get3A_2615 = tpu.vector_load %arg9[%get3A_2612, %get3A_2613, %get3A_2614] {strides = array<i32>} : memref<2x8x128xi32, #tpu.memory_space<vmem>>, vector<1x1x16xi32>,
    %get3A_2616 = vector.shape_cast %get3A_2615 : vector<1x1x16xi32> to vector<16xi32>
    %mul3A_2617 = arith.muli %get3A_2609, %get3A_2616 : vector<16xi32>
    %convert_element_type3A_2618 = arith.sitofp %mul3A_2617 : vector<16xi32> to vector<16xf32>
    %sub3A_2619 = arith.subf %get3A_2602, %get3A_2599 : vector<16xf32>
    %abs3A_2620 = math.absf %sub3A_2619 : vector<16xf32>
    %mul3A_2621 = arith.mulf %abs3A_2620, %convert_element_type3A_2618 : vector<16xf32>
    %add3A_2622 = arith.addf %add3A_2595, %mul3A_2621 : vector<16xf32>
    %add3A_2623 = arith.addf %add3A_2596, %convert_element_type3A_2618 : vector<16xf32>
    %get3A_2624 = arith.constant 1168 : index
    %get3A_2625 = tpu.vector_load %arg8[%get3A_2624] {strides = array<i32>} : memref<2048xf32, #tpu.memory_space<vmem>>, vector<16xf32>,
    %get3A_2626 = vector.shape_cast %get3A_2625 : vector<16xf32> to vector<16xf32>
    %get3A_2627 = arith.constant 1680 : index
    %get3A_2628 = tpu.vector_load %arg8[%get3A_2627] {strides = array<i32>} : memref<2048xf32, #tpu.memory_space<vmem>>, vector<16xf32>,
    %get3A_2629 = vector.shape_cast %get3A_2628 : vector<16xf32> to vector<16xf32>
    %get3A_2630 = arith.constant 1 : i32
    %get3A_2631 = arith.constant 1 : i32
    %get3A_2632 = arith.index_cast %get3A_2630 : i32 to index
    %get3A_2633 = arith.index_cast %get3A_2631 : i32 to index
    %get3A_2634 = arith.constant 16 : index
    %get3A_2635 = tpu.vector_load %arg9[%get3A_2632, %get3A_2633, %get3A_2634] {strides = array<i32>} : memref<2x8x128xi32, #tpu.memory_space<vmem>>, vector<1x1x16xi32>,
    %get3A_2636 = vector.shape_cast %get3A_2635 : vector<1x1x16xi32> to vector<16xi32>
    %get3A_2637 = arith.constant 1 : i32
    %get3A_2638 = arith.constant 5 : i32
    %get3A_2639 = arith.index_cast %get3A_2637 : i32 to index
    %get3A_2640 = arith.index_cast %get3A_2638 : i32 to index
    %get3A_2641 = arith.constant 16 : index
    %get3A_2642 = tpu.vector_load %arg9[%get3A_2639, %get3A_2640, %get3A_2641] {strides = array<i32>} : memref<2x8x128xi32, #tpu.memory_space<vmem>>, vector<1x1x16xi32>,
    %get3A_2643 = vector.shape_cast %get3A_2642 : vector<1x1x16xi32> to vector<16xi32>
    %mul3A_2644 = arith.muli %get3A_2636, %get3A_2643 : vector<16xi32>
    %convert_element_type3A_2645 = arith.sitofp %mul3A_2644 : vector<16xi32> to vector<16xf32>
    %sub3A_2646 = arith.subf %get3A_2629, %get3A_2626 : vector<16xf32>
    %abs3A_2647 = math.absf %sub3A_2646 : vector<16xf32>
    %mul3A_2648 = arith.mulf %abs3A_2647, %convert_element_type3A_2645 : vector<16xf32>
    %add3A_2649 = arith.addf %add3A_2622, %mul3A_2648 : vector<16xf32>
    %add3A_2650 = arith.addf %add3A_2623, %convert_element_type3A_2645 : vector<16xf32>
    %get3A_2651 = arith.constant 1184 : index
    %get3A_2652 = tpu.vector_load %arg8[%get3A_2651] {strides = array<i32>} : memref<2048xf32, #tpu.memory_space<vmem>>, vector<16xf32>,
    %get3A_2653 = vector.shape_cast %get3A_2652 : vector<16xf32> to vector<16xf32>
    %get3A_2654 = arith.constant 1696 : index
    %get3A_2655 = tpu.vector_load %arg8[%get3A_2654] {strides = array<i32>} : memref<2048xf32, #tpu.memory_space<vmem>>, vector<16xf32>,
    %get3A_2656 = vector.shape_cast %get3A_2655 : vector<16xf32> to vector<16xf32>
    %get3A_2657 = arith.constant 1 : i32
    %get3A_2658 = arith.constant 1 : i32
    %get3A_2659 = arith.index_cast %get3A_2657 : i32 to index
    %get3A_2660 = arith.index_cast %get3A_2658 : i32 to index
    %get3A_2661 = arith.constant 32 : index
    %get3A_2662 = tpu.vector_load %arg9[%get3A_2659, %get3A_2660, %get3A_2661] {strides = array<i32>} : memref<2x8x128xi32, #tpu.memory_space<vmem>>, vector<1x1x16xi32>,
    %get3A_2663 = vector.shape_cast %get3A_2662 : vector<1x1x16xi32> to vector<16xi32>
    %get3A_2664 = arith.constant 1 : i32
    %get3A_2665 = arith.constant 5 : i32
    %get3A_2666 = arith.index_cast %get3A_2664 : i32 to index
    %get3A_2667 = arith.index_cast %get3A_2665 : i32 to index
    %get3A_2668 = arith.constant 32 : index
    %get3A_2669 = tpu.vector_load %arg9[%get3A_2666, %get3A_2667, %get3A_2668] {strides = array<i32>} : memref<2x8x128xi32, #tpu.memory_space<vmem>>, vector<1x1x16xi32>,
    %get3A_2670 = vector.shape_cast %get3A_2669 : vector<1x1x16xi32> to vector<16xi32>
    %mul3A_2671 = arith.muli %get3A_2663, %get3A_2670 : vector<16xi32>
    %convert_element_type3A_2672 = arith.sitofp %mul3A_2671 : vector<16xi32> to vector<16xf32>
    %sub3A_2673 = arith.subf %get3A_2656, %get3A_2653 : vector<16xf32>
    %abs3A_2674 = math.absf %sub3A_2673 : vector<16xf32>
    %mul3A_2675 = arith.mulf %abs3A_2674, %convert_element_type3A_2672 : vector<16xf32>
    %add3A_2676 = arith.addf %add3A_2649, %mul3A_2675 : vector<16xf32>
    %add3A_2677 = arith.addf %add3A_2650, %convert_element_type3A_2672 : vector<16xf32>
    %get3A_2678 = arith.constant 1200 : index
    %get3A_2679 = tpu.vector_load %arg8[%get3A_2678] {strides = array<i32>} : memref<2048xf32, #tpu.memory_space<vmem>>, vector<16xf32>,
    %get3A_2680 = vector.shape_cast %get3A_2679 : vector<16xf32> to vector<16xf32>
    %get3A_2681 = arith.constant 1712 : index
    %get3A_2682 = tpu.vector_load %arg8[%get3A_2681] {strides = array<i32>} : memref<2048xf32, #tpu.memory_space<vmem>>, vector<16xf32>,
    %get3A_2683 = vector.shape_cast %get3A_2682 : vector<16xf32> to vector<16xf32>
    %get3A_2684 = arith.constant 1 : i32
    %get3A_2685 = arith.constant 1 : i32
    %get3A_2686 = arith.index_cast %get3A_2684 : i32 to index
    %get3A_2687 = arith.index_cast %get3A_2685 : i32 to index
    %get3A_2688 = arith.constant 48 : index
    %get3A_2689 = tpu.vector_load %arg9[%get3A_2686, %get3A_2687, %get3A_2688] {strides = array<i32>} : memref<2x8x128xi32, #tpu.memory_space<vmem>>, vector<1x1x16xi32>,
    %get3A_2690 = vector.shape_cast %get3A_2689 : vector<1x1x16xi32> to vector<16xi32>
    %get3A_2691 = arith.constant 1 : i32
    %get3A_2692 = arith.constant 5 : i32
    %get3A_2693 = arith.index_cast %get3A_2691 : i32 to index
    %get3A_2694 = arith.index_cast %get3A_2692 : i32 to index
    %get3A_2695 = arith.constant 48 : index
    %get3A_2696 = tpu.vector_load %arg9[%get3A_2693, %get3A_2694, %get3A_2695] {strides = array<i32>} : memref<2x8x128xi32, #tpu.memory_space<vmem>>, vector<1x1x16xi32>,
    %get3A_2697 = vector.shape_cast %get3A_2696 : vector<1x1x16xi32> to vector<16xi32>
    %mul3A_2698 = arith.muli %get3A_2690, %get3A_2697 : vector<16xi32>
    %convert_element_type3A_2699 = arith.sitofp %mul3A_2698 : vector<16xi32> to vector<16xf32>
    %sub3A_2700 = arith.subf %get3A_2683, %get3A_2680 : vector<16xf32>
    %abs3A_2701 = math.absf %sub3A_2700 : vector<16xf32>
    %mul3A_2702 = arith.mulf %abs3A_2701, %convert_element_type3A_2699 : vector<16xf32>
    %add3A_2703 = arith.addf %add3A_2676, %mul3A_2702 : vector<16xf32>
    %add3A_2704 = arith.addf %add3A_2677, %convert_element_type3A_2699 : vector<16xf32>
    %get3A_2705 = arith.constant 1216 : index
    %get3A_2706 = tpu.vector_load %arg8[%get3A_2705] {strides = array<i32>} : memref<2048xf32, #tpu.memory_space<vmem>>, vector<16xf32>,
    %get3A_2707 = vector.shape_cast %get3A_2706 : vector<16xf32> to vector<16xf32>
    %get3A_2708 = arith.constant 1728 : index
    %get3A_2709 = tpu.vector_load %arg8[%get3A_2708] {strides = array<i32>} : memref<2048xf32, #tpu.memory_space<vmem>>, vector<16xf32>,
    %get3A_2710 = vector.shape_cast %get3A_2709 : vector<16xf32> to vector<16xf32>
    %get3A_2711 = arith.constant 1 : i32
    %get3A_2712 = arith.constant 1 : i32
    %get3A_2713 = arith.index_cast %get3A_2711 : i32 to index
    %get3A_2714 = arith.index_cast %get3A_2712 : i32 to index
    %get3A_2715 = arith.constant 64 : index
    %get3A_2716 = tpu.vector_load %arg9[%get3A_2713, %get3A_2714, %get3A_2715] {strides = array<i32>} : memref<2x8x128xi32, #tpu.memory_space<vmem>>, vector<1x1x16xi32>,
    %get3A_2717 = vector.shape_cast %get3A_2716 : vector<1x1x16xi32> to vector<16xi32>
    %get3A_2718 = arith.constant 1 : i32
    %get3A_2719 = arith.constant 5 : i32
    %get3A_2720 = arith.index_cast %get3A_2718 : i32 to index
    %get3A_2721 = arith.index_cast %get3A_2719 : i32 to index
    %get3A_2722 = arith.constant 64 : index
    %get3A_2723 = tpu.vector_load %arg9[%get3A_2720, %get3A_2721, %get3A_2722] {strides = array<i32>} : memref<2x8x128xi32, #tpu.memory_space<vmem>>, vector<1x1x16xi32>,
    %get3A_2724 = vector.shape_cast %get3A_2723 : vector<1x1x16xi32> to vector<16xi32>
    %mul3A_2725 = arith.muli %get3A_2717, %get3A_2724 : vector<16xi32>
    %convert_element_type3A_2726 = arith.sitofp %mul3A_2725 : vector<16xi32> to vector<16xf32>
    %sub3A_2727 = arith.subf %get3A_2710, %get3A_2707 : vector<16xf32>
    %abs3A_2728 = math.absf %sub3A_2727 : vector<16xf32>
    %mul3A_2729 = arith.mulf %abs3A_2728, %convert_element_type3A_2726 : vector<16xf32>
    %add3A_2730 = arith.addf %add3A_2703, %mul3A_2729 : vector<16xf32>
    %add3A_2731 = arith.addf %add3A_2704, %convert_element_type3A_2726 : vector<16xf32>
    %get3A_2732 = arith.constant 1232 : index
    %get3A_2733 = tpu.vector_load %arg8[%get3A_2732] {strides = array<i32>} : memref<2048xf32, #tpu.memory_space<vmem>>, vector<16xf32>,
    %get3A_2734 = vector.shape_cast %get3A_2733 : vector<16xf32> to vector<16xf32>
    %get3A_2735 = arith.constant 1744 : index
    %get3A_2736 = tpu.vector_load %arg8[%get3A_2735] {strides = array<i32>} : memref<2048xf32, #tpu.memory_space<vmem>>, vector<16xf32>,
    %get3A_2737 = vector.shape_cast %get3A_2736 : vector<16xf32> to vector<16xf32>
    %get3A_2738 = arith.constant 1 : i32
    %get3A_2739 = arith.constant 1 : i32
    %get3A_2740 = arith.index_cast %get3A_2738 : i32 to index
    %get3A_2741 = arith.index_cast %get3A_2739 : i32 to index
    %get3A_2742 = arith.constant 80 : index
    %get3A_2743 = tpu.vector_load %arg9[%get3A_2740, %get3A_2741, %get3A_2742] {strides = array<i32>} : memref<2x8x128xi32, #tpu.memory_space<vmem>>, vector<1x1x16xi32>,
    %get3A_2744 = vector.shape_cast %get3A_2743 : vector<1x1x16xi32> to vector<16xi32>
    %get3A_2745 = arith.constant 1 : i32
    %get3A_2746 = arith.constant 5 : i32
    %get3A_2747 = arith.index_cast %get3A_2745 : i32 to index
    %get3A_2748 = arith.index_cast %get3A_2746 : i32 to index
    %get3A_2749 = arith.constant 80 : index
    %get3A_2750 = tpu.vector_load %arg9[%get3A_2747, %get3A_2748, %get3A_2749] {strides = array<i32>} : memref<2x8x128xi32, #tpu.memory_space<vmem>>, vector<1x1x16xi32>,
    %get3A_2751 = vector.shape_cast %get3A_2750 : vector<1x1x16xi32> to vector<16xi32>
    %mul3A_2752 = arith.muli %get3A_2744, %get3A_2751 : vector<16xi32>
    %convert_element_type3A_2753 = arith.sitofp %mul3A_2752 : vector<16xi32> to vector<16xf32>
    %sub3A_2754 = arith.subf %get3A_2737, %get3A_2734 : vector<16xf32>
    %abs3A_2755 = math.absf %sub3A_2754 : vector<16xf32>
    %mul3A_2756 = arith.mulf %abs3A_2755, %convert_element_type3A_2753 : vector<16xf32>
    %add3A_2757 = arith.addf %add3A_2730, %mul3A_2756 : vector<16xf32>
    %add3A_2758 = arith.addf %add3A_2731, %convert_element_type3A_2753 : vector<16xf32>
    %get3A_2759 = arith.constant 1248 : index
    %get3A_2760 = tpu.vector_load %arg8[%get3A_2759] {strides = array<i32>} : memref<2048xf32, #tpu.memory_space<vmem>>, vector<16xf32>,
    %get3A_2761 = vector.shape_cast %get3A_2760 : vector<16xf32> to vector<16xf32>
    %get3A_2762 = arith.constant 1760 : index
    %get3A_2763 = tpu.vector_load %arg8[%get3A_2762] {strides = array<i32>} : memref<2048xf32, #tpu.memory_space<vmem>>, vector<16xf32>,
    %get3A_2764 = vector.shape_cast %get3A_2763 : vector<16xf32> to vector<16xf32>
    %get3A_2765 = arith.constant 1 : i32
    %get3A_2766 = arith.constant 1 : i32
    %get3A_2767 = arith.index_cast %get3A_2765 : i32 to index
    %get3A_2768 = arith.index_cast %get3A_2766 : i32 to index
    %get3A_2769 = arith.constant 96 : index
    %get3A_2770 = tpu.vector_load %arg9[%get3A_2767, %get3A_2768, %get3A_2769] {strides = array<i32>} : memref<2x8x128xi32, #tpu.memory_space<vmem>>, vector<1x1x16xi32>,
    %get3A_2771 = vector.shape_cast %get3A_2770 : vector<1x1x16xi32> to vector<16xi32>
    %get3A_2772 = arith.constant 1 : i32
    %get3A_2773 = arith.constant 5 : i32
    %get3A_2774 = arith.index_cast %get3A_2772 : i32 to index
    %get3A_2775 = arith.index_cast %get3A_2773 : i32 to index
    %get3A_2776 = arith.constant 96 : index
    %get3A_2777 = tpu.vector_load %arg9[%get3A_2774, %get3A_2775, %get3A_2776] {strides = array<i32>} : memref<2x8x128xi32, #tpu.memory_space<vmem>>, vector<1x1x16xi32>,
    %get3A_2778 = vector.shape_cast %get3A_2777 : vector<1x1x16xi32> to vector<16xi32>
    %mul3A_2779 = arith.muli %get3A_2771, %get3A_2778 : vector<16xi32>
    %convert_element_type3A_2780 = arith.sitofp %mul3A_2779 : vector<16xi32> to vector<16xf32>
    %sub3A_2781 = arith.subf %get3A_2764, %get3A_2761 : vector<16xf32>
    %abs3A_2782 = math.absf %sub3A_2781 : vector<16xf32>
    %mul3A_2783 = arith.mulf %abs3A_2782, %convert_element_type3A_2780 : vector<16xf32>
    %add3A_2784 = arith.addf %add3A_2757, %mul3A_2783 : vector<16xf32>
    %add3A_2785 = arith.addf %add3A_2758, %convert_element_type3A_2780 : vector<16xf32>
    %get3A_2786 = arith.constant 1264 : index
    %get3A_2787 = tpu.vector_load %arg8[%get3A_2786] {strides = array<i32>} : memref<2048xf32, #tpu.memory_space<vmem>>, vector<16xf32>,
    %get3A_2788 = vector.shape_cast %get3A_2787 : vector<16xf32> to vector<16xf32>
    %get3A_2789 = arith.constant 1776 : index
    %get3A_2790 = tpu.vector_load %arg8[%get3A_2789] {strides = array<i32>} : memref<2048xf32, #tpu.memory_space<vmem>>, vector<16xf32>,
    %get3A_2791 = vector.shape_cast %get3A_2790 : vector<16xf32> to vector<16xf32>
    %get3A_2792 = arith.constant 1 : i32
    %get3A_2793 = arith.constant 1 : i32
    %get3A_2794 = arith.index_cast %get3A_2792 : i32 to index
    %get3A_2795 = arith.index_cast %get3A_2793 : i32 to index
    %get3A_2796 = arith.constant 112 : index
    %get3A_2797 = tpu.vector_load %arg9[%get3A_2794, %get3A_2795, %get3A_2796] {strides = array<i32>} : memref<2x8x128xi32, #tpu.memory_space<vmem>>, vector<1x1x16xi32>,
    %get3A_2798 = vector.shape_cast %get3A_2797 : vector<1x1x16xi32> to vector<16xi32>
    %get3A_2799 = arith.constant 1 : i32
    %get3A_2800 = arith.constant 5 : i32
    %get3A_2801 = arith.index_cast %get3A_2799 : i32 to index
    %get3A_2802 = arith.index_cast %get3A_2800 : i32 to index
    %get3A_2803 = arith.constant 112 : index
    %get3A_2804 = tpu.vector_load %arg9[%get3A_2801, %get3A_2802, %get3A_2803] {strides = array<i32>} : memref<2x8x128xi32, #tpu.memory_space<vmem>>, vector<1x1x16xi32>,
    %get3A_2805 = vector.shape_cast %get3A_2804 : vector<1x1x16xi32> to vector<16xi32>
    %mul3A_2806 = arith.muli %get3A_2798, %get3A_2805 : vector<16xi32>
    %convert_element_type3A_2807 = arith.sitofp %mul3A_2806 : vector<16xi32> to vector<16xf32>
    %sub3A_2808 = arith.subf %get3A_2791, %get3A_2788 : vector<16xf32>
    %abs3A_2809 = math.absf %sub3A_2808 : vector<16xf32>
    %mul3A_2810 = arith.mulf %abs3A_2809, %convert_element_type3A_2807 : vector<16xf32>
    %add3A_2811 = arith.addf %add3A_2784, %mul3A_2810 : vector<16xf32>
    %add3A_2812 = arith.addf %add3A_2785, %convert_element_type3A_2807 : vector<16xf32>
    %get3A_2813 = arith.constant 1280 : index
    %get3A_2814 = tpu.vector_load %arg8[%get3A_2813] {strides = array<i32>} : memref<2048xf32, #tpu.memory_space<vmem>>, vector<16xf32>,
    %get3A_2815 = vector.shape_cast %get3A_2814 : vector<16xf32> to vector<16xf32>
    %get3A_2816 = arith.constant 1792 : index
    %get3A_2817 = tpu.vector_load %arg8[%get3A_2816] {strides = array<i32>} : memref<2048xf32, #tpu.memory_space<vmem>>, vector<16xf32>,
    %get3A_2818 = vector.shape_cast %get3A_2817 : vector<16xf32> to vector<16xf32>
    %get3A_2819 = arith.constant 1 : i32
    %get3A_2820 = arith.constant 2 : i32
    %get3A_2821 = arith.index_cast %get3A_2819 : i32 to index
    %get3A_2822 = arith.index_cast %get3A_2820 : i32 to index
    %get3A_2823 = arith.constant 0 : index
    %get3A_2824 = tpu.vector_load %arg9[%get3A_2821, %get3A_2822, %get3A_2823] {strides = array<i32>} : memref<2x8x128xi32, #tpu.memory_space<vmem>>, vector<1x1x16xi32>,
    %get3A_2825 = vector.shape_cast %get3A_2824 : vector<1x1x16xi32> to vector<16xi32>
    %get3A_2826 = arith.constant 1 : i32
    %get3A_2827 = arith.constant 6 : i32
    %get3A_2828 = arith.index_cast %get3A_2826 : i32 to index
    %get3A_2829 = arith.index_cast %get3A_2827 : i32 to index
    %get3A_2830 = arith.constant 0 : index
    %get3A_2831 = tpu.vector_load %arg9[%get3A_2828, %get3A_2829, %get3A_2830] {strides = array<i32>} : memref<2x8x128xi32, #tpu.memory_space<vmem>>, vector<1x1x16xi32>,
    %get3A_2832 = vector.shape_cast %get3A_2831 : vector<1x1x16xi32> to vector<16xi32>
    %mul3A_2833 = arith.muli %get3A_2825, %get3A_2832 : vector<16xi32>
    %convert_element_type3A_2834 = arith.sitofp %mul3A_2833 : vector<16xi32> to vector<16xf32>
    %sub3A_2835 = arith.subf %get3A_2818, %get3A_2815 : vector<16xf32>
    %abs3A_2836 = math.absf %sub3A_2835 : vector<16xf32>
    %mul3A_2837 = arith.mulf %abs3A_2836, %convert_element_type3A_2834 : vector<16xf32>
    %add3A_2838 = arith.addf %add3A_2811, %mul3A_2837 : vector<16xf32>
    %add3A_2839 = arith.addf %add3A_2812, %convert_element_type3A_2834 : vector<16xf32>
    %get3A_2840 = arith.constant 1296 : index
    %get3A_2841 = tpu.vector_load %arg8[%get3A_2840] {strides = array<i32>} : memref<2048xf32, #tpu.memory_space<vmem>>, vector<16xf32>,
    %get3A_2842 = vector.shape_cast %get3A_2841 : vector<16xf32> to vector<16xf32>
    %get3A_2843 = arith.constant 1808 : index
    %get3A_2844 = tpu.vector_load %arg8[%get3A_2843] {strides = array<i32>} : memref<2048xf32, #tpu.memory_space<vmem>>, vector<16xf32>,
    %get3A_2845 = vector.shape_cast %get3A_2844 : vector<16xf32> to vector<16xf32>
    %get3A_2846 = arith.constant 1 : i32
    %get3A_2847 = arith.constant 2 : i32
    %get3A_2848 = arith.index_cast %get3A_2846 : i32 to index
    %get3A_2849 = arith.index_cast %get3A_2847 : i32 to index
    %get3A_2850 = arith.constant 16 : index
    %get3A_2851 = tpu.vector_load %arg9[%get3A_2848, %get3A_2849, %get3A_2850] {strides = array<i32>} : memref<2x8x128xi32, #tpu.memory_space<vmem>>, vector<1x1x16xi32>,
    %get3A_2852 = vector.shape_cast %get3A_2851 : vector<1x1x16xi32> to vector<16xi32>
    %get3A_2853 = arith.constant 1 : i32
    %get3A_2854 = arith.constant 6 : i32
    %get3A_2855 = arith.index_cast %get3A_2853 : i32 to index
    %get3A_2856 = arith.index_cast %get3A_2854 : i32 to index
    %get3A_2857 = arith.constant 16 : index
    %get3A_2858 = tpu.vector_load %arg9[%get3A_2855, %get3A_2856, %get3A_2857] {strides = array<i32>} : memref<2x8x128xi32, #tpu.memory_space<vmem>>, vector<1x1x16xi32>,
    %get3A_2859 = vector.shape_cast %get3A_2858 : vector<1x1x16xi32> to vector<16xi32>
    %mul3A_2860 = arith.muli %get3A_2852, %get3A_2859 : vector<16xi32>
    %convert_element_type3A_2861 = arith.sitofp %mul3A_2860 : vector<16xi32> to vector<16xf32>
    %sub3A_2862 = arith.subf %get3A_2845, %get3A_2842 : vector<16xf32>
    %abs3A_2863 = math.absf %sub3A_2862 : vector<16xf32>
    %mul3A_2864 = arith.mulf %abs3A_2863, %convert_element_type3A_2861 : vector<16xf32>
    %add3A_2865 = arith.addf %add3A_2838, %mul3A_2864 : vector<16xf32>
    %add3A_2866 = arith.addf %add3A_2839, %convert_element_type3A_2861 : vector<16xf32>
    %get3A_2867 = arith.constant 1312 : index
    %get3A_2868 = tpu.vector_load %arg8[%get3A_2867] {strides = array<i32>} : memref<2048xf32, #tpu.memory_space<vmem>>, vector<16xf32>,
    %get3A_2869 = vector.shape_cast %get3A_2868 : vector<16xf32> to vector<16xf32>
    %get3A_2870 = arith.constant 1824 : index
    %get3A_2871 = tpu.vector_load %arg8[%get3A_2870] {strides = array<i32>} : memref<2048xf32, #tpu.memory_space<vmem>>, vector<16xf32>,
    %get3A_2872 = vector.shape_cast %get3A_2871 : vector<16xf32> to vector<16xf32>
    %get3A_2873 = arith.constant 1 : i32
    %get3A_2874 = arith.constant 2 : i32
    %get3A_2875 = arith.index_cast %get3A_2873 : i32 to index
    %get3A_2876 = arith.index_cast %get3A_2874 : i32 to index
    %get3A_2877 = arith.constant 32 : index
    %get3A_2878 = tpu.vector_load %arg9[%get3A_2875, %get3A_2876, %get3A_2877] {strides = array<i32>} : memref<2x8x128xi32, #tpu.memory_space<vmem>>, vector<1x1x16xi32>,
    %get3A_2879 = vector.shape_cast %get3A_2878 : vector<1x1x16xi32> to vector<16xi32>
    %get3A_2880 = arith.constant 1 : i32
    %get3A_2881 = arith.constant 6 : i32
    %get3A_2882 = arith.index_cast %get3A_2880 : i32 to index
    %get3A_2883 = arith.index_cast %get3A_2881 : i32 to index
    %get3A_2884 = arith.constant 32 : index
    %get3A_2885 = tpu.vector_load %arg9[%get3A_2882, %get3A_2883, %get3A_2884] {strides = array<i32>} : memref<2x8x128xi32, #tpu.memory_space<vmem>>, vector<1x1x16xi32>,
    %get3A_2886 = vector.shape_cast %get3A_2885 : vector<1x1x16xi32> to vector<16xi32>
    %mul3A_2887 = arith.muli %get3A_2879, %get3A_2886 : vector<16xi32>
    %convert_element_type3A_2888 = arith.sitofp %mul3A_2887 : vector<16xi32> to vector<16xf32>
    %sub3A_2889 = arith.subf %get3A_2872, %get3A_2869 : vector<16xf32>
    %abs3A_2890 = math.absf %sub3A_2889 : vector<16xf32>
    %mul3A_2891 = arith.mulf %abs3A_2890, %convert_element_type3A_2888 : vector<16xf32>
    %add3A_2892 = arith.addf %add3A_2865, %mul3A_2891 : vector<16xf32>
    %add3A_2893 = arith.addf %add3A_2866, %convert_element_type3A_2888 : vector<16xf32>
    %get3A_2894 = arith.constant 1328 : index
    %get3A_2895 = tpu.vector_load %arg8[%get3A_2894] {strides = array<i32>} : memref<2048xf32, #tpu.memory_space<vmem>>, vector<16xf32>,
    %get3A_2896 = vector.shape_cast %get3A_2895 : vector<16xf32> to vector<16xf32>
    %get3A_2897 = arith.constant 1840 : index
    %get3A_2898 = tpu.vector_load %arg8[%get3A_2897] {strides = array<i32>} : memref<2048xf32, #tpu.memory_space<vmem>>, vector<16xf32>,
    %get3A_2899 = vector.shape_cast %get3A_2898 : vector<16xf32> to vector<16xf32>
    %get3A_2900 = arith.constant 1 : i32
    %get3A_2901 = arith.constant 2 : i32
    %get3A_2902 = arith.index_cast %get3A_2900 : i32 to index
    %get3A_2903 = arith.index_cast %get3A_2901 : i32 to index
    %get3A_2904 = arith.constant 48 : index
    %get3A_2905 = tpu.vector_load %arg9[%get3A_2902, %get3A_2903, %get3A_2904] {strides = array<i32>} : memref<2x8x128xi32, #tpu.memory_space<vmem>>, vector<1x1x16xi32>,
    %get3A_2906 = vector.shape_cast %get3A_2905 : vector<1x1x16xi32> to vector<16xi32>
    %get3A_2907 = arith.constant 1 : i32
    %get3A_2908 = arith.constant 6 : i32
    %get3A_2909 = arith.index_cast %get3A_2907 : i32 to index
    %get3A_2910 = arith.index_cast %get3A_2908 : i32 to index
    %get3A_2911 = arith.constant 48 : index
    %get3A_2912 = tpu.vector_load %arg9[%get3A_2909, %get3A_2910, %get3A_2911] {strides = array<i32>} : memref<2x8x128xi32, #tpu.memory_space<vmem>>, vector<1x1x16xi32>,
    %get3A_2913 = vector.shape_cast %get3A_2912 : vector<1x1x16xi32> to vector<16xi32>
    %mul3A_2914 = arith.muli %get3A_2906, %get3A_2913 : vector<16xi32>
    %convert_element_type3A_2915 = arith.sitofp %mul3A_2914 : vector<16xi32> to vector<16xf32>
    %sub3A_2916 = arith.subf %get3A_2899, %get3A_2896 : vector<16xf32>
    %abs3A_2917 = math.absf %sub3A_2916 : vector<16xf32>
    %mul3A_2918 = arith.mulf %abs3A_2917, %convert_element_type3A_2915 : vector<16xf32>
    %add3A_2919 = arith.addf %add3A_2892, %mul3A_2918 : vector<16xf32>
    %add3A_2920 = arith.addf %add3A_2893, %convert_element_type3A_2915 : vector<16xf32>
    %get3A_2921 = arith.constant 1344 : index
    %get3A_2922 = tpu.vector_load %arg8[%get3A_2921] {strides = array<i32>} : memref<2048xf32, #tpu.memory_space<vmem>>, vector<16xf32>,
    %get3A_2923 = vector.shape_cast %get3A_2922 : vector<16xf32> to vector<16xf32>
    %get3A_2924 = arith.constant 1856 : index
    %get3A_2925 = tpu.vector_load %arg8[%get3A_2924] {strides = array<i32>} : memref<2048xf32, #tpu.memory_space<vmem>>, vector<16xf32>,
    %get3A_2926 = vector.shape_cast %get3A_2925 : vector<16xf32> to vector<16xf32>
    %get3A_2927 = arith.constant 1 : i32
    %get3A_2928 = arith.constant 2 : i32
    %get3A_2929 = arith.index_cast %get3A_2927 : i32 to index
    %get3A_2930 = arith.index_cast %get3A_2928 : i32 to index
    %get3A_2931 = arith.constant 64 : index
    %get3A_2932 = tpu.vector_load %arg9[%get3A_2929, %get3A_2930, %get3A_2931] {strides = array<i32>} : memref<2x8x128xi32, #tpu.memory_space<vmem>>, vector<1x1x16xi32>,
    %get3A_2933 = vector.shape_cast %get3A_2932 : vector<1x1x16xi32> to vector<16xi32>
    %get3A_2934 = arith.constant 1 : i32
    %get3A_2935 = arith.constant 6 : i32
    %get3A_2936 = arith.index_cast %get3A_2934 : i32 to index
    %get3A_2937 = arith.index_cast %get3A_2935 : i32 to index
    %get3A_2938 = arith.constant 64 : index
    %get3A_2939 = tpu.vector_load %arg9[%get3A_2936, %get3A_2937, %get3A_2938] {strides = array<i32>} : memref<2x8x128xi32, #tpu.memory_space<vmem>>, vector<1x1x16xi32>,
    %get3A_2940 = vector.shape_cast %get3A_2939 : vector<1x1x16xi32> to vector<16xi32>
    %mul3A_2941 = arith.muli %get3A_2933, %get3A_2940 : vector<16xi32>
    %convert_element_type3A_2942 = arith.sitofp %mul3A_2941 : vector<16xi32> to vector<16xf32>
    %sub3A_2943 = arith.subf %get3A_2926, %get3A_2923 : vector<16xf32>
    %abs3A_2944 = math.absf %sub3A_2943 : vector<16xf32>
    %mul3A_2945 = arith.mulf %abs3A_2944, %convert_element_type3A_2942 : vector<16xf32>
    %add3A_2946 = arith.addf %add3A_2919, %mul3A_2945 : vector<16xf32>
    %add3A_2947 = arith.addf %add3A_2920, %convert_element_type3A_2942 : vector<16xf32>
    %get3A_2948 = arith.constant 1360 : index
    %get3A_2949 = tpu.vector_load %arg8[%get3A_2948] {strides = array<i32>} : memref<2048xf32, #tpu.memory_space<vmem>>, vector<16xf32>,
    %get3A_2950 = vector.shape_cast %get3A_2949 : vector<16xf32> to vector<16xf32>
    %get3A_2951 = arith.constant 1872 : index
    %get3A_2952 = tpu.vector_load %arg8[%get3A_2951] {strides = array<i32>} : memref<2048xf32, #tpu.memory_space<vmem>>, vector<16xf32>,
    %get3A_2953 = vector.shape_cast %get3A_2952 : vector<16xf32> to vector<16xf32>
    %get3A_2954 = arith.constant 1 : i32
    %get3A_2955 = arith.constant 2 : i32
    %get3A_2956 = arith.index_cast %get3A_2954 : i32 to index
    %get3A_2957 = arith.index_cast %get3A_2955 : i32 to index
    %get3A_2958 = arith.constant 80 : index
    %get3A_2959 = tpu.vector_load %arg9[%get3A_2956, %get3A_2957, %get3A_2958] {strides = array<i32>} : memref<2x8x128xi32, #tpu.memory_space<vmem>>, vector<1x1x16xi32>,
    %get3A_2960 = vector.shape_cast %get3A_2959 : vector<1x1x16xi32> to vector<16xi32>
    %get3A_2961 = arith.constant 1 : i32
    %get3A_2962 = arith.constant 6 : i32
    %get3A_2963 = arith.index_cast %get3A_2961 : i32 to index
    %get3A_2964 = arith.index_cast %get3A_2962 : i32 to index
    %get3A_2965 = arith.constant 80 : index
    %get3A_2966 = tpu.vector_load %arg9[%get3A_2963, %get3A_2964, %get3A_2965] {strides = array<i32>} : memref<2x8x128xi32, #tpu.memory_space<vmem>>, vector<1x1x16xi32>,
    %get3A_2967 = vector.shape_cast %get3A_2966 : vector<1x1x16xi32> to vector<16xi32>
    %mul3A_2968 = arith.muli %get3A_2960, %get3A_2967 : vector<16xi32>
    %convert_element_type3A_2969 = arith.sitofp %mul3A_2968 : vector<16xi32> to vector<16xf32>
    %sub3A_2970 = arith.subf %get3A_2953, %get3A_2950 : vector<16xf32>
    %abs3A_2971 = math.absf %sub3A_2970 : vector<16xf32>
    %mul3A_2972 = arith.mulf %abs3A_2971, %convert_element_type3A_2969 : vector<16xf32>
    %add3A_2973 = arith.addf %add3A_2946, %mul3A_2972 : vector<16xf32>
    %add3A_2974 = arith.addf %add3A_2947, %convert_element_type3A_2969 : vector<16xf32>
    %get3A_2975 = arith.constant 1376 : index
    %get3A_2976 = tpu.vector_load %arg8[%get3A_2975] {strides = array<i32>} : memref<2048xf32, #tpu.memory_space<vmem>>, vector<16xf32>,
    %get3A_2977 = vector.shape_cast %get3A_2976 : vector<16xf32> to vector<16xf32>
    %get3A_2978 = arith.constant 1888 : index
    %get3A_2979 = tpu.vector_load %arg8[%get3A_2978] {strides = array<i32>} : memref<2048xf32, #tpu.memory_space<vmem>>, vector<16xf32>,
    %get3A_2980 = vector.shape_cast %get3A_2979 : vector<16xf32> to vector<16xf32>
    %get3A_2981 = arith.constant 1 : i32
    %get3A_2982 = arith.constant 2 : i32
    %get3A_2983 = arith.index_cast %get3A_2981 : i32 to index
    %get3A_2984 = arith.index_cast %get3A_2982 : i32 to index
    %get3A_2985 = arith.constant 96 : index
    %get3A_2986 = tpu.vector_load %arg9[%get3A_2983, %get3A_2984, %get3A_2985] {strides = array<i32>} : memref<2x8x128xi32, #tpu.memory_space<vmem>>, vector<1x1x16xi32>,
    %get3A_2987 = vector.shape_cast %get3A_2986 : vector<1x1x16xi32> to vector<16xi32>
    %get3A_2988 = arith.constant 1 : i32
    %get3A_2989 = arith.constant 6 : i32
    %get3A_2990 = arith.index_cast %get3A_2988 : i32 to index
    %get3A_2991 = arith.index_cast %get3A_2989 : i32 to index
    %get3A_2992 = arith.constant 96 : index
    %get3A_2993 = tpu.vector_load %arg9[%get3A_2990, %get3A_2991, %get3A_2992] {strides = array<i32>} : memref<2x8x128xi32, #tpu.memory_space<vmem>>, vector<1x1x16xi32>,
    %get3A_2994 = vector.shape_cast %get3A_2993 : vector<1x1x16xi32> to vector<16xi32>
    %mul3A_2995 = arith.muli %get3A_2987, %get3A_2994 : vector<16xi32>
    %convert_element_type3A_2996 = arith.sitofp %mul3A_2995 : vector<16xi32> to vector<16xf32>
    %sub3A_2997 = arith.subf %get3A_2980, %get3A_2977 : vector<16xf32>
    %abs3A_2998 = math.absf %sub3A_2997 : vector<16xf32>
    %mul3A_2999 = arith.mulf %abs3A_2998, %convert_element_type3A_2996 : vector<16xf32>
    %add3A_3000 = arith.addf %add3A_2973, %mul3A_2999 : vector<16xf32>
    %add3A_3001 = arith.addf %add3A_2974, %convert_element_type3A_2996 : vector<16xf32>
    %get3A_3002 = arith.constant 1392 : index
    %get3A_3003 = tpu.vector_load %arg8[%get3A_3002] {strides = array<i32>} : memref<2048xf32, #tpu.memory_space<vmem>>, vector<16xf32>,
    %get3A_3004 = vector.shape_cast %get3A_3003 : vector<16xf32> to vector<16xf32>
    %get3A_3005 = arith.constant 1904 : index
    %get3A_3006 = tpu.vector_load %arg8[%get3A_3005] {strides = array<i32>} : memref<2048xf32, #tpu.memory_space<vmem>>, vector<16xf32>,
    %get3A_3007 = vector.shape_cast %get3A_3006 : vector<16xf32> to vector<16xf32>
    %get3A_3008 = arith.constant 1 : i32
    %get3A_3009 = arith.constant 2 : i32
    %get3A_3010 = arith.index_cast %get3A_3008 : i32 to index
    %get3A_3011 = arith.index_cast %get3A_3009 : i32 to index
    %get3A_3012 = arith.constant 112 : index
    %get3A_3013 = tpu.vector_load %arg9[%get3A_3010, %get3A_3011, %get3A_3012] {strides = array<i32>} : memref<2x8x128xi32, #tpu.memory_space<vmem>>, vector<1x1x16xi32>,
    %get3A_3014 = vector.shape_cast %get3A_3013 : vector<1x1x16xi32> to vector<16xi32>
    %get3A_3015 = arith.constant 1 : i32
    %get3A_3016 = arith.constant 6 : i32
    %get3A_3017 = arith.index_cast %get3A_3015 : i32 to index
    %get3A_3018 = arith.index_cast %get3A_3016 : i32 to index
    %get3A_3019 = arith.constant 112 : index
    %get3A_3020 = tpu.vector_load %arg9[%get3A_3017, %get3A_3018, %get3A_3019] {strides = array<i32>} : memref<2x8x128xi32, #tpu.memory_space<vmem>>, vector<1x1x16xi32>,
    %get3A_3021 = vector.shape_cast %get3A_3020 : vector<1x1x16xi32> to vector<16xi32>
    %mul3A_3022 = arith.muli %get3A_3014, %get3A_3021 : vector<16xi32>
    %convert_element_type3A_3023 = arith.sitofp %mul3A_3022 : vector<16xi32> to vector<16xf32>
    %sub3A_3024 = arith.subf %get3A_3007, %get3A_3004 : vector<16xf32>
    %abs3A_3025 = math.absf %sub3A_3024 : vector<16xf32>
    %mul3A_3026 = arith.mulf %abs3A_3025, %convert_element_type3A_3023 : vector<16xf32>
    %add3A_3027 = arith.addf %add3A_3000, %mul3A_3026 : vector<16xf32>
    %add3A_3028 = arith.addf %add3A_3001, %convert_element_type3A_3023 : vector<16xf32>
    %get3A_3029 = arith.constant 1408 : index
    %get3A_3030 = tpu.vector_load %arg8[%get3A_3029] {strides = array<i32>} : memref<2048xf32, #tpu.memory_space<vmem>>, vector<16xf32>,
    %get3A_3031 = vector.shape_cast %get3A_3030 : vector<16xf32> to vector<16xf32>
    %get3A_3032 = arith.constant 1920 : index
    %get3A_3033 = tpu.vector_load %arg8[%get3A_3032] {strides = array<i32>} : memref<2048xf32, #tpu.memory_space<vmem>>, vector<16xf32>,
    %get3A_3034 = vector.shape_cast %get3A_3033 : vector<16xf32> to vector<16xf32>
    %get3A_3035 = arith.constant 1 : i32
    %get3A_3036 = arith.constant 3 : i32
    %get3A_3037 = arith.index_cast %get3A_3035 : i32 to index
    %get3A_3038 = arith.index_cast %get3A_3036 : i32 to index
    %get3A_3039 = arith.constant 0 : index
    %get3A_3040 = tpu.vector_load %arg9[%get3A_3037, %get3A_3038, %get3A_3039] {strides = array<i32>} : memref<2x8x128xi32, #tpu.memory_space<vmem>>, vector<1x1x16xi32>,
    %get3A_3041 = vector.shape_cast %get3A_3040 : vector<1x1x16xi32> to vector<16xi32>
    %get3A_3042 = arith.constant 1 : i32
    %get3A_3043 = arith.constant 7 : i32
    %get3A_3044 = arith.index_cast %get3A_3042 : i32 to index
    %get3A_3045 = arith.index_cast %get3A_3043 : i32 to index
    %get3A_3046 = arith.constant 0 : index
    %get3A_3047 = tpu.vector_load %arg9[%get3A_3044, %get3A_3045, %get3A_3046] {strides = array<i32>} : memref<2x8x128xi32, #tpu.memory_space<vmem>>, vector<1x1x16xi32>,
    %get3A_3048 = vector.shape_cast %get3A_3047 : vector<1x1x16xi32> to vector<16xi32>
    %mul3A_3049 = arith.muli %get3A_3041, %get3A_3048 : vector<16xi32>
    %convert_element_type3A_3050 = arith.sitofp %mul3A_3049 : vector<16xi32> to vector<16xf32>
    %sub3A_3051 = arith.subf %get3A_3034, %get3A_3031 : vector<16xf32>
    %abs3A_3052 = math.absf %sub3A_3051 : vector<16xf32>
    %mul3A_3053 = arith.mulf %abs3A_3052, %convert_element_type3A_3050 : vector<16xf32>
    %add3A_3054 = arith.addf %add3A_3027, %mul3A_3053 : vector<16xf32>
    %add3A_3055 = arith.addf %add3A_3028, %convert_element_type3A_3050 : vector<16xf32>
    %get3A_3056 = arith.constant 1424 : index
    %get3A_3057 = tpu.vector_load %arg8[%get3A_3056] {strides = array<i32>} : memref<2048xf32, #tpu.memory_space<vmem>>, vector<16xf32>,
    %get3A_3058 = vector.shape_cast %get3A_3057 : vector<16xf32> to vector<16xf32>
    %get3A_3059 = arith.constant 1936 : index
    %get3A_3060 = tpu.vector_load %arg8[%get3A_3059] {strides = array<i32>} : memref<2048xf32, #tpu.memory_space<vmem>>, vector<16xf32>,
    %get3A_3061 = vector.shape_cast %get3A_3060 : vector<16xf32> to vector<16xf32>
    %get3A_3062 = arith.constant 1 : i32
    %get3A_3063 = arith.constant 3 : i32
    %get3A_3064 = arith.index_cast %get3A_3062 : i32 to index
    %get3A_3065 = arith.index_cast %get3A_3063 : i32 to index
    %get3A_3066 = arith.constant 16 : index
    %get3A_3067 = tpu.vector_load %arg9[%get3A_3064, %get3A_3065, %get3A_3066] {strides = array<i32>} : memref<2x8x128xi32, #tpu.memory_space<vmem>>, vector<1x1x16xi32>,
    %get3A_3068 = vector.shape_cast %get3A_3067 : vector<1x1x16xi32> to vector<16xi32>
    %get3A_3069 = arith.constant 1 : i32
    %get3A_3070 = arith.constant 7 : i32
    %get3A_3071 = arith.index_cast %get3A_3069 : i32 to index
    %get3A_3072 = arith.index_cast %get3A_3070 : i32 to index
    %get3A_3073 = arith.constant 16 : index
    %get3A_3074 = tpu.vector_load %arg9[%get3A_3071, %get3A_3072, %get3A_3073] {strides = array<i32>} : memref<2x8x128xi32, #tpu.memory_space<vmem>>, vector<1x1x16xi32>,
    %get3A_3075 = vector.shape_cast %get3A_3074 : vector<1x1x16xi32> to vector<16xi32>
    %mul3A_3076 = arith.muli %get3A_3068, %get3A_3075 : vector<16xi32>
    %convert_element_type3A_3077 = arith.sitofp %mul3A_3076 : vector<16xi32> to vector<16xf32>
    %sub3A_3078 = arith.subf %get3A_3061, %get3A_3058 : vector<16xf32>
    %abs3A_3079 = math.absf %sub3A_3078 : vector<16xf32>
    %mul3A_3080 = arith.mulf %abs3A_3079, %convert_element_type3A_3077 : vector<16xf32>
    %add3A_3081 = arith.addf %add3A_3054, %mul3A_3080 : vector<16xf32>
    %add3A_3082 = arith.addf %add3A_3055, %convert_element_type3A_3077 : vector<16xf32>
    %get3A_3083 = arith.constant 1440 : index
    %get3A_3084 = tpu.vector_load %arg8[%get3A_3083] {strides = array<i32>} : memref<2048xf32, #tpu.memory_space<vmem>>, vector<16xf32>,
    %get3A_3085 = vector.shape_cast %get3A_3084 : vector<16xf32> to vector<16xf32>
    %get3A_3086 = arith.constant 1952 : index
    %get3A_3087 = tpu.vector_load %arg8[%get3A_3086] {strides = array<i32>} : memref<2048xf32, #tpu.memory_space<vmem>>, vector<16xf32>,
    %get3A_3088 = vector.shape_cast %get3A_3087 : vector<16xf32> to vector<16xf32>
    %get3A_3089 = arith.constant 1 : i32
    %get3A_3090 = arith.constant 3 : i32
    %get3A_3091 = arith.index_cast %get3A_3089 : i32 to index
    %get3A_3092 = arith.index_cast %get3A_3090 : i32 to index
    %get3A_3093 = arith.constant 32 : index
    %get3A_3094 = tpu.vector_load %arg9[%get3A_3091, %get3A_3092, %get3A_3093] {strides = array<i32>} : memref<2x8x128xi32, #tpu.memory_space<vmem>>, vector<1x1x16xi32>,
    %get3A_3095 = vector.shape_cast %get3A_3094 : vector<1x1x16xi32> to vector<16xi32>
    %get3A_3096 = arith.constant 1 : i32
    %get3A_3097 = arith.constant 7 : i32
    %get3A_3098 = arith.index_cast %get3A_3096 : i32 to index
    %get3A_3099 = arith.index_cast %get3A_3097 : i32 to index
    %get3A_3100 = arith.constant 32 : index
    %get3A_3101 = tpu.vector_load %arg9[%get3A_3098, %get3A_3099, %get3A_3100] {strides = array<i32>} : memref<2x8x128xi32, #tpu.memory_space<vmem>>, vector<1x1x16xi32>,
    %get3A_3102 = vector.shape_cast %get3A_3101 : vector<1x1x16xi32> to vector<16xi32>
    %mul3A_3103 = arith.muli %get3A_3095, %get3A_3102 : vector<16xi32>
    %convert_element_type3A_3104 = arith.sitofp %mul3A_3103 : vector<16xi32> to vector<16xf32>
    %sub3A_3105 = arith.subf %get3A_3088, %get3A_3085 : vector<16xf32>
    %abs3A_3106 = math.absf %sub3A_3105 : vector<16xf32>
    %mul3A_3107 = arith.mulf %abs3A_3106, %convert_element_type3A_3104 : vector<16xf32>
    %add3A_3108 = arith.addf %add3A_3081, %mul3A_3107 : vector<16xf32>
    %add3A_3109 = arith.addf %add3A_3082, %convert_element_type3A_3104 : vector<16xf32>
    %get3A_3110 = arith.constant 1456 : index
    %get3A_3111 = tpu.vector_load %arg8[%get3A_3110] {strides = array<i32>} : memref<2048xf32, #tpu.memory_space<vmem>>, vector<16xf32>,
    %get3A_3112 = vector.shape_cast %get3A_3111 : vector<16xf32> to vector<16xf32>
    %get3A_3113 = arith.constant 1968 : index
    %get3A_3114 = tpu.vector_load %arg8[%get3A_3113] {strides = array<i32>} : memref<2048xf32, #tpu.memory_space<vmem>>, vector<16xf32>,
    %get3A_3115 = vector.shape_cast %get3A_3114 : vector<16xf32> to vector<16xf32>
    %get3A_3116 = arith.constant 1 : i32
    %get3A_3117 = arith.constant 3 : i32
    %get3A_3118 = arith.index_cast %get3A_3116 : i32 to index
    %get3A_3119 = arith.index_cast %get3A_3117 : i32 to index
    %get3A_3120 = arith.constant 48 : index
    %get3A_3121 = tpu.vector_load %arg9[%get3A_3118, %get3A_3119, %get3A_3120] {strides = array<i32>} : memref<2x8x128xi32, #tpu.memory_space<vmem>>, vector<1x1x16xi32>,
    %get3A_3122 = vector.shape_cast %get3A_3121 : vector<1x1x16xi32> to vector<16xi32>
    %get3A_3123 = arith.constant 1 : i32
    %get3A_3124 = arith.constant 7 : i32
    %get3A_3125 = arith.index_cast %get3A_3123 : i32 to index
    %get3A_3126 = arith.index_cast %get3A_3124 : i32 to index
    %get3A_3127 = arith.constant 48 : index
    %get3A_3128 = tpu.vector_load %arg9[%get3A_3125, %get3A_3126, %get3A_3127] {strides = array<i32>} : memref<2x8x128xi32, #tpu.memory_space<vmem>>, vector<1x1x16xi32>,
    %get3A_3129 = vector.shape_cast %get3A_3128 : vector<1x1x16xi32> to vector<16xi32>
    %mul3A_3130 = arith.muli %get3A_3122, %get3A_3129 : vector<16xi32>
    %convert_element_type3A_3131 = arith.sitofp %mul3A_3130 : vector<16xi32> to vector<16xf32>
    %sub3A_3132 = arith.subf %get3A_3115, %get3A_3112 : vector<16xf32>
    %abs3A_3133 = math.absf %sub3A_3132 : vector<16xf32>
    %mul3A_3134 = arith.mulf %abs3A_3133, %convert_element_type3A_3131 : vector<16xf32>
    %add3A_3135 = arith.addf %add3A_3108, %mul3A_3134 : vector<16xf32>
    %add3A_3136 = arith.addf %add3A_3109, %convert_element_type3A_3131 : vector<16xf32>
    %get3A_3137 = arith.constant 1472 : index
    %get3A_3138 = tpu.vector_load %arg8[%get3A_3137] {strides = array<i32>} : memref<2048xf32, #tpu.memory_space<vmem>>, vector<16xf32>,
    %get3A_3139 = vector.shape_cast %get3A_3138 : vector<16xf32> to vector<16xf32>
    %get3A_3140 = arith.constant 1984 : index
    %get3A_3141 = tpu.vector_load %arg8[%get3A_3140] {strides = array<i32>} : memref<2048xf32, #tpu.memory_space<vmem>>, vector<16xf32>,
    %get3A_3142 = vector.shape_cast %get3A_3141 : vector<16xf32> to vector<16xf32>
    %get3A_3143 = arith.constant 1 : i32
    %get3A_3144 = arith.constant 3 : i32
    %get3A_3145 = arith.index_cast %get3A_3143 : i32 to index
    %get3A_3146 = arith.index_cast %get3A_3144 : i32 to index
    %get3A_3147 = arith.constant 64 : index
    %get3A_3148 = tpu.vector_load %arg9[%get3A_3145, %get3A_3146, %get3A_3147] {strides = array<i32>} : memref<2x8x128xi32, #tpu.memory_space<vmem>>, vector<1x1x16xi32>,
    %get3A_3149 = vector.shape_cast %get3A_3148 : vector<1x1x16xi32> to vector<16xi32>
    %get3A_3150 = arith.constant 1 : i32
    %get3A_3151 = arith.constant 7 : i32
    %get3A_3152 = arith.index_cast %get3A_3150 : i32 to index
    %get3A_3153 = arith.index_cast %get3A_3151 : i32 to index
    %get3A_3154 = arith.constant 64 : index
    %get3A_3155 = tpu.vector_load %arg9[%get3A_3152, %get3A_3153, %get3A_3154] {strides = array<i32>} : memref<2x8x128xi32, #tpu.memory_space<vmem>>, vector<1x1x16xi32>,
    %get3A_3156 = vector.shape_cast %get3A_3155 : vector<1x1x16xi32> to vector<16xi32>
    %mul3A_3157 = arith.muli %get3A_3149, %get3A_3156 : vector<16xi32>
    %convert_element_type3A_3158 = arith.sitofp %mul3A_3157 : vector<16xi32> to vector<16xf32>
    %sub3A_3159 = arith.subf %get3A_3142, %get3A_3139 : vector<16xf32>
    %abs3A_3160 = math.absf %sub3A_3159 : vector<16xf32>
    %mul3A_3161 = arith.mulf %abs3A_3160, %convert_element_type3A_3158 : vector<16xf32>
    %add3A_3162 = arith.addf %add3A_3135, %mul3A_3161 : vector<16xf32>
    %add3A_3163 = arith.addf %add3A_3136, %convert_element_type3A_3158 : vector<16xf32>
    %get3A_3164 = arith.constant 1488 : index
    %get3A_3165 = tpu.vector_load %arg8[%get3A_3164] {strides = array<i32>} : memref<2048xf32, #tpu.memory_space<vmem>>, vector<16xf32>,
    %get3A_3166 = vector.shape_cast %get3A_3165 : vector<16xf32> to vector<16xf32>
    %get3A_3167 = arith.constant 2000 : index
    %get3A_3168 = tpu.vector_load %arg8[%get3A_3167] {strides = array<i32>} : memref<2048xf32, #tpu.memory_space<vmem>>, vector<16xf32>,
    %get3A_3169 = vector.shape_cast %get3A_3168 : vector<16xf32> to vector<16xf32>
    %get3A_3170 = arith.constant 1 : i32
    %get3A_3171 = arith.constant 3 : i32
    %get3A_3172 = arith.index_cast %get3A_3170 : i32 to index
    %get3A_3173 = arith.index_cast %get3A_3171 : i32 to index
    %get3A_3174 = arith.constant 80 : index
    %get3A_3175 = tpu.vector_load %arg9[%get3A_3172, %get3A_3173, %get3A_3174] {strides = array<i32>} : memref<2x8x128xi32, #tpu.memory_space<vmem>>, vector<1x1x16xi32>,
    %get3A_3176 = vector.shape_cast %get3A_3175 : vector<1x1x16xi32> to vector<16xi32>
    %get3A_3177 = arith.constant 1 : i32
    %get3A_3178 = arith.constant 7 : i32
    %get3A_3179 = arith.index_cast %get3A_3177 : i32 to index
    %get3A_3180 = arith.index_cast %get3A_3178 : i32 to index
    %get3A_3181 = arith.constant 80 : index
    %get3A_3182 = tpu.vector_load %arg9[%get3A_3179, %get3A_3180, %get3A_3181] {strides = array<i32>} : memref<2x8x128xi32, #tpu.memory_space<vmem>>, vector<1x1x16xi32>,
    %get3A_3183 = vector.shape_cast %get3A_3182 : vector<1x1x16xi32> to vector<16xi32>
    %mul3A_3184 = arith.muli %get3A_3176, %get3A_3183 : vector<16xi32>
    %convert_element_type3A_3185 = arith.sitofp %mul3A_3184 : vector<16xi32> to vector<16xf32>
    %sub3A_3186 = arith.subf %get3A_3169, %get3A_3166 : vector<16xf32>
    %abs3A_3187 = math.absf %sub3A_3186 : vector<16xf32>
    %mul3A_3188 = arith.mulf %abs3A_3187, %convert_element_type3A_3185 : vector<16xf32>
    %add3A_3189 = arith.addf %add3A_3162, %mul3A_3188 : vector<16xf32>
    %add3A_3190 = arith.addf %add3A_3163, %convert_element_type3A_3185 : vector<16xf32>
    %get3A_3191 = arith.constant 1504 : index
    %get3A_3192 = tpu.vector_load %arg8[%get3A_3191] {strides = array<i32>} : memref<2048xf32, #tpu.memory_space<vmem>>, vector<16xf32>,
    %get3A_3193 = vector.shape_cast %get3A_3192 : vector<16xf32> to vector<16xf32>
    %get3A_3194 = arith.constant 2016 : index
    %get3A_3195 = tpu.vector_load %arg8[%get3A_3194] {strides = array<i32>} : memref<2048xf32, #tpu.memory_space<vmem>>, vector<16xf32>,
    %get3A_3196 = vector.shape_cast %get3A_3195 : vector<16xf32> to vector<16xf32>
    %get3A_3197 = arith.constant 1 : i32
    %get3A_3198 = arith.constant 3 : i32
    %get3A_3199 = arith.index_cast %get3A_3197 : i32 to index
    %get3A_3200 = arith.index_cast %get3A_3198 : i32 to index
    %get3A_3201 = arith.constant 96 : index
    %get3A_3202 = tpu.vector_load %arg9[%get3A_3199, %get3A_3200, %get3A_3201] {strides = array<i32>} : memref<2x8x128xi32, #tpu.memory_space<vmem>>, vector<1x1x16xi32>,
    %get3A_3203 = vector.shape_cast %get3A_3202 : vector<1x1x16xi32> to vector<16xi32>
    %get3A_3204 = arith.constant 1 : i32
    %get3A_3205 = arith.constant 7 : i32
    %get3A_3206 = arith.index_cast %get3A_3204 : i32 to index
    %get3A_3207 = arith.index_cast %get3A_3205 : i32 to index
    %get3A_3208 = arith.constant 96 : index
    %get3A_3209 = tpu.vector_load %arg9[%get3A_3206, %get3A_3207, %get3A_3208] {strides = array<i32>} : memref<2x8x128xi32, #tpu.memory_space<vmem>>, vector<1x1x16xi32>,
    %get3A_3210 = vector.shape_cast %get3A_3209 : vector<1x1x16xi32> to vector<16xi32>
    %mul3A_3211 = arith.muli %get3A_3203, %get3A_3210 : vector<16xi32>
    %convert_element_type3A_3212 = arith.sitofp %mul3A_3211 : vector<16xi32> to vector<16xf32>
    %sub3A_3213 = arith.subf %get3A_3196, %get3A_3193 : vector<16xf32>
    %abs3A_3214 = math.absf %sub3A_3213 : vector<16xf32>
    %mul3A_3215 = arith.mulf %abs3A_3214, %convert_element_type3A_3212 : vector<16xf32>
    %add3A_3216 = arith.addf %add3A_3189, %mul3A_3215 : vector<16xf32>
    %add3A_3217 = arith.addf %add3A_3190, %convert_element_type3A_3212 : vector<16xf32>
    %get3A_3218 = arith.constant 1520 : index
    %get3A_3219 = tpu.vector_load %arg8[%get3A_3218] {strides = array<i32>} : memref<2048xf32, #tpu.memory_space<vmem>>, vector<16xf32>,
    %get3A_3220 = vector.shape_cast %get3A_3219 : vector<16xf32> to vector<16xf32>
    %get3A_3221 = arith.constant 2032 : index
    %get3A_3222 = tpu.vector_load %arg8[%get3A_3221] {strides = array<i32>} : memref<2048xf32, #tpu.memory_space<vmem>>, vector<16xf32>,
    %get3A_3223 = vector.shape_cast %get3A_3222 : vector<16xf32> to vector<16xf32>
    %get3A_3224 = arith.constant 1 : i32
    %get3A_3225 = arith.constant 3 : i32
    %get3A_3226 = arith.index_cast %get3A_3224 : i32 to index
    %get3A_3227 = arith.index_cast %get3A_3225 : i32 to index
    %get3A_3228 = arith.constant 112 : index
    %get3A_3229 = tpu.vector_load %arg9[%get3A_3226, %get3A_3227, %get3A_3228] {strides = array<i32>} : memref<2x8x128xi32, #tpu.memory_space<vmem>>, vector<1x1x16xi32>,
    %get3A_3230 = vector.shape_cast %get3A_3229 : vector<1x1x16xi32> to vector<16xi32>
    %get3A_3231 = arith.constant 1 : i32
    %get3A_3232 = arith.constant 7 : i32
    %get3A_3233 = arith.index_cast %get3A_3231 : i32 to index
    %get3A_3234 = arith.index_cast %get3A_3232 : i32 to index
    %get3A_3235 = arith.constant 112 : index
    %get3A_3236 = tpu.vector_load %arg9[%get3A_3233, %get3A_3234, %get3A_3235] {strides = array<i32>} : memref<2x8x128xi32, #tpu.memory_space<vmem>>, vector<1x1x16xi32>,
    %get3A_3237 = vector.shape_cast %get3A_3236 : vector<1x1x16xi32> to vector<16xi32>
    %mul3A_3238 = arith.muli %get3A_3230, %get3A_3237 : vector<16xi32>
    %convert_element_type3A_3239 = arith.sitofp %mul3A_3238 : vector<16xi32> to vector<16xf32>
    %sub3A_3240 = arith.subf %get3A_3223, %get3A_3220 : vector<16xf32>
    %abs3A_3241 = math.absf %sub3A_3240 : vector<16xf32>
    %mul3A_3242 = arith.mulf %abs3A_3241, %convert_element_type3A_3239 : vector<16xf32>
    %add3A_3243 = arith.addf %add3A_3216, %mul3A_3242 : vector<16xf32>
    %add3A_3244 = arith.addf %add3A_3217, %convert_element_type3A_3239 : vector<16xf32>
    %swap3A_3245 = arith.constant 0 : i32
    %swap3A_3246 = arith.index_cast %swap3A_3245 : i32 to index
    %swap3A_3247 = arith.constant 0 : index
    %swap3A_3248 = tpu.vector_load %arg10[%swap3A_3246, %swap3A_3247] {strides = array<i32>} : memref<2x16xf32, #tpu.memory_space<vmem>>, vector<1x16xf32>,
    %swap3A_3249 = vector.shape_cast %swap3A_3248 : vector<1x16xf32> to vector<16xf32>
    %swap3A_3250 = vector.shape_cast %add3A_3243 : vector<16xf32> to vector<1x16xf32>
    tpu.vector_store %arg10[%swap3A_3246, %swap3A_3247], %swap3A_3250 {strides = array<i32>} : memref<2x16xf32, #tpu.memory_space<vmem>>, vector<1x16xf32>,
    %swap3A_3251 = arith.constant 1 : i32
    %swap3A_3252 = arith.index_cast %swap3A_3251 : i32 to index
    %swap3A_3253 = arith.constant 0 : index
    %swap3A_3254 = tpu.vector_load %arg10[%swap3A_3252, %swap3A_3253] {strides = array<i32>} : memref<2x16xf32, #tpu.memory_space<vmem>>, vector<1x16xf32>,
    %swap3A_3255 = vector.shape_cast %swap3A_3254 : vector<1x16xf32> to vector<16xf32>
    %swap3A_3256 = vector.shape_cast %add3A_3244 : vector<16xf32> to vector<1x16xf32>
    tpu.vector_store %arg10[%swap3A_3252, %swap3A_3253], %swap3A_3256 {strides = array<i32>} : memref<2x16xf32, #tpu.memory_space<vmem>>, vector<1x16xf32>,
    %dma_start3A_3257 = arith.constant 0 : i32
    %dma_start3A_3258 = arith.constant 0 : i32
    %dma_start3A_3259 = arith.constant 0 : i32
    %dma_start3A_3260 = tpu.memref_slice %arg10[%dma_start3A_3257, %dma_start3A_3259] : memref<2x16xf32, #tpu.memory_space<vmem>> -> memref<1x16xf32, #tpu.memory_space<vmem>>
    %dma_start3A_3261 = tpu.memref_squeeze %dma_start3A_3260 : memref<1x16xf32, #tpu.memory_space<vmem>> -> memref<16xf32, #tpu.memory_space<vmem>>
    %dma_start3A_3262 = arith.constant 0 : i32
    %dma_start3A_3263 = tpu.memref_slice %arg5[%add3A, %dma_start3A_3258, %dma_start3A_3262] : memref<32x2x128xf32, #tpu.memory_space<hbm>> -> memref<1x1x16xf32, #tpu.memory_space<hbm>>
    %dma_start3A_3264 = tpu.memref_squeeze %dma_start3A_3263 : memref<1x1x16xf32, #tpu.memory_space<hbm>> -> memref<16xf32, #tpu.memory_space<hbm>>
    %dma_start3A_3265 = arith.constant 0 : i32
    %dma_start3A_3266 = tpu.memref_slice %arg5[%add3A, %dma_start3A_3258, %dma_start3A_3265] : memref<32x2x128xf32, #tpu.memory_space<hbm>> -> memref<1x1x16xf32, #tpu.memory_space<hbm>>
    %dma_start3A_3267 = tpu.memref_squeeze %dma_start3A_3266 : memref<1x1x16xf32, #tpu.memory_space<hbm>> -> memref<16xf32, #tpu.memory_space<hbm>>
    %dma_start3A_3268 = arith.constant 0 : i32
    %dma_start3A_3269 = tpu.memref_slice %arg10[%dma_start3A_3257, %dma_start3A_3268] : memref<2x16xf32, #tpu.memory_space<vmem>> -> memref<1x16xf32, #tpu.memory_space<vmem>>
    %dma_start3A_3270 = tpu.memref_squeeze %dma_start3A_3269 : memref<1x16xf32, #tpu.memory_space<vmem>> -> memref<16xf32, #tpu.memory_space<vmem>>
    tpu.enqueue_dma source(%dma_start3A_3270 : memref<16xf32, #tpu.memory_space<vmem>>) target(%dma_start3A_3267 : memref<16xf32, #tpu.memory_space<hbm>>) target_semaphore(%arg11 : memref<!tpu.dma_semaphore, #tpu.memory_space<semaphore_mem>>)
    %dma_start3A_3271 = arith.constant 1 : i32
    %dma_start3A_3272 = arith.constant 1 : i32
    %dma_start3A_3273 = arith.constant 0 : i32
    %dma_start3A_3274 = tpu.memref_slice %arg10[%dma_start3A_3271, %dma_start3A_3273] : memref<2x16xf32, #tpu.memory_space<vmem>> -> memref<1x16xf32, #tpu.memory_space<vmem>>
    %dma_start3A_3275 = tpu.memref_squeeze %dma_start3A_3274 : memref<1x16xf32, #tpu.memory_space<vmem>> -> memref<16xf32, #tpu.memory_space<vmem>>
    %dma_start3A_3276 = arith.constant 0 : i32
    %dma_start3A_3277 = tpu.memref_slice %arg5[%add3A, %dma_start3A_3272, %dma_start3A_3276] : memref<32x2x128xf32, #tpu.memory_space<hbm>> -> memref<1x1x16xf32, #tpu.memory_space<hbm>>
    %dma_start3A_3278 = tpu.memref_squeeze %dma_start3A_3277 : memref<1x1x16xf32, #tpu.memory_space<hbm>> -> memref<16xf32, #tpu.memory_space<hbm>>
    %dma_start3A_3279 = arith.constant 0 : i32
    %dma_start3A_3280 = tpu.memref_slice %arg5[%add3A, %dma_start3A_3272, %dma_start3A_3279] : memref<32x2x128xf32, #tpu.memory_space<hbm>> -> memref<1x1x16xf32, #tpu.memory_space<hbm>>
    %dma_start3A_3281 = tpu.memref_squeeze %dma_start3A_3280 : memref<1x1x16xf32, #tpu.memory_space<hbm>> -> memref<16xf32, #tpu.memory_space<hbm>>
    %dma_start3A_3282 = arith.constant 0 : i32
    %dma_start3A_3283 = tpu.memref_slice %arg10[%dma_start3A_3271, %dma_start3A_3282] : memref<2x16xf32, #tpu.memory_space<vmem>> -> memref<1x16xf32, #tpu.memory_space<vmem>>
    %dma_start3A_3284 = tpu.memref_squeeze %dma_start3A_3283 : memref<1x16xf32, #tpu.memory_space<vmem>> -> memref<16xf32, #tpu.memory_space<vmem>>
    tpu.enqueue_dma source(%dma_start3A_3284 : memref<16xf32, #tpu.memory_space<vmem>>) target(%dma_start3A_3281 : memref<16xf32, #tpu.memory_space<hbm>>) target_semaphore(%arg11 : memref<!tpu.dma_semaphore, #tpu.memory_space<semaphore_mem>>)
    %dma_wait3A_3285 = arith.constant 0 : i32
    %dma_wait3A_3286 = arith.constant 0 : i32
    %dma_wait3A_3287 = arith.constant 0 : i32
    %dma_wait3A_3288 = tpu.memref_slice %arg10[%dma_wait3A_3285, %dma_wait3A_3287] : memref<2x16xf32, #tpu.memory_space<vmem>> -> memref<1x16xf32, #tpu.memory_space<vmem>>
    %dma_wait3A_3289 = tpu.memref_squeeze %dma_wait3A_3288 : memref<1x16xf32, #tpu.memory_space<vmem>> -> memref<16xf32, #tpu.memory_space<vmem>>
    %dma_wait3A_3290 = arith.constant 0 : i32
    %dma_wait3A_3291 = tpu.memref_slice %arg5[%add3A, %dma_wait3A_3286, %dma_wait3A_3290] : memref<32x2x128xf32, #tpu.memory_space<hbm>> -> memref<1x1x16xf32, #tpu.memory_space<hbm>>
    %dma_wait3A_3292 = tpu.memref_squeeze %dma_wait3A_3291 : memref<1x1x16xf32, #tpu.memory_space<hbm>> -> memref<16xf32, #tpu.memory_space<hbm>>
    %dma_wait3A_3293 = arith.constant 0 : i32
    %dma_wait3A_3294 = tpu.memref_slice %arg5[%add3A, %dma_wait3A_3286, %dma_wait3A_3293] : memref<32x2x128xf32, #tpu.memory_space<hbm>> -> memref<1x1x16xf32, #tpu.memory_space<hbm>>
    %dma_wait3A_3295 = tpu.memref_squeeze %dma_wait3A_3294 : memref<1x1x16xf32, #tpu.memory_space<hbm>> -> memref<16xf32, #tpu.memory_space<hbm>>
    %dma_wait3A_3296 = arith.constant 0 : i32
    %dma_wait3A_3297 = tpu.memref_slice %arg10[%dma_wait3A_3285, %dma_wait3A_3296] : memref<2x16xf32, #tpu.memory_space<vmem>> -> memref<1x16xf32, #tpu.memory_space<vmem>>
    %dma_wait3A_3298 = tpu.memref_squeeze %dma_wait3A_3297 : memref<1x16xf32, #tpu.memory_space<vmem>> -> memref<16xf32, #tpu.memory_space<vmem>>
    tpu.wait_dma2 semaphore(%arg11 : memref<!tpu.dma_semaphore, #tpu.memory_space<semaphore_mem>>) src(%dma_wait3A_3298 : memref<16xf32, #tpu.memory_space<vmem>>) dst(%dma_wait3A_3295 : memref<16xf32, #tpu.memory_space<hbm>>)
    %dma_wait3A_3299 = arith.constant 1 : i32
    %dma_wait3A_3300 = arith.constant 1 : i32
    %dma_wait3A_3301 = arith.constant 0 : i32
    %dma_wait3A_3302 = tpu.memref_slice %arg10[%dma_wait3A_3299, %dma_wait3A_3301] : memref<2x16xf32, #tpu.memory_space<vmem>> -> memref<1x16xf32, #tpu.memory_space<vmem>>
    %dma_wait3A_3303 = tpu.memref_squeeze %dma_wait3A_3302 : memref<1x16xf32, #tpu.memory_space<vmem>> -> memref<16xf32, #tpu.memory_space<vmem>>
    %dma_wait3A_3304 = arith.constant 0 : i32
    %dma_wait3A_3305 = tpu.memref_slice %arg5[%add3A, %dma_wait3A_3300, %dma_wait3A_3304] : memref<32x2x128xf32, #tpu.memory_space<hbm>> -> memref<1x1x16xf32, #tpu.memory_space<hbm>>
    %dma_wait3A_3306 = tpu.memref_squeeze %dma_wait3A_3305 : memref<1x1x16xf32, #tpu.memory_space<hbm>> -> memref<16xf32, #tpu.memory_space<hbm>>
    %dma_wait3A_3307 = arith.constant 0 : i32
    %dma_wait3A_3308 = tpu.memref_slice %arg5[%add3A, %dma_wait3A_3300, %dma_wait3A_3307] : memref<32x2x128xf32, #tpu.memory_space<hbm>> -> memref<1x1x16xf32, #tpu.memory_space<hbm>>
    %dma_wait3A_3309 = tpu.memref_squeeze %dma_wait3A_3308 : memref<1x1x16xf32, #tpu.memory_space<hbm>> -> memref<16xf32, #tpu.memory_space<hbm>>
    %dma_wait3A_3310 = arith.constant 0 : i32
    %dma_wait3A_3311 = tpu.memref_slice %arg10[%dma_wait3A_3299, %dma_wait3A_3310] : memref<2x16xf32, #tpu.memory_space<vmem>> -> memref<1x16xf32, #tpu.memory_space<vmem>>
    %dma_wait3A_3312 = tpu.memref_squeeze %dma_wait3A_3311 : memref<1x16xf32, #tpu.memory_space<vmem>> -> memref<16xf32, #tpu.memory_space<vmem>>
    tpu.wait_dma2 semaphore(%arg11 : memref<!tpu.dma_semaphore, #tpu.memory_space<semaphore_mem>>) src(%dma_wait3A_3312 : memref<16xf32, #tpu.memory_space<vmem>>) dst(%dma_wait3A_3309 : memref<16xf32, #tpu.memory_space<hbm>>)
    return
  }
}

module attributes {stable_mosaic.version = 14 : i64} {
  func.func @_tc_combine(%arg0: memref<32x2x128xf32, #tpu.memory_space<vmem>>, %arg1: memref<1x1xf32, #tpu.memory_space<smem>>) attributes {dimension_semantics = [], scalar_prefetch = 0 : i64, scratch_operands = 0 : i64, tpu.core_type = #tpu.core_type<tc>} {
    %get3A = arith.constant 0 : index
    %get3A_0 = arith.constant 0 : index
    %get3A_1 = arith.constant 0 : index
    %get3A_2 = vector.load %arg0[%get3A, %get3A_0, %get3A_1] : memref<32x2x128xf32, #tpu.memory_space<vmem>>, vector<32x2x128xf32>
    %iota3A = tpu.iota {dimensions = array<i32: 2>} : vector<32x2x128xi32>
    %lt3A = arith.constant 16 : i32
    %lt3A_3 = vector.broadcast %lt3A : i32 to vector<32x2x128xi32>
    %lt3A_4 = arith.cmpi slt, %iota3A, %lt3A_3 : vector<32x2x128xi32>
    %jit3A = arith.constant 0.000000e+00 : f32
    %broadcast_in_dim3A = vector.broadcast %jit3A : f32 to vector<32x2x128xf32>
    %select_n3A = arith.select %lt3A_4, %get3A_2, %broadcast_in_dim3A : vector<32x2x128xi1>, vector<32x2x128xf32>
    %slice3A = vector.extract_strided_slice %select_n3A {offsets = [0, 0, 0], sizes = [32, 1, 128], strides = [1, 1, 1]} : vector<32x2x128xf32> to vector<32x1x128xf32>
    %squeeze3A = vector.shape_cast %slice3A : vector<32x1x128xf32> to vector<32x128xf32>
    %reduce_sum3A = vector.shape_cast %squeeze3A : vector<32x128xf32> to vector<1x32x128xf32>
    %reduce_sum3A_5 = arith.constant dense<0.000000e+00> : vector<1xf32>
    %reduce_sum3A_6 = vector.multi_reduction <add>, %reduce_sum3A, %reduce_sum3A_5 [1, 2] : vector<1x32x128xf32> to vector<1xf32>
    %reduce_sum3A_7 = vector.shape_cast %reduce_sum3A_6 : vector<1xf32> to vector<1x1x1xf32>
    %reduce_sum3A_8 = vector.extract %reduce_sum3A_7[0, 0, 0] : f32 from vector<1x1x1xf32>
    %slice3A_9 = vector.extract_strided_slice %select_n3A {offsets = [0, 1, 0], sizes = [32, 1, 128], strides = [1, 1, 1]} : vector<32x2x128xf32> to vector<32x1x128xf32>
    %squeeze3A_10 = vector.shape_cast %slice3A_9 : vector<32x1x128xf32> to vector<32x128xf32>
    %reduce_sum3A_11 = vector.shape_cast %squeeze3A_10 : vector<32x128xf32> to vector<1x32x128xf32>
    %reduce_sum3A_12 = arith.constant dense<0.000000e+00> : vector<1xf32>
    %reduce_sum3A_13 = vector.multi_reduction <add>, %reduce_sum3A_11, %reduce_sum3A_12 [1, 2] : vector<1x32x128xf32> to vector<1xf32>
    %reduce_sum3A_14 = vector.shape_cast %reduce_sum3A_13 : vector<1xf32> to vector<1x1x1xf32>
    %reduce_sum3A_15 = vector.extract %reduce_sum3A_14[0, 0, 0] : f32 from vector<1x1x1xf32>
    %add3A = arith.constant 9.99999974E-5 : f32
    %add3A_16 = arith.addf %reduce_sum3A_15, %add3A : f32
    %div3A = arith.divf %reduce_sum3A_8, %add3A_16 : f32
    %swap3A = arith.constant 0 : index
    %swap3A_17 = arith.constant 0 : index
    %swap3A_18 = memref.load %arg1[%swap3A, %swap3A_17] : memref<1x1xf32, #tpu.memory_space<smem>>
    memref.store %div3A, %arg1[%swap3A, %swap3A_17] : memref<1x1xf32, #tpu.memory_space<smem>>
    return
  }
}

</mosaic_0001>

<sc_bundles>
// kernel: _kp_align.4.cloned.1.call-start
scs
__scs_entry_jumppad:
0x0: {  	(pc) =	sbr.rel $0x88, $3  }
0x1: {  	(tag) =	ssettag $0x0;
	lr =	simm.s32 $0x1  }
0x2: {  	[smem:$0x3F9E] =	sst lr;
	_ =	strace $0xD0000000  }
0x3: {  	_ = 	snop  }
0x4: {  	_ = 	snop  }
0x5: {  	_ = 	snop  }
0x6: {  	_ = 	snop  }
0x7: {  	_ = 	snop  }
__scs_overlays_trampoline_lowered:
0x8: {  	[smem:$0x3FAD] =	sst s0  }
0x9: {  	[smem:$0x3FAE] =	sst s1  }
0xa: {  	[smem:$0x3FAF] =	sst s2  }
0xb: {  	[smem:$0x3FB0] =	sst s3  }
0xc: {  	[smem:$0x3FB1] =	sst s4  }
0xd: {  	[smem:$0x3FB2] =	sst s5  }
0xe: {  	[smem:$0x3FB3] =	sst s6  }
0xf: {  	[smem:$0x3FB4] =	sst s7  }
0x10: {  	[smem:$0x3FB5] =	sst s8  }
0x11: {  	[smem:$0x3FB6] =	sst s9;
	s0 =	simm.s32 @!p0 $0x0  }
0x12: {  	s1 =	sld [smem:$0x3F9C];
	s0 =	simm.s32 @p0 $0x1  }
0x13: {  	[smem:$0x3FB7] =	sst s0;
	s0 =	simm.s32 @!p1 $0x0  }
0x14: {  	s2 =	sld [smem:$0x3F9B];
	s0 =	simm.s32 @p1 $0x1  }
0x15: {  	[smem:$0x3FB8] =	sst s0;
	s0 =	simm.s32 @!p2 $0x0  }
0x16: {  	s3 =	sld [smem:$0x3FDB];
	s0 =	simm.s32 @p2 $0x1  }
0x17: {  	s4 =	simm.s32 $0x1BF5;
	[smem:$0x3FBA] =	sst s0  }
0x18: {  	s0 =	sld [smem:$0x3F9D];
	_ =	swait.ge [sflag:s4], $0x0  }
0x19: {  	s7 =	sld [smem:$0x3F9E]  }
0x1a: {  	s8 =	sadd.s32 $0xFFFFE003, lr  }
0x1b: {  	s9 =	sadd.s32 $0xFFFFFEF7, lr;
	s5 =	simm.s32 $0xFFFFFFFF;
	p2 =	slt.u32 s8, $0xFFFFF086  }
0x1c: {  	p1 =	slt.u32 s9, $0xF7A;
	s5 =	simm.s32 @!p2 $0x0  }
0x1d: {  	s5 =	simm.s32 @p1 $0x1;
	p0 =	seq.s32 s7, s2  }
0x1e: {  	s7 =	smul.u32 @!p0 $0xF7A, s2;
	p2 =	seq.s32 @!p0 s5, $0x0  }
0x1f: {  	s9 =	smul.u32 $0xF7A, s1;
	s8 =	simm.s32 @!p0 $0x1BF5;
	p2 =	por !p2, p0  }
0x20: {  	[sflag:s8] =	ssyncset.s32 @!p0 $0xFFFFF086;
	s6 =	sadd.s32 @!p0 s3, s7;
	s7 =	simm.s32 @!p0 $0x108  }
0x21: {  	s3 =	sadd.s32 s3, s9;
	s6 =	sadd.s32 @!p0 $0x88, s6;
	s7 =	simm.s32 @p2 $0x1082  }
0x22: {  	[simem:s7], [sflag:s8] =	dma.local @!p0 [hbm:s6], $0xF7A  }
0x23: {  	s9 =	sor.u32 $0xD0000000, s2;
	s6 =	simm.s32 $0x108;
	_ =	swait.ge @!p0 [sflag:s8], $0x0  }
0x24: {  	s3 =	sadd.s32 $0x88, s3;
	s6 =	simm.s32 @!p1 $0x1082;
	[sflag:s4] =	ssyncset.s32 $0xFFFFF086  }
0x25: {  	[simem:s6], [sflag:s4] =	dma.local [hbm:s3], $0xF7A  }
0x26: {  	[smem:$0x3F9E] =	sst s1;
	(tag) =	ssettag s2;
	_ =	strace s9  }
0x27: {  	s1 =	sld [smem:$0x3FAE]  }
0x28: {  	s2 =	sld [smem:$0x3FAF]  }
0x29: {  	s4 =	sld [smem:$0x3FB1]  }
0x2a: {  	p0 =	seq.s32 s5, $0x0;
	s5 =	sld [smem:$0x3FB2]  }
0x2b: {  	s6 =	sld [smem:$0x3FB3]  }
0x2c: {  	s7 =	sld [smem:$0x3FB4]  }
0x2d: {  	s3 =	simm.s32 $0x108;
	s8 =	sld [smem:$0x3FB5]  }
0x2e: {  	s3 =	simm.s32 @!p0 $0x1082;
	s9 =	sld [smem:$0x3FB6]  }
0x2f: {  	lr =	sadd.s32 s0, s3;
	s0 =	sld [smem:$0x3FAD]  }
0x30: {  	s3 =	sld [smem:$0x3FB0]  }
0x31: {  	[smem:$0x3FB9] =	sst s10  }
0x32: {  	s10 =	sld [smem:$0x3FB7];
	_ =	sdelay $0x3  }
0x33: {  	p0 =	seq.s32 s10, $0x1;
	s10 =	sld [smem:$0x3FB9];
	_ =	sdelay $0x3  }
0x34: {  	[smem:$0x3FB9] =	sst s10  }
0x35: {  	s10 =	sld [smem:$0x3FB8];
	_ =	sdelay $0x3  }
0x36: {  	p1 =	seq.s32 s10, $0x1;
	s10 =	sld [smem:$0x3FB9];
	_ =	sdelay $0x3  }
0x37: {  	[smem:$0x3FB9] =	sst s10  }
0x38: {  	s10 =	sld [smem:$0x3FBA]  }
0x39: {  	_ = 	snop;
	(pc) =	sbr.ind lr, $3  }
0x3a: {  	_ = 	snop  }
0x3b: {  	_ = 	snop  }
0x3c: {  	p2 =	seq.s32 s10, $0x1;
	s10 =	sld [smem:$0x3FB9]  }
0x3d: {  	_ =	shalt  }
0x3e: {  	_ =	shalt  }
0x3f: {  	_ =	shalt  }
0x40: {  	_ =	shalt  }
0x41: {  	_ =	shalt  }
0x42: {  	_ =	shalt  }
0x43: {  	_ =	shalt  }
0x44: {  	_ =	shalt  }
0x45: {  	_ =	shalt  }
0x46: {  	_ =	shalt  }
0x47: {  	_ =	shalt  }
0x48: {  	_ =	shalt  }
0x49: {  	_ =	shalt  }
0x4a: {  	_ =	shalt  }
0x4b: {  	_ =	shalt  }
0x4c: {  	_ =	shalt  }
0x4d: {  	_ =	shalt  }
0x4e: {  	_ =	shalt  }
0x4f: {  	_ =	shalt  }
0x50: {  	_ =	shalt  }
0x51: {  	_ =	shalt  }
0x52: {  	_ =	shalt  }
0x53: {  	_ =	shalt  }
0x54: {  	_ =	shalt  }
0x55: {  	_ =	shalt  }
0x56: {  	_ =	shalt  }
0x57: {  	_ =	shalt  }
0x58: {  	_ =	shalt  }
0x59: {  	_ =	shalt  }
0x5a: {  	_ =	shalt  }
0x5b: {  	_ =	shalt  }
0x5c: {  	_ =	shalt  }
0x5d: {  	_ =	shalt  }
0x5e: {  	_ =	shalt  }
0x5f: {  	_ =	shalt  }
0x60: {  	_ =	shalt  }
0x61: {  	_ =	shalt  }
0x62: {  	_ =	shalt  }
0x63: {  	_ =	shalt  }
0x64: {  	_ =	shalt  }
0x65: {  	_ =	shalt  }
0x66: {  	_ =	shalt  }
0x67: {  	_ =	shalt  }
0x68: {  	_ =	shalt  }
0x69: {  	_ =	shalt  }
0x6a: {  	_ =	shalt  }
0x6b: {  	_ =	shalt  }
0x6c: {  	_ =	shalt  }
0x6d: {  	_ =	shalt  }
0x6e: {  	_ =	shalt  }
0x6f: {  	_ =	shalt  }
0x70: {  	_ =	shalt  }
0x71: {  	_ =	shalt  }
0x72: {  	_ =	shalt  }
0x73: {  	_ =	shalt  }
0x74: {  	_ =	shalt  }
0x75: {  	_ =	shalt  }
0x76: {  	_ =	shalt  }
0x77: {  	_ =	shalt  }
0x78: {  	_ =	shalt  }
0x79: {  	_ =	shalt  }
0x7a: {  	_ =	shalt  }
0x7b: {  	_ =	shalt  }
0x7c: {  	_ =	shalt  }
0x7d: {  	_ =	shalt  }
0x7e: {  	_ =	shalt  }
0x7f: {  	_ =	shalt  }
0x80: {  	_ =	shalt  }
0x81: {  	_ =	shalt  }
0x82: {  	_ =	shalt  }
0x83: {  	_ =	shalt  }
0x84: {  	_ =	shalt  }
0x85: {  	_ =	shalt  }
0x86: {  	_ =	shalt  }
0x87: {  	_ =	shalt  }
.Lfunc_end0:
.L_simem_size_0:
called_computation_lowered:
.L_overlay_start_0:
0x88: {  	s2 =	sld [smem:$0x3FD9]  }
0x89: {  	s3 =	sld [smem:$0x3FFE];
	_ =	sdelay $0x1  }
0x8a: {  	s1 =	srdreg.scid  }
0x8b: {  	s0 =	sand.u32 $0x1, s1  }
0x8c: {  	s17 =	sshll.u32 s0, $0xA;
	s2 =	sadd.s32 s3, s2  }
0x8d: {  	s2 =	sadd.s32 s2, s17  }
0x8e: {  	[smem:$0x3FC5] =	sst s2  }
0x8f: {  	_ = 	snop  }
0x90: {  	s2 =	sld [smem:$0x3FC9]  }
0x91: {  	s18 =	sld [smem:$0x3FC8]  }
0x92: {  	s4 =	sld [smem:$0x3FC7];
	(tm) =	ssettm $0x1  }
0x93: {  	s5 =	sld [smem:$0x3FFB];
	_ =	sdelay $0x3  }
0x94: {  	_ =	strace s5  }
0x95: {  	s5 =	sld [smem:$0x3FFC];
	_ =	sdelay $0x3  }
0x96: {  	_ =	strace s5  }
0x97: {  	s5 =	sld [smem:$0x3FFD];
	_ =	sdelay $0x3  }
0x98: {  	_ =	strace s5  }
0x99: {  	_ =	strace $0x8FFFFFFF  }
0x9a: {  	s19 =	sld [smem:$0x3FDB];
	_ =	sdelay $0x1  }
0x9b: {  	s6 =	simm.s32 $_scs_section_size  }
0x9c: {  	s7 =	simm.s32 $_size__tile_overlayer_lowered;
	s8 =	simm.s32 $_tile_overlayer_lowered  }
0x9d: {  	s22 =	simm.s32 $0x1BFF;
	s21 =	sshll.u32 s8, $0x1;
	s5 =	sadd.s32 s6, s19  }
0x9e: {  	s9 =	simm.s32 $0x0;
	s20 =	sshll.u32 s7, $0x1;
	s7 =	sadd.s32 s21, s5  }
0x9f: {  	[timem:s9], [sflag:s22] =	dma.local [hbm:s7], s20  }
0xa0: {  	_ =	swait.ge [sflag:s22], s20  }
0xa1: {  	s6 =	ssub.s32 $0x0, s20;
	[sflag:s22] =	ssyncset.done $0x0  }
0xa2: {  	[sflag:s22] =	ssyncadd.s32 s6;
	_ =	sdelay $0x1  }
0xa3: {  	s23 =	simm.s32 $0x1B8B  }
0xa4: {  	_ =	swait.ge [sflag:s23], $0x1  }
0xa5: {  	[sflag:s23] =	ssyncset.done $0x0  }
0xa6: {  	s25 =	simm.s32 $0x1B8E;
	s24 =	sld [smem:$0x3FFE];
	[sflag:s23] =	ssyncadd.s32 $0xFFFFFFFF  }
0xa7: {  	s26 =	simm.s32 $execute0_lowered;
	[smem:$0x3FD2] =	sst s25  }
0xa8: {  	s7 =	sshll.u32 s26, $0x1;
	_ =	strace $0x80000046;
	[dreg:$0x1] =	wrdreg $0xFFFFFFFF  }
0xa9: {  	s28 =	simm.s32 $_size_execute0_lowered;
	s5 =	sadd.s32 s5, s7;
	[dreg:$0x0] =	wrdreg $0x0  }
0xaa: {  	s7 =	sshll.u32 s28, $0x1;
	[dreg:$0x2] =	wrdreg s5  }
0xab: {  	[dreg:$0x3] =	wrdreg s7  }
0xac: {  	[dreg:$0x4] =	wrdreg $0xC0  }
0xad: {  	_ =	task [dreg:s9], $0x5FFFF  }
0xae: {  	[dreg:$0x1] =	wrdreg $0xFFFFFFFF  }
0xaf: {  	[dreg:$0x0] =	wrdreg $0x60  }
0xb0: {  	[dreg:$0x2] =	wrdreg s2  }
0xb1: {  	[dreg:$0x3] =	wrdreg s18  }
0xb2: {  	[dreg:$0x4] =	wrdreg s4  }
0xb3: {  	[dreg:$0x5] =	wrdreg s24  }
0xb4: {  	[dreg:$0x6] =	wrdreg $0x9  }
0xb5: {  	_ =	task.clear_ibuf [dreg:s9], $0x7FFFF;
	_ =	strace $0x90000046  }
0xb6: {  	s29 =	simm.s32 $0x9;
	_ =	strace $0x80000048  }
0xb7: {  	_ =	swait.ge [sflag:s29], $0x1  }
0xb8: {  	[sflag:s29] =	ssyncadd.s32 $0xFFFFFFFF  }
0xb9: {  	_ =	strace $0x90000048  }
0xba: {  	_ =	sfence  }
0xbb: {  	s30 =	sld [smem:$0x0];
	_ =	sdelay $0x2  }
0xbc: {  	s31 =	sshll.u32 s1, $0xD;
	s1 =	sshrl.u32 s1, $0x2  }
0xbd: {  	s3 =	sand.u32 $0x4000, s31;
	s1 =	sadd.s32 s1, s30  }
0xbe: {  	s0 =	sor.u32 s3, s0;
	s1 =	sshll.u32 s1, $0x11  }
0xbf: {  	s0 =	sor.u32 s1, s0  }
0xc0: {  	s0 =	sadd.s32 $0x8F2B, s0  }
0xc1: {  	[sflag:s0] =	ssyncadd.remote.s32 $0x1  }
0xc2: {  	_ =	sfence.sel $0xFFFF  }
0xc3: {  	[dreg:$0x0] =	wrdreg $0xFFFFFFFF;
	(pc) =	sbr.abs _section_cstart, $3  }
0xc4: {  	[dreg:$0x1] =	wrdreg $0xFFFFFFFF  }
0xc5: {  	_ =	task.clear_ibuf [dreg:s9], $0x2FFFF;
	_ =	strace $0x9FFFFFFF  }
0xc6: {  	(tm) =	ssettm $0x7FFFFFFF  }
0xc7: {  	_ =	shalt  }
tec
execute0_lowered:
.L_overlay_start_1:
0x0: {  	(tag) =	ssettag $0x1  }
0x1: {  	s0 =	rddreg [dreg:$0x0]  }
0x2: {  	s1 =	rddreg [dreg:$0x1]  }
0x3: {  	s4 =	rddreg [dreg:$0x2]  }
0x4: {  	s6 =	rddreg [dreg:$0x3];
	s3 =	simm.s32 $0x0  }
0x5: {  	s14 =	simm.s32 $0x1100;
	[smem:$0x7FF] =	sst s3  }
0x6: {  	s15 =	simm.s32 $0x100;
	_ =	strace $0x80000047;
	[dreg:$0x9] =	wrdreg s14  }
0x7: {  	s16 =	simm.s32 $0x900;
	[dreg:$0xa] =	wrdreg s15  }
0x8: {  	s17 =	simm.s32 $0x180;
	[dreg:$0xb] =	wrdreg s16  }
0x9: {  	s18 =	simm.s32 $0x980;
	[dreg:$0xc] =	wrdreg s17  }
0xa: {  	s20 =	simm.s32 $0x200;
	[dreg:$0xd] =	wrdreg s18  }
0xb: {  	s21 =	simm.s32 $0xA00;
	[dreg:$0xe] =	wrdreg s20  }
0xc: {  	s2 =	srdreg.scid;
	s22 =	simm.s32 $0x280;
	[dreg:$0xf] =	wrdreg s21  }
0xd: {  	s10 =	stileid.u32;
	s23 =	simm.s32 $0xA80;
	[dreg:$0x10] =	wrdreg s22  }
0xe: {  	s24 =	simm.s32 $0x300;
	s25 =	simm.s32 $0xB00;
	[dreg:$0x11] =	wrdreg s23  }
0xf: {  	s26 =	simm.s32 $0x380;
	s28 =	simm.s32 $0x1080;
	[dreg:$0x12] =	wrdreg s24  }
0x10: {  	s29 =	simm.s32 $0x2;
	s5 =	sand.u32 $0x1, s2;
	[dreg:$0x13] =	wrdreg s25  }
0x11: {  	s7 =	sshll.u32 s5, $0x4;
	s19 =	ssub.s32 $0x2, s5;
	[dreg:$0x14] =	wrdreg s26  }
0x12: {  	s14 =	simm.s32 $0x580;
	s15 =	simm.s32 $0xD80;
	s16 =	simm.s32 $0x600  }
0x13: {  	s17 =	simm.s32 $0xE00;
	s18 =	simm.s32 $0x680;
	s20 =	simm.s32 $0x700  }
0x14: {  	s21 =	simm.s32 $0xF00;
	s22 =	simm.s32 $0x780;
	s23 =	simm.s32 $0xF80  }
0x15: {  	s24 =	simm.s32 $0x800;
	s25 =	simm.s32 $0x1000;
	s26 =	simm.s32 $0x880  }
0x16: {  	s7 =	sor.u32 s10, s7;
	s5 =	sshrl.u32 s19, $0x1;
	s10 =	simm.s32 $0x480  }
0x17: {  	s8 =	sshll.u32 s7, $0x5;
	s9 =	sshll.u32 s7, $0x8;
	s30 =	sshll.u32 s7, $0x13  }
0x18: {  	s1 =	sadd.s32 s1, s8;
	s6 =	sadd.s32 s8, s6;
	s11 =	sadd.s32 s4, s9  }
0x19: {  	s4 =	ssub.s32 s19, s5;
	s31 =	sor.u32 $0x40000, s30;
	s5 =	simm.s32 $0x1  }
0x1a: {  	s19 =	simm.s32 $0xE80;
	v0 =	vmov s30;
	s30 =	simm.s32 $0x3;
	[dreg:$0x5] =	wrdreg s1  }
0x1b: {  	[dreg:$0x6] =	wrdreg s11;
	s12 =	sadd.s32 $0x600, s6;
	s13 =	sadd.s32 $0x610, s6  }
0x1c: {  	s4 =	smax.u32 s4, $0x1;
	s6 =	simm.s32 $0x80;
	s11 =	simm.s32 $0xC80  }
0x1d: {  	[tilespmem:$0x1FFE0] =	vst v0;
	v63 =	vmov s31;
	s31 =	simm.s32 $0x1900;
	s1 =	simm.s32 $0x1980;
	[dreg:$0x7] =	wrdreg s12  }
0x1e: {  	[dreg:$0x8] =	wrdreg s13;
	s12 =	simm.s32 $0x500;
	s13 =	simm.s32 $0xD00;
	[tilespmem:$0x1FFF0] =	vst v63  }
.LBB2_1:
0x1f: {  	s2 =	rddreg [dreg:$0x5]  }
0x20: {  	s7 =	rddreg [dreg:$0x6]  }
0x21: {  	[tilespmem:s3], [sflag:$0x1] =	stream.linear.gather [hbm4b:s2+s3], $0x100, $0x38;
	[tilespmem:$0x1A00] =	vst v63  }
0x22: {  	s8 =	rddreg [dreg:$0x9]  }
0x23: {  	[tilespmem:s8], [sflag:$0x1] =	stream.linear.gather [hbm4b:s7+s3], $0x800, $0x38;
	[tilespmem:$0x1A00] =	vst v63  }
0x24: {  	_ =	swait.ge [sflag:s5], $0x100  }
0x25: {  	[sflag:s5] =	ssyncset.done $0x0  }
0x26: {  	v3 =	vld [tilespmem:$0x1FFE0];
	[sflag:s5] =	ssyncadd.s32 $0xFFFFFF00  }
0x27: {  	v0 =	vld [tilespmem:$0x0]  }
0x28: {  	v2 =	vld [tilespmem:$0x10]  }
0x29: {  	v15 =	vld [tilespmem:$0x20]  }
0x2a: {  	v23 =	vld [tilespmem:$0x30]  }
0x2b: {  	v31 =	vld [tilespmem:$0x40]  }
0x2c: {  	v39 =	vld [tilespmem:$0x50];
	v0 =	vadd.s32 v3, v0  }
0x2d: {  	v47 =	vld [tilespmem:$0x60];
	v11 =	vadd.s32 v3, v2;
	[tilespmem:$0x100] =	vst v0  }
0x2e: {  	v55 =	vld [tilespmem:$0x70];
	v19 =	vadd.s32 v3, v15;
	[tilespmem:$0x110] =	vst v11  }
0x2f: {  	v27 =	vadd.s32 v3, v23;
	[tilespmem:$0x120] =	vst v19  }
0x30: {  	v35 =	vadd.s32 v3, v31;
	[tilespmem:$0x130] =	vst v27  }
0x31: {  	v43 =	vadd.s32 v3, v39;
	[tilespmem:$0x140] =	vst v35  }
0x32: {  	v51 =	vadd.s32 v3, v47;
	[tilespmem:$0x150] =	vst v43  }
0x33: {  	v59 =	vadd.s32 v3, v55;
	[tilespmem:$0x160] =	vst v51  }
0x34: {  	v1 =	vadd.s32 $0x8000, v0;
	[tilespmem:$0x170] =	vst v59  }
0x35: {  	v6 =	vadd.s32 $0x10000, v0;
	[tilespmem:$0x180] =	vst v1  }
0x36: {  	v7 =	vadd.s32 $0x18000, v0;
	[tilespmem:$0x200] =	vst v6  }
0x37: {  	v8 =	vadd.s32 $0x20000, v0;
	[tilespmem:$0x280] =	vst v7  }
0x38: {  	v9 =	vadd.s32 $0x28000, v0;
	[tilespmem:$0x300] =	vst v8  }
0x39: {  	v10 =	vadd.s32 $0x30000, v0;
	[tilespmem:$0x380] =	vst v9  }
0x3a: {  	v0 =	vadd.s32 $0x38000, v0;
	[tilespmem:$0x400] =	vst v10  }
0x3b: {  	v12 =	vadd.s32 $0x8000, v11;
	[tilespmem:$0x480] =	vst v0  }
0x3c: {  	v13 =	vadd.s32 $0x10000, v11;
	[tilespmem:$0x190] =	vst v12  }
0x3d: {  	v14 =	vadd.s32 $0x18000, v11;
	[tilespmem:$0x210] =	vst v13  }
0x3e: {  	v16 =	vadd.s32 $0x20000, v11;
	[tilespmem:$0x290] =	vst v14  }
0x3f: {  	v17 =	vadd.s32 $0x28000, v11;
	[tilespmem:$0x310] =	vst v16  }
0x40: {  	v18 =	vadd.s32 $0x30000, v11;
	[tilespmem:$0x390] =	vst v17  }
0x41: {  	v20 =	vadd.s32 $0x8000, v19;
	[tilespmem:$0x410] =	vst v18  }
0x42: {  	v21 =	vadd.s32 $0x10000, v19;
	[tilespmem:$0x1A0] =	vst v20  }
0x43: {  	v22 =	vadd.s32 $0x18000, v19;
	[tilespmem:$0x220] =	vst v21  }
0x44: {  	v24 =	vadd.s32 $0x20000, v19;
	[tilespmem:$0x2A0] =	vst v22  }
0x45: {  	v25 =	vadd.s32 $0x28000, v19;
	[tilespmem:$0x320] =	vst v24  }
0x46: {  	v26 =	vadd.s32 $0x30000, v19;
	[tilespmem:$0x3A0] =	vst v25  }
0x47: {  	v28 =	vadd.s32 $0x8000, v27;
	[tilespmem:$0x420] =	vst v26  }
0x48: {  	v29 =	vadd.s32 $0x10000, v27;
	[tilespmem:$0x1B0] =	vst v28  }
0x49: {  	v30 =	vadd.s32 $0x18000, v27;
	[tilespmem:$0x230] =	vst v29  }
0x4a: {  	v32 =	vadd.s32 $0x20000, v27;
	[tilespmem:$0x2B0] =	vst v30  }
0x4b: {  	v33 =	vadd.s32 $0x28000, v27;
	[tilespmem:$0x330] =	vst v32  }
0x4c: {  	v34 =	vadd.s32 $0x30000, v27;
	[tilespmem:$0x3B0] =	vst v33  }
0x4d: {  	v36 =	vadd.s32 $0x8000, v35;
	[tilespmem:$0x430] =	vst v34  }
0x4e: {  	v37 =	vadd.s32 $0x10000, v35;
	[tilespmem:$0x1C0] =	vst v36  }
0x4f: {  	v38 =	vadd.s32 $0x18000, v35;
	[tilespmem:$0x240] =	vst v37  }
0x50: {  	v40 =	vadd.s32 $0x20000, v35;
	[tilespmem:$0x2C0] =	vst v38  }
0x51: {  	v41 =	vadd.s32 $0x28000, v35;
	[tilespmem:$0x340] =	vst v40  }
0x52: {  	v42 =	vadd.s32 $0x30000, v35;
	[tilespmem:$0x3C0] =	vst v41  }
0x53: {  	v44 =	vadd.s32 $0x8000, v43;
	[tilespmem:$0x440] =	vst v42  }
0x54: {  	v45 =	vadd.s32 $0x10000, v43;
	[tilespmem:$0x1D0] =	vst v44  }
0x55: {  	v46 =	vadd.s32 $0x18000, v43;
	[tilespmem:$0x250] =	vst v45  }
0x56: {  	v48 =	vadd.s32 $0x20000, v43;
	[tilespmem:$0x2D0] =	vst v46  }
0x57: {  	v49 =	vadd.s32 $0x28000, v43;
	[tilespmem:$0x350] =	vst v48  }
0x58: {  	v50 =	vadd.s32 $0x30000, v43;
	[tilespmem:$0x3D0] =	vst v49  }
0x59: {  	v52 =	vadd.s32 $0x8000, v51;
	[tilespmem:$0x450] =	vst v50  }
0x5a: {  	v53 =	vadd.s32 $0x10000, v51;
	[tilespmem:$0x1E0] =	vst v52  }
0x5b: {  	v54 =	vadd.s32 $0x18000, v51;
	[tilespmem:$0x260] =	vst v53  }
0x5c: {  	v56 =	vadd.s32 $0x20000, v51;
	[tilespmem:$0x2E0] =	vst v54  }
0x5d: {  	v57 =	vadd.s32 $0x28000, v51;
	[tilespmem:$0x360] =	vst v56  }
0x5e: {  	v58 =	vadd.s32 $0x30000, v51;
	[tilespmem:$0x3E0] =	vst v57  }
0x5f: {  	v60 =	vadd.s32 $0x8000, v59;
	[tilespmem:$0x460] =	vst v58  }
0x60: {  	v61 =	vadd.s32 $0x10000, v59;
	[tilespmem:$0x1F0] =	vst v60  }
0x61: {  	v62 =	vadd.s32 $0x18000, v59;
	[tilespmem:$0x270] =	vst v61  }
0x62: {  	v63 =	vadd.s32 $0x20000, v59;
	[tilespmem:$0x2F0] =	vst v62  }
0x63: {  	v4 =	vadd.s32 $0x28000, v59;
	[tilespmem:$0x370] =	vst v63  }
0x64: {  	v5 =	vadd.s32 $0x30000, v59;
	[tilespmem:$0x3F0] =	vst v4  }
0x65: {  	v0 =	vadd.s32 $0x38000, v11;
	[tilespmem:$0x470] =	vst v5  }
0x66: {  	[tilespmem:$0x490] =	vst v0;
	v0 =	vadd.s32 $0x38000, v19  }
0x67: {  	[tilespmem:$0x4A0] =	vst v0;
	v0 =	vadd.s32 $0x38000, v27  }
0x68: {  	[tilespmem:$0x4B0] =	vst v0;
	v0 =	vadd.s32 $0x38000, v35  }
0x69: {  	s8 =	rddreg [dreg:$0xa];
	[tilespmem:$0x4C0] =	vst v0;
	v0 =	vadd.s32 $0x38000, v43  }
0x6a: {  	s9 =	rddreg [dreg:$0xb];
	[tilespmem:$0x4D0] =	vst v0;
	v0 =	vadd.s32 $0x38000, v51  }
0x6b: {  	s2 =	rddreg [dreg:$0xc];
	[tilespmem:$0x4E0] =	vst v0;
	v0 =	vadd.s32 $0x38000, v59  }
0x6c: {  	s7 =	rddreg [dreg:$0xd];
	[tilespmem:$0x4F0] =	vst v0  }
0x6d: {  	[tilespmem:s9], [sflag:$0x2] =	stream.indirect.gather [hbm4b:s0+s6], $0x1, s8, s6, $0xb8;
	[tilespmem:$0x1A00] =	vst v63  }
0x6e: {  	s8 =	rddreg [dreg:$0xe]  }
0x6f: {  	s9 =	rddreg [dreg:$0xf]  }
0x70: {  	[tilespmem:s7], [sflag:$0x2] =	stream.indirect.gather [hbm4b:s0+s6], $0x1, s2, s6, $0xb8;
	[tilespmem:$0x1A00] =	vst v63  }
0x71: {  	s2 =	rddreg [dreg:$0x10]  }
0x72: {  	s7 =	rddreg [dreg:$0x11]  }
0x73: {  	[tilespmem:s9], [sflag:$0x2] =	stream.indirect.gather [hbm4b:s0+s6], $0x1, s8, s6, $0xb8;
	[tilespmem:$0x1A00] =	vst v63  }
0x74: {  	s8 =	rddreg [dreg:$0x12]  }
0x75: {  	[tilespmem:s7], [sflag:$0x2] =	stream.indirect.gather [hbm4b:s0+s6], $0x1, s2, s6, $0xb8;
	[tilespmem:$0x1A00] =	vst v63  }
0x76: {  	s9 =	rddreg [dreg:$0x13]  }
0x77: {  	[tilespmem:s9], [sflag:$0x2] =	stream.indirect.gather [hbm4b:s0+s6], $0x1, s8, s6, $0xb8;
	[tilespmem:$0x1A00] =	vst v63  }
0x78: {  	s7 =	rddreg [dreg:$0x14];
	s9 =	simm.s32 $0xB80  }
0x79: {  	[tilespmem:s9], [sflag:$0x2] =	stream.indirect.gather [hbm4b:s0+s6], $0x1, s7, s6, $0xb8;
	[tilespmem:$0x1A00] =	vst v63  }
0x7a: {  	s8 =	simm.s32 $0x400;
	s9 =	simm.s32 $0xC00  }
0x7b: {  	[tilespmem:s9], [sflag:$0x2] =	stream.indirect.gather [hbm4b:s0+s6], $0x1, s8, s6, $0xb8;
	[tilespmem:$0x1A00] =	vst v63  }
0x7c: {  	_ = 	snop  }
0x7d: {  	v7 =	vld [tilespmem:$0x1FFF0];
	[tilespmem:s11], [sflag:$0x2] =	stream.indirect.gather [hbm4b:s0+s6], $0x1, s10, s6, $0xb8  }
0x7e: {  	v6 =	vld [tilespmem:$0x80]  }
0x7f: {  	v11 =	vld [tilespmem:$0x90];
	_ =	sdelay $0x3  }
0x80: {  	v0 =	vadd.s32 v7, v6  }
0x81: {  	v15 =	vadd.s32 v7, v11;
	[tilespmem:$0x500] =	vst v0  }
0x82: {  	v8 =	vadd.s32 $0x8000, v0;
	[tilespmem:$0x510] =	vst v15  }
0x83: {  	v9 =	vadd.s32 $0x10000, v0;
	[tilespmem:$0x580] =	vst v8  }
0x84: {  	v10 =	vadd.s32 $0x18000, v0;
	[tilespmem:$0x600] =	vst v9  }
0x85: {  	v12 =	vadd.s32 $0x20000, v0;
	[tilespmem:$0x680] =	vst v10  }
0x86: {  	v13 =	vadd.s32 $0x28000, v0;
	[tilespmem:$0x700] =	vst v12  }
0x87: {  	v14 =	vadd.s32 $0x30000, v0;
	[tilespmem:$0x780] =	vst v13  }
0x88: {  	v0 =	vadd.s32 $0x38000, v0;
	[tilespmem:$0x800] =	vst v14  }
0x89: {  	v16 =	vadd.s32 $0x8000, v15;
	[tilespmem:$0x880] =	vst v0  }
0x8a: {  	v19 =	vld [tilespmem:$0xA0];
	v17 =	vadd.s32 $0x10000, v15;
	[tilespmem:$0x590] =	vst v16  }
0x8b: {  	v18 =	vadd.s32 $0x18000, v15;
	[tilespmem:$0x610] =	vst v17  }
0x8c: {  	v20 =	vadd.s32 $0x20000, v15;
	[tilespmem:$0x690] =	vst v18  }
0x8d: {  	v21 =	vadd.s32 $0x28000, v15;
	[tilespmem:$0x710] =	vst v20  }
0x8e: {  	v22 =	vadd.s32 $0x30000, v15;
	[tilespmem:$0x790] =	vst v21  }
0x8f: {  	v23 =	vadd.s32 v7, v19;
	[tilespmem:$0x810] =	vst v22  }
0x90: {  	v24 =	vadd.s32 $0x8000, v23;
	[tilespmem:$0x520] =	vst v23  }
0x91: {  	v25 =	vadd.s32 $0x10000, v23;
	[tilespmem:$0x5A0] =	vst v24  }
0x92: {  	v26 =	vadd.s32 $0x18000, v23;
	[tilespmem:$0x620] =	vst v25  }
0x93: {  	v28 =	vadd.s32 $0x20000, v23;
	[tilespmem:$0x6A0] =	vst v26;
	v27 =	vld [tilespmem:$0xB0]  }
0x94: {  	v29 =	vadd.s32 $0x28000, v23;
	[tilespmem:$0x720] =	vst v28;
	v35 =	vld [tilespmem:$0xC0]  }
0x95: {  	v30 =	vadd.s32 $0x30000, v23;
	[tilespmem:$0x7A0] =	vst v29;
	v43 =	vld [tilespmem:$0xD0]  }
0x96: {  	v0 =	vadd.s32 $0x38000, v15;
	[tilespmem:$0x820] =	vst v30;
	v51 =	vld [tilespmem:$0xE0]  }
0x97: {  	[tilespmem:$0x890] =	vst v0;
	v0 =	vadd.s32 $0x38000, v23;
	v59 =	vld [tilespmem:$0xF0]  }
0x98: {  	[tilespmem:$0x8A0] =	vst v0;
	v31 =	vadd.s32 v7, v27  }
0x99: {  	v39 =	vadd.s32 v7, v35;
	[tilespmem:$0x530] =	vst v31  }
0x9a: {  	v47 =	vadd.s32 v7, v43;
	[tilespmem:$0x540] =	vst v39  }
0x9b: {  	v55 =	vadd.s32 v7, v51;
	[tilespmem:$0x550] =	vst v47  }
0x9c: {  	v63 =	vadd.s32 v7, v59;
	[tilespmem:$0x560] =	vst v55  }
0x9d: {  	v32 =	vadd.s32 $0x8000, v31;
	[tilespmem:$0x570] =	vst v63  }
0x9e: {  	v33 =	vadd.s32 $0x10000, v31;
	[tilespmem:$0x5B0] =	vst v32  }
0x9f: {  	v34 =	vadd.s32 $0x18000, v31;
	[tilespmem:$0x630] =	vst v33  }
0xa0: {  	v36 =	vadd.s32 $0x20000, v31;
	[tilespmem:$0x6B0] =	vst v34  }
0xa1: {  	v37 =	vadd.s32 $0x28000, v31;
	[tilespmem:$0x730] =	vst v36  }
0xa2: {  	v38 =	vadd.s32 $0x30000, v31;
	[tilespmem:$0x7B0] =	vst v37  }
0xa3: {  	v0 =	vadd.s32 $0x38000, v31;
	[tilespmem:$0x830] =	vst v38  }
0xa4: {  	v40 =	vadd.s32 $0x8000, v39;
	[tilespmem:$0x8B0] =	vst v0  }
0xa5: {  	v41 =	vadd.s32 $0x10000, v39;
	[tilespmem:$0x5C0] =	vst v40  }
0xa6: {  	v42 =	vadd.s32 $0x18000, v39;
	[tilespmem:$0x640] =	vst v41  }
0xa7: {  	v44 =	vadd.s32 $0x20000, v39;
	[tilespmem:$0x6C0] =	vst v42  }
0xa8: {  	v45 =	vadd.s32 $0x28000, v39;
	[tilespmem:$0x740] =	vst v44  }
0xa9: {  	v46 =	vadd.s32 $0x30000, v39;
	[tilespmem:$0x7C0] =	vst v45  }
0xaa: {  	v48 =	vadd.s32 $0x8000, v47;
	[tilespmem:$0x840] =	vst v46  }
0xab: {  	v49 =	vadd.s32 $0x10000, v47;
	[tilespmem:$0x5D0] =	vst v48  }
0xac: {  	v50 =	vadd.s32 $0x18000, v47;
	[tilespmem:$0x650] =	vst v49  }
0xad: {  	v52 =	vadd.s32 $0x20000, v47;
	[tilespmem:$0x6D0] =	vst v50  }
0xae: {  	v53 =	vadd.s32 $0x28000, v47;
	[tilespmem:$0x750] =	vst v52  }
0xaf: {  	v54 =	vadd.s32 $0x30000, v47;
	[tilespmem:$0x7D0] =	vst v53  }
0xb0: {  	v56 =	vadd.s32 $0x8000, v55;
	[tilespmem:$0x850] =	vst v54  }
0xb1: {  	v57 =	vadd.s32 $0x10000, v55;
	[tilespmem:$0x5E0] =	vst v56  }
0xb2: {  	v58 =	vadd.s32 $0x18000, v55;
	[tilespmem:$0x660] =	vst v57  }
0xb3: {  	v60 =	vadd.s32 $0x20000, v55;
	[tilespmem:$0x6E0] =	vst v58  }
0xb4: {  	v61 =	vadd.s32 $0x28000, v55;
	[tilespmem:$0x760] =	vst v60  }
0xb5: {  	v62 =	vadd.s32 $0x30000, v55;
	[tilespmem:$0x7E0] =	vst v61  }
0xb6: {  	v4 =	vadd.s32 $0x8000, v63;
	[tilespmem:$0x860] =	vst v62  }
0xb7: {  	v5 =	vadd.s32 $0x10000, v63;
	[tilespmem:$0x5F0] =	vst v4  }
0xb8: {  	v6 =	vadd.s32 $0x18000, v63;
	[tilespmem:$0x670] =	vst v5  }
0xb9: {  	v7 =	vadd.s32 $0x20000, v63;
	[tilespmem:$0x6F0] =	vst v6  }
0xba: {  	v8 =	vadd.s32 $0x28000, v63;
	[tilespmem:$0x770] =	vst v7  }
0xbb: {  	v9 =	vadd.s32 $0x30000, v63;
	[tilespmem:$0x7F0] =	vst v8  }
0xbc: {  	v0 =	vadd.s32 $0x38000, v39;
	[tilespmem:$0x870] =	vst v9  }
0xbd: {  	[tilespmem:$0x8C0] =	vst v0;
	v0 =	vadd.s32 $0x38000, v47  }
0xbe: {  	[tilespmem:$0x8D0] =	vst v0;
	v0 =	vadd.s32 $0x38000, v55  }
0xbf: {  	[tilespmem:$0x8E0] =	vst v0;
	v0 =	vadd.s32 $0x38000, v63  }
0xc0: {  	[tilespmem:$0x8F0] =	vst v0  }
0xc1: {  	[tilespmem:s13], [sflag:$0x3] =	stream.indirect.gather [hbm4b:s0+s6], $0x1, s12, s6, $0xb8;
	[tilespmem:$0x1A00] =	vst v63  }
0xc2: {  	_ = 	snop  }
0xc3: {  	[tilespmem:s15], [sflag:$0x3] =	stream.indirect.gather [hbm4b:s0+s6], $0x1, s14, s6, $0xb8;
	[tilespmem:$0x1A00] =	vst v63  }
0xc4: {  	_ = 	snop  }
0xc5: {  	[tilespmem:s17], [sflag:$0x3] =	stream.indirect.gather [hbm4b:s0+s6], $0x1, s16, s6, $0xb8;
	[tilespmem:$0x1A00] =	vst v63  }
0xc6: {  	_ = 	snop  }
0xc7: {  	[tilespmem:s19], [sflag:$0x3] =	stream.indirect.gather [hbm4b:s0+s6], $0x1, s18, s6, $0xb8;
	[tilespmem:$0x1A00] =	vst v63  }
0xc8: {  	_ = 	snop  }
0xc9: {  	[tilespmem:s21], [sflag:$0x3] =	stream.indirect.gather [hbm4b:s0+s6], $0x1, s20, s6, $0xb8;
	[tilespmem:$0x1A00] =	vst v63  }
0xca: {  	_ = 	snop  }
0xcb: {  	[tilespmem:s23], [sflag:$0x3] =	stream.indirect.gather [hbm4b:s0+s6], $0x1, s22, s6, $0xb8;
	[tilespmem:$0x1A00] =	vst v63  }
0xcc: {  	_ = 	snop  }
0xcd: {  	[tilespmem:s25], [sflag:$0x3] =	stream.indirect.gather [hbm4b:s0+s6], $0x1, s24, s6, $0xb8;
	[tilespmem:$0x1A00] =	vst v63  }
0xce: {  	_ = 	snop  }
0xcf: {  	[tilespmem:s28], [sflag:$0x3] =	stream.indirect.gather [hbm4b:s0+s6], $0x1, s26, s6, $0xb8;
	[tilespmem:$0x1A00] =	vst v63  }
0xd0: {  	_ =	swait.ge [sflag:s5], $0x800  }
0xd1: {  	[sflag:s5] =	ssyncset.done $0x0  }
0xd2: {  	[sflag:s5] =	ssyncadd.s32 $0xFFFFF800  }
0xd3: {  	_ =	swait.ge [sflag:s29], $0x80  }
0xd4: {  	[sflag:s29] =	ssyncset.done $0x0  }
0xd5: {  	[sflag:s29] =	ssyncadd.s32 $0xFFFFFF80  }
0xd6: {  	_ =	swait.ge [sflag:s29], $0x80  }
0xd7: {  	[sflag:s29] =	ssyncset.done $0x0  }
0xd8: {  	[sflag:s29] =	ssyncadd.s32 $0xFFFFFF80  }
0xd9: {  	_ =	swait.ge [sflag:s29], $0x80  }
0xda: {  	[sflag:s29] =	ssyncset.done $0x0  }
0xdb: {  	[sflag:s29] =	ssyncadd.s32 $0xFFFFFF80  }
0xdc: {  	_ =	swait.ge [sflag:s29], $0x80  }
0xdd: {  	[sflag:s29] =	ssyncset.done $0x0  }
0xde: {  	[sflag:s29] =	ssyncadd.s32 $0xFFFFFF80  }
0xdf: {  	_ =	swait.ge [sflag:s29], $0x80  }
0xe0: {  	[sflag:s29] =	ssyncset.done $0x0  }
0xe1: {  	[sflag:s29] =	ssyncadd.s32 $0xFFFFFF80  }
0xe2: {  	_ =	swait.ge [sflag:s29], $0x80  }
0xe3: {  	[sflag:s29] =	ssyncset.done $0x0  }
0xe4: {  	[sflag:s29] =	ssyncadd.s32 $0xFFFFFF80  }
0xe5: {  	_ =	swait.ge [sflag:s29], $0x80  }
0xe6: {  	[sflag:s29] =	ssyncset.done $0x0  }
0xe7: {  	[sflag:s29] =	ssyncadd.s32 $0xFFFFFF80  }
0xe8: {  	_ =	swait.ge [sflag:s29], $0x80  }
0xe9: {  	[sflag:s29] =	ssyncset.done $0x0  }
0xea: {  	[sflag:s29] =	ssyncadd.s32 $0xFFFFFF80  }
0xeb: {  	v62 =	vld [tilespmem:$0xA00];
	_ =	sdelay $0x4  }
0xec: {  	[tilespmem:$0x1FBE0] =	vst v62;
	v62 =	vld [tilespmem:$0xC00];
	_ =	sdelay $0x4  }
0xed: {  	[tilespmem:$0x1FBF0] =	vst v62;
	v62 =	vld [tilespmem:$0x1200];
	_ =	sdelay $0x4  }
0xee: {  	[tilespmem:$0x1FBC0] =	vst v62;
	v62 =	vld [tilespmem:$0x1400];
	_ =	sdelay $0x4  }
0xef: {  	[tilespmem:$0x1FBD0] =	vst v62;
	v62 =	vld [tilespmem:$0xA10];
	_ =	sdelay $0x4  }
0xf0: {  	[tilespmem:$0x1FC20] =	vst v62;
	v62 =	vld [tilespmem:$0xC10];
	_ =	sdelay $0x4  }
0xf1: {  	[tilespmem:$0x1FC30] =	vst v62;
	v62 =	vld [tilespmem:$0x1210];
	_ =	sdelay $0x4  }
0xf2: {  	[tilespmem:$0x1FC00] =	vst v62;
	v62 =	vld [tilespmem:$0x1410];
	_ =	sdelay $0x4  }
0xf3: {  	[tilespmem:$0x1FC10] =	vst v62;
	v62 =	vld [tilespmem:$0xA20];
	_ =	sdelay $0x4  }
0xf4: {  	[tilespmem:$0x1FC60] =	vst v62;
	v62 =	vld [tilespmem:$0xC20];
	_ =	sdelay $0x4  }
0xf5: {  	[tilespmem:$0x1FC70] =	vst v62;
	v62 =	vld [tilespmem:$0x1220];
	_ =	sdelay $0x4  }
0xf6: {  	[tilespmem:$0x1FC40] =	vst v62;
	v62 =	vld [tilespmem:$0x1420];
	_ =	sdelay $0x4  }
0xf7: {  	[tilespmem:$0x1FC50] =	vst v62;
	v62 =	vld [tilespmem:$0xA30];
	_ =	sdelay $0x4  }
0xf8: {  	[tilespmem:$0x1FCA0] =	vst v62;
	v62 =	vld [tilespmem:$0xC30];
	_ =	sdelay $0x4  }
0xf9: {  	[tilespmem:$0x1FCB0] =	vst v62;
	v62 =	vld [tilespmem:$0x1230];
	_ =	sdelay $0x4  }
0xfa: {  	[tilespmem:$0x1FC80] =	vst v62;
	v62 =	vld [tilespmem:$0x1430];
	_ =	sdelay $0x4  }
0xfb: {  	[tilespmem:$0x1FC90] =	vst v62;
	v62 =	vld [tilespmem:$0xA40];
	_ =	sdelay $0x4  }
0xfc: {  	[tilespmem:$0x1FCE0] =	vst v62;
	v62 =	vld [tilespmem:$0xC40];
	_ =	sdelay $0x4  }
0xfd: {  	[tilespmem:$0x1FCF0] =	vst v62;
	v62 =	vld [tilespmem:$0x1240];
	_ =	sdelay $0x4  }
0xfe: {  	[tilespmem:$0x1FCC0] =	vst v62;
	v62 =	vld [tilespmem:$0x1440];
	_ =	sdelay $0x4  }
0xff: {  	[tilespmem:$0x1FCD0] =	vst v62;
	v62 =	vld [tilespmem:$0xA50];
	_ =	sdelay $0x4  }
0x100: {  	[tilespmem:$0x1FD20] =	vst v62;
	v62 =	vld [tilespmem:$0xC50];
	_ =	sdelay $0x4  }
0x101: {  	[tilespmem:$0x1FD30] =	vst v62;
	v62 =	vld [tilespmem:$0x1250];
	_ =	sdelay $0x4  }
0x102: {  	[tilespmem:$0x1FD00] =	vst v62;
	v62 =	vld [tilespmem:$0x1450];
	_ =	sdelay $0x4  }
0x103: {  	[tilespmem:$0x1FD10] =	vst v62;
	v62 =	vld [tilespmem:$0xA60];
	_ =	sdelay $0x4  }
0x104: {  	[tilespmem:$0x1FD60] =	vst v62;
	v62 =	vld [tilespmem:$0xC60];
	_ =	sdelay $0x4  }
0x105: {  	[tilespmem:$0x1FD70] =	vst v62;
	v62 =	vld [tilespmem:$0x1260];
	_ =	sdelay $0x4  }
0x106: {  	[tilespmem:$0x1FD40] =	vst v62;
	v62 =	vld [tilespmem:$0x1460];
	_ =	sdelay $0x4  }
0x107: {  	[tilespmem:$0x1FD50] =	vst v62;
	v62 =	vld [tilespmem:$0xA70];
	_ =	sdelay $0x4  }
0x108: {  	[tilespmem:$0x1FDA0] =	vst v62;
	v62 =	vld [tilespmem:$0xC70];
	_ =	sdelay $0x4  }
0x109: {  	[tilespmem:$0x1FDB0] =	vst v62;
	v62 =	vld [tilespmem:$0x1270];
	_ =	sdelay $0x4  }
0x10a: {  	[tilespmem:$0x1FD80] =	vst v62;
	v62 =	vld [tilespmem:$0x1470];
	_ =	sdelay $0x4  }
0x10b: {  	[tilespmem:$0x1FD90] =	vst v62;
	v62 =	vld [tilespmem:$0xA80];
	_ =	sdelay $0x4  }
0x10c: {  	[tilespmem:$0x1FDE0] =	vst v62;
	v62 =	vld [tilespmem:$0xC80];
	_ =	sdelay $0x4  }
0x10d: {  	[tilespmem:$0x1FDF0] =	vst v62;
	v62 =	vld [tilespmem:$0x1280];
	_ =	sdelay $0x4  }
0x10e: {  	[tilespmem:$0x1FDC0] =	vst v62;
	v62 =	vld [tilespmem:$0x1480];
	_ =	sdelay $0x4  }
0x10f: {  	[tilespmem:$0x1FDD0] =	vst v62;
	v62 =	vld [tilespmem:$0xA90];
	_ =	sdelay $0x4  }
0x110: {  	[tilespmem:$0x1FE20] =	vst v62;
	v62 =	vld [tilespmem:$0xC90];
	_ =	sdelay $0x4  }
0x111: {  	[tilespmem:$0x1FE30] =	vst v62;
	v62 =	vld [tilespmem:$0x1290];
	_ =	sdelay $0x4  }
0x112: {  	[tilespmem:$0x1FE00] =	vst v62;
	v62 =	vld [tilespmem:$0x1490];
	_ =	sdelay $0x4  }
0x113: {  	[tilespmem:$0x1FE10] =	vst v62;
	v62 =	vld [tilespmem:$0xAA0];
	_ =	sdelay $0x4  }
0x114: {  	[tilespmem:$0x1FE60] =	vst v62;
	v62 =	vld [tilespmem:$0xCA0];
	_ =	sdelay $0x4  }
0x115: {  	[tilespmem:$0x1FE70] =	vst v62;
	v62 =	vld [tilespmem:$0x12A0];
	_ =	sdelay $0x4  }
0x116: {  	[tilespmem:$0x1FE40] =	vst v62;
	v62 =	vld [tilespmem:$0x14A0];
	_ =	sdelay $0x4  }
0x117: {  	[tilespmem:$0x1FE50] =	vst v62;
	v62 =	vld [tilespmem:$0xAB0];
	_ =	sdelay $0x4  }
0x118: {  	[tilespmem:$0x1FEA0] =	vst v62;
	v62 =	vld [tilespmem:$0xCB0];
	_ =	sdelay $0x4  }
0x119: {  	[tilespmem:$0x1FEB0] =	vst v62;
	v62 =	vld [tilespmem:$0x12B0];
	_ =	sdelay $0x4  }
0x11a: {  	[tilespmem:$0x1FE80] =	vst v62;
	v62 =	vld [tilespmem:$0x14B0];
	_ =	sdelay $0x4  }
0x11b: {  	[tilespmem:$0x1FE90] =	vst v62;
	v62 =	vld [tilespmem:$0xAC0];
	_ =	sdelay $0x2  }
0x11c: {  	v10 =	vld [tilespmem:$0x900]  }
0x11d: {  	v8 =	vld [tilespmem:$0xB00]  }
0x11e: {  	[tilespmem:$0x1FEE0] =	vst v62;
	v62 =	vld [tilespmem:$0xCC0]  }
0x11f: {  	v2 =	vld [tilespmem:$0x1100]  }
0x120: {  	v0 =	vld [tilespmem:$0x1300]  }
0x121: {  	v11 =	vld [tilespmem:$0x910]  }
0x122: {  	v9 =	vld [tilespmem:$0xB10]  }
0x123: {  	[tilespmem:$0x1FEF0] =	vst v62;
	v62 =	vld [tilespmem:$0x12C0]  }
0x124: {  	v3 =	vld [tilespmem:$0x1110]  }
0x125: {  	v1 =	vld [tilespmem:$0x1310]  }
0x126: {  	v13 =	vld [tilespmem:$0x920]  }
0x127: {  	v12 =	vld [tilespmem:$0xB20]  }
0x128: {  	[tilespmem:$0x1FEC0] =	vst v62;
	v62 =	vld [tilespmem:$0x14C0]  }
0x129: {  	v6 =	vld [tilespmem:$0x1120]  }
0x12a: {  	v4 =	vld [tilespmem:$0x1320]  }
0x12b: {  	v15 =	vld [tilespmem:$0x930]  }
0x12c: {  	v14 =	vld [tilespmem:$0xB30]  }
0x12d: {  	[tilespmem:$0x1FED0] =	vst v62;
	v62 =	vld [tilespmem:$0xAD0]  }
0x12e: {  	v7 =	vld [tilespmem:$0x1130]  }
0x12f: {  	v5 =	vld [tilespmem:$0x1330]  }
0x130: {  	v22 =	vld [tilespmem:$0x940]  }
0x131: {  	v20 =	vld [tilespmem:$0xB40]  }
0x132: {  	[tilespmem:$0x1FF20] =	vst v62;
	v62 =	vld [tilespmem:$0xCD0]  }
0x133: {  	v17 =	vld [tilespmem:$0x1140]  }
0x134: {  	v16 =	vld [tilespmem:$0x1340]  }
0x135: {  	v25 =	vld [tilespmem:$0x950]  }
0x136: {  	v24 =	vld [tilespmem:$0xB50]  }
0x137: {  	[tilespmem:$0x1FF30] =	vst v62;
	v62 =	vld [tilespmem:$0x12D0]  }
0x138: {  	v19 =	vld [tilespmem:$0x1150]  }
0x139: {  	v18 =	vld [tilespmem:$0x1350]  }
0x13a: {  	v45 =	vld [tilespmem:$0x960]  }
0x13b: {  	v26 =	vld [tilespmem:$0xB60]  }
0x13c: {  	[tilespmem:$0x1FF00] =	vst v62;
	v62 =	vld [tilespmem:$0x14D0]  }
0x13d: {  	v23 =	vld [tilespmem:$0x1160]  }
0x13e: {  	v21 =	vld [tilespmem:$0x1360]  }
0x13f: {  	v30 =	vld [tilespmem:$0x970]  }
0x140: {  	v61 =	vld [tilespmem:$0xB70]  }
0x141: {  	[tilespmem:$0x1FF10] =	vst v62;
	v62 =	vld [tilespmem:$0xAE0]  }
0x142: {  	v50 =	vld [tilespmem:$0x1170]  }
0x143: {  	v27 =	vld [tilespmem:$0x1370]  }
0x144: {  	v54 =	vld [tilespmem:$0x980]  }
0x145: {  	v58 =	vld [tilespmem:$0xB80]  }
0x146: {  	[tilespmem:$0x1FF60] =	vst v62;
	v62 =	vld [tilespmem:$0xCE0]  }
0x147: {  	v29 =	vld [tilespmem:$0x1180]  }
0x148: {  	v28 =	vld [tilespmem:$0x1380]  }
0x149: {  	v32 =	vld [tilespmem:$0x990]  }
0x14a: {  	v31 =	vld [tilespmem:$0xB90]  }
0x14b: {  	[tilespmem:$0x1FF70] =	vst v62;
	v62 =	vld [tilespmem:$0x12E0]  }
0x14c: {  	v35 =	vld [tilespmem:$0x1190]  }
0x14d: {  	v36 =	vld [tilespmem:$0x1390]  }
0x14e: {  	v39 =	vld [tilespmem:$0x9A0]  }
0x14f: {  	v63 =	vld [tilespmem:$0xBA0]  }
0x150: {  	[tilespmem:$0x1FF40] =	vst v62;
	v62 =	vld [tilespmem:$0x14E0]  }
0x151: {  	v59 =	vld [tilespmem:$0x11A0]  }
0x152: {  	v34 =	vld [tilespmem:$0x13A0]  }
0x153: {  	v42 =	vld [tilespmem:$0x9B0]  }
0x154: {  	v41 =	vld [tilespmem:$0xBB0]  }
0x155: {  	[tilespmem:$0x1FF50] =	vst v62;
	v62 =	vld [tilespmem:$0xAF0]  }
0x156: {  	v37 =	vld [tilespmem:$0x11B0]  }
0x157: {  	v33 =	vld [tilespmem:$0x13B0]  }
0x158: {  	v44 =	vld [tilespmem:$0x9C0]  }
0x159: {  	v43 =	vld [tilespmem:$0xBC0]  }
0x15a: {  	[tilespmem:$0x1FFA0] =	vst v62;
	v62 =	vld [tilespmem:$0xCF0]  }
0x15b: {  	v40 =	vld [tilespmem:$0x11C0]  }
0x15c: {  	v38 =	vld [tilespmem:$0x13C0]  }
0x15d: {  	v53 =	vld [tilespmem:$0x9D0]  }
0x15e: {  	v51 =	vld [tilespmem:$0xBD0]  }
0x15f: {  	[tilespmem:$0x1FFB0] =	vst v62;
	v62 =	vld [tilespmem:$0x12F0]  }
0x160: {  	v47 =	vld [tilespmem:$0x11D0]  }
0x161: {  	v46 =	vld [tilespmem:$0x13D0]  }
0x162: {  	v57 =	vld [tilespmem:$0x9E0]  }
0x163: {  	v52 =	vld [tilespmem:$0x9F0]  }
0x164: {  	[tilespmem:$0x1FF80] =	vst v62;
	v62 =	vld [tilespmem:$0x14F0]  }
0x165: {  	v56 =	vld [tilespmem:$0xBE0]  }
0x166: {  	v49 =	vld [tilespmem:$0x11E0]  }
0x167: {  	v48 =	vld [tilespmem:$0x13E0]  }
0x168: {  	v60 =	vld [tilespmem:$0xBF0];
	[tilespmem:$0x1FBB0] =	vst v52  }
0x169: {  	v55 =	vld [tilespmem:$0x11F0];
	[tilespmem:$0x1FF90] =	vst v62  }
0x16a: {  	v52 =	vld [tilespmem:$0x13F0];
	_ =	swait.ge [sflag:s30], $0x80  }
0x16b: {  	[sflag:s30] =	ssyncset.done $0x0  }
0x16c: {  	[sflag:s30] =	ssyncadd.s32 $0xFFFFFF80  }
0x16d: {  	v0 =	vmul.u32 v2, v0;
	v10 =	vsub.f32 v8, v10;
	_ =	swait.ge [sflag:s30], $0x80  }
0x16e: {  	v1 =	vmul.u32 v3, v1;
	v11 =	vsub.f32 v9, v11;
	v4 =	vmul.u32 v6, v4;
	[sflag:s30] =	ssyncset.done $0x0  }
0x16f: {  	v13 =	vsub.f32 v12, v13;
	v5 =	vmul.u32 v7, v5;
	v14 =	vsub.f32 v14, v15;
	[sflag:s30] =	ssyncadd.s32 $0xFFFFFF80  }
0x170: {  	v17 =	vmul.u32 v17, v16;
	v9 =	vsub.f32 v20, v22;
	v12 =	vmul.u32 v23, v21;
	_ =	swait.ge [sflag:s30], $0x80  }
0x171: {  	v20 =	vmul.u32 v29, v28;
	v21 =	vsub.f32 v58, v54;
	v22 =	vmul.u32 v35, v36;
	[sflag:s30] =	ssyncset.done $0x0  }
0x172: {  	v23 =	vsub.f32 v31, v32;
	v0 =	vcvt.s32.f32 v0;
	v1 =	vcvt.s32.f32 v1;
	[sflag:s30] =	ssyncadd.s32 $0xFFFFFF80  }
0x173: {  	v28 =	vsub.f32 v41, v42;
	v29 =	vmul.u32 v40, v38;
	v2 =	vand.u32 $0x7FFFFFFF, v10;
	_ =	swait.ge [sflag:s30], $0x80  }
0x174: {  	v4 =	vcvt.s32.f32 v4;
	v2 =	vmul.f32 v0, v2;
	v0 =	vadd.f32 v1, v0;
	[sflag:s30] =	ssyncset.done $0x0  }
0x175: {  	v35 =	vmul.u32 v49, v48;
	v36 =	vsub.f32 v56, v57;
	v3 =	vand.u32 $0x7FFFFFFF, v11;
	[sflag:s30] =	ssyncadd.s32 $0xFFFFFF80  }
0x176: {  	v6 =	vand.u32 $0x7FFFFFFF, v13;
	v5 =	vcvt.s32.f32 v5;
	v0 =	vadd.f32 v4, v0;
	_ =	swait.ge [sflag:s30], $0x80  }
0x177: {  	v10 =	vmul.u32 v19, v18;
	v3 =	vmul.f32 v1, v3;
	v2 =	vadd.f32 $0.0e+00, v2;
	[sflag:s30] =	ssyncset.done $0x0  }
0x178: {  	v11 =	vsub.f32 v24, v25;
	v1 =	vcvt.s32.f32 v17;
	v0 =	vadd.f32 v5, v0;
	[sflag:s30] =	ssyncadd.s32 $0xFFFFFF80  }
0x179: {  	v13 =	vsub.f32 v26, v45;
	v15 =	vmul.f32 v4, v6;
	v2 =	vadd.f32 v3, v2;
	_ =	swait.ge [sflag:s30], $0x80  }
0x17a: {  	v19 =	vsub.f32 v61, v30;
	v4 =	vcvt.s32.f32 v10;
	v0 =	vadd.f32 v1, v0;
	[sflag:s30] =	ssyncset.done $0x0  }
0x17b: {  	v8 =	vcvt.s32.f32 v22;
	v17 =	vmul.u32 v50, v27;
	v2 =	vadd.f32 v15, v2;
	[sflag:s30] =	ssyncadd.s32 $0xFFFFFF80  }
0x17c: {  	v15 =	vcvt.s32.f32 v12;
	v0 =	vadd.f32 v4, v0;
	v62 =	vand.u32 $0x7FFFFFFF, v14;
	_ =	swait.ge [sflag:s30], $0x80  }
0x17d: {  	v24 =	vmul.u32 v59, v34;
	v3 =	vand.u32 $0x7FFFFFFF, v9;
	v6 =	vmul.f32 v5, v62;
	[sflag:s30] =	ssyncset.done $0x0  }
0x17e: {  	v3 =	vmul.f32 v1, v3;
	v1 =	vcvt.s32.f32 v17;
	v0 =	vadd.f32 v15, v0;
	[sflag:s30] =	ssyncadd.s32 $0xFFFFFF80  }
0x17f: {  	v25 =	vand.u32 $0x7FFFFFFF, v23;
	v2 =	vadd.f32 v6, v2;
	v6 =	vand.u32 $0x7FFFFFFF, v11;
	_ =	swait.ge [sflag:s30], $0x80  }
0x180: {  	v0 =	vadd.f32 v1, v0;
	v14 =	vmul.f32 v4, v6;
	v4 =	vcvt.s32.f32 v20;
	v38 =	vld [tilespmem:$0x1FBB0]  }
0x181: {  	v30 =	vsub.f32 v43, v44;
	v7 =	vand.u32 $0x7FFFFFFF, v19;
	v2 =	vadd.f32 v3, v2;
	v41 =	vld [tilespmem:$0x1FBC0]  }
0x182: {  	v27 =	vmul.u32 v37, v33;
	v5 =	vand.u32 $0x7FFFFFFF, v13;
	v0 =	vadd.f32 v4, v0;
	v42 =	vld [tilespmem:$0x1FBD0]  }
0x183: {  	v33 =	vmul.u32 v47, v46;
	v5 =	vmul.f32 v15, v5;
	v3 =	vadd.f32 v14, v2;
	v44 =	vld [tilespmem:$0x1FBE0]  }
0x184: {  	v7 =	vmul.f32 v1, v7;
	v1 =	vcvt.s32.f32 v24;
	v0 =	vadd.f32 v8, v0;
	v46 =	vld [tilespmem:$0x1FBF0]  }
0x185: {  	v26 =	vsub.f32 v63, v39;
	v3 =	vadd.f32 v5, v3;
	v5 =	vand.u32 $0x7FFFFFFF, v21;
	v48 =	vld [tilespmem:$0x1FC00]  }
0x186: {  	v5 =	vmul.f32 v4, v5;
	v4 =	vcvt.s32.f32 v27;
	v0 =	vadd.f32 v1, v0;
	v49 =	vld [tilespmem:$0x1FC10]  }
0x187: {  	v32 =	vcvt.s32.f32 v29;
	v37 =	vmul.u32 v55, v52;
	v3 =	vadd.f32 v7, v3;
	v52 =	vld [tilespmem:$0x1FC20]  }
0x188: {  	v34 =	vsub.f32 v51, v53;
	v7 =	vmul.f32 v8, v25;
	v0 =	vadd.f32 v4, v0;
	v53 =	vld [tilespmem:$0x1FC30]  }
0x189: {  	v8 =	vand.u32 $0x7FFFFFFF, v30;
	v3 =	vadd.f32 v5, v3;
	v5 =	vand.u32 $0x7FFFFFFF, v26;
	v56 =	vld [tilespmem:$0x1FC40]  }
0x18a: {  	v5 =	vmul.f32 v1, v5;
	v1 =	vcvt.s32.f32 v33;
	v0 =	vadd.f32 v32, v0;
	v57 =	vld [tilespmem:$0x1FC50]  }
0x18b: {  	v9 =	vand.u32 $0x7FFFFFFF, v28;
	v8 =	vmul.f32 v32, v8;
	v32 =	vld [tilespmem:$0x1FC60]  }
0x18c: {  	v31 =	vmul.f32 v4, v9;
	v4 =	vcvt.s32.f32 v35;
	v0 =	vadd.f32 v1, v0;
	v33 =	vld [tilespmem:$0x1FC70]  }
0x18d: {  	v10 =	vcvt.s32.f32 v37;
	[sflag:s30] =	ssyncset.done $0x0;
	v37 =	vld [tilespmem:$0x1FC80]  }
0x18e: {  	v47 =	vadd.f32 v4, v0;
	v0 =	vld [tilespmem:$0x1FF80];
	[sflag:s30] =	ssyncadd.s32 $0xFFFFFF80  }
0x18f: {  	v16 =	vld [tilespmem:$0xD00]  }
0x190: {  	v18 =	vld [tilespmem:$0xF00]  }
0x191: {  	v61 =	vld [tilespmem:$0x1500]  }
0x192: {  	v2 =	vld [tilespmem:$0x1700]  }
0x193: {  	v54 =	vld [tilespmem:$0xD10]  }
0x194: {  	v58 =	vld [tilespmem:$0xF10]  }
0x195: {  	v6 =	vld [tilespmem:$0x1510]  }
0x196: {  	v11 =	vld [tilespmem:$0x1710]  }
0x197: {  	v59 =	vld [tilespmem:$0xD20]  }
0x198: {  	v63 =	vld [tilespmem:$0xF20]  }
0x199: {  	v45 =	vld [tilespmem:$0x1520]  }
0x19a: {  	v17 =	vld [tilespmem:$0x1720]  }
0x19b: {  	v50 =	vld [tilespmem:$0xD30]  }
0x19c: {  	v13 =	vld [tilespmem:$0xF30]  }
0x19d: {  	v3 =	vadd.f32 v7, v3;
	v21 =	vld [tilespmem:$0x1530]  }
0x19e: {  	v26 =	vld [tilespmem:$0x1730]  }
0x19f: {  	v3 =	vadd.f32 v5, v3;
	v22 =	vld [tilespmem:$0xF40]  }
0x1a0: {  	v20 =	vld [tilespmem:$0x1540]  }
0x1a1: {  	v3 =	vadd.f32 v31, v3;
	v23 =	vld [tilespmem:$0x1740]  }
0x1a2: {  	v19 =	vld [tilespmem:$0xF50]  }
0x1a3: {  	v3 =	vadd.f32 v8, v3;
	v8 =	vand.u32 $0x7FFFFFFF, v36;
	v14 =	vld [tilespmem:$0x1550]  }
0x1a4: {  	v40 =	vmul.f32 v4, v8;
	v8 =	vld [tilespmem:$0x1750]  }
0x1a5: {  	v12 =	vld [tilespmem:$0xD60]  }
0x1a6: {  	v7 =	vld [tilespmem:$0xF60]  }
0x1a7: {  	v15 =	vld [tilespmem:$0x1760]  }
0x1a8: {  	v4 =	vld [tilespmem:$0xD70]  }
0x1a9: {  	v25 =	vld [tilespmem:$0x1570]  }
0x1aa: {  	v28 =	vld [tilespmem:$0x1770]  }
0x1ab: {  	v5 =	vand.u32 $0x7FFFFFFF, v34;
	v39 =	vsub.f32 v60, v38;
	v38 =	vld [tilespmem:$0x1FC90]  }
0x1ac: {  	v5 =	vmul.f32 v1, v5;
	v1 =	vmul.u32 v41, v42;
	v41 =	vld [tilespmem:$0x1FCA0]  }
0x1ad: {  	v42 =	vld [tilespmem:$0x1FCB0]  }
0x1ae: {  	v3 =	vadd.f32 v5, v3;
	v5 =	vsub.f32 v46, v44;
	v46 =	vld [tilespmem:$0x1FCC0]  }
0x1af: {  	v55 =	vsub.f32 v53, v52;
	v52 =	vld [tilespmem:$0x1FCF0]  }
0x1b0: {  	v60 =	vmul.u32 v56, v57;
	v56 =	vld [tilespmem:$0x1FD10]  }
0x1b1: {  	v34 =	vsub.f32 v33, v32;
	v32 =	vld [tilespmem:$0xDA0]  }
0x1b2: {  	v51 =	vmul.u32 v48, v49;
	[tilespmem:$0x1FFD0] =	vst v18;
	v18 =	vld [tilespmem:$0xD40]  }
0x1b3: {  	[tilespmem:$0x1FFC0] =	vst v16;
	v16 =	vld [tilespmem:$0xD50]  }
0x1b4: {  	v24 =	vcvt.s32.f32 v51;
	v51 =	vld [tilespmem:$0x1FCE0]  }
0x1b5: {  	v11 =	vmul.u32 v6, v11;
	v6 =	vld [tilespmem:$0xFF0]  }
0x1b6: {  	v54 =	vsub.f32 v58, v54;
	v58 =	vld [tilespmem:$0x15F0]  }
0x1b7: {  	v21 =	vmul.u32 v21, v26;
	v26 =	vld [tilespmem:$0x1600]  }
0x1b8: {  	v13 =	vsub.f32 v13, v50;
	v50 =	vld [tilespmem:$0x1800]  }
0x1b9: {  	v20 =	vmul.u32 v20, v23;
	v23 =	vld [tilespmem:$0xE10]  }
0x1ba: {  	v8 =	vmul.u32 v14, v8;
	v14 =	vld [tilespmem:$0x1810]  }
0x1bb: {  	v43 =	vand.u32 $0x7FFFFFFF, v39;
	v7 =	vsub.f32 v7, v12;
	v12 =	vld [tilespmem:$0x1620]  }
0x1bc: {  	v1 =	vcvt.s32.f32 v1;
	v9 =	vmul.f32 v10, v43;
	v10 =	vadd.f32 v10, v47;
	v47 =	vld [tilespmem:$0x1FCD0]  }
0x1bd: {  	v5 =	vand.u32 $0x7FFFFFFF, v5;
	v61 =	vmul.u32 v61, v2;
	v2 =	vld [tilespmem:$0x1FFC0]  }
0x1be: {  	v3 =	vadd.f32 v40, v3;
	v62 =	vmul.f32 v1, v5;
	v5 =	vld [tilespmem:$0x1560]  }
0x1bf: {  	v1 =	vadd.f32 v1, v10;
	v10 =	vld [tilespmem:$0xD80]  }
0x1c0: {  	v3 =	vadd.f32 v9, v3;
	v9 =	vand.u32 $0x7FFFFFFF, v55;
	v55 =	vld [tilespmem:$0x1FD00]  }
0x1c1: {  	v39 =	vmul.u32 v37, v38;
	v38 =	vld [tilespmem:$0x1FD20]  }
0x1c2: {  	v43 =	vsub.f32 v42, v41;
	v42 =	vld [tilespmem:$0x1FD40]  }
0x1c3: {  	v35 =	vmul.f32 v24, v9;
	v9 =	vld [tilespmem:$0xF70]  }
0x1c4: {  	v1 =	vadd.f32 v24, v1;
	v24 =	vld [tilespmem:$0xF80]  }
0x1c5: {  	v49 =	vcvt.s32.f32 v39;
	v39 =	vld [tilespmem:$0x1FD30]  }
0x1c6: {  	v36 =	vcvt.s32.f32 v60;
	v27 =	vadd.f32 v62, v3;
	v29 =	vand.u32 $0x7FFFFFFF, v43;
	v43 =	vld [tilespmem:$0x1FD50]  }
0x1c7: {  	v40 =	vand.u32 $0x7FFFFFFF, v34;
	v48 =	vmul.u32 v46, v47;
	v46 =	vld [tilespmem:$0x1FD60]  }
0x1c8: {  	v44 =	vmul.f32 v36, v40;
	v53 =	vsub.f32 v52, v51;
	v47 =	vld [tilespmem:$0x1FD70];
	v27 =	vadd.f32 v35, v27  }
0x1c9: {  	v52 =	vld [tilespmem:$0x1FD80];
	v60 =	vmul.f32 v49, v29;
	v57 =	vmul.u32 v55, v56  }
0x1ca: {  	v1 =	vadd.f32 v36, v1;
	v31 =	vand.u32 $0x7FFFFFFF, v53;
	v53 =	vld [tilespmem:$0x1FD90];
	v27 =	vadd.f32 v44, v27  }
0x1cb: {  	v33 =	vcvt.s32.f32 v57;
	v57 =	vld [tilespmem:$0x1FDA0]  }
0x1cc: {  	v62 =	vcvt.s32.f32 v48;
	v1 =	vadd.f32 v49, v1;
	v34 =	vadd.f32 v60, v27;
	v60 =	vld [tilespmem:$0x1FDB0]  }
0x1cd: {  	v40 =	vsub.f32 v39, v38;
	v44 =	vmul.u32 v42, v43;
	v48 =	vsub.f32 v47, v46;
	v46 =	vld [tilespmem:$0x1FDC0]  }
0x1ce: {  	v41 =	vmul.f32 v62, v31;
	v51 =	vadd.f32 v62, v1;
	v47 =	vld [tilespmem:$0x1FDD0]  }
0x1cf: {  	v30 =	vand.u32 $0x7FFFFFFF, v40;
	v55 =	vmul.u32 v52, v53;
	v56 =	vcvt.s32.f32 v44;
	v52 =	vld [tilespmem:$0x1FDF0]  }
0x1d0: {  	v34 =	vadd.f32 v41, v34;
	v49 =	vmul.f32 v33, v30;
	v38 =	vadd.f32 v33, v51;
	v51 =	vld [tilespmem:$0x1FDE0]  }
0x1d1: {  	v3 =	vld [tilespmem:$0x1590];
	v44 =	vand.u32 $0x7FFFFFFF, v48  }
0x1d2: {  	v18 =	vsub.f32 v22, v18;
	v22 =	vld [tilespmem:$0x1010];
	v34 =	vadd.f32 v49, v34;
	v49 =	vmul.f32 v56, v44  }
0x1d3: {  	v62 =	vsub.f32 v60, v57;
	v57 =	vld [tilespmem:$0x1FE00]  }
0x1d4: {  	v42 =	vcvt.s32.f32 v55;
	v34 =	vadd.f32 v49, v34;
	v49 =	vld [tilespmem:$0x1FE20]  }
0x1d5: {  	v48 =	vmul.u32 v46, v47;
	v53 =	vsub.f32 v52, v51;
	v37 =	vand.u32 $0x7FFFFFFF, v62;
	v51 =	vld [tilespmem:$0x1FE30]  }
0x1d6: {  	v60 =	vld [tilespmem:$0x1FE10];
	v55 =	vmul.f32 v42, v37  }
0x1d7: {  	v43 =	vcvt.s32.f32 v48;
	v48 =	vand.u32 $0x7FFFFFFF, v53;
	v53 =	vld [tilespmem:$0x1FE40]  }
0x1d8: {  	v41 =	vadd.f32 v55, v34;
	v55 =	vld [tilespmem:$0x1FE50]  }
0x1d9: {  	v16 =	vsub.f32 v19, v16;
	v19 =	vld [tilespmem:$0x1630]  }
0x1da: {  	v29 =	vld [tilespmem:$0x1580];
	v52 =	vsub.f32 v51, v49  }
0x1db: {  	v56 =	vadd.f32 v56, v38;
	v62 =	vmul.u32 v57, v60;
	v57 =	vld [tilespmem:$0x1FE60]  }
0x1dc: {  	v44 =	vand.u32 $0x7FFFFFFF, v52;
	v52 =	vld [tilespmem:$0x1FE80]  }
0x1dd: {  	v46 =	vadd.f32 v42, v56;
	v56 =	vmul.u32 v53, v55;
	v53 =	vld [tilespmem:$0x1FE90]  }
0x1de: {  	v60 =	vld [tilespmem:$0x1FE70]  }
0x1df: {  	v55 =	vld [tilespmem:$0x1FEA0]  }
0x1e0: {  	v49 =	vcvt.s32.f32 v56;
	v56 =	vld [tilespmem:$0x1FEB0]  }
0x1e1: {  	v35 =	vld [tilespmem:$0x1790]  }
0x1e2: {  	v36 =	vld [tilespmem:$0xFB0];
	v40 =	vmul.f32 v43, v48;
	v48 =	vmul.u32 v52, v53  }
0x1e3: {  	v5 =	vmul.u32 v5, v15;
	v15 =	vld [tilespmem:$0x1020]  }
0x1e4: {  	v43 =	vadd.f32 v43, v46;
	v47 =	vcvt.s32.f32 v62;
	v53 =	vcvt.s32.f32 v48;
	v48 =	vld [tilespmem:$0x1FEC0]  }
0x1e5: {  	v62 =	vsub.f32 v60, v57;
	v57 =	vsub.f32 v56, v55;
	v55 =	vld [tilespmem:$0x1FED0]  }
0x1e6: {  	v41 =	vadd.f32 v40, v41;
	v44 =	vmul.f32 v47, v44;
	v56 =	vld [tilespmem:$0x1FEE0]  }
0x1e7: {  	v43 =	vadd.f32 v47, v43;
	v60 =	vand.u32 $0x7FFFFFFF, v62;
	v46 =	vand.u32 $0x7FFFFFFF, v57;
	v57 =	vld [tilespmem:$0x1FEF0]  }
0x1e8: {  	v4 =	vsub.f32 v9, v4;
	v9 =	vld [tilespmem:$0xE30];
	v62 =	vadd.f32 v44, v41;
	v51 =	vmul.f32 v49, v60  }
0x1e9: {  	v31 =	vld [tilespmem:$0x1780];
	v49 =	vadd.f32 v49, v43  }
0x1ea: {  	v43 =	vld [tilespmem:$0x1FF10];
	v51 =	vadd.f32 v51, v62;
	v46 =	vmul.f32 v53, v46;
	v47 =	vmul.u32 v48, v55  }
0x1eb: {  	v62 =	vld [tilespmem:$0x1FF00]  }
0x1ec: {  	v60 =	vsub.f32 v57, v56;
	v56 =	vcvt.s32.f32 v47;
	v47 =	vadd.f32 v46, v51;
	v51 =	vld [tilespmem:$0x1FF20]  }
0x1ed: {  	v57 =	vld [tilespmem:$0x1FF30]  }
0x1ee: {  	v39 =	vld [tilespmem:$0x17A0]  }
0x1ef: {  	v27 =	vld [tilespmem:$0xD90]  }
0x1f0: {  	v30 =	vld [tilespmem:$0xF90]  }
0x1f1: {  	v55 =	vmul.u32 v62, v43;
	v62 =	vld [tilespmem:$0x1FF50]  }
0x1f2: {  	v57 =	vsub.f32 v57, v51;
	v51 =	vand.u32 $0x7FFFFFFF, v60;
	v60 =	vld [tilespmem:$0x1FF40]  }
0x1f3: {  	v33 =	vld [tilespmem:$0xFA0]  }
0x1f4: {  	v38 =	vld [tilespmem:$0xDC0]  }
0x1f5: {  	v37 =	vld [tilespmem:$0x15A0];
	v49 =	vadd.f32 v53, v49  }
0x1f6: {  	v34 =	vld [tilespmem:$0xDB0];
	v55 =	vcvt.s32.f32 v55  }
0x1f7: {  	v60 =	vmul.u32 v60, v62;
	v62 =	vmul.f32 v56, v51;
	v56 =	vadd.f32 v56, v49;
	v49 =	vld [tilespmem:$0x1FF90]  }
0x1f8: {  	v52 =	vld [tilespmem:$0x1FF60];
	v57 =	vand.u32 $0x7FFFFFFF, v57  }
0x1f9: {  	v53 =	vld [tilespmem:$0x1FF70];
	v57 =	vmul.f32 v55, v57;
	v62 =	vadd.f32 v62, v47  }
0x1fa: {  	v42 =	vld [tilespmem:$0x17B0]  }
0x1fb: {  	v57 =	vadd.f32 v57, v62;
	v62 =	vld [tilespmem:$0x1FFB0]  }
0x1fc: {  	v1 =	vmul.u32 v0, v49;
	v0 =	vld [tilespmem:$0x1FFA0]  }
0x1fd: {  	v40 =	vld [tilespmem:$0x15B0]  }
0x1fe: {  	v3 =	vmul.u32 v3, v35;
	v35 =	vsub.f32 v36, v34;
	v34 =	vld [tilespmem:$0xE70];
	v53 =	vsub.f32 v53, v52  }
0x1ff: {  	v41 =	vld [tilespmem:$0xFC0];
	v60 =	vcvt.s32.f32 v60  }
0x200: {  	v44 =	vld [tilespmem:$0x15C0];
	v53 =	vand.u32 $0x7FFFFFFF, v53  }
0x201: {  	v48 =	vld [tilespmem:$0x17C0];
	v62 =	vsub.f32 v62, v0;
	v0 =	vmul.f32 v60, v53  }
0x202: {  	v17 =	vmul.u32 v45, v17;
	v63 =	vsub.f32 v63, v59;
	v43 =	vld [tilespmem:$0xDD0]  }
0x203: {  	v61 =	vcvt.s32.f32 v61;
	v0 =	vadd.f32 v0, v57;
	v57 =	vand.u32 $0x7FFFFFFF, v62;
	v62 =	vld [tilespmem:$0x1FFD0]  }
0x204: {  	v54 =	vand.u32 $0x7FFFFFFF, v54;
	v17 =	vcvt.s32.f32 v17;
	v21 =	vcvt.s32.f32 v21;
	v47 =	vld [tilespmem:$0xDE0]  }
0x205: {  	v20 =	vcvt.s32.f32 v20;
	v8 =	vcvt.s32.f32 v8;
	v56 =	vadd.f32 v55, v56;
	v49 =	vld [tilespmem:$0xFE0]  }
0x206: {  	v13 =	vand.u32 $0x7FFFFFFF, v13;
	v5 =	vcvt.s32.f32 v5;
	v46 =	vld [tilespmem:$0xFD0];
	v1 =	vcvt.s32.f32 v1  }
0x207: {  	v7 =	vand.u32 $0x7FFFFFFF, v7;
	v13 =	vmul.f32 v21, v13;
	v52 =	vld [tilespmem:$0x17D0];
	v56 =	vadd.f32 v60, v56  }
0x208: {  	v7 =	vmul.f32 v5, v7;
	v51 =	vld [tilespmem:$0x15D0];
	v57 =	vmul.f32 v1, v57;
	v62 =	vsub.f32 v62, v2  }
0x209: {  	v4 =	vand.u32 $0x7FFFFFFF, v4;
	v3 =	vcvt.s32.f32 v3;
	v55 =	vld [tilespmem:$0x17E0];
	v1 =	vadd.f32 v1, v56  }
0x20a: {  	v53 =	vld [tilespmem:$0x15E0];
	v49 =	vsub.f32 v49, v47;
	v0 =	vadd.f32 v57, v0;
	v60 =	vand.u32 $0x7FFFFFFF, v62  }
0x20b: {  	v1 =	vadd.f32 v61, v1;
	v2 =	vld [tilespmem:$0xDF0];
	v57 =	vmul.f32 v61, v60;
	v60 =	vcvt.s32.f32 v11  }
0x20c: {  	v56 =	vld [tilespmem:$0x1000];
	v61 =	vmul.u32 v25, v28;
	v28 =	vmul.u32 v29, v31;
	v29 =	vsub.f32 v24, v10  }
0x20d: {  	v62 =	vld [tilespmem:$0x17F0];
	v0 =	vadd.f32 v57, v0;
	v45 =	vmul.f32 v60, v54;
	v54 =	vand.u32 $0x7FFFFFFF, v63  }
0x20e: {  	v10 =	vld [tilespmem:$0x1830];
	v1 =	vadd.f32 v60, v1;
	v57 =	vand.u32 $0x7FFFFFFF, v18;
	v60 =	vand.u32 $0x7FFFFFFF, v16  }
0x20f: {  	v11 =	vld [tilespmem:$0xE00];
	v63 =	vcvt.s32.f32 v61;
	v0 =	vadd.f32 v45, v0;
	v45 =	vmul.f32 v17, v54  }
0x210: {  	v24 =	vld [tilespmem:$0x1640];
	v31 =	vcvt.s32.f32 v28;
	v2 =	vsub.f32 v6, v2;
	v1 =	vadd.f32 v17, v1  }
0x211: {  	v25 =	vld [tilespmem:$0x1840];
	v59 =	vmul.f32 v20, v57;
	v57 =	vsub.f32 v30, v27;
	v0 =	vadd.f32 v45, v0  }
0x212: {  	v18 =	vld [tilespmem:$0x1820];
	v4 =	vmul.f32 v63, v4;
	v54 =	vand.u32 $0x7FFFFFFF, v29;
	v1 =	vadd.f32 v21, v1  }
0x213: {  	v16 =	vld [tilespmem:$0x1030];
	v2 =	vand.u32 $0x7FFFFFFF, v2;
	v10 =	vmul.u32 v19, v10;
	v0 =	vadd.f32 v13, v0  }
0x214: {  	v28 =	vld [tilespmem:$0x1650];
	v13 =	vmul.f32 v8, v60;
	v1 =	vadd.f32 v20, v1;
	v60 =	vsub.f32 v33, v32  }
0x215: {  	v27 =	vld [tilespmem:$0x1050];
	v32 =	vmul.u32 v40, v42;
	v40 =	vsub.f32 v41, v38;
	v41 =	vmul.u32 v51, v52  }
0x216: {  	v30 =	vld [tilespmem:$0xE60];
	v42 =	vsub.f32 v46, v43;
	v51 =	vmul.u32 v58, v62;
	v0 =	vadd.f32 v59, v0  }
0x217: {  	v17 =	vld [tilespmem:$0xE20];
	v52 =	vand.u32 $0x7FFFFFFF, v49;
	v1 =	vadd.f32 v8, v1;
	v59 =	vmul.u32 v37, v39  }
0x218: {  	v29 =	vld [tilespmem:$0x1850];
	v36 =	vcvt.s32.f32 v32;
	v37 =	vmul.u32 v44, v48;
	v0 =	vadd.f32 v13, v0  }
0x219: {  	v45 =	vld [tilespmem:$0x1610];
	v39 =	vand.u32 $0x7FFFFFFF, v35;
	v44 =	vcvt.s32.f32 v41;
	v1 =	vadd.f32 v5, v1  }
0x21a: {  	v21 =	vld [tilespmem:$0xE50];
	v46 =	vand.u32 $0x7FFFFFFF, v42;
	v48 =	vmul.u32 v53, v55;
	v0 =	vadd.f32 v7, v0  }
0x21b: {  	v20 =	vld [tilespmem:$0x1040];
	v53 =	vcvt.s32.f32 v51;
	v55 =	vsub.f32 v56, v11;
	v1 =	vadd.f32 v63, v1  }
0x21c: {  	v49 =	vld [tilespmem:$0x10B0];
	v13 =	vcvt.s32.f32 v37;
	v0 =	vadd.f32 v4, v0;
	v4 =	vmul.f32 v31, v54  }
0x21d: {  	v8 =	vld [tilespmem:$0xE40];
	v5 =	vand.u32 $0x7FFFFFFF, v40;
	v7 =	vand.u32 $0x7FFFFFFF, v57;
	v1 =	vadd.f32 v31, v1  }
0x21e: {  	v32 =	vld [tilespmem:$0x1060];
	v63 =	vcvt.s32.f32 v59;
	v61 =	vmul.f32 v3, v7;
	v0 =	vadd.f32 v4, v0  }
0x21f: {  	v35 =	vld [tilespmem:$0x1070];
	v2 =	vmul.f32 v53, v2;
	v31 =	vand.u32 $0x7FFFFFFF, v60;
	v1 =	vadd.f32 v3, v1  }
0x220: {  	v11 =	vld [tilespmem:$0x1080];
	v37 =	vsub.f32 v16, v9;
	v33 =	vmul.f32 v63, v31;
	v0 =	vadd.f32 v61, v0  }
0x221: {  	v41 =	vld [tilespmem:$0x16A0];
	v40 =	vmul.u32 v24, v25;
	v43 =	vmul.f32 v13, v5;
	v1 =	vadd.f32 v63, v1  }
0x222: {  	v51 =	vld [tilespmem:$0x16B0];
	v5 =	vand.u32 $0x7FFFFFFF, v55;
	v4 =	vmul.f32 v36, v39;
	v0 =	vadd.f32 v33, v0  }
0x223: {  	v9 =	vld [tilespmem:$0xEA0];
	v57 =	vmul.u32 v45, v14;
	v59 =	vsub.f32 v22, v23;
	v1 =	vadd.f32 v36, v1  }
0x224: {  	v14 =	vld [tilespmem:$0x1880];
	v6 =	vcvt.s32.f32 v40;
	v45 =	vmul.u32 v28, v29;
	v0 =	vadd.f32 v4, v0  }
0x225: {  	v7 =	vcvt.s32.f32 v48;
	v54 =	vmul.u32 v26, v50;
	v26 =	vld [tilespmem:$0xE80];
	v1 =	vadd.f32 v13, v1  }
0x226: {  	v48 =	vsub.f32 v27, v21;
	v3 =	vmul.f32 v44, v46;
	v46 =	vld [tilespmem:$0xEB0];
	v0 =	vadd.f32 v43, v0  }
0x227: {  	v60 =	vcvt.s32.f32 v57;
	v63 =	vsub.f32 v15, v17;
	v15 =	vld [tilespmem:$0x1690];
	v1 =	vadd.f32 v44, v1  }
0x228: {  	v56 =	vcvt.s32.f32 v54;
	v17 =	vld [tilespmem:$0x1890];
	v0 =	vadd.f32 v3, v0;
	v3 =	vmul.f32 v7, v52  }
0x229: {  	v22 =	vld [tilespmem:$0xE90];
	v62 =	vand.u32 $0x7FFFFFFF, v59;
	v39 =	vcvt.s32.f32 v10;
	v1 =	vadd.f32 v7, v1  }
0x22a: {  	v31 =	vld [tilespmem:$0x1860];
	v58 =	vmul.f32 v56, v5;
	v5 =	vand.u32 $0x7FFFFFFF, v37;
	v0 =	vadd.f32 v3, v0  }
0x22b: {  	v61 =	vmul.u32 v12, v18;
	v42 =	vmul.f32 v39, v5;
	v33 =	vld [tilespmem:$0x1660];
	v1 =	vadd.f32 v53, v1  }
0x22c: {  	v54 =	vld [tilespmem:$0x18B0];
	v27 =	vsub.f32 v11, v26;
	v23 =	vand.u32 $0x7FFFFFFF, v63;
	v0 =	vadd.f32 v2, v0  }
0x22d: {  	v36 =	vld [tilespmem:$0x1670];
	v46 =	vsub.f32 v49, v46;
	v29 =	vmul.u32 v15, v17;
	v1 =	vadd.f32 v56, v1  }
0x22e: {  	v4 =	vld [tilespmem:$0x1870];
	v7 =	vcvt.s32.f32 v61;
	v2 =	vmul.f32 v60, v62;
	v0 =	vadd.f32 v58, v0  }
0x22f: {  	v28 =	vld [tilespmem:$0xED0];
	v49 =	vand.u32 $0x7FFFFFFF, v46;
	v43 =	vsub.f32 v20, v8;
	v1 =	vadd.f32 v60, v1  }
0x230: {  	v12 =	vld [tilespmem:$0x1090];
	v50 =	vmul.u32 v33, v31;
	v38 =	vmul.f32 v7, v23;
	v0 =	vadd.f32 v2, v0  }
0x231: {  	v57 =	vld [tilespmem:$0xEC0];
	v31 =	vand.u32 $0x7FFFFFFF, v27;
	v47 =	vand.u32 $0x7FFFFFFF, v43;
	v1 =	vadd.f32 v7, v1  }
0x232: {  	v10 =	vld [tilespmem:$0x10A0];
	v52 =	vand.u32 $0x7FFFFFFF, v48;
	v43 =	vmul.u32 v51, v54;
	v0 =	vadd.f32 v38, v0  }
0x233: {  	v13 =	vld [tilespmem:$0x1680];
	v4 =	vmul.u32 v36, v4;
	v53 =	vsub.f32 v32, v30;
	v1 =	vadd.f32 v39, v1  }
0x234: {  	v63 =	vld [tilespmem:$0x18C0];
	v2 =	vmul.f32 v6, v47;
	v7 =	vcvt.s32.f32 v45;
	v0 =	vadd.f32 v42, v0  }
0x235: {  	v44 =	vld [tilespmem:$0x18A0];
	v32 =	vsub.f32 v12, v22;
	v4 =	vcvt.s32.f32 v4;
	v1 =	vadd.f32 v6, v1  }
0x236: {  	v61 =	vld [tilespmem:$0x16C0];
	v56 =	vcvt.s32.f32 v50;
	v55 =	vmul.f32 v7, v52;
	v0 =	vadd.f32 v2, v0  }
0x237: {  	v33 =	vld [tilespmem:$0x16D0];
	v5 =	vand.u32 $0x7FFFFFFF, v53;
	v60 =	vsub.f32 v35, v34;
	v1 =	vadd.f32 v7, v1  }
0x238: {  	v51 =	vld [tilespmem:$0x16F0];
	v62 =	vmul.u32 v13, v14;
	v59 =	vmul.f32 v56, v5;
	v0 =	vadd.f32 v55, v0  }
0x239: {  	v54 =	vld [tilespmem:$0x18F0];
	v37 =	vand.u32 $0x7FFFFFFF, v32;
	v25 =	vand.u32 $0x7FFFFFFF, v60;
	v1 =	vadd.f32 v56, v1  }
0x23a: {  	v58 =	vld [tilespmem:$0x10C0];
	v2 =	vmul.f32 v4, v25;
	v7 =	vcvt.s32.f32 v62;
	v0 =	vadd.f32 v59, v0  }
0x23b: {  	v36 =	vld [tilespmem:$0x18D0];
	v13 =	vmul.u32 v61, v63;
	v35 =	vcvt.s32.f32 v29;
	v1 =	vadd.f32 v4, v1  }
0x23c: {  	v30 =	vld [tilespmem:$0x10D0];
	v38 =	vmul.u32 v41, v44;
	v34 =	vmul.f32 v7, v31;
	v0 =	vadd.f32 v2, v0  }
0x23d: {  	v53 =	vcvt.s32.f32 v13;
	v47 =	vld [tilespmem:$0x18E0];
	v41 =	vsub.f32 v10, v9;
	v1 =	vadd.f32 v7, v1  }
0x23e: {  	v40 =	vmul.f32 v35, v37;
	v44 =	vld [tilespmem:$0x16E0];
	v5 =	vcvt.s32.f32 v38;
	v0 =	vadd.f32 v34, v0  }
0x23f: {  	v39 =	vld [tilespmem:$0xEE0];
	v50 =	vsub.f32 v58, v57;
	v45 =	vand.u32 $0x7FFFFFFF, v41;
	v1 =	vadd.f32 v35, v1  }
0x240: {  	v42 =	vld [tilespmem:$0x10E0];
	v2 =	vmul.f32 v5, v45;
	v7 =	vcvt.s32.f32 v43;
	v0 =	vadd.f32 v40, v0  }
0x241: {  	v48 =	vld [tilespmem:$0xEF0];
	v57 =	vsub.f32 v30, v28;
	v6 =	vmul.u32 v51, v54;
	v1 =	vadd.f32 v5, v1  }
0x242: {  	v55 =	vmul.u32 v33, v36;
	v56 =	vld [tilespmem:$0x10F0];
	v52 =	vmul.f32 v7, v49;
	v0 =	vadd.f32 v2, v0  }
0x243: {  	v58 =	vmul.u32 v44, v47;
	v4 =	vand.u32 $0x7FFFFFFF, v50;
	v1 =	vadd.f32 v7, v1  }
0x244: {  	v4 =	vmul.f32 v53, v4;
	v5 =	vcvt.s32.f32 v55;
	v0 =	vadd.f32 v52, v0  }
0x245: {  	v59 =	vsub.f32 v42, v39;
	v2 =	vand.u32 $0x7FFFFFFF, v57;
	v1 =	vadd.f32 v53, v1  }
0x246: {  	v7 =	vcvt.s32.f32 v58;
	v2 =	vmul.f32 v5, v2;
	v0 =	vadd.f32 v4, v0  }
0x247: {  	v60 =	vsub.f32 v56, v48;
	v4 =	vand.u32 $0x7FFFFFFF, v59;
	v1 =	vadd.f32 v5, v1  }
0x248: {  	v62 =	vcvt.s32.f32 v6;
	v61 =	vmul.f32 v7, v4;
	v0 =	vadd.f32 v2, v0  }
0x249: {  	v3 =	vand.u32 $0x7FFFFFFF, v60;
	v1 =	vadd.f32 v7, v1  }
0x24a: {  	v63 =	vmul.f32 v62, v3;
	v0 =	vadd.f32 v61, v0  }
0x24b: {  	v1 =	vadd.f32 v62, v1  }
0x24c: {  	v0 =	vadd.f32 v63, v0  }
0x24d: {  	[tilespmem:$0x1980] =	vst v1  }
0x24e: {  	s8 =	rddreg [dreg:$0x7];
	[tilespmem:$0x1900] =	vst v0  }
0x24f: {  	[hbm4b:s8+s3] =	stream.linear.scatter [tilespmem:s31], [sflag:$0x1], $0x10, $0x38;
	[tilespmem:$0x1A00] =	vst v63  }
0x250: {  	s9 =	rddreg [dreg:$0x8]  }
0x251: {  	[hbm4b:s9+s3] =	stream.linear.scatter [tilespmem:s1], [sflag:$0x1], $0x10, $0x38;
	[tilespmem:$0x1A00] =	vst v63  }
0x252: {  	p0 =	sne.s32 s4, $0x1;
	_ =	swait.ge [sflag:s5], $0x10  }
.Ltmp0:
0x253: {  	[sflag:s5] =	ssyncset.done $0x0;
	(pc) =	sbr.rel @p0 .LBB2_1-.Ltmp0, $4  }
0x254: {  	[sflag:s5] =	ssyncadd.s32 $0xFFFFFFF0  }
0x255: {  	_ =	swait.ge [sflag:s5], $0x10  }
0x256: {  	[sflag:s5] =	ssyncset.done $0x0  }
0x257: {  	s4 =	sadd.s32 $0xFFFFFFFF, s4;
	[sflag:s5] =	ssyncadd.s32 $0xFFFFFFF0  }
0x258: {  	_ =	sfence.sel $0x180000  }
0x259: {  	[bflag:$0x0] =	sbarrier.arrive $0xFFFF  }
0x25a: {  	_ =	strace $0x90000047  }
0x25b: {  	s0 =	stileid.u32;
	[bflag:$0x2] =	sbarrier.arrive $0xFFFF  }
0x25c: {  	p0 =	sne.s32 s0, $0x0;
	s0 =	rddreg [dreg:$0x4]  }
0x25d: {  	s0 =	sadd.s32 @!p0 $0x100000, s0  }
0x25e: {  	[sflag:s0] =	ssyncadd.tile.s32 @!p0 $0x1;
	_ =	shalt  }
.Lfunc_end2:
_tile_overlayer_lowered:
.L_overlay_start_2:
0x25f: {  	(tag) =	ssettag $0x2  }
0x260: {  	s0 =	rddreg [dreg:$0x0];
	s2 =	stileid.u32  }
0x261: {  	s1 =	rddreg [dreg:$0x1];
	p0 =	sne.s32 s2, $0x0  }
0x262: {  	s3 =	rddreg [dreg:$0x2];
	[bflag:$0x3] =	sbarrier.arrive $0xFFFF;
	s2 =	simm.s32 @!p0 $0x1C04  }
0x263: {  	[timem:s3], [sflag:s2] =	dma.local @!p0 [hbm:s0], s1  }
0x264: {  	s0 =	simm.s32 @!p0 $0x4  }
0x265: {  	_ =	swait.ge @!p0 [sflag:s0], s1  }
0x266: {  	s1 =	ssub.s32 @!p0 $0x0, s1;
	[sflag:s0] =	ssyncset.done @!p0 $0x0  }
0x267: {  	[sflag:s0] =	ssyncadd.s32 @!p0 s1  }
0x268: {  	[bflag:$0x3] =	sbarrier.arrive $0xFFFF  }
0x269: {  	_ =	shalt  }

</sc_bundles>
